<compile_context>
chip_gen: v7x
topology: tpu7x:2x2x1
jax: 0.10.2.dev20260603
libtpu: 0.0.44.dev20260713+nightly
codegen_flags: <defaults>
</compile_context>

<pallas_src>
import functools

import numpy as np
import jax
import jax.numpy as jnp
from jax import lax
from jax.experimental import pallas as pl
from jax.experimental.pallas import tpu as pltpu
from jax.experimental.pallas import tpu_sc as plsc

R = 2048
N = 16384
NB = 2048
LO, HI = -8.0, 8.0
SCALE = NB / (HI - LO)
NVEC = N // 16
NBLK = NB // 16
EPS = 1e-5
C_DEV = float(0.02 * 2.0 * 0.7978845608028654)

_WEYL = np.uint32(2654435769)


def _make_sc_kernel():
    info = plsc.get_sparse_core_info()
    nc, ns = info.num_cores, info.num_subcores
    nw = nc * ns
    rows_per = R // nw
    mesh = plsc.VectorSubcoreMesh(core_axis_name="c", subcore_axis_name="s")

    @functools.partial(
        pl.kernel,
        mesh=mesh,
        compiler_params=pltpu.CompilerParams(needs_layout_passes=False),
        out_type=jax.ShapeDtypeStruct((R,), jnp.float32),
        scratch_types=[
            pltpu.VMEM((N,), jnp.float32),
            pltpu.VMEM((N,), jnp.float32),
            pltpu.VMEM((N,), jnp.int32),
            pltpu.VMEM((N,), jnp.int32),
            pltpu.VMEM((NB,), jnp.int32),
            pltpu.VMEM((NB,), jnp.int32),
            pltpu.VMEM((NB,), jnp.int32),
            pltpu.VMEM((NBLK,), jnp.int32),
            pltpu.VMEM((rows_per,), jnp.float32),
            pltpu.SemaphoreType.DMA,
            pltpu.SemaphoreType.DMA,
            pltpu.SemaphoreType.DMA,
            pltpu.SemaphoreType.DMA,
        ],
    )
    def sc_ap(x_hbm, t_hbm, ap_hbm, sb0, sb1, tb0, tb1, hist, scan, cnt, ebp,
              apbuf, sem_s0, sem_s1, sem_t0, sem_t1):
        wid = lax.axis_index("s") * nc + lax.axis_index("c")
        iota16 = lax.iota(jnp.int32, 16)
        iota16u = lax.iota(jnp.uint32, 16)
        zeros16 = jnp.zeros((16,), jnp.int32)
        row_base = wid * rows_per

        def z_body(i, c):
            hist[pl.ds(i * 16, 16)] = zeros16
            return c
        lax.fori_loop(0, NBLK, z_body, 0)

        w16 = jnp.uint32((16 * 2654435769) % (1 << 32))
        w32 = jnp.uint32((32 * 2654435769) % (1 << 32))
        w48 = jnp.uint32((48 * 2654435769) % (1 << 32))
        w64 = jnp.uint32((64 * 2654435769) % (1 << 32))
        w128 = jnp.uint32((128 * 2654435769) % (1 << 32))
        w256 = jnp.uint32((256 * 2654435769) % (1 << 32))
        k_dev = jnp.float32(C_DEV * 2.0 ** -24)

        def compute_row(row, lr, sbuf, tbuf):
            base0 = (row * N).astype(jnp.uint32)

            def p1(io, h):
                base = io * 256
                hs = tuple(h + jnp.uint32((16 * u * 2654435769) % (1 << 32))
                           for u in range(16))
                ss = [sbuf[pl.ds(base + 16 * u, 16)] for u in range(16)]
                ts = [tbuf[pl.ds(base + 16 * u, 16)] for u in range(16)]
                bs = []
                vals = []
                for u in range(16):
                    uf = (hs[u] >> jnp.uint32(8)).astype(jnp.float32)
                    tf = ts[u].astype(jnp.float32)
                    sc = ss[u] - (uf * k_dev) * (tf - jnp.float32(0.5))
                    xb = (jnp.float32(HI) - sc) * jnp.float32(SCALE)
                    xb = jnp.minimum(jnp.maximum(xb, jnp.float32(0.0)),
                                     jnp.float32(NB - 1))
                    bs.append(xb.astype(jnp.int32))
                    vals.append(ts[u] + jnp.int32(65536))
                for u in range(16):
                    plsc.addupdate_scatter(hist, [bs[u]], vals[u])
                return h + w256
            h0 = base0 * _WEYL + iota16u * _WEYL
            lax.fori_loop(0, NVEC // 16, p1, h0)

            def l1(io, c1):
                sls = [pl.ds((io * 4 + u) * 16, 16) for u in range(4)]
                vs = [hist[sl] for sl in sls]
                css = [plsc.cumsum(v) for v in vs]
                for u in range(4):
                    hist[sls[u]] = zeros16
                    cnt[sls[u]] = vs[u]
                    scan[sls[u]] = css[u]
                return c1
            lax.fori_loop(0, NBLK // 4, l1, 0)

            idx_be = iota16 * 16 + 15
            def l2(j, carry):
                be = plsc.load_gather(scan, [j * 256 + idx_be])
                cs = plsc.cumsum(be)
                ebp[pl.ds(j * 16, 16)] = carry + cs - be
                return carry + jnp.sum(be)
            tot = lax.fori_loop(0, NBLK // 16, l2, jnp.int32(0))
            pcount = tot & jnp.int32(0xFFFF)

            def p3(jo, acc):
                ebv = ebp[pl.ds(jo * 16, 16)]
                for jg in range(4):
                    i0 = jo * 16 + jg * 4
                    cvs = [cnt[pl.ds((i0 + u) * 16, 16)] for u in range(4)]
                    svs = [scan[pl.ds((i0 + u) * 16, 16)] for u in range(4)]
                    qs = []
                    for u in range(4):
                        inc = svs[u] + ebv[jg * 4 + u]
                        cv = cvs[u]
                        nhi = jnp.right_shift(cv, 16)
                        klo = cv & jnp.int32(0xFFFF)
                        p_in = jnp.right_shift(inc, 16)
                        c_in = inc & jnp.int32(0xFFFF)
                        a = (c_in << 1) - klo + 1
                        bden = (p_in << 1) - nhi + 1
                        num = klo.astype(jnp.float32) * a.astype(jnp.float32)
                        qs.append(num / bden.astype(jnp.float32))
                    acc = acc + ((qs[0] + qs[1]) + (qs[2] + qs[3]))
                return acc
            acc = lax.fori_loop(0, NBLK // 16, p3, jnp.zeros((16,), jnp.float32))

            zf16 = jnp.zeros((16,), jnp.float32)
            num_v = jnp.sum(acc) + zf16
            den_v = pcount.astype(jnp.float32) + jnp.float32(EPS) + zf16
            plsc.store_scatter(apbuf, [jnp.zeros((16,), jnp.int32) + lr],
                               num_v / den_v, mask=iota16 == 0)

        pltpu.async_copy(x_hbm.at[row_base], sb0, sem_s0)
        pltpu.async_copy(t_hbm.at[row_base], tb0, sem_t0)

        last_row = row_base + rows_per - 1

        def pair_body(g, c):
            row0 = row_base + 2 * g
            row1 = row0 + 1
            pltpu.async_copy(x_hbm.at[row1], sb1, sem_s1)
            pltpu.async_copy(t_hbm.at[row1], tb1, sem_t1)
            pltpu.make_async_copy(x_hbm.at[row0], sb0, sem_s0).wait()
            pltpu.make_async_copy(t_hbm.at[row0], tb0, sem_t0).wait()
            compute_row(row0, 2 * g, sb0, tb0)
            nrow = jnp.minimum(row0 + 2, last_row)
            pltpu.async_copy(x_hbm.at[nrow], sb0, sem_s0)
            pltpu.async_copy(t_hbm.at[nrow], tb0, sem_t0)
            pltpu.make_async_copy(x_hbm.at[row1], sb1, sem_s1).wait()
            pltpu.make_async_copy(t_hbm.at[row1], tb1, sem_t1).wait()
            compute_row(row1, 2 * g + 1, sb1, tb1)
            return c
        lax.fori_loop(0, rows_per // 2, pair_body, 0)

        pltpu.make_async_copy(x_hbm.at[last_row], sb0, sem_s0).wait()
        pltpu.make_async_copy(t_hbm.at[last_row], tb0, sem_t0).wait()

        pltpu.sync_copy(apbuf, ap_hbm.at[pl.ds(row_base, rows_per)])

    return sc_ap


_sc_ap = _make_sc_kernel()


def _tc_finish(ap_ref, o_ref):
    o_ref[0, 0] = jnp.float32(1.0) - jnp.sum(ap_ref[...]) / jnp.float32(R)


def kernel(output, target):
    ap = _sc_ap(output, target.astype(jnp.int32))
    res = pl.pallas_call(
        _tc_finish,
        out_shape=jax.ShapeDtypeStruct((1, 1), jnp.float32),
        out_specs=pl.BlockSpec(memory_space=pltpu.SMEM),
    )(ap.reshape(16, 128))
    return res[0, 0]

# --- scband reference (transcript-rebuilt; emitter-appended) ---
"""Pipeline reference for scband-black-box-ap-16226386444749 (READ-ONLY COPY).

The authoritative reference and input builder live on the scoring server;
editing this copy changes nothing except your own understanding.
"""

import jax, jax.numpy as jnp
import numpy as np

LAMBDA_VAL = 4.0
MARGIN = 0.02
HIGH_CONSTANT = 2.0
EPS = 1e-05


def _rank(seq):
    # torch: torch.argsort(torch.argsort(seq).flip(1))
    inner = jnp.argsort(seq, axis=1)
    flipped = jnp.flip(inner, axis=1)
    return jnp.argsort(flipped, axis=1)


def _rank_normalised(seq):
    return (_rank(seq) + 1).astype(jnp.float32) / seq.shape[1]


def setup_inputs(seed: int = 0) -> dict:
    key = jax.random.key(seed)
    k1, k2 = jax.random.split(key)
    output = jax.random.normal(k1, (2048, 16384), dtype=jnp.float32)
    target = jax.random.randint(k2, (2048, 16384), 0, 2)
    return {"output": output, "target": target}


def reference(output, target):
    target_f = target.astype(output.dtype)
    # deviations = |randn_like(targets)| * (targets - 0.5)
    kd = jax.random.key(42)
    deviations = jnp.abs(jax.random.normal(kd, target_f.shape, dtype=output.dtype)) * (target_f - 0.5)
    scores = output - MARGIN * deviations
    # TrueRanker.forward == rank_normalised(scores)
    ranks_of_positive = _rank_normalised(scores)
    scores_for_ranking_positives = -ranks_of_positive + HIGH_CONSTANT * target_f
    ranks_within_positive = _rank_normalised(scores_for_ranking_positives)
    sum_of_precisions_at_j_per_class = jnp.sum(ranks_within_positive / ranks_of_positive * target_f, axis=1)
    precisions_per_class = sum_of_precisions_at_j_per_class / (jnp.sum(target_f, axis=1) + EPS)
    # return_type == '1-mAP'
    return 1.0 - jnp.mean(precisions_per_class)

if __name__ == "__main__":
    import jax
    _d = setup_inputs()
    print(jax.jit(kernel)(*tuple(_d.values())))

</pallas_src>

<mosaic_0001>
#map = affine_map<(d0, d1) -> (0, 0)>
#map1 = affine_map<(d0, d1) -> (0)>
module attributes {stable_mosaic.version = 14 : i64} {
  func.func @sc_ap(%arg0: i32, %arg1: i32, %arg2: memref<2048x16384xf32, #tpu.memory_space<hbm>>, %arg3: memref<2048x16384xi32, #tpu.memory_space<hbm>>, %arg4: memref<2048xf32, #tpu.memory_space<hbm>>, %arg5: memref<16384xf32, #tpu.memory_space<vmem>>, %arg6: memref<16384xf32, #tpu.memory_space<vmem>>, %arg7: memref<16384xi32, #tpu.memory_space<vmem>>, %arg8: memref<16384xi32, #tpu.memory_space<vmem>>, %arg9: memref<2048xi32, #tpu.memory_space<vmem>>, %arg10: memref<2048xi32, #tpu.memory_space<vmem>>, %arg11: memref<2048xi32, #tpu.memory_space<vmem>>, %arg12: memref<128xi32, #tpu.memory_space<vmem>>, %arg13: memref<64xf32, #tpu.memory_space<vmem>>, %arg14: memref<!tpu.dma_semaphore, #tpu.memory_space<semaphore_mem>>, %arg15: memref<!tpu.dma_semaphore, #tpu.memory_space<semaphore_mem>>, %arg16: memref<!tpu.dma_semaphore, #tpu.memory_space<semaphore_mem>>, %arg17: memref<!tpu.dma_semaphore, #tpu.memory_space<semaphore_mem>>) attributes {dimension_semantics = [#tpu.dimension_semantics<core_parallel>, #tpu.dimension_semantics<subcore_parallel>], iteration_bounds = array<i64: 2, 16>, scalar_prefetch = 0 : i64, scratch_operands = 13 : i64, tpu.core_type = #tpu.core_type<sc_vector_subcore>, window_params = [{transform_indices = #map}, {transform_indices = #map}, {transform_indices = #map1}]} {
    %mul3A = arith.constant 2 : i32
    %mul3A_0 = arith.muli %arg1, %mul3A : i32
    %add3A = arith.addi %mul3A_0, %arg0 : i32
    %iota3A = tpu.iota {dimensions = array<i32: 0>} : vector<16xi32>
    %iota3A_1 = tpu.iota {dimensions = array<i32: 0>} : vector<16xi32>
    %broadcast_in_dim3A = arith.constant 0 : i32
    %broadcast_in_dim3A_2 = vector.broadcast %broadcast_in_dim3A : i32 to vector<16xi32>
    %mul3A_3 = arith.constant 64 : i32
    %mul3A_4 = arith.muli %add3A, %mul3A_3 : i32
    %scan3A = arith.constant 0 : i32
    %scan3A_5 = arith.constant 0 : i32
    %scan3A_6 = arith.constant 128 : i32
    %scan3A_7 = arith.addi %scan3A_5, %scan3A_6 : i32
    %scan3A_8 = arith.constant 1 : i32
    scf.for %scan3A_43 = %scan3A_5 to %scan3A_7 step %scan3A_8  : i32 {
      %mul3A_44 = arith.constant 16 : i32
      %mul3A_45 = arith.muli %scan3A_43, %mul3A_44 : i32
      %swap3A = arith.index_cast %mul3A_45 : i32 to index
      %swap3A_46 = tpu.vector_load %arg9[%swap3A] {strides = array<i32>} : memref<2048xi32, #tpu.memory_space<vmem>>, vector<16xi32>,
      tpu.vector_store %arg9[%swap3A], %broadcast_in_dim3A_2 {strides = array<i32>} : memref<2048xi32, #tpu.memory_space<vmem>>, vector<16xi32>,
    }
    %scan3A_9 = arith.constant 128 : i32
    %dma_start3A = arith.constant 0 : i32
    %dma_start3A_10 = tpu.memref_slice %arg2[%mul3A_4, %dma_start3A] : memref<2048x16384xf32, #tpu.memory_space<hbm>> -> memref<1x16384xf32, #tpu.memory_space<hbm>>
    %dma_start3A_11 = tpu.memref_squeeze %dma_start3A_10 : memref<1x16384xf32, #tpu.memory_space<hbm>> -> memref<16384xf32, #tpu.memory_space<hbm>>
    %dma_start3A_12 = arith.constant 0 : i32
    %dma_start3A_13 = tpu.memref_slice %arg2[%mul3A_4, %dma_start3A_12] : memref<2048x16384xf32, #tpu.memory_space<hbm>> -> memref<1x16384xf32, #tpu.memory_space<hbm>>
    %dma_start3A_14 = tpu.memref_squeeze %dma_start3A_13 : memref<1x16384xf32, #tpu.memory_space<hbm>> -> memref<16384xf32, #tpu.memory_space<hbm>>
    tpu.enqueue_dma source(%dma_start3A_14 : memref<16384xf32, #tpu.memory_space<hbm>>) target(%arg5 : memref<16384xf32, #tpu.memory_space<vmem>>) target_semaphore(%arg14 : memref<!tpu.dma_semaphore, #tpu.memory_space<semaphore_mem>>)
    %dma_start3A_15 = arith.constant 0 : i32
    %dma_start3A_16 = tpu.memref_slice %arg3[%mul3A_4, %dma_start3A_15] : memref<2048x16384xi32, #tpu.memory_space<hbm>> -> memref<1x16384xi32, #tpu.memory_space<hbm>>
    %dma_start3A_17 = tpu.memref_squeeze %dma_start3A_16 : memref<1x16384xi32, #tpu.memory_space<hbm>> -> memref<16384xi32, #tpu.memory_space<hbm>>
    %dma_start3A_18 = arith.constant 0 : i32
    %dma_start3A_19 = tpu.memref_slice %arg3[%mul3A_4, %dma_start3A_18] : memref<2048x16384xi32, #tpu.memory_space<hbm>> -> memref<1x16384xi32, #tpu.memory_space<hbm>>
    %dma_start3A_20 = tpu.memref_squeeze %dma_start3A_19 : memref<1x16384xi32, #tpu.memory_space<hbm>> -> memref<16384xi32, #tpu.memory_space<hbm>>
    tpu.enqueue_dma source(%dma_start3A_20 : memref<16384xi32, #tpu.memory_space<hbm>>) target(%arg7 : memref<16384xi32, #tpu.memory_space<vmem>>) target_semaphore(%arg16 : memref<!tpu.dma_semaphore, #tpu.memory_space<semaphore_mem>>)
    %add3A_21 = arith.constant 64 : i32
    %add3A_22 = arith.addi %mul3A_4, %add3A_21 : i32
    %sub3A = arith.constant 1 : i32
    %sub3A_23 = arith.subi %add3A_22, %sub3A : i32
    %scan3A_24 = arith.constant 0 : i32
    %scan3A_25 = arith.constant 1.90230498E-9 : f32
    %scan3A_26 = arith.constant 930724096 : i32
    %scan3A_27 = arith.constant 0 : i32
    %scan3A_28 = arith.constant 32 : i32
    %scan3A_29 = arith.addi %scan3A_27, %scan3A_28 : i32
    %scan3A_30 = arith.constant 1 : i32
    scf.for %scan3A_43 = %scan3A_27 to %scan3A_29 step %scan3A_30  : i32 {
      %mul3A_44 = arith.constant 2 : i32
      %mul3A_45 = arith.muli %mul3A_44, %scan3A_43 : i32
      %add3A_46 = arith.addi %mul3A_4, %mul3A_45 : i32
      %add3A_47 = arith.constant 1 : i32
      %add3A_48 = arith.addi %add3A_46, %add3A_47 : i32
      %dma_start3A_49 = arith.constant 0 : i32
      %dma_start3A_50 = tpu.memref_slice %arg2[%add3A_48, %dma_start3A_49] : memref<2048x16384xf32, #tpu.memory_space<hbm>> -> memref<1x16384xf32, #tpu.memory_space<hbm>>
      %dma_start3A_51 = tpu.memref_squeeze %dma_start3A_50 : memref<1x16384xf32, #tpu.memory_space<hbm>> -> memref<16384xf32, #tpu.memory_space<hbm>>
      %dma_start3A_52 = arith.constant 0 : i32
      %dma_start3A_53 = tpu.memref_slice %arg2[%add3A_48, %dma_start3A_52] : memref<2048x16384xf32, #tpu.memory_space<hbm>> -> memref<1x16384xf32, #tpu.memory_space<hbm>>
      %dma_start3A_54 = tpu.memref_squeeze %dma_start3A_53 : memref<1x16384xf32, #tpu.memory_space<hbm>> -> memref<16384xf32, #tpu.memory_space<hbm>>
      tpu.enqueue_dma source(%dma_start3A_54 : memref<16384xf32, #tpu.memory_space<hbm>>) target(%arg6 : memref<16384xf32, #tpu.memory_space<vmem>>) target_semaphore(%arg15 : memref<!tpu.dma_semaphore, #tpu.memory_space<semaphore_mem>>)
      %dma_start3A_55 = arith.constant 0 : i32
      %dma_start3A_56 = tpu.memref_slice %arg3[%add3A_48, %dma_start3A_55] : memref<2048x16384xi32, #tpu.memory_space<hbm>> -> memref<1x16384xi32, #tpu.memory_space<hbm>>
      %dma_start3A_57 = tpu.memref_squeeze %dma_start3A_56 : memref<1x16384xi32, #tpu.memory_space<hbm>> -> memref<16384xi32, #tpu.memory_space<hbm>>
      %dma_start3A_58 = arith.constant 0 : i32
      %dma_start3A_59 = tpu.memref_slice %arg3[%add3A_48, %dma_start3A_58] : memref<2048x16384xi32, #tpu.memory_space<hbm>> -> memref<1x16384xi32, #tpu.memory_space<hbm>>
      %dma_start3A_60 = tpu.memref_squeeze %dma_start3A_59 : memref<1x16384xi32, #tpu.memory_space<hbm>> -> memref<16384xi32, #tpu.memory_space<hbm>>
      tpu.enqueue_dma source(%dma_start3A_60 : memref<16384xi32, #tpu.memory_space<hbm>>) target(%arg8 : memref<16384xi32, #tpu.memory_space<vmem>>) target_semaphore(%arg17 : memref<!tpu.dma_semaphore, #tpu.memory_space<semaphore_mem>>)
      %dma_wait3A_61 = arith.constant 0 : i32
      %dma_wait3A_62 = tpu.memref_slice %arg2[%add3A_46, %dma_wait3A_61] : memref<2048x16384xf32, #tpu.memory_space<hbm>> -> memref<1x16384xf32, #tpu.memory_space<hbm>>
      %dma_wait3A_63 = tpu.memref_squeeze %dma_wait3A_62 : memref<1x16384xf32, #tpu.memory_space<hbm>> -> memref<16384xf32, #tpu.memory_space<hbm>>
      %dma_wait3A_64 = arith.constant 0 : i32
      %dma_wait3A_65 = tpu.memref_slice %arg2[%add3A_46, %dma_wait3A_64] : memref<2048x16384xf32, #tpu.memory_space<hbm>> -> memref<1x16384xf32, #tpu.memory_space<hbm>>
      %dma_wait3A_66 = tpu.memref_squeeze %dma_wait3A_65 : memref<1x16384xf32, #tpu.memory_space<hbm>> -> memref<16384xf32, #tpu.memory_space<hbm>>
      tpu.wait_dma2 semaphore(%arg14 : memref<!tpu.dma_semaphore, #tpu.memory_space<semaphore_mem>>) src(%dma_wait3A_66 : memref<16384xf32, #tpu.memory_space<hbm>>) dst(%arg5 : memref<16384xf32, #tpu.memory_space<vmem>>)
      %dma_wait3A_67 = arith.constant 0 : i32
      %dma_wait3A_68 = tpu.memref_slice %arg3[%add3A_46, %dma_wait3A_67] : memref<2048x16384xi32, #tpu.memory_space<hbm>> -> memref<1x16384xi32, #tpu.memory_space<hbm>>
      %dma_wait3A_69 = tpu.memref_squeeze %dma_wait3A_68 : memref<1x16384xi32, #tpu.memory_space<hbm>> -> memref<16384xi32, #tpu.memory_space<hbm>>
      %dma_wait3A_70 = arith.constant 0 : i32
      %dma_wait3A_71 = tpu.memref_slice %arg3[%add3A_46, %dma_wait3A_70] : memref<2048x16384xi32, #tpu.memory_space<hbm>> -> memref<1x16384xi32, #tpu.memory_space<hbm>>
      %dma_wait3A_72 = tpu.memref_squeeze %dma_wait3A_71 : memref<1x16384xi32, #tpu.memory_space<hbm>> -> memref<16384xi32, #tpu.memory_space<hbm>>
      tpu.wait_dma2 semaphore(%arg16 : memref<!tpu.dma_semaphore, #tpu.memory_space<semaphore_mem>>) src(%dma_wait3A_72 : memref<16384xi32, #tpu.memory_space<hbm>>) dst(%arg7 : memref<16384xi32, #tpu.memory_space<vmem>>)
      %mul3A_73 = arith.constant 2 : i32
      %mul3A_74 = arith.muli %mul3A_73, %scan3A_43 : i32
      %mul3A_75 = arith.constant 16384 : i32
      %mul3A_76 = arith.muli %add3A_46, %mul3A_75 : i32
      %mul3A_77 = arith.constant -1640531527 : i32
      %mul3A_78 = arith.muli %mul3A_76, %mul3A_77 : i32
      %mul3A_79 = arith.constant -1640531527 : i32
      %mul3A_80 = vector.broadcast %mul3A_79 : i32 to vector<16xi32>
      %mul3A_81 = arith.muli %iota3A_1, %mul3A_80 : vector<16xi32>
      %add3A_82 = vector.broadcast %mul3A_78 : i32 to vector<16xi32>
      %add3A_83 = arith.addi %add3A_82, %mul3A_81 : vector<16xi32>
      %scan3A_84 = arith.constant 0 : i32
      %scan3A_85 = arith.constant 64 : i32
      %scan3A_86 = arith.addi %scan3A_84, %scan3A_85 : i32
      %scan3A_87 = arith.constant 1 : i32
      %scan3A_88 = scf.for %scan3A_230 = %scan3A_84 to %scan3A_86 step %scan3A_87 iter_args(%scan3A_231 = %add3A_83) -> (vector<16xi32>)  : i32 {
        %mul3A_232 = arith.constant 256 : i32
        %mul3A_233 = arith.muli %scan3A_230, %mul3A_232 : i32
        %add3A_234 = arith.constant 0 : i32
        %add3A_235 = vector.broadcast %add3A_234 : i32 to vector<16xi32>
        %add3A_236 = arith.addi %scan3A_231, %add3A_235 : vector<16xi32>
        %add3A_237 = arith.constant -478700656 : i32
        %add3A_238 = vector.broadcast %add3A_237 : i32 to vector<16xi32>
        %add3A_239 = arith.addi %scan3A_231, %add3A_238 : vector<16xi32>
        %add3A_240 = arith.constant -957401312 : i32
        %add3A_241 = vector.broadcast %add3A_240 : i32 to vector<16xi32>
        %add3A_242 = arith.addi %scan3A_231, %add3A_241 : vector<16xi32>
        %add3A_243 = arith.constant -1436101968 : i32
        %add3A_244 = vector.broadcast %add3A_243 : i32 to vector<16xi32>
        %add3A_245 = arith.addi %scan3A_231, %add3A_244 : vector<16xi32>
        %add3A_246 = arith.constant -1914802624 : i32
        %add3A_247 = vector.broadcast %add3A_246 : i32 to vector<16xi32>
        %add3A_248 = arith.addi %scan3A_231, %add3A_247 : vector<16xi32>
        %add3A_249 = arith.constant 1901464016 : i32
        %add3A_250 = vector.broadcast %add3A_249 : i32 to vector<16xi32>
        %add3A_251 = arith.addi %scan3A_231, %add3A_250 : vector<16xi32>
        %add3A_252 = arith.constant 1422763360 : i32
        %add3A_253 = vector.broadcast %add3A_252 : i32 to vector<16xi32>
        %add3A_254 = arith.addi %scan3A_231, %add3A_253 : vector<16xi32>
        %add3A_255 = arith.constant 944062704 : i32
        %add3A_256 = vector.broadcast %add3A_255 : i32 to vector<16xi32>
        %add3A_257 = arith.addi %scan3A_231, %add3A_256 : vector<16xi32>
        %add3A_258 = arith.constant 465362048 : i32
        %add3A_259 = vector.broadcast %add3A_258 : i32 to vector<16xi32>
        %add3A_260 = arith.addi %scan3A_231, %add3A_259 : vector<16xi32>
        %add3A_261 = arith.constant -13338608 : i32
        %add3A_262 = vector.broadcast %add3A_261 : i32 to vector<16xi32>
        %add3A_263 = arith.addi %scan3A_231, %add3A_262 : vector<16xi32>
        %add3A_264 = arith.constant -492039264 : i32
        %add3A_265 = vector.broadcast %add3A_264 : i32 to vector<16xi32>
        %add3A_266 = arith.addi %scan3A_231, %add3A_265 : vector<16xi32>
        %add3A_267 = arith.constant -970739920 : i32
        %add3A_268 = vector.broadcast %add3A_267 : i32 to vector<16xi32>
        %add3A_269 = arith.addi %scan3A_231, %add3A_268 : vector<16xi32>
        %add3A_270 = arith.constant -1449440576 : i32
        %add3A_271 = vector.broadcast %add3A_270 : i32 to vector<16xi32>
        %add3A_272 = arith.addi %scan3A_231, %add3A_271 : vector<16xi32>
        %add3A_273 = arith.constant -1928141232 : i32
        %add3A_274 = vector.broadcast %add3A_273 : i32 to vector<16xi32>
        %add3A_275 = arith.addi %scan3A_231, %add3A_274 : vector<16xi32>
        %add3A_276 = arith.constant 1888125408 : i32
        %add3A_277 = vector.broadcast %add3A_276 : i32 to vector<16xi32>
        %add3A_278 = arith.addi %scan3A_231, %add3A_277 : vector<16xi32>
        %add3A_279 = arith.constant 1409424752 : i32
        %add3A_280 = vector.broadcast %add3A_279 : i32 to vector<16xi32>
        %add3A_281 = arith.addi %scan3A_231, %add3A_280 : vector<16xi32>
        %add3A_282 = arith.constant 0 : i32
        %add3A_283 = arith.addi %mul3A_233, %add3A_282 : i32
        %get3A = arith.index_cast %add3A_283 : i32 to index
        %get3A_284 = tpu.vector_load %arg5[%get3A] {strides = array<i32>} : memref<16384xf32, #tpu.memory_space<vmem>>, vector<16xf32>,
        %add3A_285 = arith.constant 16 : i32
        %add3A_286 = arith.addi %mul3A_233, %add3A_285 : i32
        %get3A_287 = arith.index_cast %add3A_286 : i32 to index
        %get3A_288 = tpu.vector_load %arg5[%get3A_287] {strides = array<i32>} : memref<16384xf32, #tpu.memory_space<vmem>>, vector<16xf32>,
        %add3A_289 = arith.constant 32 : i32
        %add3A_290 = arith.addi %mul3A_233, %add3A_289 : i32
        %get3A_291 = arith.index_cast %add3A_290 : i32 to index
        %get3A_292 = tpu.vector_load %arg5[%get3A_291] {strides = array<i32>} : memref<16384xf32, #tpu.memory_space<vmem>>, vector<16xf32>,
        %add3A_293 = arith.constant 48 : i32
        %add3A_294 = arith.addi %mul3A_233, %add3A_293 : i32
        %get3A_295 = arith.index_cast %add3A_294 : i32 to index
        %get3A_296 = tpu.vector_load %arg5[%get3A_295] {strides = array<i32>} : memref<16384xf32, #tpu.memory_space<vmem>>, vector<16xf32>,
        %add3A_297 = arith.constant 64 : i32
        %add3A_298 = arith.addi %mul3A_233, %add3A_297 : i32
        %get3A_299 = arith.index_cast %add3A_298 : i32 to index
        %get3A_300 = tpu.vector_load %arg5[%get3A_299] {strides = array<i32>} : memref<16384xf32, #tpu.memory_space<vmem>>, vector<16xf32>,
        %add3A_301 = arith.constant 80 : i32
        %add3A_302 = arith.addi %mul3A_233, %add3A_301 : i32
        %get3A_303 = arith.index_cast %add3A_302 : i32 to index
        %get3A_304 = tpu.vector_load %arg5[%get3A_303] {strides = array<i32>} : memref<16384xf32, #tpu.memory_space<vmem>>, vector<16xf32>,
        %add3A_305 = arith.constant 96 : i32
        %add3A_306 = arith.addi %mul3A_233, %add3A_305 : i32
        %get3A_307 = arith.index_cast %add3A_306 : i32 to index
        %get3A_308 = tpu.vector_load %arg5[%get3A_307] {strides = array<i32>} : memref<16384xf32, #tpu.memory_space<vmem>>, vector<16xf32>,
        %add3A_309 = arith.constant 112 : i32
        %add3A_310 = arith.addi %mul3A_233, %add3A_309 : i32
        %get3A_311 = arith.index_cast %add3A_310 : i32 to index
        %get3A_312 = tpu.vector_load %arg5[%get3A_311] {strides = array<i32>} : memref<16384xf32, #tpu.memory_space<vmem>>, vector<16xf32>,
        %add3A_313 = arith.constant 128 : i32
        %add3A_314 = arith.addi %mul3A_233, %add3A_313 : i32
        %get3A_315 = arith.index_cast %add3A_314 : i32 to index
        %get3A_316 = tpu.vector_load %arg5[%get3A_315] {strides = array<i32>} : memref<16384xf32, #tpu.memory_space<vmem>>, vector<16xf32>,
        %add3A_317 = arith.constant 144 : i32
        %add3A_318 = arith.addi %mul3A_233, %add3A_317 : i32
        %get3A_319 = arith.index_cast %add3A_318 : i32 to index
        %get3A_320 = tpu.vector_load %arg5[%get3A_319] {strides = array<i32>} : memref<16384xf32, #tpu.memory_space<vmem>>, vector<16xf32>,
        %add3A_321 = arith.constant 160 : i32
        %add3A_322 = arith.addi %mul3A_233, %add3A_321 : i32
        %get3A_323 = arith.index_cast %add3A_322 : i32 to index
        %get3A_324 = tpu.vector_load %arg5[%get3A_323] {strides = array<i32>} : memref<16384xf32, #tpu.memory_space<vmem>>, vector<16xf32>,
        %add3A_325 = arith.constant 176 : i32
        %add3A_326 = arith.addi %mul3A_233, %add3A_325 : i32
        %get3A_327 = arith.index_cast %add3A_326 : i32 to index
        %get3A_328 = tpu.vector_load %arg5[%get3A_327] {strides = array<i32>} : memref<16384xf32, #tpu.memory_space<vmem>>, vector<16xf32>,
        %add3A_329 = arith.constant 192 : i32
        %add3A_330 = arith.addi %mul3A_233, %add3A_329 : i32
        %get3A_331 = arith.index_cast %add3A_330 : i32 to index
        %get3A_332 = tpu.vector_load %arg5[%get3A_331] {strides = array<i32>} : memref<16384xf32, #tpu.memory_space<vmem>>, vector<16xf32>,
        %add3A_333 = arith.constant 208 : i32
        %add3A_334 = arith.addi %mul3A_233, %add3A_333 : i32
        %get3A_335 = arith.index_cast %add3A_334 : i32 to index
        %get3A_336 = tpu.vector_load %arg5[%get3A_335] {strides = array<i32>} : memref<16384xf32, #tpu.memory_space<vmem>>, vector<16xf32>,
        %add3A_337 = arith.constant 224 : i32
        %add3A_338 = arith.addi %mul3A_233, %add3A_337 : i32
        %get3A_339 = arith.index_cast %add3A_338 : i32 to index
        %get3A_340 = tpu.vector_load %arg5[%get3A_339] {strides = array<i32>} : memref<16384xf32, #tpu.memory_space<vmem>>, vector<16xf32>,
        %add3A_341 = arith.constant 240 : i32
        %add3A_342 = arith.addi %mul3A_233, %add3A_341 : i32
        %get3A_343 = arith.index_cast %add3A_342 : i32 to index
        %get3A_344 = tpu.vector_load %arg5[%get3A_343] {strides = array<i32>} : memref<16384xf32, #tpu.memory_space<vmem>>, vector<16xf32>,
        %add3A_345 = arith.constant 0 : i32
        %add3A_346 = arith.addi %mul3A_233, %add3A_345 : i32
        %get3A_347 = arith.index_cast %add3A_346 : i32 to index
        %get3A_348 = tpu.vector_load %arg7[%get3A_347] {strides = array<i32>} : memref<16384xi32, #tpu.memory_space<vmem>>, vector<16xi32>,
        %add3A_349 = arith.constant 16 : i32
        %add3A_350 = arith.addi %mul3A_233, %add3A_349 : i32
        %get3A_351 = arith.index_cast %add3A_350 : i32 to index
        %get3A_352 = tpu.vector_load %arg7[%get3A_351] {strides = array<i32>} : memref<16384xi32, #tpu.memory_space<vmem>>, vector<16xi32>,
        %add3A_353 = arith.constant 32 : i32
        %add3A_354 = arith.addi %mul3A_233, %add3A_353 : i32
        %get3A_355 = arith.index_cast %add3A_354 : i32 to index
        %get3A_356 = tpu.vector_load %arg7[%get3A_355] {strides = array<i32>} : memref<16384xi32, #tpu.memory_space<vmem>>, vector<16xi32>,
        %add3A_357 = arith.constant 48 : i32
        %add3A_358 = arith.addi %mul3A_233, %add3A_357 : i32
        %get3A_359 = arith.index_cast %add3A_358 : i32 to index
        %get3A_360 = tpu.vector_load %arg7[%get3A_359] {strides = array<i32>} : memref<16384xi32, #tpu.memory_space<vmem>>, vector<16xi32>,
        %add3A_361 = arith.constant 64 : i32
        %add3A_362 = arith.addi %mul3A_233, %add3A_361 : i32
        %get3A_363 = arith.index_cast %add3A_362 : i32 to index
        %get3A_364 = tpu.vector_load %arg7[%get3A_363] {strides = array<i32>} : memref<16384xi32, #tpu.memory_space<vmem>>, vector<16xi32>,
        %add3A_365 = arith.constant 80 : i32
        %add3A_366 = arith.addi %mul3A_233, %add3A_365 : i32
        %get3A_367 = arith.index_cast %add3A_366 : i32 to index
        %get3A_368 = tpu.vector_load %arg7[%get3A_367] {strides = array<i32>} : memref<16384xi32, #tpu.memory_space<vmem>>, vector<16xi32>,
        %add3A_369 = arith.constant 96 : i32
        %add3A_370 = arith.addi %mul3A_233, %add3A_369 : i32
        %get3A_371 = arith.index_cast %add3A_370 : i32 to index
        %get3A_372 = tpu.vector_load %arg7[%get3A_371] {strides = array<i32>} : memref<16384xi32, #tpu.memory_space<vmem>>, vector<16xi32>,
        %add3A_373 = arith.constant 112 : i32
        %add3A_374 = arith.addi %mul3A_233, %add3A_373 : i32
        %get3A_375 = arith.index_cast %add3A_374 : i32 to index
        %get3A_376 = tpu.vector_load %arg7[%get3A_375] {strides = array<i32>} : memref<16384xi32, #tpu.memory_space<vmem>>, vector<16xi32>,
        %add3A_377 = arith.constant 128 : i32
        %add3A_378 = arith.addi %mul3A_233, %add3A_377 : i32
        %get3A_379 = arith.index_cast %add3A_378 : i32 to index
        %get3A_380 = tpu.vector_load %arg7[%get3A_379] {strides = array<i32>} : memref<16384xi32, #tpu.memory_space<vmem>>, vector<16xi32>,
        %add3A_381 = arith.constant 144 : i32
        %add3A_382 = arith.addi %mul3A_233, %add3A_381 : i32
        %get3A_383 = arith.index_cast %add3A_382 : i32 to index
        %get3A_384 = tpu.vector_load %arg7[%get3A_383] {strides = array<i32>} : memref<16384xi32, #tpu.memory_space<vmem>>, vector<16xi32>,
        %add3A_385 = arith.constant 160 : i32
        %add3A_386 = arith.addi %mul3A_233, %add3A_385 : i32
        %get3A_387 = arith.index_cast %add3A_386 : i32 to index
        %get3A_388 = tpu.vector_load %arg7[%get3A_387] {strides = array<i32>} : memref<16384xi32, #tpu.memory_space<vmem>>, vector<16xi32>,
        %add3A_389 = arith.constant 176 : i32
        %add3A_390 = arith.addi %mul3A_233, %add3A_389 : i32
        %get3A_391 = arith.index_cast %add3A_390 : i32 to index
        %get3A_392 = tpu.vector_load %arg7[%get3A_391] {strides = array<i32>} : memref<16384xi32, #tpu.memory_space<vmem>>, vector<16xi32>,
        %add3A_393 = arith.constant 192 : i32
        %add3A_394 = arith.addi %mul3A_233, %add3A_393 : i32
        %get3A_395 = arith.index_cast %add3A_394 : i32 to index
        %get3A_396 = tpu.vector_load %arg7[%get3A_395] {strides = array<i32>} : memref<16384xi32, #tpu.memory_space<vmem>>, vector<16xi32>,
        %add3A_397 = arith.constant 208 : i32
        %add3A_398 = arith.addi %mul3A_233, %add3A_397 : i32
        %get3A_399 = arith.index_cast %add3A_398 : i32 to index
        %get3A_400 = tpu.vector_load %arg7[%get3A_399] {strides = array<i32>} : memref<16384xi32, #tpu.memory_space<vmem>>, vector<16xi32>,
        %add3A_401 = arith.constant 224 : i32
        %add3A_402 = arith.addi %mul3A_233, %add3A_401 : i32
        %get3A_403 = arith.index_cast %add3A_402 : i32 to index
        %get3A_404 = tpu.vector_load %arg7[%get3A_403] {strides = array<i32>} : memref<16384xi32, #tpu.memory_space<vmem>>, vector<16xi32>,
        %add3A_405 = arith.constant 240 : i32
        %add3A_406 = arith.addi %mul3A_233, %add3A_405 : i32
        %get3A_407 = arith.index_cast %add3A_406 : i32 to index
        %get3A_408 = tpu.vector_load %arg7[%get3A_407] {strides = array<i32>} : memref<16384xi32, #tpu.memory_space<vmem>>, vector<16xi32>,
        %shift_right_logical3A = arith.constant 8 : i32
        %shift_right_logical3A_409 = vector.broadcast %shift_right_logical3A : i32 to vector<16xi32>
        %shift_right_logical3A_410 = arith.shrui %add3A_236, %shift_right_logical3A_409 : vector<16xi32>
        %convert_element_type3A_411 = arith.uitofp %shift_right_logical3A_410 : vector<16xi32> to vector<16xf32>
        %convert_element_type3A_412 = arith.sitofp %get3A_348 : vector<16xi32> to vector<16xf32>
        %mul3A_413 = vector.broadcast %scan3A_25 : f32 to vector<16xf32>
        %mul3A_414 = arith.mulf %convert_element_type3A_411, %mul3A_413 : vector<16xf32>
        %sub3A_415 = arith.constant 5.000000e-01 : f32
        %sub3A_416 = vector.broadcast %sub3A_415 : f32 to vector<16xf32>
        %sub3A_417 = arith.subf %convert_element_type3A_412, %sub3A_416 : vector<16xf32>
        %mul3A_418 = arith.mulf %mul3A_414, %sub3A_417 : vector<16xf32>
        %sub3A_419 = arith.subf %get3A_284, %mul3A_418 : vector<16xf32>
        %sub3A_420 = arith.constant 8.000000e+00 : f32
        %sub3A_421 = vector.broadcast %sub3A_420 : f32 to vector<16xf32>
        %sub3A_422 = arith.subf %sub3A_421, %sub3A_419 : vector<16xf32>
        %mul3A_423 = arith.constant 1.280000e+02 : f32
        %mul3A_424 = vector.broadcast %mul3A_423 : f32 to vector<16xf32>
        %mul3A_425 = arith.mulf %sub3A_422, %mul3A_424 : vector<16xf32>
        %max3A = arith.constant 0.000000e+00 : f32
        %max3A_426 = vector.broadcast %max3A : f32 to vector<16xf32>
        %max3A_427 = arith.maximumf %mul3A_425, %max3A_426 : vector<16xf32>
        %min3A_428 = arith.constant 2.047000e+03 : f32
        %min3A_429 = vector.broadcast %min3A_428 : f32 to vector<16xf32>
        %min3A_430 = arith.minimumf %max3A_427, %min3A_429 : vector<16xf32>
        %convert_element_type3A_431 = arith.fptosi %min3A_430 : vector<16xf32> to vector<16xi32>
        %add3A_432 = arith.constant 65536 : i32
        %add3A_433 = vector.broadcast %add3A_432 : i32 to vector<16xi32>
        %add3A_434 = arith.addi %get3A_348, %add3A_433 : vector<16xi32>
        %shift_right_logical3A_435 = arith.constant 8 : i32
        %shift_right_logical3A_436 = vector.broadcast %shift_right_logical3A_435 : i32 to vector<16xi32>
        %shift_right_logical3A_437 = arith.shrui %add3A_239, %shift_right_logical3A_436 : vector<16xi32>
        %convert_element_type3A_438 = arith.uitofp %shift_right_logical3A_437 : vector<16xi32> to vector<16xf32>
        %convert_element_type3A_439 = arith.sitofp %get3A_352 : vector<16xi32> to vector<16xf32>
        %mul3A_440 = vector.broadcast %scan3A_25 : f32 to vector<16xf32>
        %mul3A_441 = arith.mulf %convert_element_type3A_438, %mul3A_440 : vector<16xf32>
        %sub3A_442 = arith.constant 5.000000e-01 : f32
        %sub3A_443 = vector.broadcast %sub3A_442 : f32 to vector<16xf32>
        %sub3A_444 = arith.subf %convert_element_type3A_439, %sub3A_443 : vector<16xf32>
        %mul3A_445 = arith.mulf %mul3A_441, %sub3A_444 : vector<16xf32>
        %sub3A_446 = arith.subf %get3A_288, %mul3A_445 : vector<16xf32>
        %sub3A_447 = arith.constant 8.000000e+00 : f32
        %sub3A_448 = vector.broadcast %sub3A_447 : f32 to vector<16xf32>
        %sub3A_449 = arith.subf %sub3A_448, %sub3A_446 : vector<16xf32>
        %mul3A_450 = arith.constant 1.280000e+02 : f32
        %mul3A_451 = vector.broadcast %mul3A_450 : f32 to vector<16xf32>
        %mul3A_452 = arith.mulf %sub3A_449, %mul3A_451 : vector<16xf32>
        %max3A_453 = arith.constant 0.000000e+00 : f32
        %max3A_454 = vector.broadcast %max3A_453 : f32 to vector<16xf32>
        %max3A_455 = arith.maximumf %mul3A_452, %max3A_454 : vector<16xf32>
        %min3A_456 = arith.constant 2.047000e+03 : f32
        %min3A_457 = vector.broadcast %min3A_456 : f32 to vector<16xf32>
        %min3A_458 = arith.minimumf %max3A_455, %min3A_457 : vector<16xf32>
        %convert_element_type3A_459 = arith.fptosi %min3A_458 : vector<16xf32> to vector<16xi32>
        %add3A_460 = arith.constant 65536 : i32
        %add3A_461 = vector.broadcast %add3A_460 : i32 to vector<16xi32>
        %add3A_462 = arith.addi %get3A_352, %add3A_461 : vector<16xi32>
        %shift_right_logical3A_463 = arith.constant 8 : i32
        %shift_right_logical3A_464 = vector.broadcast %shift_right_logical3A_463 : i32 to vector<16xi32>
        %shift_right_logical3A_465 = arith.shrui %add3A_242, %shift_right_logical3A_464 : vector<16xi32>
        %convert_element_type3A_466 = arith.uitofp %shift_right_logical3A_465 : vector<16xi32> to vector<16xf32>
        %convert_element_type3A_467 = arith.sitofp %get3A_356 : vector<16xi32> to vector<16xf32>
        %mul3A_468 = vector.broadcast %scan3A_25 : f32 to vector<16xf32>
        %mul3A_469 = arith.mulf %convert_element_type3A_466, %mul3A_468 : vector<16xf32>
        %sub3A_470 = arith.constant 5.000000e-01 : f32
        %sub3A_471 = vector.broadcast %sub3A_470 : f32 to vector<16xf32>
        %sub3A_472 = arith.subf %convert_element_type3A_467, %sub3A_471 : vector<16xf32>
        %mul3A_473 = arith.mulf %mul3A_469, %sub3A_472 : vector<16xf32>
        %sub3A_474 = arith.subf %get3A_292, %mul3A_473 : vector<16xf32>
        %sub3A_475 = arith.constant 8.000000e+00 : f32
        %sub3A_476 = vector.broadcast %sub3A_475 : f32 to vector<16xf32>
        %sub3A_477 = arith.subf %sub3A_476, %sub3A_474 : vector<16xf32>
        %mul3A_478 = arith.constant 1.280000e+02 : f32
        %mul3A_479 = vector.broadcast %mul3A_478 : f32 to vector<16xf32>
        %mul3A_480 = arith.mulf %sub3A_477, %mul3A_479 : vector<16xf32>
        %max3A_481 = arith.constant 0.000000e+00 : f32
        %max3A_482 = vector.broadcast %max3A_481 : f32 to vector<16xf32>
        %max3A_483 = arith.maximumf %mul3A_480, %max3A_482 : vector<16xf32>
        %min3A_484 = arith.constant 2.047000e+03 : f32
        %min3A_485 = vector.broadcast %min3A_484 : f32 to vector<16xf32>
        %min3A_486 = arith.minimumf %max3A_483, %min3A_485 : vector<16xf32>
        %convert_element_type3A_487 = arith.fptosi %min3A_486 : vector<16xf32> to vector<16xi32>
        %add3A_488 = arith.constant 65536 : i32
        %add3A_489 = vector.broadcast %add3A_488 : i32 to vector<16xi32>
        %add3A_490 = arith.addi %get3A_356, %add3A_489 : vector<16xi32>
        %shift_right_logical3A_491 = arith.constant 8 : i32
        %shift_right_logical3A_492 = vector.broadcast %shift_right_logical3A_491 : i32 to vector<16xi32>
        %shift_right_logical3A_493 = arith.shrui %add3A_245, %shift_right_logical3A_492 : vector<16xi32>
        %convert_element_type3A_494 = arith.uitofp %shift_right_logical3A_493 : vector<16xi32> to vector<16xf32>
        %convert_element_type3A_495 = arith.sitofp %get3A_360 : vector<16xi32> to vector<16xf32>
        %mul3A_496 = vector.broadcast %scan3A_25 : f32 to vector<16xf32>
        %mul3A_497 = arith.mulf %convert_element_type3A_494, %mul3A_496 : vector<16xf32>
        %sub3A_498 = arith.constant 5.000000e-01 : f32
        %sub3A_499 = vector.broadcast %sub3A_498 : f32 to vector<16xf32>
        %sub3A_500 = arith.subf %convert_element_type3A_495, %sub3A_499 : vector<16xf32>
        %mul3A_501 = arith.mulf %mul3A_497, %sub3A_500 : vector<16xf32>
        %sub3A_502 = arith.subf %get3A_296, %mul3A_501 : vector<16xf32>
        %sub3A_503 = arith.constant 8.000000e+00 : f32
        %sub3A_504 = vector.broadcast %sub3A_503 : f32 to vector<16xf32>
        %sub3A_505 = arith.subf %sub3A_504, %sub3A_502 : vector<16xf32>
        %mul3A_506 = arith.constant 1.280000e+02 : f32
        %mul3A_507 = vector.broadcast %mul3A_506 : f32 to vector<16xf32>
        %mul3A_508 = arith.mulf %sub3A_505, %mul3A_507 : vector<16xf32>
        %max3A_509 = arith.constant 0.000000e+00 : f32
        %max3A_510 = vector.broadcast %max3A_509 : f32 to vector<16xf32>
        %max3A_511 = arith.maximumf %mul3A_508, %max3A_510 : vector<16xf32>
        %min3A_512 = arith.constant 2.047000e+03 : f32
        %min3A_513 = vector.broadcast %min3A_512 : f32 to vector<16xf32>
        %min3A_514 = arith.minimumf %max3A_511, %min3A_513 : vector<16xf32>
        %convert_element_type3A_515 = arith.fptosi %min3A_514 : vector<16xf32> to vector<16xi32>
        %add3A_516 = arith.constant 65536 : i32
        %add3A_517 = vector.broadcast %add3A_516 : i32 to vector<16xi32>
        %add3A_518 = arith.addi %get3A_360, %add3A_517 : vector<16xi32>
        %shift_right_logical3A_519 = arith.constant 8 : i32
        %shift_right_logical3A_520 = vector.broadcast %shift_right_logical3A_519 : i32 to vector<16xi32>
        %shift_right_logical3A_521 = arith.shrui %add3A_248, %shift_right_logical3A_520 : vector<16xi32>
        %convert_element_type3A_522 = arith.uitofp %shift_right_logical3A_521 : vector<16xi32> to vector<16xf32>
        %convert_element_type3A_523 = arith.sitofp %get3A_364 : vector<16xi32> to vector<16xf32>
        %mul3A_524 = vector.broadcast %scan3A_25 : f32 to vector<16xf32>
        %mul3A_525 = arith.mulf %convert_element_type3A_522, %mul3A_524 : vector<16xf32>
        %sub3A_526 = arith.constant 5.000000e-01 : f32
        %sub3A_527 = vector.broadcast %sub3A_526 : f32 to vector<16xf32>
        %sub3A_528 = arith.subf %convert_element_type3A_523, %sub3A_527 : vector<16xf32>
        %mul3A_529 = arith.mulf %mul3A_525, %sub3A_528 : vector<16xf32>
        %sub3A_530 = arith.subf %get3A_300, %mul3A_529 : vector<16xf32>
        %sub3A_531 = arith.constant 8.000000e+00 : f32
        %sub3A_532 = vector.broadcast %sub3A_531 : f32 to vector<16xf32>
        %sub3A_533 = arith.subf %sub3A_532, %sub3A_530 : vector<16xf32>
        %mul3A_534 = arith.constant 1.280000e+02 : f32
        %mul3A_535 = vector.broadcast %mul3A_534 : f32 to vector<16xf32>
        %mul3A_536 = arith.mulf %sub3A_533, %mul3A_535 : vector<16xf32>
        %max3A_537 = arith.constant 0.000000e+00 : f32
        %max3A_538 = vector.broadcast %max3A_537 : f32 to vector<16xf32>
        %max3A_539 = arith.maximumf %mul3A_536, %max3A_538 : vector<16xf32>
        %min3A_540 = arith.constant 2.047000e+03 : f32
        %min3A_541 = vector.broadcast %min3A_540 : f32 to vector<16xf32>
        %min3A_542 = arith.minimumf %max3A_539, %min3A_541 : vector<16xf32>
        %convert_element_type3A_543 = arith.fptosi %min3A_542 : vector<16xf32> to vector<16xi32>
        %add3A_544 = arith.constant 65536 : i32
        %add3A_545 = vector.broadcast %add3A_544 : i32 to vector<16xi32>
        %add3A_546 = arith.addi %get3A_364, %add3A_545 : vector<16xi32>
        %shift_right_logical3A_547 = arith.constant 8 : i32
        %shift_right_logical3A_548 = vector.broadcast %shift_right_logical3A_547 : i32 to vector<16xi32>
        %shift_right_logical3A_549 = arith.shrui %add3A_251, %shift_right_logical3A_548 : vector<16xi32>
        %convert_element_type3A_550 = arith.uitofp %shift_right_logical3A_549 : vector<16xi32> to vector<16xf32>
        %convert_element_type3A_551 = arith.sitofp %get3A_368 : vector<16xi32> to vector<16xf32>
        %mul3A_552 = vector.broadcast %scan3A_25 : f32 to vector<16xf32>
        %mul3A_553 = arith.mulf %convert_element_type3A_550, %mul3A_552 : vector<16xf32>
        %sub3A_554 = arith.constant 5.000000e-01 : f32
        %sub3A_555 = vector.broadcast %sub3A_554 : f32 to vector<16xf32>
        %sub3A_556 = arith.subf %convert_element_type3A_551, %sub3A_555 : vector<16xf32>
        %mul3A_557 = arith.mulf %mul3A_553, %sub3A_556 : vector<16xf32>
        %sub3A_558 = arith.subf %get3A_304, %mul3A_557 : vector<16xf32>
        %sub3A_559 = arith.constant 8.000000e+00 : f32
        %sub3A_560 = vector.broadcast %sub3A_559 : f32 to vector<16xf32>
        %sub3A_561 = arith.subf %sub3A_560, %sub3A_558 : vector<16xf32>
        %mul3A_562 = arith.constant 1.280000e+02 : f32
        %mul3A_563 = vector.broadcast %mul3A_562 : f32 to vector<16xf32>
        %mul3A_564 = arith.mulf %sub3A_561, %mul3A_563 : vector<16xf32>
        %max3A_565 = arith.constant 0.000000e+00 : f32
        %max3A_566 = vector.broadcast %max3A_565 : f32 to vector<16xf32>
        %max3A_567 = arith.maximumf %mul3A_564, %max3A_566 : vector<16xf32>
        %min3A_568 = arith.constant 2.047000e+03 : f32
        %min3A_569 = vector.broadcast %min3A_568 : f32 to vector<16xf32>
        %min3A_570 = arith.minimumf %max3A_567, %min3A_569 : vector<16xf32>
        %convert_element_type3A_571 = arith.fptosi %min3A_570 : vector<16xf32> to vector<16xi32>
        %add3A_572 = arith.constant 65536 : i32
        %add3A_573 = vector.broadcast %add3A_572 : i32 to vector<16xi32>
        %add3A_574 = arith.addi %get3A_368, %add3A_573 : vector<16xi32>
        %shift_right_logical3A_575 = arith.constant 8 : i32
        %shift_right_logical3A_576 = vector.broadcast %shift_right_logical3A_575 : i32 to vector<16xi32>
        %shift_right_logical3A_577 = arith.shrui %add3A_254, %shift_right_logical3A_576 : vector<16xi32>
        %convert_element_type3A_578 = arith.uitofp %shift_right_logical3A_577 : vector<16xi32> to vector<16xf32>
        %convert_element_type3A_579 = arith.sitofp %get3A_372 : vector<16xi32> to vector<16xf32>
        %mul3A_580 = vector.broadcast %scan3A_25 : f32 to vector<16xf32>
        %mul3A_581 = arith.mulf %convert_element_type3A_578, %mul3A_580 : vector<16xf32>
        %sub3A_582 = arith.constant 5.000000e-01 : f32
        %sub3A_583 = vector.broadcast %sub3A_582 : f32 to vector<16xf32>
        %sub3A_584 = arith.subf %convert_element_type3A_579, %sub3A_583 : vector<16xf32>
        %mul3A_585 = arith.mulf %mul3A_581, %sub3A_584 : vector<16xf32>
        %sub3A_586 = arith.subf %get3A_308, %mul3A_585 : vector<16xf32>
        %sub3A_587 = arith.constant 8.000000e+00 : f32
        %sub3A_588 = vector.broadcast %sub3A_587 : f32 to vector<16xf32>
        %sub3A_589 = arith.subf %sub3A_588, %sub3A_586 : vector<16xf32>
        %mul3A_590 = arith.constant 1.280000e+02 : f32
        %mul3A_591 = vector.broadcast %mul3A_590 : f32 to vector<16xf32>
        %mul3A_592 = arith.mulf %sub3A_589, %mul3A_591 : vector<16xf32>
        %max3A_593 = arith.constant 0.000000e+00 : f32
        %max3A_594 = vector.broadcast %max3A_593 : f32 to vector<16xf32>
        %max3A_595 = arith.maximumf %mul3A_592, %max3A_594 : vector<16xf32>
        %min3A_596 = arith.constant 2.047000e+03 : f32
        %min3A_597 = vector.broadcast %min3A_596 : f32 to vector<16xf32>
        %min3A_598 = arith.minimumf %max3A_595, %min3A_597 : vector<16xf32>
        %convert_element_type3A_599 = arith.fptosi %min3A_598 : vector<16xf32> to vector<16xi32>
        %add3A_600 = arith.constant 65536 : i32
        %add3A_601 = vector.broadcast %add3A_600 : i32 to vector<16xi32>
        %add3A_602 = arith.addi %get3A_372, %add3A_601 : vector<16xi32>
        %shift_right_logical3A_603 = arith.constant 8 : i32
        %shift_right_logical3A_604 = vector.broadcast %shift_right_logical3A_603 : i32 to vector<16xi32>
        %shift_right_logical3A_605 = arith.shrui %add3A_257, %shift_right_logical3A_604 : vector<16xi32>
        %convert_element_type3A_606 = arith.uitofp %shift_right_logical3A_605 : vector<16xi32> to vector<16xf32>
        %convert_element_type3A_607 = arith.sitofp %get3A_376 : vector<16xi32> to vector<16xf32>
        %mul3A_608 = vector.broadcast %scan3A_25 : f32 to vector<16xf32>
        %mul3A_609 = arith.mulf %convert_element_type3A_606, %mul3A_608 : vector<16xf32>
        %sub3A_610 = arith.constant 5.000000e-01 : f32
        %sub3A_611 = vector.broadcast %sub3A_610 : f32 to vector<16xf32>
        %sub3A_612 = arith.subf %convert_element_type3A_607, %sub3A_611 : vector<16xf32>
        %mul3A_613 = arith.mulf %mul3A_609, %sub3A_612 : vector<16xf32>
        %sub3A_614 = arith.subf %get3A_312, %mul3A_613 : vector<16xf32>
        %sub3A_615 = arith.constant 8.000000e+00 : f32
        %sub3A_616 = vector.broadcast %sub3A_615 : f32 to vector<16xf32>
        %sub3A_617 = arith.subf %sub3A_616, %sub3A_614 : vector<16xf32>
        %mul3A_618 = arith.constant 1.280000e+02 : f32
        %mul3A_619 = vector.broadcast %mul3A_618 : f32 to vector<16xf32>
        %mul3A_620 = arith.mulf %sub3A_617, %mul3A_619 : vector<16xf32>
        %max3A_621 = arith.constant 0.000000e+00 : f32
        %max3A_622 = vector.broadcast %max3A_621 : f32 to vector<16xf32>
        %max3A_623 = arith.maximumf %mul3A_620, %max3A_622 : vector<16xf32>
        %min3A_624 = arith.constant 2.047000e+03 : f32
        %min3A_625 = vector.broadcast %min3A_624 : f32 to vector<16xf32>
        %min3A_626 = arith.minimumf %max3A_623, %min3A_625 : vector<16xf32>
        %convert_element_type3A_627 = arith.fptosi %min3A_626 : vector<16xf32> to vector<16xi32>
        %add3A_628 = arith.constant 65536 : i32
        %add3A_629 = vector.broadcast %add3A_628 : i32 to vector<16xi32>
        %add3A_630 = arith.addi %get3A_376, %add3A_629 : vector<16xi32>
        %shift_right_logical3A_631 = arith.constant 8 : i32
        %shift_right_logical3A_632 = vector.broadcast %shift_right_logical3A_631 : i32 to vector<16xi32>
        %shift_right_logical3A_633 = arith.shrui %add3A_260, %shift_right_logical3A_632 : vector<16xi32>
        %convert_element_type3A_634 = arith.uitofp %shift_right_logical3A_633 : vector<16xi32> to vector<16xf32>
        %convert_element_type3A_635 = arith.sitofp %get3A_380 : vector<16xi32> to vector<16xf32>
        %mul3A_636 = vector.broadcast %scan3A_25 : f32 to vector<16xf32>
        %mul3A_637 = arith.mulf %convert_element_type3A_634, %mul3A_636 : vector<16xf32>
        %sub3A_638 = arith.constant 5.000000e-01 : f32
        %sub3A_639 = vector.broadcast %sub3A_638 : f32 to vector<16xf32>
        %sub3A_640 = arith.subf %convert_element_type3A_635, %sub3A_639 : vector<16xf32>
        %mul3A_641 = arith.mulf %mul3A_637, %sub3A_640 : vector<16xf32>
        %sub3A_642 = arith.subf %get3A_316, %mul3A_641 : vector<16xf32>
        %sub3A_643 = arith.constant 8.000000e+00 : f32
        %sub3A_644 = vector.broadcast %sub3A_643 : f32 to vector<16xf32>
        %sub3A_645 = arith.subf %sub3A_644, %sub3A_642 : vector<16xf32>
        %mul3A_646 = arith.constant 1.280000e+02 : f32
        %mul3A_647 = vector.broadcast %mul3A_646 : f32 to vector<16xf32>
        %mul3A_648 = arith.mulf %sub3A_645, %mul3A_647 : vector<16xf32>
        %max3A_649 = arith.constant 0.000000e+00 : f32
        %max3A_650 = vector.broadcast %max3A_649 : f32 to vector<16xf32>
        %max3A_651 = arith.maximumf %mul3A_648, %max3A_650 : vector<16xf32>
        %min3A_652 = arith.constant 2.047000e+03 : f32
        %min3A_653 = vector.broadcast %min3A_652 : f32 to vector<16xf32>
        %min3A_654 = arith.minimumf %max3A_651, %min3A_653 : vector<16xf32>
        %convert_element_type3A_655 = arith.fptosi %min3A_654 : vector<16xf32> to vector<16xi32>
        %add3A_656 = arith.constant 65536 : i32
        %add3A_657 = vector.broadcast %add3A_656 : i32 to vector<16xi32>
        %add3A_658 = arith.addi %get3A_380, %add3A_657 : vector<16xi32>
        %shift_right_logical3A_659 = arith.constant 8 : i32
        %shift_right_logical3A_660 = vector.broadcast %shift_right_logical3A_659 : i32 to vector<16xi32>
        %shift_right_logical3A_661 = arith.shrui %add3A_263, %shift_right_logical3A_660 : vector<16xi32>
        %convert_element_type3A_662 = arith.uitofp %shift_right_logical3A_661 : vector<16xi32> to vector<16xf32>
        %convert_element_type3A_663 = arith.sitofp %get3A_384 : vector<16xi32> to vector<16xf32>
        %mul3A_664 = vector.broadcast %scan3A_25 : f32 to vector<16xf32>
        %mul3A_665 = arith.mulf %convert_element_type3A_662, %mul3A_664 : vector<16xf32>
        %sub3A_666 = arith.constant 5.000000e-01 : f32
        %sub3A_667 = vector.broadcast %sub3A_666 : f32 to vector<16xf32>
        %sub3A_668 = arith.subf %convert_element_type3A_663, %sub3A_667 : vector<16xf32>
        %mul3A_669 = arith.mulf %mul3A_665, %sub3A_668 : vector<16xf32>
        %sub3A_670 = arith.subf %get3A_320, %mul3A_669 : vector<16xf32>
        %sub3A_671 = arith.constant 8.000000e+00 : f32
        %sub3A_672 = vector.broadcast %sub3A_671 : f32 to vector<16xf32>
        %sub3A_673 = arith.subf %sub3A_672, %sub3A_670 : vector<16xf32>
        %mul3A_674 = arith.constant 1.280000e+02 : f32
        %mul3A_675 = vector.broadcast %mul3A_674 : f32 to vector<16xf32>
        %mul3A_676 = arith.mulf %sub3A_673, %mul3A_675 : vector<16xf32>
        %max3A_677 = arith.constant 0.000000e+00 : f32
        %max3A_678 = vector.broadcast %max3A_677 : f32 to vector<16xf32>
        %max3A_679 = arith.maximumf %mul3A_676, %max3A_678 : vector<16xf32>
        %min3A_680 = arith.constant 2.047000e+03 : f32
        %min3A_681 = vector.broadcast %min3A_680 : f32 to vector<16xf32>
        %min3A_682 = arith.minimumf %max3A_679, %min3A_681 : vector<16xf32>
        %convert_element_type3A_683 = arith.fptosi %min3A_682 : vector<16xf32> to vector<16xi32>
        %add3A_684 = arith.constant 65536 : i32
        %add3A_685 = vector.broadcast %add3A_684 : i32 to vector<16xi32>
        %add3A_686 = arith.addi %get3A_384, %add3A_685 : vector<16xi32>
        %shift_right_logical3A_687 = arith.constant 8 : i32
        %shift_right_logical3A_688 = vector.broadcast %shift_right_logical3A_687 : i32 to vector<16xi32>
        %shift_right_logical3A_689 = arith.shrui %add3A_266, %shift_right_logical3A_688 : vector<16xi32>
        %convert_element_type3A_690 = arith.uitofp %shift_right_logical3A_689 : vector<16xi32> to vector<16xf32>
        %convert_element_type3A_691 = arith.sitofp %get3A_388 : vector<16xi32> to vector<16xf32>
        %mul3A_692 = vector.broadcast %scan3A_25 : f32 to vector<16xf32>
        %mul3A_693 = arith.mulf %convert_element_type3A_690, %mul3A_692 : vector<16xf32>
        %sub3A_694 = arith.constant 5.000000e-01 : f32
        %sub3A_695 = vector.broadcast %sub3A_694 : f32 to vector<16xf32>
        %sub3A_696 = arith.subf %convert_element_type3A_691, %sub3A_695 : vector<16xf32>
        %mul3A_697 = arith.mulf %mul3A_693, %sub3A_696 : vector<16xf32>
        %sub3A_698 = arith.subf %get3A_324, %mul3A_697 : vector<16xf32>
        %sub3A_699 = arith.constant 8.000000e+00 : f32
        %sub3A_700 = vector.broadcast %sub3A_699 : f32 to vector<16xf32>
        %sub3A_701 = arith.subf %sub3A_700, %sub3A_698 : vector<16xf32>
        %mul3A_702 = arith.constant 1.280000e+02 : f32
        %mul3A_703 = vector.broadcast %mul3A_702 : f32 to vector<16xf32>
        %mul3A_704 = arith.mulf %sub3A_701, %mul3A_703 : vector<16xf32>
        %max3A_705 = arith.constant 0.000000e+00 : f32
        %max3A_706 = vector.broadcast %max3A_705 : f32 to vector<16xf32>
        %max3A_707 = arith.maximumf %mul3A_704, %max3A_706 : vector<16xf32>
        %min3A_708 = arith.constant 2.047000e+03 : f32
        %min3A_709 = vector.broadcast %min3A_708 : f32 to vector<16xf32>
        %min3A_710 = arith.minimumf %max3A_707, %min3A_709 : vector<16xf32>
        %convert_element_type3A_711 = arith.fptosi %min3A_710 : vector<16xf32> to vector<16xi32>
        %add3A_712 = arith.constant 65536 : i32
        %add3A_713 = vector.broadcast %add3A_712 : i32 to vector<16xi32>
        %add3A_714 = arith.addi %get3A_388, %add3A_713 : vector<16xi32>
        %shift_right_logical3A_715 = arith.constant 8 : i32
        %shift_right_logical3A_716 = vector.broadcast %shift_right_logical3A_715 : i32 to vector<16xi32>
        %shift_right_logical3A_717 = arith.shrui %add3A_269, %shift_right_logical3A_716 : vector<16xi32>
        %convert_element_type3A_718 = arith.uitofp %shift_right_logical3A_717 : vector<16xi32> to vector<16xf32>
        %convert_element_type3A_719 = arith.sitofp %get3A_392 : vector<16xi32> to vector<16xf32>
        %mul3A_720 = vector.broadcast %scan3A_25 : f32 to vector<16xf32>
        %mul3A_721 = arith.mulf %convert_element_type3A_718, %mul3A_720 : vector<16xf32>
        %sub3A_722 = arith.constant 5.000000e-01 : f32
        %sub3A_723 = vector.broadcast %sub3A_722 : f32 to vector<16xf32>
        %sub3A_724 = arith.subf %convert_element_type3A_719, %sub3A_723 : vector<16xf32>
        %mul3A_725 = arith.mulf %mul3A_721, %sub3A_724 : vector<16xf32>
        %sub3A_726 = arith.subf %get3A_328, %mul3A_725 : vector<16xf32>
        %sub3A_727 = arith.constant 8.000000e+00 : f32
        %sub3A_728 = vector.broadcast %sub3A_727 : f32 to vector<16xf32>
        %sub3A_729 = arith.subf %sub3A_728, %sub3A_726 : vector<16xf32>
        %mul3A_730 = arith.constant 1.280000e+02 : f32
        %mul3A_731 = vector.broadcast %mul3A_730 : f32 to vector<16xf32>
        %mul3A_732 = arith.mulf %sub3A_729, %mul3A_731 : vector<16xf32>
        %max3A_733 = arith.constant 0.000000e+00 : f32
        %max3A_734 = vector.broadcast %max3A_733 : f32 to vector<16xf32>
        %max3A_735 = arith.maximumf %mul3A_732, %max3A_734 : vector<16xf32>
        %min3A_736 = arith.constant 2.047000e+03 : f32
        %min3A_737 = vector.broadcast %min3A_736 : f32 to vector<16xf32>
        %min3A_738 = arith.minimumf %max3A_735, %min3A_737 : vector<16xf32>
        %convert_element_type3A_739 = arith.fptosi %min3A_738 : vector<16xf32> to vector<16xi32>
        %add3A_740 = arith.constant 65536 : i32
        %add3A_741 = vector.broadcast %add3A_740 : i32 to vector<16xi32>
        %add3A_742 = arith.addi %get3A_392, %add3A_741 : vector<16xi32>
        %shift_right_logical3A_743 = arith.constant 8 : i32
        %shift_right_logical3A_744 = vector.broadcast %shift_right_logical3A_743 : i32 to vector<16xi32>
        %shift_right_logical3A_745 = arith.shrui %add3A_272, %shift_right_logical3A_744 : vector<16xi32>
        %convert_element_type3A_746 = arith.uitofp %shift_right_logical3A_745 : vector<16xi32> to vector<16xf32>
        %convert_element_type3A_747 = arith.sitofp %get3A_396 : vector<16xi32> to vector<16xf32>
        %mul3A_748 = vector.broadcast %scan3A_25 : f32 to vector<16xf32>
        %mul3A_749 = arith.mulf %convert_element_type3A_746, %mul3A_748 : vector<16xf32>
        %sub3A_750 = arith.constant 5.000000e-01 : f32
        %sub3A_751 = vector.broadcast %sub3A_750 : f32 to vector<16xf32>
        %sub3A_752 = arith.subf %convert_element_type3A_747, %sub3A_751 : vector<16xf32>
        %mul3A_753 = arith.mulf %mul3A_749, %sub3A_752 : vector<16xf32>
        %sub3A_754 = arith.subf %get3A_332, %mul3A_753 : vector<16xf32>
        %sub3A_755 = arith.constant 8.000000e+00 : f32
        %sub3A_756 = vector.broadcast %sub3A_755 : f32 to vector<16xf32>
        %sub3A_757 = arith.subf %sub3A_756, %sub3A_754 : vector<16xf32>
        %mul3A_758 = arith.constant 1.280000e+02 : f32
        %mul3A_759 = vector.broadcast %mul3A_758 : f32 to vector<16xf32>
        %mul3A_760 = arith.mulf %sub3A_757, %mul3A_759 : vector<16xf32>
        %max3A_761 = arith.constant 0.000000e+00 : f32
        %max3A_762 = vector.broadcast %max3A_761 : f32 to vector<16xf32>
        %max3A_763 = arith.maximumf %mul3A_760, %max3A_762 : vector<16xf32>
        %min3A_764 = arith.constant 2.047000e+03 : f32
        %min3A_765 = vector.broadcast %min3A_764 : f32 to vector<16xf32>
        %min3A_766 = arith.minimumf %max3A_763, %min3A_765 : vector<16xf32>
        %convert_element_type3A_767 = arith.fptosi %min3A_766 : vector<16xf32> to vector<16xi32>
        %add3A_768 = arith.constant 65536 : i32
        %add3A_769 = vector.broadcast %add3A_768 : i32 to vector<16xi32>
        %add3A_770 = arith.addi %get3A_396, %add3A_769 : vector<16xi32>
        %shift_right_logical3A_771 = arith.constant 8 : i32
        %shift_right_logical3A_772 = vector.broadcast %shift_right_logical3A_771 : i32 to vector<16xi32>
        %shift_right_logical3A_773 = arith.shrui %add3A_275, %shift_right_logical3A_772 : vector<16xi32>
        %convert_element_type3A_774 = arith.uitofp %shift_right_logical3A_773 : vector<16xi32> to vector<16xf32>
        %convert_element_type3A_775 = arith.sitofp %get3A_400 : vector<16xi32> to vector<16xf32>
        %mul3A_776 = vector.broadcast %scan3A_25 : f32 to vector<16xf32>
        %mul3A_777 = arith.mulf %convert_element_type3A_774, %mul3A_776 : vector<16xf32>
        %sub3A_778 = arith.constant 5.000000e-01 : f32
        %sub3A_779 = vector.broadcast %sub3A_778 : f32 to vector<16xf32>
        %sub3A_780 = arith.subf %convert_element_type3A_775, %sub3A_779 : vector<16xf32>
        %mul3A_781 = arith.mulf %mul3A_777, %sub3A_780 : vector<16xf32>
        %sub3A_782 = arith.subf %get3A_336, %mul3A_781 : vector<16xf32>
        %sub3A_783 = arith.constant 8.000000e+00 : f32
        %sub3A_784 = vector.broadcast %sub3A_783 : f32 to vector<16xf32>
        %sub3A_785 = arith.subf %sub3A_784, %sub3A_782 : vector<16xf32>
        %mul3A_786 = arith.constant 1.280000e+02 : f32
        %mul3A_787 = vector.broadcast %mul3A_786 : f32 to vector<16xf32>
        %mul3A_788 = arith.mulf %sub3A_785, %mul3A_787 : vector<16xf32>
        %max3A_789 = arith.constant 0.000000e+00 : f32
        %max3A_790 = vector.broadcast %max3A_789 : f32 to vector<16xf32>
        %max3A_791 = arith.maximumf %mul3A_788, %max3A_790 : vector<16xf32>
        %min3A_792 = arith.constant 2.047000e+03 : f32
        %min3A_793 = vector.broadcast %min3A_792 : f32 to vector<16xf32>
        %min3A_794 = arith.minimumf %max3A_791, %min3A_793 : vector<16xf32>
        %convert_element_type3A_795 = arith.fptosi %min3A_794 : vector<16xf32> to vector<16xi32>
        %add3A_796 = arith.constant 65536 : i32
        %add3A_797 = vector.broadcast %add3A_796 : i32 to vector<16xi32>
        %add3A_798 = arith.addi %get3A_400, %add3A_797 : vector<16xi32>
        %shift_right_logical3A_799 = arith.constant 8 : i32
        %shift_right_logical3A_800 = vector.broadcast %shift_right_logical3A_799 : i32 to vector<16xi32>
        %shift_right_logical3A_801 = arith.shrui %add3A_278, %shift_right_logical3A_800 : vector<16xi32>
        %convert_element_type3A_802 = arith.uitofp %shift_right_logical3A_801 : vector<16xi32> to vector<16xf32>
        %convert_element_type3A_803 = arith.sitofp %get3A_404 : vector<16xi32> to vector<16xf32>
        %mul3A_804 = vector.broadcast %scan3A_25 : f32 to vector<16xf32>
        %mul3A_805 = arith.mulf %convert_element_type3A_802, %mul3A_804 : vector<16xf32>
        %sub3A_806 = arith.constant 5.000000e-01 : f32
        %sub3A_807 = vector.broadcast %sub3A_806 : f32 to vector<16xf32>
        %sub3A_808 = arith.subf %convert_element_type3A_803, %sub3A_807 : vector<16xf32>
        %mul3A_809 = arith.mulf %mul3A_805, %sub3A_808 : vector<16xf32>
        %sub3A_810 = arith.subf %get3A_340, %mul3A_809 : vector<16xf32>
        %sub3A_811 = arith.constant 8.000000e+00 : f32
        %sub3A_812 = vector.broadcast %sub3A_811 : f32 to vector<16xf32>
        %sub3A_813 = arith.subf %sub3A_812, %sub3A_810 : vector<16xf32>
        %mul3A_814 = arith.constant 1.280000e+02 : f32
        %mul3A_815 = vector.broadcast %mul3A_814 : f32 to vector<16xf32>
        %mul3A_816 = arith.mulf %sub3A_813, %mul3A_815 : vector<16xf32>
        %max3A_817 = arith.constant 0.000000e+00 : f32
        %max3A_818 = vector.broadcast %max3A_817 : f32 to vector<16xf32>
        %max3A_819 = arith.maximumf %mul3A_816, %max3A_818 : vector<16xf32>
        %min3A_820 = arith.constant 2.047000e+03 : f32
        %min3A_821 = vector.broadcast %min3A_820 : f32 to vector<16xf32>
        %min3A_822 = arith.minimumf %max3A_819, %min3A_821 : vector<16xf32>
        %convert_element_type3A_823 = arith.fptosi %min3A_822 : vector<16xf32> to vector<16xi32>
        %add3A_824 = arith.constant 65536 : i32
        %add3A_825 = vector.broadcast %add3A_824 : i32 to vector<16xi32>
        %add3A_826 = arith.addi %get3A_404, %add3A_825 : vector<16xi32>
        %shift_right_logical3A_827 = arith.constant 8 : i32
        %shift_right_logical3A_828 = vector.broadcast %shift_right_logical3A_827 : i32 to vector<16xi32>
        %shift_right_logical3A_829 = arith.shrui %add3A_281, %shift_right_logical3A_828 : vector<16xi32>
        %convert_element_type3A_830 = arith.uitofp %shift_right_logical3A_829 : vector<16xi32> to vector<16xf32>
        %convert_element_type3A_831 = arith.sitofp %get3A_408 : vector<16xi32> to vector<16xf32>
        %mul3A_832 = vector.broadcast %scan3A_25 : f32 to vector<16xf32>
        %mul3A_833 = arith.mulf %convert_element_type3A_830, %mul3A_832 : vector<16xf32>
        %sub3A_834 = arith.constant 5.000000e-01 : f32
        %sub3A_835 = vector.broadcast %sub3A_834 : f32 to vector<16xf32>
        %sub3A_836 = arith.subf %convert_element_type3A_831, %sub3A_835 : vector<16xf32>
        %mul3A_837 = arith.mulf %mul3A_833, %sub3A_836 : vector<16xf32>
        %sub3A_838 = arith.subf %get3A_344, %mul3A_837 : vector<16xf32>
        %sub3A_839 = arith.constant 8.000000e+00 : f32
        %sub3A_840 = vector.broadcast %sub3A_839 : f32 to vector<16xf32>
        %sub3A_841 = arith.subf %sub3A_840, %sub3A_838 : vector<16xf32>
        %mul3A_842 = arith.constant 1.280000e+02 : f32
        %mul3A_843 = vector.broadcast %mul3A_842 : f32 to vector<16xf32>
        %mul3A_844 = arith.mulf %sub3A_841, %mul3A_843 : vector<16xf32>
        %max3A_845 = arith.constant 0.000000e+00 : f32
        %max3A_846 = vector.broadcast %max3A_845 : f32 to vector<16xf32>
        %max3A_847 = arith.maximumf %mul3A_844, %max3A_846 : vector<16xf32>
        %min3A_848 = arith.constant 2.047000e+03 : f32
        %min3A_849 = vector.broadcast %min3A_848 : f32 to vector<16xf32>
        %min3A_850 = arith.minimumf %max3A_847, %min3A_849 : vector<16xf32>
        %convert_element_type3A_851 = arith.fptosi %min3A_850 : vector<16xf32> to vector<16xi32>
        %add3A_852 = arith.constant 65536 : i32
        %add3A_853 = vector.broadcast %add3A_852 : i32 to vector<16xi32>
        %add3A_854 = arith.addi %get3A_408, %add3A_853 : vector<16xi32>
        tpu.vector_store_idx %arg9[%convert_element_type3A_431], %add3A_434 {add = true} : memref<2048xi32, #tpu.memory_space<vmem>>[vector<16xi32>], vector<16xi32>,
        tpu.vector_store_idx %arg9[%convert_element_type3A_459], %add3A_462 {add = true} : memref<2048xi32, #tpu.memory_space<vmem>>[vector<16xi32>], vector<16xi32>,
        tpu.vector_store_idx %arg9[%convert_element_type3A_487], %add3A_490 {add = true} : memref<2048xi32, #tpu.memory_space<vmem>>[vector<16xi32>], vector<16xi32>,
        tpu.vector_store_idx %arg9[%convert_element_type3A_515], %add3A_518 {add = true} : memref<2048xi32, #tpu.memory_space<vmem>>[vector<16xi32>], vector<16xi32>,
        tpu.vector_store_idx %arg9[%convert_element_type3A_543], %add3A_546 {add = true} : memref<2048xi32, #tpu.memory_space<vmem>>[vector<16xi32>], vector<16xi32>,
        tpu.vector_store_idx %arg9[%convert_element_type3A_571], %add3A_574 {add = true} : memref<2048xi32, #tpu.memory_space<vmem>>[vector<16xi32>], vector<16xi32>,
        tpu.vector_store_idx %arg9[%convert_element_type3A_599], %add3A_602 {add = true} : memref<2048xi32, #tpu.memory_space<vmem>>[vector<16xi32>], vector<16xi32>,
        tpu.vector_store_idx %arg9[%convert_element_type3A_627], %add3A_630 {add = true} : memref<2048xi32, #tpu.memory_space<vmem>>[vector<16xi32>], vector<16xi32>,
        tpu.vector_store_idx %arg9[%convert_element_type3A_655], %add3A_658 {add = true} : memref<2048xi32, #tpu.memory_space<vmem>>[vector<16xi32>], vector<16xi32>,
        tpu.vector_store_idx %arg9[%convert_element_type3A_683], %add3A_686 {add = true} : memref<2048xi32, #tpu.memory_space<vmem>>[vector<16xi32>], vector<16xi32>,
        tpu.vector_store_idx %arg9[%convert_element_type3A_711], %add3A_714 {add = true} : memref<2048xi32, #tpu.memory_space<vmem>>[vector<16xi32>], vector<16xi32>,
        tpu.vector_store_idx %arg9[%convert_element_type3A_739], %add3A_742 {add = true} : memref<2048xi32, #tpu.memory_space<vmem>>[vector<16xi32>], vector<16xi32>,
        tpu.vector_store_idx %arg9[%convert_element_type3A_767], %add3A_770 {add = true} : memref<2048xi32, #tpu.memory_space<vmem>>[vector<16xi32>], vector<16xi32>,
        tpu.vector_store_idx %arg9[%convert_element_type3A_795], %add3A_798 {add = true} : memref<2048xi32, #tpu.memory_space<vmem>>[vector<16xi32>], vector<16xi32>,
        tpu.vector_store_idx %arg9[%convert_element_type3A_823], %add3A_826 {add = true} : memref<2048xi32, #tpu.memory_space<vmem>>[vector<16xi32>], vector<16xi32>,
        tpu.vector_store_idx %arg9[%convert_element_type3A_851], %add3A_854 {add = true} : memref<2048xi32, #tpu.memory_space<vmem>>[vector<16xi32>], vector<16xi32>,
        %add3A_855 = vector.broadcast %scan3A_26 : i32 to vector<16xi32>
        %add3A_856 = arith.addi %scan3A_231, %add3A_855 : vector<16xi32>
        scf.yield %add3A_856 : vector<16xi32>
      }
      %scan3A_89 = arith.constant 64 : i32
      %scan3A_90 = arith.constant 0 : i32
      %scan3A_91 = arith.constant 0 : i32
      %scan3A_92 = arith.constant 32 : i32
      %scan3A_93 = arith.addi %scan3A_91, %scan3A_92 : i32
      %scan3A_94 = arith.constant 1 : i32
      scf.for %scan3A_230 = %scan3A_91 to %scan3A_93 step %scan3A_94  : i32 {
        %mul3A_231 = arith.constant 4 : i32
        %mul3A_232 = arith.muli %scan3A_230, %mul3A_231 : i32
        %add3A_233 = arith.constant 0 : i32
        %add3A_234 = arith.addi %mul3A_232, %add3A_233 : i32
        %mul3A_235 = arith.constant 16 : i32
        %mul3A_236 = arith.muli %add3A_234, %mul3A_235 : i32
        %mul3A_237 = arith.constant 4 : i32
        %mul3A_238 = arith.muli %scan3A_230, %mul3A_237 : i32
        %add3A_239 = arith.constant 1 : i32
        %add3A_240 = arith.addi %mul3A_238, %add3A_239 : i32
        %mul3A_241 = arith.constant 16 : i32
        %mul3A_242 = arith.muli %add3A_240, %mul3A_241 : i32
        %mul3A_243 = arith.constant 4 : i32
        %mul3A_244 = arith.muli %scan3A_230, %mul3A_243 : i32
        %add3A_245 = arith.constant 2 : i32
        %add3A_246 = arith.addi %mul3A_244, %add3A_245 : i32
        %mul3A_247 = arith.constant 16 : i32
        %mul3A_248 = arith.muli %add3A_246, %mul3A_247 : i32
        %mul3A_249 = arith.constant 4 : i32
        %mul3A_250 = arith.muli %scan3A_230, %mul3A_249 : i32
        %add3A_251 = arith.constant 3 : i32
        %add3A_252 = arith.addi %mul3A_250, %add3A_251 : i32
        %mul3A_253 = arith.constant 16 : i32
        %mul3A_254 = arith.muli %add3A_252, %mul3A_253 : i32
        %get3A = arith.index_cast %mul3A_236 : i32 to index
        %get3A_255 = tpu.vector_load %arg9[%get3A] {strides = array<i32>} : memref<2048xi32, #tpu.memory_space<vmem>>, vector<16xi32>,
        %get3A_256 = arith.index_cast %mul3A_242 : i32 to index
        %get3A_257 = tpu.vector_load %arg9[%get3A_256] {strides = array<i32>} : memref<2048xi32, #tpu.memory_space<vmem>>, vector<16xi32>,
        %get3A_258 = arith.index_cast %mul3A_248 : i32 to index
        %get3A_259 = tpu.vector_load %arg9[%get3A_258] {strides = array<i32>} : memref<2048xi32, #tpu.memory_space<vmem>>, vector<16xi32>,
        %get3A_260 = arith.index_cast %mul3A_254 : i32 to index
        %get3A_261 = tpu.vector_load %arg9[%get3A_260] {strides = array<i32>} : memref<2048xi32, #tpu.memory_space<vmem>>, vector<16xi32>,
        %broadcast_in_dim3A_262 = arith.constant true
        %broadcast_in_dim3A_263 = vector.broadcast %broadcast_in_dim3A_262 : i1 to vector<16xi1>
        %masked_cumsum3A = tpu.scan <sum>, %get3A_255 masked %broadcast_in_dim3A_263 : vector<16xi32>, vector<16xi1> -> vector<16xi32>
        %broadcast_in_dim3A_264 = arith.constant true
        %broadcast_in_dim3A_265 = vector.broadcast %broadcast_in_dim3A_264 : i1 to vector<16xi1>
        %masked_cumsum3A_266 = tpu.scan <sum>, %get3A_257 masked %broadcast_in_dim3A_265 : vector<16xi32>, vector<16xi1> -> vector<16xi32>
        %broadcast_in_dim3A_267 = arith.constant true
        %broadcast_in_dim3A_268 = vector.broadcast %broadcast_in_dim3A_267 : i1 to vector<16xi1>
        %masked_cumsum3A_269 = tpu.scan <sum>, %get3A_259 masked %broadcast_in_dim3A_268 : vector<16xi32>, vector<16xi1> -> vector<16xi32>
        %broadcast_in_dim3A_270 = arith.constant true
        %broadcast_in_dim3A_271 = vector.broadcast %broadcast_in_dim3A_270 : i1 to vector<16xi1>
        %masked_cumsum3A_272 = tpu.scan <sum>, %get3A_261 masked %broadcast_in_dim3A_271 : vector<16xi32>, vector<16xi1> -> vector<16xi32>
        %swap3A = arith.index_cast %mul3A_236 : i32 to index
        %swap3A_273 = tpu.vector_load %arg9[%swap3A] {strides = array<i32>} : memref<2048xi32, #tpu.memory_space<vmem>>, vector<16xi32>,
        tpu.vector_store %arg9[%swap3A], %broadcast_in_dim3A_2 {strides = array<i32>} : memref<2048xi32, #tpu.memory_space<vmem>>, vector<16xi32>,
        %swap3A_274 = arith.index_cast %mul3A_236 : i32 to index
        %swap3A_275 = tpu.vector_load %arg11[%swap3A_274] {strides = array<i32>} : memref<2048xi32, #tpu.memory_space<vmem>>, vector<16xi32>,
        tpu.vector_store %arg11[%swap3A_274], %get3A_255 {strides = array<i32>} : memref<2048xi32, #tpu.memory_space<vmem>>, vector<16xi32>,
        %swap3A_276 = arith.index_cast %mul3A_236 : i32 to index
        %swap3A_277 = tpu.vector_load %arg10[%swap3A_276] {strides = array<i32>} : memref<2048xi32, #tpu.memory_space<vmem>>, vector<16xi32>,
        tpu.vector_store %arg10[%swap3A_276], %masked_cumsum3A {strides = array<i32>} : memref<2048xi32, #tpu.memory_space<vmem>>, vector<16xi32>,
        %swap3A_278 = arith.index_cast %mul3A_242 : i32 to index
        %swap3A_279 = tpu.vector_load %arg9[%swap3A_278] {strides = array<i32>} : memref<2048xi32, #tpu.memory_space<vmem>>, vector<16xi32>,
        tpu.vector_store %arg9[%swap3A_278], %broadcast_in_dim3A_2 {strides = array<i32>} : memref<2048xi32, #tpu.memory_space<vmem>>, vector<16xi32>,
        %swap3A_280 = arith.index_cast %mul3A_242 : i32 to index
        %swap3A_281 = tpu.vector_load %arg11[%swap3A_280] {strides = array<i32>} : memref<2048xi32, #tpu.memory_space<vmem>>, vector<16xi32>,
        tpu.vector_store %arg11[%swap3A_280], %get3A_257 {strides = array<i32>} : memref<2048xi32, #tpu.memory_space<vmem>>, vector<16xi32>,
        %swap3A_282 = arith.index_cast %mul3A_242 : i32 to index
        %swap3A_283 = tpu.vector_load %arg10[%swap3A_282] {strides = array<i32>} : memref<2048xi32, #tpu.memory_space<vmem>>, vector<16xi32>,
        tpu.vector_store %arg10[%swap3A_282], %masked_cumsum3A_266 {strides = array<i32>} : memref<2048xi32, #tpu.memory_space<vmem>>, vector<16xi32>,
        %swap3A_284 = arith.index_cast %mul3A_248 : i32 to index
        %swap3A_285 = tpu.vector_load %arg9[%swap3A_284] {strides = array<i32>} : memref<2048xi32, #tpu.memory_space<vmem>>, vector<16xi32>,
        tpu.vector_store %arg9[%swap3A_284], %broadcast_in_dim3A_2 {strides = array<i32>} : memref<2048xi32, #tpu.memory_space<vmem>>, vector<16xi32>,
        %swap3A_286 = arith.index_cast %mul3A_248 : i32 to index
        %swap3A_287 = tpu.vector_load %arg11[%swap3A_286] {strides = array<i32>} : memref<2048xi32, #tpu.memory_space<vmem>>, vector<16xi32>,
        tpu.vector_store %arg11[%swap3A_286], %get3A_259 {strides = array<i32>} : memref<2048xi32, #tpu.memory_space<vmem>>, vector<16xi32>,
        %swap3A_288 = arith.index_cast %mul3A_248 : i32 to index
        %swap3A_289 = tpu.vector_load %arg10[%swap3A_288] {strides = array<i32>} : memref<2048xi32, #tpu.memory_space<vmem>>, vector<16xi32>,
        tpu.vector_store %arg10[%swap3A_288], %masked_cumsum3A_269 {strides = array<i32>} : memref<2048xi32, #tpu.memory_space<vmem>>, vector<16xi32>,
        %swap3A_290 = arith.index_cast %mul3A_254 : i32 to index
        %swap3A_291 = tpu.vector_load %arg9[%swap3A_290] {strides = array<i32>} : memref<2048xi32, #tpu.memory_space<vmem>>, vector<16xi32>,
        tpu.vector_store %arg9[%swap3A_290], %broadcast_in_dim3A_2 {strides = array<i32>} : memref<2048xi32, #tpu.memory_space<vmem>>, vector<16xi32>,
        %swap3A_292 = arith.index_cast %mul3A_254 : i32 to index
        %swap3A_293 = tpu.vector_load %arg11[%swap3A_292] {strides = array<i32>} : memref<2048xi32, #tpu.memory_space<vmem>>, vector<16xi32>,
        tpu.vector_store %arg11[%swap3A_292], %get3A_261 {strides = array<i32>} : memref<2048xi32, #tpu.memory_space<vmem>>, vector<16xi32>,
        %swap3A_294 = arith.index_cast %mul3A_254 : i32 to index
        %swap3A_295 = tpu.vector_load %arg10[%swap3A_294] {strides = array<i32>} : memref<2048xi32, #tpu.memory_space<vmem>>, vector<16xi32>,
        tpu.vector_store %arg10[%swap3A_294], %masked_cumsum3A_272 {strides = array<i32>} : memref<2048xi32, #tpu.memory_space<vmem>>, vector<16xi32>,
      }
      %scan3A_95 = arith.constant 32 : i32
      %mul3A_96 = arith.constant 16 : i32
      %mul3A_97 = vector.broadcast %mul3A_96 : i32 to vector<16xi32>
      %mul3A_98 = arith.muli %iota3A, %mul3A_97 : vector<16xi32>
      %add3A_99 = arith.constant 15 : i32
      %add3A_100 = vector.broadcast %add3A_99 : i32 to vector<16xi32>
      %add3A_101 = arith.addi %mul3A_98, %add3A_100 : vector<16xi32>
      %scan3A_102 = arith.constant 0 : i32
      %scan3A_103 = arith.constant 0 : i32
      %scan3A_104 = arith.constant 8 : i32
      %scan3A_105 = arith.addi %scan3A_103, %scan3A_104 : i32
      %scan3A_106 = arith.constant 1 : i32
      %scan3A_107 = scf.for %scan3A_230 = %scan3A_103 to %scan3A_105 step %scan3A_106 iter_args(%scan3A_231 = %scan3A_102) -> (i32)  : i32 {
        %mul3A_232 = arith.constant 256 : i32
        %mul3A_233 = arith.muli %scan3A_230, %mul3A_232 : i32
        %add3A_234 = vector.broadcast %mul3A_233 : i32 to vector<16xi32>
        %add3A_235 = arith.addi %add3A_234, %add3A_101 : vector<16xi32>
        %gather3A = tpu.vector_load_idx %arg10[%add3A_235] : memref<2048xi32, #tpu.memory_space<vmem>>[vector<16xi32>], vector<16xi32>,
        %broadcast_in_dim3A_236 = arith.constant true
        %broadcast_in_dim3A_237 = vector.broadcast %broadcast_in_dim3A_236 : i1 to vector<16xi1>
        %masked_cumsum3A = tpu.scan <sum>, %gather3A masked %broadcast_in_dim3A_237 : vector<16xi32>, vector<16xi1> -> vector<16xi32>
        %add3A_238 = vector.broadcast %scan3A_231 : i32 to vector<16xi32>
        %add3A_239 = arith.addi %add3A_238, %masked_cumsum3A : vector<16xi32>
        %sub3A_240 = arith.subi %add3A_239, %gather3A : vector<16xi32>
        %mul3A_241 = arith.constant 16 : i32
        %mul3A_242 = arith.muli %scan3A_230, %mul3A_241 : i32
        %swap3A = arith.index_cast %mul3A_242 : i32 to index
        %swap3A_243 = tpu.vector_load %arg12[%swap3A] {strides = array<i32>} : memref<128xi32, #tpu.memory_space<vmem>>, vector<16xi32>,
        tpu.vector_store %arg12[%swap3A], %sub3A_240 {strides = array<i32>} : memref<128xi32, #tpu.memory_space<vmem>>, vector<16xi32>,
        %reduce_sum3A_244 = arith.constant true
        %reduce_sum3A_245 = vector.broadcast %reduce_sum3A_244 : i1 to vector<16xi1>
        %reduce_sum3A_246 = tpu.scan <sum>, %gather3A masked %reduce_sum3A_245 : vector<16xi32>, vector<16xi1> -> vector<16xi32>
        %reduce_sum3A_247 = vector.extract %reduce_sum3A_246[15] : i32 from vector<16xi32>
        %add3A_248 = arith.addi %scan3A_231, %reduce_sum3A_247 : i32
        scf.yield %add3A_248 : i32
      }
      %scan3A_108 = arith.constant 8 : i32
      %and3A = arith.constant 65535 : i32
      %and3A_109 = arith.andi %scan3A_107, %and3A : i32
      %broadcast_in_dim3A_110 = arith.constant 0.000000e+00 : f32
      %broadcast_in_dim3A_111 = vector.broadcast %broadcast_in_dim3A_110 : f32 to vector<16xf32>
      %scan3A_112 = arith.constant 0 : i32
      %scan3A_113 = arith.constant 8 : i32
      %scan3A_114 = arith.addi %scan3A_112, %scan3A_113 : i32
      %scan3A_115 = arith.constant 1 : i32
      %scan3A_116 = scf.for %scan3A_230 = %scan3A_112 to %scan3A_114 step %scan3A_115 iter_args(%scan3A_231 = %broadcast_in_dim3A_111) -> (vector<16xf32>)  : i32 {
        %mul3A_232 = arith.constant 16 : i32
        %mul3A_233 = arith.muli %scan3A_230, %mul3A_232 : i32
        %get3A = arith.index_cast %mul3A_233 : i32 to index
        %get3A_234 = tpu.vector_load %arg12[%get3A] {strides = array<i32>} : memref<128xi32, #tpu.memory_space<vmem>>, vector<16xi32>,
        %mul3A_235 = arith.constant 16 : i32
        %mul3A_236 = arith.muli %scan3A_230, %mul3A_235 : i32
        %add3A_237 = arith.constant 0 : i32
        %add3A_238 = arith.addi %mul3A_236, %add3A_237 : i32
        %add3A_239 = arith.constant 0 : i32
        %add3A_240 = arith.addi %add3A_238, %add3A_239 : i32
        %mul3A_241 = arith.constant 16 : i32
        %mul3A_242 = arith.muli %add3A_240, %mul3A_241 : i32
        %get3A_243 = arith.index_cast %mul3A_242 : i32 to index
        %get3A_244 = tpu.vector_load %arg11[%get3A_243] {strides = array<i32>} : memref<2048xi32, #tpu.memory_space<vmem>>, vector<16xi32>,
        %add3A_245 = arith.constant 1 : i32
        %add3A_246 = arith.addi %add3A_238, %add3A_245 : i32
        %mul3A_247 = arith.constant 16 : i32
        %mul3A_248 = arith.muli %add3A_246, %mul3A_247 : i32
        %get3A_249 = arith.index_cast %mul3A_248 : i32 to index
        %get3A_250 = tpu.vector_load %arg11[%get3A_249] {strides = array<i32>} : memref<2048xi32, #tpu.memory_space<vmem>>, vector<16xi32>,
        %add3A_251 = arith.constant 2 : i32
        %add3A_252 = arith.addi %add3A_238, %add3A_251 : i32
        %mul3A_253 = arith.constant 16 : i32
        %mul3A_254 = arith.muli %add3A_252, %mul3A_253 : i32
        %get3A_255 = arith.index_cast %mul3A_254 : i32 to index
        %get3A_256 = tpu.vector_load %arg11[%get3A_255] {strides = array<i32>} : memref<2048xi32, #tpu.memory_space<vmem>>, vector<16xi32>,
        %add3A_257 = arith.constant 3 : i32
        %add3A_258 = arith.addi %add3A_238, %add3A_257 : i32
        %mul3A_259 = arith.constant 16 : i32
        %mul3A_260 = arith.muli %add3A_258, %mul3A_259 : i32
        %get3A_261 = arith.index_cast %mul3A_260 : i32 to index
        %get3A_262 = tpu.vector_load %arg11[%get3A_261] {strides = array<i32>} : memref<2048xi32, #tpu.memory_space<vmem>>, vector<16xi32>,
        %add3A_263 = arith.constant 0 : i32
        %add3A_264 = arith.addi %add3A_238, %add3A_263 : i32
        %mul3A_265 = arith.constant 16 : i32
        %mul3A_266 = arith.muli %add3A_264, %mul3A_265 : i32
        %get3A_267 = arith.index_cast %mul3A_266 : i32 to index
        %get3A_268 = tpu.vector_load %arg10[%get3A_267] {strides = array<i32>} : memref<2048xi32, #tpu.memory_space<vmem>>, vector<16xi32>,
        %add3A_269 = arith.constant 1 : i32
        %add3A_270 = arith.addi %add3A_238, %add3A_269 : i32
        %mul3A_271 = arith.constant 16 : i32
        %mul3A_272 = arith.muli %add3A_270, %mul3A_271 : i32
        %get3A_273 = arith.index_cast %mul3A_272 : i32 to index
        %get3A_274 = tpu.vector_load %arg10[%get3A_273] {strides = array<i32>} : memref<2048xi32, #tpu.memory_space<vmem>>, vector<16xi32>,
        %add3A_275 = arith.constant 2 : i32
        %add3A_276 = arith.addi %add3A_238, %add3A_275 : i32
        %mul3A_277 = arith.constant 16 : i32
        %mul3A_278 = arith.muli %add3A_276, %mul3A_277 : i32
        %get3A_279 = arith.index_cast %mul3A_278 : i32 to index
        %get3A_280 = tpu.vector_load %arg10[%get3A_279] {strides = array<i32>} : memref<2048xi32, #tpu.memory_space<vmem>>, vector<16xi32>,
        %add3A_281 = arith.constant 3 : i32
        %add3A_282 = arith.addi %add3A_238, %add3A_281 : i32
        %mul3A_283 = arith.constant 16 : i32
        %mul3A_284 = arith.muli %add3A_282, %mul3A_283 : i32
        %get3A_285 = arith.index_cast %mul3A_284 : i32 to index
        %get3A_286 = tpu.vector_load %arg10[%get3A_285] {strides = array<i32>} : memref<2048xi32, #tpu.memory_space<vmem>>, vector<16xi32>,
        %slice3A = vector.extract_strided_slice %get3A_234 {offsets = [0], sizes = [1], strides = [1]} : vector<16xi32> to vector<1xi32>
        %squeeze3A = vector.extract %slice3A[0] : i32 from vector<1xi32>
        %add3A_287 = vector.broadcast %squeeze3A : i32 to vector<16xi32>
        %add3A_288 = arith.addi %get3A_268, %add3A_287 : vector<16xi32>
        %shift_right_arithmetic3A = arith.constant 16 : i32
        %shift_right_arithmetic3A_289 = vector.broadcast %shift_right_arithmetic3A : i32 to vector<16xi32>
        %shift_right_arithmetic3A_290 = arith.shrsi %get3A_244, %shift_right_arithmetic3A_289 : vector<16xi32>
        %and3A_291 = arith.constant 65535 : i32
        %and3A_292 = vector.broadcast %and3A_291 : i32 to vector<16xi32>
        %and3A_293 = arith.andi %get3A_244, %and3A_292 : vector<16xi32>
        %shift_right_arithmetic3A_294 = arith.constant 16 : i32
        %shift_right_arithmetic3A_295 = vector.broadcast %shift_right_arithmetic3A_294 : i32 to vector<16xi32>
        %shift_right_arithmetic3A_296 = arith.shrsi %add3A_288, %shift_right_arithmetic3A_295 : vector<16xi32>
        %and3A_297 = arith.constant 65535 : i32
        %and3A_298 = vector.broadcast %and3A_297 : i32 to vector<16xi32>
        %and3A_299 = arith.andi %add3A_288, %and3A_298 : vector<16xi32>
        %shift_left3A = arith.constant 1 : i32
        %shift_left3A_300 = vector.broadcast %shift_left3A : i32 to vector<16xi32>
        %shift_left3A_301 = arith.shli %and3A_299, %shift_left3A_300 : vector<16xi32>
        %sub3A_302 = arith.subi %shift_left3A_301, %and3A_293 : vector<16xi32>
        %add3A_303 = arith.constant 1 : i32
        %add3A_304 = vector.broadcast %add3A_303 : i32 to vector<16xi32>
        %add3A_305 = arith.addi %sub3A_302, %add3A_304 : vector<16xi32>
        %shift_left3A_306 = arith.constant 1 : i32
        %shift_left3A_307 = vector.broadcast %shift_left3A_306 : i32 to vector<16xi32>
        %shift_left3A_308 = arith.shli %shift_right_arithmetic3A_296, %shift_left3A_307 : vector<16xi32>
        %sub3A_309 = arith.subi %shift_left3A_308, %shift_right_arithmetic3A_290 : vector<16xi32>
        %add3A_310 = arith.constant 1 : i32
        %add3A_311 = vector.broadcast %add3A_310 : i32 to vector<16xi32>
        %add3A_312 = arith.addi %sub3A_309, %add3A_311 : vector<16xi32>
        %convert_element_type3A_313 = arith.sitofp %and3A_293 : vector<16xi32> to vector<16xf32>
        %convert_element_type3A_314 = arith.sitofp %add3A_305 : vector<16xi32> to vector<16xf32>
        %mul3A_315 = arith.mulf %convert_element_type3A_313, %convert_element_type3A_314 : vector<16xf32>
        %convert_element_type3A_316 = arith.sitofp %add3A_312 : vector<16xi32> to vector<16xf32>
        %div3A_317 = arith.divf %mul3A_315, %convert_element_type3A_316 : vector<16xf32>
        %slice3A_318 = vector.extract_strided_slice %get3A_234 {offsets = [1], sizes = [1], strides = [1]} : vector<16xi32> to vector<1xi32>
        %squeeze3A_319 = vector.extract %slice3A_318[0] : i32 from vector<1xi32>
        %add3A_320 = vector.broadcast %squeeze3A_319 : i32 to vector<16xi32>
        %add3A_321 = arith.addi %get3A_274, %add3A_320 : vector<16xi32>
        %shift_right_arithmetic3A_322 = arith.constant 16 : i32
        %shift_right_arithmetic3A_323 = vector.broadcast %shift_right_arithmetic3A_322 : i32 to vector<16xi32>
        %shift_right_arithmetic3A_324 = arith.shrsi %get3A_250, %shift_right_arithmetic3A_323 : vector<16xi32>
        %and3A_325 = arith.constant 65535 : i32
        %and3A_326 = vector.broadcast %and3A_325 : i32 to vector<16xi32>
        %and3A_327 = arith.andi %get3A_250, %and3A_326 : vector<16xi32>
        %shift_right_arithmetic3A_328 = arith.constant 16 : i32
        %shift_right_arithmetic3A_329 = vector.broadcast %shift_right_arithmetic3A_328 : i32 to vector<16xi32>
        %shift_right_arithmetic3A_330 = arith.shrsi %add3A_321, %shift_right_arithmetic3A_329 : vector<16xi32>
        %and3A_331 = arith.constant 65535 : i32
        %and3A_332 = vector.broadcast %and3A_331 : i32 to vector<16xi32>
        %and3A_333 = arith.andi %add3A_321, %and3A_332 : vector<16xi32>
        %shift_left3A_334 = arith.constant 1 : i32
        %shift_left3A_335 = vector.broadcast %shift_left3A_334 : i32 to vector<16xi32>
        %shift_left3A_336 = arith.shli %and3A_333, %shift_left3A_335 : vector<16xi32>
        %sub3A_337 = arith.subi %shift_left3A_336, %and3A_327 : vector<16xi32>
        %add3A_338 = arith.constant 1 : i32
        %add3A_339 = vector.broadcast %add3A_338 : i32 to vector<16xi32>
        %add3A_340 = arith.addi %sub3A_337, %add3A_339 : vector<16xi32>
        %shift_left3A_341 = arith.constant 1 : i32
        %shift_left3A_342 = vector.broadcast %shift_left3A_341 : i32 to vector<16xi32>
        %shift_left3A_343 = arith.shli %shift_right_arithmetic3A_330, %shift_left3A_342 : vector<16xi32>
        %sub3A_344 = arith.subi %shift_left3A_343, %shift_right_arithmetic3A_324 : vector<16xi32>
        %add3A_345 = arith.constant 1 : i32
        %add3A_346 = vector.broadcast %add3A_345 : i32 to vector<16xi32>
        %add3A_347 = arith.addi %sub3A_344, %add3A_346 : vector<16xi32>
        %convert_element_type3A_348 = arith.sitofp %and3A_327 : vector<16xi32> to vector<16xf32>
        %convert_element_type3A_349 = arith.sitofp %add3A_340 : vector<16xi32> to vector<16xf32>
        %mul3A_350 = arith.mulf %convert_element_type3A_348, %convert_element_type3A_349 : vector<16xf32>
        %convert_element_type3A_351 = arith.sitofp %add3A_347 : vector<16xi32> to vector<16xf32>
        %div3A_352 = arith.divf %mul3A_350, %convert_element_type3A_351 : vector<16xf32>
        %slice3A_353 = vector.extract_strided_slice %get3A_234 {offsets = [2], sizes = [1], strides = [1]} : vector<16xi32> to vector<1xi32>
        %squeeze3A_354 = vector.extract %slice3A_353[0] : i32 from vector<1xi32>
        %add3A_355 = vector.broadcast %squeeze3A_354 : i32 to vector<16xi32>
        %add3A_356 = arith.addi %get3A_280, %add3A_355 : vector<16xi32>
        %shift_right_arithmetic3A_357 = arith.constant 16 : i32
        %shift_right_arithmetic3A_358 = vector.broadcast %shift_right_arithmetic3A_357 : i32 to vector<16xi32>
        %shift_right_arithmetic3A_359 = arith.shrsi %get3A_256, %shift_right_arithmetic3A_358 : vector<16xi32>
        %and3A_360 = arith.constant 65535 : i32
        %and3A_361 = vector.broadcast %and3A_360 : i32 to vector<16xi32>
        %and3A_362 = arith.andi %get3A_256, %and3A_361 : vector<16xi32>
        %shift_right_arithmetic3A_363 = arith.constant 16 : i32
        %shift_right_arithmetic3A_364 = vector.broadcast %shift_right_arithmetic3A_363 : i32 to vector<16xi32>
        %shift_right_arithmetic3A_365 = arith.shrsi %add3A_356, %shift_right_arithmetic3A_364 : vector<16xi32>
        %and3A_366 = arith.constant 65535 : i32
        %and3A_367 = vector.broadcast %and3A_366 : i32 to vector<16xi32>
        %and3A_368 = arith.andi %add3A_356, %and3A_367 : vector<16xi32>
        %shift_left3A_369 = arith.constant 1 : i32
        %shift_left3A_370 = vector.broadcast %shift_left3A_369 : i32 to vector<16xi32>
        %shift_left3A_371 = arith.shli %and3A_368, %shift_left3A_370 : vector<16xi32>
        %sub3A_372 = arith.subi %shift_left3A_371, %and3A_362 : vector<16xi32>
        %add3A_373 = arith.constant 1 : i32
        %add3A_374 = vector.broadcast %add3A_373 : i32 to vector<16xi32>
        %add3A_375 = arith.addi %sub3A_372, %add3A_374 : vector<16xi32>
        %shift_left3A_376 = arith.constant 1 : i32
        %shift_left3A_377 = vector.broadcast %shift_left3A_376 : i32 to vector<16xi32>
        %shift_left3A_378 = arith.shli %shift_right_arithmetic3A_365, %shift_left3A_377 : vector<16xi32>
        %sub3A_379 = arith.subi %shift_left3A_378, %shift_right_arithmetic3A_359 : vector<16xi32>
        %add3A_380 = arith.constant 1 : i32
        %add3A_381 = vector.broadcast %add3A_380 : i32 to vector<16xi32>
        %add3A_382 = arith.addi %sub3A_379, %add3A_381 : vector<16xi32>
        %convert_element_type3A_383 = arith.sitofp %and3A_362 : vector<16xi32> to vector<16xf32>
        %convert_element_type3A_384 = arith.sitofp %add3A_375 : vector<16xi32> to vector<16xf32>
        %mul3A_385 = arith.mulf %convert_element_type3A_383, %convert_element_type3A_384 : vector<16xf32>
        %convert_element_type3A_386 = arith.sitofp %add3A_382 : vector<16xi32> to vector<16xf32>
        %div3A_387 = arith.divf %mul3A_385, %convert_element_type3A_386 : vector<16xf32>
        %slice3A_388 = vector.extract_strided_slice %get3A_234 {offsets = [3], sizes = [1], strides = [1]} : vector<16xi32> to vector<1xi32>
        %squeeze3A_389 = vector.extract %slice3A_388[0] : i32 from vector<1xi32>
        %add3A_390 = vector.broadcast %squeeze3A_389 : i32 to vector<16xi32>
        %add3A_391 = arith.addi %get3A_286, %add3A_390 : vector<16xi32>
        %shift_right_arithmetic3A_392 = arith.constant 16 : i32
        %shift_right_arithmetic3A_393 = vector.broadcast %shift_right_arithmetic3A_392 : i32 to vector<16xi32>
        %shift_right_arithmetic3A_394 = arith.shrsi %get3A_262, %shift_right_arithmetic3A_393 : vector<16xi32>
        %and3A_395 = arith.constant 65535 : i32
        %and3A_396 = vector.broadcast %and3A_395 : i32 to vector<16xi32>
        %and3A_397 = arith.andi %get3A_262, %and3A_396 : vector<16xi32>
        %shift_right_arithmetic3A_398 = arith.constant 16 : i32
        %shift_right_arithmetic3A_399 = vector.broadcast %shift_right_arithmetic3A_398 : i32 to vector<16xi32>
        %shift_right_arithmetic3A_400 = arith.shrsi %add3A_391, %shift_right_arithmetic3A_399 : vector<16xi32>
        %and3A_401 = arith.constant 65535 : i32
        %and3A_402 = vector.broadcast %and3A_401 : i32 to vector<16xi32>
        %and3A_403 = arith.andi %add3A_391, %and3A_402 : vector<16xi32>
        %shift_left3A_404 = arith.constant 1 : i32
        %shift_left3A_405 = vector.broadcast %shift_left3A_404 : i32 to vector<16xi32>
        %shift_left3A_406 = arith.shli %and3A_403, %shift_left3A_405 : vector<16xi32>
        %sub3A_407 = arith.subi %shift_left3A_406, %and3A_397 : vector<16xi32>
        %add3A_408 = arith.constant 1 : i32
        %add3A_409 = vector.broadcast %add3A_408 : i32 to vector<16xi32>
        %add3A_410 = arith.addi %sub3A_407, %add3A_409 : vector<16xi32>
        %shift_left3A_411 = arith.constant 1 : i32
        %shift_left3A_412 = vector.broadcast %shift_left3A_411 : i32 to vector<16xi32>
        %shift_left3A_413 = arith.shli %shift_right_arithmetic3A_400, %shift_left3A_412 : vector<16xi32>
        %sub3A_414 = arith.subi %shift_left3A_413, %shift_right_arithmetic3A_394 : vector<16xi32>
        %add3A_415 = arith.constant 1 : i32
        %add3A_416 = vector.broadcast %add3A_415 : i32 to vector<16xi32>
        %add3A_417 = arith.addi %sub3A_414, %add3A_416 : vector<16xi32>
        %convert_element_type3A_418 = arith.sitofp %and3A_397 : vector<16xi32> to vector<16xf32>
        %convert_element_type3A_419 = arith.sitofp %add3A_410 : vector<16xi32> to vector<16xf32>
        %mul3A_420 = arith.mulf %convert_element_type3A_418, %convert_element_type3A_419 : vector<16xf32>
        %convert_element_type3A_421 = arith.sitofp %add3A_417 : vector<16xi32> to vector<16xf32>
        %div3A_422 = arith.divf %mul3A_420, %convert_element_type3A_421 : vector<16xf32>
        %add3A_423 = arith.addf %div3A_317, %div3A_352 : vector<16xf32>
        %add3A_424 = arith.addf %div3A_387, %div3A_422 : vector<16xf32>
        %add3A_425 = arith.addf %add3A_423, %add3A_424 : vector<16xf32>
        %add3A_426 = arith.addf %scan3A_231, %add3A_425 : vector<16xf32>
        %mul3A_427 = arith.constant 16 : i32
        %mul3A_428 = arith.muli %scan3A_230, %mul3A_427 : i32
        %add3A_429 = arith.constant 4 : i32
        %add3A_430 = arith.addi %mul3A_428, %add3A_429 : i32
        %add3A_431 = arith.constant 0 : i32
        %add3A_432 = arith.addi %add3A_430, %add3A_431 : i32
        %mul3A_433 = arith.constant 16 : i32
        %mul3A_434 = arith.muli %add3A_432, %mul3A_433 : i32
        %get3A_435 = arith.index_cast %mul3A_434 : i32 to index
        %get3A_436 = tpu.vector_load %arg11[%get3A_435] {strides = array<i32>} : memref<2048xi32, #tpu.memory_space<vmem>>, vector<16xi32>,
        %add3A_437 = arith.constant 1 : i32
        %add3A_438 = arith.addi %add3A_430, %add3A_437 : i32
        %mul3A_439 = arith.constant 16 : i32
        %mul3A_440 = arith.muli %add3A_438, %mul3A_439 : i32
        %get3A_441 = arith.index_cast %mul3A_440 : i32 to index
        %get3A_442 = tpu.vector_load %arg11[%get3A_441] {strides = array<i32>} : memref<2048xi32, #tpu.memory_space<vmem>>, vector<16xi32>,
        %add3A_443 = arith.constant 2 : i32
        %add3A_444 = arith.addi %add3A_430, %add3A_443 : i32
        %mul3A_445 = arith.constant 16 : i32
        %mul3A_446 = arith.muli %add3A_444, %mul3A_445 : i32
        %get3A_447 = arith.index_cast %mul3A_446 : i32 to index
        %get3A_448 = tpu.vector_load %arg11[%get3A_447] {strides = array<i32>} : memref<2048xi32, #tpu.memory_space<vmem>>, vector<16xi32>,
        %add3A_449 = arith.constant 3 : i32
        %add3A_450 = arith.addi %add3A_430, %add3A_449 : i32
        %mul3A_451 = arith.constant 16 : i32
        %mul3A_452 = arith.muli %add3A_450, %mul3A_451 : i32
        %get3A_453 = arith.index_cast %mul3A_452 : i32 to index
        %get3A_454 = tpu.vector_load %arg11[%get3A_453] {strides = array<i32>} : memref<2048xi32, #tpu.memory_space<vmem>>, vector<16xi32>,
        %add3A_455 = arith.constant 0 : i32
        %add3A_456 = arith.addi %add3A_430, %add3A_455 : i32
        %mul3A_457 = arith.constant 16 : i32
        %mul3A_458 = arith.muli %add3A_456, %mul3A_457 : i32
        %get3A_459 = arith.index_cast %mul3A_458 : i32 to index
        %get3A_460 = tpu.vector_load %arg10[%get3A_459] {strides = array<i32>} : memref<2048xi32, #tpu.memory_space<vmem>>, vector<16xi32>,
        %add3A_461 = arith.constant 1 : i32
        %add3A_462 = arith.addi %add3A_430, %add3A_461 : i32
        %mul3A_463 = arith.constant 16 : i32
        %mul3A_464 = arith.muli %add3A_462, %mul3A_463 : i32
        %get3A_465 = arith.index_cast %mul3A_464 : i32 to index
        %get3A_466 = tpu.vector_load %arg10[%get3A_465] {strides = array<i32>} : memref<2048xi32, #tpu.memory_space<vmem>>, vector<16xi32>,
        %add3A_467 = arith.constant 2 : i32
        %add3A_468 = arith.addi %add3A_430, %add3A_467 : i32
        %mul3A_469 = arith.constant 16 : i32
        %mul3A_470 = arith.muli %add3A_468, %mul3A_469 : i32
        %get3A_471 = arith.index_cast %mul3A_470 : i32 to index
        %get3A_472 = tpu.vector_load %arg10[%get3A_471] {strides = array<i32>} : memref<2048xi32, #tpu.memory_space<vmem>>, vector<16xi32>,
        %add3A_473 = arith.constant 3 : i32
        %add3A_474 = arith.addi %add3A_430, %add3A_473 : i32
        %mul3A_475 = arith.constant 16 : i32
        %mul3A_476 = arith.muli %add3A_474, %mul3A_475 : i32
        %get3A_477 = arith.index_cast %mul3A_476 : i32 to index
        %get3A_478 = tpu.vector_load %arg10[%get3A_477] {strides = array<i32>} : memref<2048xi32, #tpu.memory_space<vmem>>, vector<16xi32>,
        %slice3A_479 = vector.extract_strided_slice %get3A_234 {offsets = [4], sizes = [1], strides = [1]} : vector<16xi32> to vector<1xi32>
        %squeeze3A_480 = vector.extract %slice3A_479[0] : i32 from vector<1xi32>
        %add3A_481 = vector.broadcast %squeeze3A_480 : i32 to vector<16xi32>
        %add3A_482 = arith.addi %get3A_460, %add3A_481 : vector<16xi32>
        %shift_right_arithmetic3A_483 = arith.constant 16 : i32
        %shift_right_arithmetic3A_484 = vector.broadcast %shift_right_arithmetic3A_483 : i32 to vector<16xi32>
        %shift_right_arithmetic3A_485 = arith.shrsi %get3A_436, %shift_right_arithmetic3A_484 : vector<16xi32>
        %and3A_486 = arith.constant 65535 : i32
        %and3A_487 = vector.broadcast %and3A_486 : i32 to vector<16xi32>
        %and3A_488 = arith.andi %get3A_436, %and3A_487 : vector<16xi32>
        %shift_right_arithmetic3A_489 = arith.constant 16 : i32
        %shift_right_arithmetic3A_490 = vector.broadcast %shift_right_arithmetic3A_489 : i32 to vector<16xi32>
        %shift_right_arithmetic3A_491 = arith.shrsi %add3A_482, %shift_right_arithmetic3A_490 : vector<16xi32>
        %and3A_492 = arith.constant 65535 : i32
        %and3A_493 = vector.broadcast %and3A_492 : i32 to vector<16xi32>
        %and3A_494 = arith.andi %add3A_482, %and3A_493 : vector<16xi32>
        %shift_left3A_495 = arith.constant 1 : i32
        %shift_left3A_496 = vector.broadcast %shift_left3A_495 : i32 to vector<16xi32>
        %shift_left3A_497 = arith.shli %and3A_494, %shift_left3A_496 : vector<16xi32>
        %sub3A_498 = arith.subi %shift_left3A_497, %and3A_488 : vector<16xi32>
        %add3A_499 = arith.constant 1 : i32
        %add3A_500 = vector.broadcast %add3A_499 : i32 to vector<16xi32>
        %add3A_501 = arith.addi %sub3A_498, %add3A_500 : vector<16xi32>
        %shift_left3A_502 = arith.constant 1 : i32
        %shift_left3A_503 = vector.broadcast %shift_left3A_502 : i32 to vector<16xi32>
        %shift_left3A_504 = arith.shli %shift_right_arithmetic3A_491, %shift_left3A_503 : vector<16xi32>
        %sub3A_505 = arith.subi %shift_left3A_504, %shift_right_arithmetic3A_485 : vector<16xi32>
        %add3A_506 = arith.constant 1 : i32
        %add3A_507 = vector.broadcast %add3A_506 : i32 to vector<16xi32>
        %add3A_508 = arith.addi %sub3A_505, %add3A_507 : vector<16xi32>
        %convert_element_type3A_509 = arith.sitofp %and3A_488 : vector<16xi32> to vector<16xf32>
        %convert_element_type3A_510 = arith.sitofp %add3A_501 : vector<16xi32> to vector<16xf32>
        %mul3A_511 = arith.mulf %convert_element_type3A_509, %convert_element_type3A_510 : vector<16xf32>
        %convert_element_type3A_512 = arith.sitofp %add3A_508 : vector<16xi32> to vector<16xf32>
        %div3A_513 = arith.divf %mul3A_511, %convert_element_type3A_512 : vector<16xf32>
        %slice3A_514 = vector.extract_strided_slice %get3A_234 {offsets = [5], sizes = [1], strides = [1]} : vector<16xi32> to vector<1xi32>
        %squeeze3A_515 = vector.extract %slice3A_514[0] : i32 from vector<1xi32>
        %add3A_516 = vector.broadcast %squeeze3A_515 : i32 to vector<16xi32>
        %add3A_517 = arith.addi %get3A_466, %add3A_516 : vector<16xi32>
        %shift_right_arithmetic3A_518 = arith.constant 16 : i32
        %shift_right_arithmetic3A_519 = vector.broadcast %shift_right_arithmetic3A_518 : i32 to vector<16xi32>
        %shift_right_arithmetic3A_520 = arith.shrsi %get3A_442, %shift_right_arithmetic3A_519 : vector<16xi32>
        %and3A_521 = arith.constant 65535 : i32
        %and3A_522 = vector.broadcast %and3A_521 : i32 to vector<16xi32>
        %and3A_523 = arith.andi %get3A_442, %and3A_522 : vector<16xi32>
        %shift_right_arithmetic3A_524 = arith.constant 16 : i32
        %shift_right_arithmetic3A_525 = vector.broadcast %shift_right_arithmetic3A_524 : i32 to vector<16xi32>
        %shift_right_arithmetic3A_526 = arith.shrsi %add3A_517, %shift_right_arithmetic3A_525 : vector<16xi32>
        %and3A_527 = arith.constant 65535 : i32
        %and3A_528 = vector.broadcast %and3A_527 : i32 to vector<16xi32>
        %and3A_529 = arith.andi %add3A_517, %and3A_528 : vector<16xi32>
        %shift_left3A_530 = arith.constant 1 : i32
        %shift_left3A_531 = vector.broadcast %shift_left3A_530 : i32 to vector<16xi32>
        %shift_left3A_532 = arith.shli %and3A_529, %shift_left3A_531 : vector<16xi32>
        %sub3A_533 = arith.subi %shift_left3A_532, %and3A_523 : vector<16xi32>
        %add3A_534 = arith.constant 1 : i32
        %add3A_535 = vector.broadcast %add3A_534 : i32 to vector<16xi32>
        %add3A_536 = arith.addi %sub3A_533, %add3A_535 : vector<16xi32>
        %shift_left3A_537 = arith.constant 1 : i32
        %shift_left3A_538 = vector.broadcast %shift_left3A_537 : i32 to vector<16xi32>
        %shift_left3A_539 = arith.shli %shift_right_arithmetic3A_526, %shift_left3A_538 : vector<16xi32>
        %sub3A_540 = arith.subi %shift_left3A_539, %shift_right_arithmetic3A_520 : vector<16xi32>
        %add3A_541 = arith.constant 1 : i32
        %add3A_542 = vector.broadcast %add3A_541 : i32 to vector<16xi32>
        %add3A_543 = arith.addi %sub3A_540, %add3A_542 : vector<16xi32>
        %convert_element_type3A_544 = arith.sitofp %and3A_523 : vector<16xi32> to vector<16xf32>
        %convert_element_type3A_545 = arith.sitofp %add3A_536 : vector<16xi32> to vector<16xf32>
        %mul3A_546 = arith.mulf %convert_element_type3A_544, %convert_element_type3A_545 : vector<16xf32>
        %convert_element_type3A_547 = arith.sitofp %add3A_543 : vector<16xi32> to vector<16xf32>
        %div3A_548 = arith.divf %mul3A_546, %convert_element_type3A_547 : vector<16xf32>
        %slice3A_549 = vector.extract_strided_slice %get3A_234 {offsets = [6], sizes = [1], strides = [1]} : vector<16xi32> to vector<1xi32>
        %squeeze3A_550 = vector.extract %slice3A_549[0] : i32 from vector<1xi32>
        %add3A_551 = vector.broadcast %squeeze3A_550 : i32 to vector<16xi32>
        %add3A_552 = arith.addi %get3A_472, %add3A_551 : vector<16xi32>
        %shift_right_arithmetic3A_553 = arith.constant 16 : i32
        %shift_right_arithmetic3A_554 = vector.broadcast %shift_right_arithmetic3A_553 : i32 to vector<16xi32>
        %shift_right_arithmetic3A_555 = arith.shrsi %get3A_448, %shift_right_arithmetic3A_554 : vector<16xi32>
        %and3A_556 = arith.constant 65535 : i32
        %and3A_557 = vector.broadcast %and3A_556 : i32 to vector<16xi32>
        %and3A_558 = arith.andi %get3A_448, %and3A_557 : vector<16xi32>
        %shift_right_arithmetic3A_559 = arith.constant 16 : i32
        %shift_right_arithmetic3A_560 = vector.broadcast %shift_right_arithmetic3A_559 : i32 to vector<16xi32>
        %shift_right_arithmetic3A_561 = arith.shrsi %add3A_552, %shift_right_arithmetic3A_560 : vector<16xi32>
        %and3A_562 = arith.constant 65535 : i32
        %and3A_563 = vector.broadcast %and3A_562 : i32 to vector<16xi32>
        %and3A_564 = arith.andi %add3A_552, %and3A_563 : vector<16xi32>
        %shift_left3A_565 = arith.constant 1 : i32
        %shift_left3A_566 = vector.broadcast %shift_left3A_565 : i32 to vector<16xi32>
        %shift_left3A_567 = arith.shli %and3A_564, %shift_left3A_566 : vector<16xi32>
        %sub3A_568 = arith.subi %shift_left3A_567, %and3A_558 : vector<16xi32>
        %add3A_569 = arith.constant 1 : i32
        %add3A_570 = vector.broadcast %add3A_569 : i32 to vector<16xi32>
        %add3A_571 = arith.addi %sub3A_568, %add3A_570 : vector<16xi32>
        %shift_left3A_572 = arith.constant 1 : i32
        %shift_left3A_573 = vector.broadcast %shift_left3A_572 : i32 to vector<16xi32>
        %shift_left3A_574 = arith.shli %shift_right_arithmetic3A_561, %shift_left3A_573 : vector<16xi32>
        %sub3A_575 = arith.subi %shift_left3A_574, %shift_right_arithmetic3A_555 : vector<16xi32>
        %add3A_576 = arith.constant 1 : i32
        %add3A_577 = vector.broadcast %add3A_576 : i32 to vector<16xi32>
        %add3A_578 = arith.addi %sub3A_575, %add3A_577 : vector<16xi32>
        %convert_element_type3A_579 = arith.sitofp %and3A_558 : vector<16xi32> to vector<16xf32>
        %convert_element_type3A_580 = arith.sitofp %add3A_571 : vector<16xi32> to vector<16xf32>
        %mul3A_581 = arith.mulf %convert_element_type3A_579, %convert_element_type3A_580 : vector<16xf32>
        %convert_element_type3A_582 = arith.sitofp %add3A_578 : vector<16xi32> to vector<16xf32>
        %div3A_583 = arith.divf %mul3A_581, %convert_element_type3A_582 : vector<16xf32>
        %slice3A_584 = vector.extract_strided_slice %get3A_234 {offsets = [7], sizes = [1], strides = [1]} : vector<16xi32> to vector<1xi32>
        %squeeze3A_585 = vector.extract %slice3A_584[0] : i32 from vector<1xi32>
        %add3A_586 = vector.broadcast %squeeze3A_585 : i32 to vector<16xi32>
        %add3A_587 = arith.addi %get3A_478, %add3A_586 : vector<16xi32>
        %shift_right_arithmetic3A_588 = arith.constant 16 : i32
        %shift_right_arithmetic3A_589 = vector.broadcast %shift_right_arithmetic3A_588 : i32 to vector<16xi32>
        %shift_right_arithmetic3A_590 = arith.shrsi %get3A_454, %shift_right_arithmetic3A_589 : vector<16xi32>
        %and3A_591 = arith.constant 65535 : i32
        %and3A_592 = vector.broadcast %and3A_591 : i32 to vector<16xi32>
        %and3A_593 = arith.andi %get3A_454, %and3A_592 : vector<16xi32>
        %shift_right_arithmetic3A_594 = arith.constant 16 : i32
        %shift_right_arithmetic3A_595 = vector.broadcast %shift_right_arithmetic3A_594 : i32 to vector<16xi32>
        %shift_right_arithmetic3A_596 = arith.shrsi %add3A_587, %shift_right_arithmetic3A_595 : vector<16xi32>
        %and3A_597 = arith.constant 65535 : i32
        %and3A_598 = vector.broadcast %and3A_597 : i32 to vector<16xi32>
        %and3A_599 = arith.andi %add3A_587, %and3A_598 : vector<16xi32>
        %shift_left3A_600 = arith.constant 1 : i32
        %shift_left3A_601 = vector.broadcast %shift_left3A_600 : i32 to vector<16xi32>
        %shift_left3A_602 = arith.shli %and3A_599, %shift_left3A_601 : vector<16xi32>
        %sub3A_603 = arith.subi %shift_left3A_602, %and3A_593 : vector<16xi32>
        %add3A_604 = arith.constant 1 : i32
        %add3A_605 = vector.broadcast %add3A_604 : i32 to vector<16xi32>
        %add3A_606 = arith.addi %sub3A_603, %add3A_605 : vector<16xi32>
        %shift_left3A_607 = arith.constant 1 : i32
        %shift_left3A_608 = vector.broadcast %shift_left3A_607 : i32 to vector<16xi32>
        %shift_left3A_609 = arith.shli %shift_right_arithmetic3A_596, %shift_left3A_608 : vector<16xi32>
        %sub3A_610 = arith.subi %shift_left3A_609, %shift_right_arithmetic3A_590 : vector<16xi32>
        %add3A_611 = arith.constant 1 : i32
        %add3A_612 = vector.broadcast %add3A_611 : i32 to vector<16xi32>
        %add3A_613 = arith.addi %sub3A_610, %add3A_612 : vector<16xi32>
        %convert_element_type3A_614 = arith.sitofp %and3A_593 : vector<16xi32> to vector<16xf32>
        %convert_element_type3A_615 = arith.sitofp %add3A_606 : vector<16xi32> to vector<16xf32>
        %mul3A_616 = arith.mulf %convert_element_type3A_614, %convert_element_type3A_615 : vector<16xf32>
        %convert_element_type3A_617 = arith.sitofp %add3A_613 : vector<16xi32> to vector<16xf32>
        %div3A_618 = arith.divf %mul3A_616, %convert_element_type3A_617 : vector<16xf32>
        %add3A_619 = arith.addf %div3A_513, %div3A_548 : vector<16xf32>
        %add3A_620 = arith.addf %div3A_583, %div3A_618 : vector<16xf32>
        %add3A_621 = arith.addf %add3A_619, %add3A_620 : vector<16xf32>
        %add3A_622 = arith.addf %add3A_426, %add3A_621 : vector<16xf32>
        %mul3A_623 = arith.constant 16 : i32
        %mul3A_624 = arith.muli %scan3A_230, %mul3A_623 : i32
        %add3A_625 = arith.constant 8 : i32
        %add3A_626 = arith.addi %mul3A_624, %add3A_625 : i32
        %add3A_627 = arith.constant 0 : i32
        %add3A_628 = arith.addi %add3A_626, %add3A_627 : i32
        %mul3A_629 = arith.constant 16 : i32
        %mul3A_630 = arith.muli %add3A_628, %mul3A_629 : i32
        %get3A_631 = arith.index_cast %mul3A_630 : i32 to index
        %get3A_632 = tpu.vector_load %arg11[%get3A_631] {strides = array<i32>} : memref<2048xi32, #tpu.memory_space<vmem>>, vector<16xi32>,
        %add3A_633 = arith.constant 1 : i32
        %add3A_634 = arith.addi %add3A_626, %add3A_633 : i32
        %mul3A_635 = arith.constant 16 : i32
        %mul3A_636 = arith.muli %add3A_634, %mul3A_635 : i32
        %get3A_637 = arith.index_cast %mul3A_636 : i32 to index
        %get3A_638 = tpu.vector_load %arg11[%get3A_637] {strides = array<i32>} : memref<2048xi32, #tpu.memory_space<vmem>>, vector<16xi32>,
        %add3A_639 = arith.constant 2 : i32
        %add3A_640 = arith.addi %add3A_626, %add3A_639 : i32
        %mul3A_641 = arith.constant 16 : i32
        %mul3A_642 = arith.muli %add3A_640, %mul3A_641 : i32
        %get3A_643 = arith.index_cast %mul3A_642 : i32 to index
        %get3A_644 = tpu.vector_load %arg11[%get3A_643] {strides = array<i32>} : memref<2048xi32, #tpu.memory_space<vmem>>, vector<16xi32>,
        %add3A_645 = arith.constant 3 : i32
        %add3A_646 = arith.addi %add3A_626, %add3A_645 : i32
        %mul3A_647 = arith.constant 16 : i32
        %mul3A_648 = arith.muli %add3A_646, %mul3A_647 : i32
        %get3A_649 = arith.index_cast %mul3A_648 : i32 to index
        %get3A_650 = tpu.vector_load %arg11[%get3A_649] {strides = array<i32>} : memref<2048xi32, #tpu.memory_space<vmem>>, vector<16xi32>,
        %add3A_651 = arith.constant 0 : i32
        %add3A_652 = arith.addi %add3A_626, %add3A_651 : i32
        %mul3A_653 = arith.constant 16 : i32
        %mul3A_654 = arith.muli %add3A_652, %mul3A_653 : i32
        %get3A_655 = arith.index_cast %mul3A_654 : i32 to index
        %get3A_656 = tpu.vector_load %arg10[%get3A_655] {strides = array<i32>} : memref<2048xi32, #tpu.memory_space<vmem>>, vector<16xi32>,
        %add3A_657 = arith.constant 1 : i32
        %add3A_658 = arith.addi %add3A_626, %add3A_657 : i32
        %mul3A_659 = arith.constant 16 : i32
        %mul3A_660 = arith.muli %add3A_658, %mul3A_659 : i32
        %get3A_661 = arith.index_cast %mul3A_660 : i32 to index
        %get3A_662 = tpu.vector_load %arg10[%get3A_661] {strides = array<i32>} : memref<2048xi32, #tpu.memory_space<vmem>>, vector<16xi32>,
        %add3A_663 = arith.constant 2 : i32
        %add3A_664 = arith.addi %add3A_626, %add3A_663 : i32
        %mul3A_665 = arith.constant 16 : i32
        %mul3A_666 = arith.muli %add3A_664, %mul3A_665 : i32
        %get3A_667 = arith.index_cast %mul3A_666 : i32 to index
        %get3A_668 = tpu.vector_load %arg10[%get3A_667] {strides = array<i32>} : memref<2048xi32, #tpu.memory_space<vmem>>, vector<16xi32>,
        %add3A_669 = arith.constant 3 : i32
        %add3A_670 = arith.addi %add3A_626, %add3A_669 : i32
        %mul3A_671 = arith.constant 16 : i32
        %mul3A_672 = arith.muli %add3A_670, %mul3A_671 : i32
        %get3A_673 = arith.index_cast %mul3A_672 : i32 to index
        %get3A_674 = tpu.vector_load %arg10[%get3A_673] {strides = array<i32>} : memref<2048xi32, #tpu.memory_space<vmem>>, vector<16xi32>,
        %slice3A_675 = vector.extract_strided_slice %get3A_234 {offsets = [8], sizes = [1], strides = [1]} : vector<16xi32> to vector<1xi32>
        %squeeze3A_676 = vector.extract %slice3A_675[0] : i32 from vector<1xi32>
        %add3A_677 = vector.broadcast %squeeze3A_676 : i32 to vector<16xi32>
        %add3A_678 = arith.addi %get3A_656, %add3A_677 : vector<16xi32>
        %shift_right_arithmetic3A_679 = arith.constant 16 : i32
        %shift_right_arithmetic3A_680 = vector.broadcast %shift_right_arithmetic3A_679 : i32 to vector<16xi32>
        %shift_right_arithmetic3A_681 = arith.shrsi %get3A_632, %shift_right_arithmetic3A_680 : vector<16xi32>
        %and3A_682 = arith.constant 65535 : i32
        %and3A_683 = vector.broadcast %and3A_682 : i32 to vector<16xi32>
        %and3A_684 = arith.andi %get3A_632, %and3A_683 : vector<16xi32>
        %shift_right_arithmetic3A_685 = arith.constant 16 : i32
        %shift_right_arithmetic3A_686 = vector.broadcast %shift_right_arithmetic3A_685 : i32 to vector<16xi32>
        %shift_right_arithmetic3A_687 = arith.shrsi %add3A_678, %shift_right_arithmetic3A_686 : vector<16xi32>
        %and3A_688 = arith.constant 65535 : i32
        %and3A_689 = vector.broadcast %and3A_688 : i32 to vector<16xi32>
        %and3A_690 = arith.andi %add3A_678, %and3A_689 : vector<16xi32>
        %shift_left3A_691 = arith.constant 1 : i32
        %shift_left3A_692 = vector.broadcast %shift_left3A_691 : i32 to vector<16xi32>
        %shift_left3A_693 = arith.shli %and3A_690, %shift_left3A_692 : vector<16xi32>
        %sub3A_694 = arith.subi %shift_left3A_693, %and3A_684 : vector<16xi32>
        %add3A_695 = arith.constant 1 : i32
        %add3A_696 = vector.broadcast %add3A_695 : i32 to vector<16xi32>
        %add3A_697 = arith.addi %sub3A_694, %add3A_696 : vector<16xi32>
        %shift_left3A_698 = arith.constant 1 : i32
        %shift_left3A_699 = vector.broadcast %shift_left3A_698 : i32 to vector<16xi32>
        %shift_left3A_700 = arith.shli %shift_right_arithmetic3A_687, %shift_left3A_699 : vector<16xi32>
        %sub3A_701 = arith.subi %shift_left3A_700, %shift_right_arithmetic3A_681 : vector<16xi32>
        %add3A_702 = arith.constant 1 : i32
        %add3A_703 = vector.broadcast %add3A_702 : i32 to vector<16xi32>
        %add3A_704 = arith.addi %sub3A_701, %add3A_703 : vector<16xi32>
        %convert_element_type3A_705 = arith.sitofp %and3A_684 : vector<16xi32> to vector<16xf32>
        %convert_element_type3A_706 = arith.sitofp %add3A_697 : vector<16xi32> to vector<16xf32>
        %mul3A_707 = arith.mulf %convert_element_type3A_705, %convert_element_type3A_706 : vector<16xf32>
        %convert_element_type3A_708 = arith.sitofp %add3A_704 : vector<16xi32> to vector<16xf32>
        %div3A_709 = arith.divf %mul3A_707, %convert_element_type3A_708 : vector<16xf32>
        %slice3A_710 = vector.extract_strided_slice %get3A_234 {offsets = [9], sizes = [1], strides = [1]} : vector<16xi32> to vector<1xi32>
        %squeeze3A_711 = vector.extract %slice3A_710[0] : i32 from vector<1xi32>
        %add3A_712 = vector.broadcast %squeeze3A_711 : i32 to vector<16xi32>
        %add3A_713 = arith.addi %get3A_662, %add3A_712 : vector<16xi32>
        %shift_right_arithmetic3A_714 = arith.constant 16 : i32
        %shift_right_arithmetic3A_715 = vector.broadcast %shift_right_arithmetic3A_714 : i32 to vector<16xi32>
        %shift_right_arithmetic3A_716 = arith.shrsi %get3A_638, %shift_right_arithmetic3A_715 : vector<16xi32>
        %and3A_717 = arith.constant 65535 : i32
        %and3A_718 = vector.broadcast %and3A_717 : i32 to vector<16xi32>
        %and3A_719 = arith.andi %get3A_638, %and3A_718 : vector<16xi32>
        %shift_right_arithmetic3A_720 = arith.constant 16 : i32
        %shift_right_arithmetic3A_721 = vector.broadcast %shift_right_arithmetic3A_720 : i32 to vector<16xi32>
        %shift_right_arithmetic3A_722 = arith.shrsi %add3A_713, %shift_right_arithmetic3A_721 : vector<16xi32>
        %and3A_723 = arith.constant 65535 : i32
        %and3A_724 = vector.broadcast %and3A_723 : i32 to vector<16xi32>
        %and3A_725 = arith.andi %add3A_713, %and3A_724 : vector<16xi32>
        %shift_left3A_726 = arith.constant 1 : i32
        %shift_left3A_727 = vector.broadcast %shift_left3A_726 : i32 to vector<16xi32>
        %shift_left3A_728 = arith.shli %and3A_725, %shift_left3A_727 : vector<16xi32>
        %sub3A_729 = arith.subi %shift_left3A_728, %and3A_719 : vector<16xi32>
        %add3A_730 = arith.constant 1 : i32
        %add3A_731 = vector.broadcast %add3A_730 : i32 to vector<16xi32>
        %add3A_732 = arith.addi %sub3A_729, %add3A_731 : vector<16xi32>
        %shift_left3A_733 = arith.constant 1 : i32
        %shift_left3A_734 = vector.broadcast %shift_left3A_733 : i32 to vector<16xi32>
        %shift_left3A_735 = arith.shli %shift_right_arithmetic3A_722, %shift_left3A_734 : vector<16xi32>
        %sub3A_736 = arith.subi %shift_left3A_735, %shift_right_arithmetic3A_716 : vector<16xi32>
        %add3A_737 = arith.constant 1 : i32
        %add3A_738 = vector.broadcast %add3A_737 : i32 to vector<16xi32>
        %add3A_739 = arith.addi %sub3A_736, %add3A_738 : vector<16xi32>
        %convert_element_type3A_740 = arith.sitofp %and3A_719 : vector<16xi32> to vector<16xf32>
        %convert_element_type3A_741 = arith.sitofp %add3A_732 : vector<16xi32> to vector<16xf32>
        %mul3A_742 = arith.mulf %convert_element_type3A_740, %convert_element_type3A_741 : vector<16xf32>
        %convert_element_type3A_743 = arith.sitofp %add3A_739 : vector<16xi32> to vector<16xf32>
        %div3A_744 = arith.divf %mul3A_742, %convert_element_type3A_743 : vector<16xf32>
        %slice3A_745 = vector.extract_strided_slice %get3A_234 {offsets = [10], sizes = [1], strides = [1]} : vector<16xi32> to vector<1xi32>
        %squeeze3A_746 = vector.extract %slice3A_745[0] : i32 from vector<1xi32>
        %add3A_747 = vector.broadcast %squeeze3A_746 : i32 to vector<16xi32>
        %add3A_748 = arith.addi %get3A_668, %add3A_747 : vector<16xi32>
        %shift_right_arithmetic3A_749 = arith.constant 16 : i32
        %shift_right_arithmetic3A_750 = vector.broadcast %shift_right_arithmetic3A_749 : i32 to vector<16xi32>
        %shift_right_arithmetic3A_751 = arith.shrsi %get3A_644, %shift_right_arithmetic3A_750 : vector<16xi32>
        %and3A_752 = arith.constant 65535 : i32
        %and3A_753 = vector.broadcast %and3A_752 : i32 to vector<16xi32>
        %and3A_754 = arith.andi %get3A_644, %and3A_753 : vector<16xi32>
        %shift_right_arithmetic3A_755 = arith.constant 16 : i32
        %shift_right_arithmetic3A_756 = vector.broadcast %shift_right_arithmetic3A_755 : i32 to vector<16xi32>
        %shift_right_arithmetic3A_757 = arith.shrsi %add3A_748, %shift_right_arithmetic3A_756 : vector<16xi32>
        %and3A_758 = arith.constant 65535 : i32
        %and3A_759 = vector.broadcast %and3A_758 : i32 to vector<16xi32>
        %and3A_760 = arith.andi %add3A_748, %and3A_759 : vector<16xi32>
        %shift_left3A_761 = arith.constant 1 : i32
        %shift_left3A_762 = vector.broadcast %shift_left3A_761 : i32 to vector<16xi32>
        %shift_left3A_763 = arith.shli %and3A_760, %shift_left3A_762 : vector<16xi32>
        %sub3A_764 = arith.subi %shift_left3A_763, %and3A_754 : vector<16xi32>
        %add3A_765 = arith.constant 1 : i32
        %add3A_766 = vector.broadcast %add3A_765 : i32 to vector<16xi32>
        %add3A_767 = arith.addi %sub3A_764, %add3A_766 : vector<16xi32>
        %shift_left3A_768 = arith.constant 1 : i32
        %shift_left3A_769 = vector.broadcast %shift_left3A_768 : i32 to vector<16xi32>
        %shift_left3A_770 = arith.shli %shift_right_arithmetic3A_757, %shift_left3A_769 : vector<16xi32>
        %sub3A_771 = arith.subi %shift_left3A_770, %shift_right_arithmetic3A_751 : vector<16xi32>
        %add3A_772 = arith.constant 1 : i32
        %add3A_773 = vector.broadcast %add3A_772 : i32 to vector<16xi32>
        %add3A_774 = arith.addi %sub3A_771, %add3A_773 : vector<16xi32>
        %convert_element_type3A_775 = arith.sitofp %and3A_754 : vector<16xi32> to vector<16xf32>
        %convert_element_type3A_776 = arith.sitofp %add3A_767 : vector<16xi32> to vector<16xf32>
        %mul3A_777 = arith.mulf %convert_element_type3A_775, %convert_element_type3A_776 : vector<16xf32>
        %convert_element_type3A_778 = arith.sitofp %add3A_774 : vector<16xi32> to vector<16xf32>
        %div3A_779 = arith.divf %mul3A_777, %convert_element_type3A_778 : vector<16xf32>
        %slice3A_780 = vector.extract_strided_slice %get3A_234 {offsets = [11], sizes = [1], strides = [1]} : vector<16xi32> to vector<1xi32>
        %squeeze3A_781 = vector.extract %slice3A_780[0] : i32 from vector<1xi32>
        %add3A_782 = vector.broadcast %squeeze3A_781 : i32 to vector<16xi32>
        %add3A_783 = arith.addi %get3A_674, %add3A_782 : vector<16xi32>
        %shift_right_arithmetic3A_784 = arith.constant 16 : i32
        %shift_right_arithmetic3A_785 = vector.broadcast %shift_right_arithmetic3A_784 : i32 to vector<16xi32>
        %shift_right_arithmetic3A_786 = arith.shrsi %get3A_650, %shift_right_arithmetic3A_785 : vector<16xi32>
        %and3A_787 = arith.constant 65535 : i32
        %and3A_788 = vector.broadcast %and3A_787 : i32 to vector<16xi32>
        %and3A_789 = arith.andi %get3A_650, %and3A_788 : vector<16xi32>
        %shift_right_arithmetic3A_790 = arith.constant 16 : i32
        %shift_right_arithmetic3A_791 = vector.broadcast %shift_right_arithmetic3A_790 : i32 to vector<16xi32>
        %shift_right_arithmetic3A_792 = arith.shrsi %add3A_783, %shift_right_arithmetic3A_791 : vector<16xi32>
        %and3A_793 = arith.constant 65535 : i32
        %and3A_794 = vector.broadcast %and3A_793 : i32 to vector<16xi32>
        %and3A_795 = arith.andi %add3A_783, %and3A_794 : vector<16xi32>
        %shift_left3A_796 = arith.constant 1 : i32
        %shift_left3A_797 = vector.broadcast %shift_left3A_796 : i32 to vector<16xi32>
        %shift_left3A_798 = arith.shli %and3A_795, %shift_left3A_797 : vector<16xi32>
        %sub3A_799 = arith.subi %shift_left3A_798, %and3A_789 : vector<16xi32>
        %add3A_800 = arith.constant 1 : i32
        %add3A_801 = vector.broadcast %add3A_800 : i32 to vector<16xi32>
        %add3A_802 = arith.addi %sub3A_799, %add3A_801 : vector<16xi32>
        %shift_left3A_803 = arith.constant 1 : i32
        %shift_left3A_804 = vector.broadcast %shift_left3A_803 : i32 to vector<16xi32>
        %shift_left3A_805 = arith.shli %shift_right_arithmetic3A_792, %shift_left3A_804 : vector<16xi32>
        %sub3A_806 = arith.subi %shift_left3A_805, %shift_right_arithmetic3A_786 : vector<16xi32>
        %add3A_807 = arith.constant 1 : i32
        %add3A_808 = vector.broadcast %add3A_807 : i32 to vector<16xi32>
        %add3A_809 = arith.addi %sub3A_806, %add3A_808 : vector<16xi32>
        %convert_element_type3A_810 = arith.sitofp %and3A_789 : vector<16xi32> to vector<16xf32>
        %convert_element_type3A_811 = arith.sitofp %add3A_802 : vector<16xi32> to vector<16xf32>
        %mul3A_812 = arith.mulf %convert_element_type3A_810, %convert_element_type3A_811 : vector<16xf32>
        %convert_element_type3A_813 = arith.sitofp %add3A_809 : vector<16xi32> to vector<16xf32>
        %div3A_814 = arith.divf %mul3A_812, %convert_element_type3A_813 : vector<16xf32>
        %add3A_815 = arith.addf %div3A_709, %div3A_744 : vector<16xf32>
        %add3A_816 = arith.addf %div3A_779, %div3A_814 : vector<16xf32>
        %add3A_817 = arith.addf %add3A_815, %add3A_816 : vector<16xf32>
        %add3A_818 = arith.addf %add3A_622, %add3A_817 : vector<16xf32>
        %mul3A_819 = arith.constant 16 : i32
        %mul3A_820 = arith.muli %scan3A_230, %mul3A_819 : i32
        %add3A_821 = arith.constant 12 : i32
        %add3A_822 = arith.addi %mul3A_820, %add3A_821 : i32
        %add3A_823 = arith.constant 0 : i32
        %add3A_824 = arith.addi %add3A_822, %add3A_823 : i32
        %mul3A_825 = arith.constant 16 : i32
        %mul3A_826 = arith.muli %add3A_824, %mul3A_825 : i32
        %get3A_827 = arith.index_cast %mul3A_826 : i32 to index
        %get3A_828 = tpu.vector_load %arg11[%get3A_827] {strides = array<i32>} : memref<2048xi32, #tpu.memory_space<vmem>>, vector<16xi32>,
        %add3A_829 = arith.constant 1 : i32
        %add3A_830 = arith.addi %add3A_822, %add3A_829 : i32
        %mul3A_831 = arith.constant 16 : i32
        %mul3A_832 = arith.muli %add3A_830, %mul3A_831 : i32
        %get3A_833 = arith.index_cast %mul3A_832 : i32 to index
        %get3A_834 = tpu.vector_load %arg11[%get3A_833] {strides = array<i32>} : memref<2048xi32, #tpu.memory_space<vmem>>, vector<16xi32>,
        %add3A_835 = arith.constant 2 : i32
        %add3A_836 = arith.addi %add3A_822, %add3A_835 : i32
        %mul3A_837 = arith.constant 16 : i32
        %mul3A_838 = arith.muli %add3A_836, %mul3A_837 : i32
        %get3A_839 = arith.index_cast %mul3A_838 : i32 to index
        %get3A_840 = tpu.vector_load %arg11[%get3A_839] {strides = array<i32>} : memref<2048xi32, #tpu.memory_space<vmem>>, vector<16xi32>,
        %add3A_841 = arith.constant 3 : i32
        %add3A_842 = arith.addi %add3A_822, %add3A_841 : i32
        %mul3A_843 = arith.constant 16 : i32
        %mul3A_844 = arith.muli %add3A_842, %mul3A_843 : i32
        %get3A_845 = arith.index_cast %mul3A_844 : i32 to index
        %get3A_846 = tpu.vector_load %arg11[%get3A_845] {strides = array<i32>} : memref<2048xi32, #tpu.memory_space<vmem>>, vector<16xi32>,
        %add3A_847 = arith.constant 0 : i32
        %add3A_848 = arith.addi %add3A_822, %add3A_847 : i32
        %mul3A_849 = arith.constant 16 : i32
        %mul3A_850 = arith.muli %add3A_848, %mul3A_849 : i32
        %get3A_851 = arith.index_cast %mul3A_850 : i32 to index
        %get3A_852 = tpu.vector_load %arg10[%get3A_851] {strides = array<i32>} : memref<2048xi32, #tpu.memory_space<vmem>>, vector<16xi32>,
        %add3A_853 = arith.constant 1 : i32
        %add3A_854 = arith.addi %add3A_822, %add3A_853 : i32
        %mul3A_855 = arith.constant 16 : i32
        %mul3A_856 = arith.muli %add3A_854, %mul3A_855 : i32
        %get3A_857 = arith.index_cast %mul3A_856 : i32 to index
        %get3A_858 = tpu.vector_load %arg10[%get3A_857] {strides = array<i32>} : memref<2048xi32, #tpu.memory_space<vmem>>, vector<16xi32>,
        %add3A_859 = arith.constant 2 : i32
        %add3A_860 = arith.addi %add3A_822, %add3A_859 : i32
        %mul3A_861 = arith.constant 16 : i32
        %mul3A_862 = arith.muli %add3A_860, %mul3A_861 : i32
        %get3A_863 = arith.index_cast %mul3A_862 : i32 to index
        %get3A_864 = tpu.vector_load %arg10[%get3A_863] {strides = array<i32>} : memref<2048xi32, #tpu.memory_space<vmem>>, vector<16xi32>,
        %add3A_865 = arith.constant 3 : i32
        %add3A_866 = arith.addi %add3A_822, %add3A_865 : i32
        %mul3A_867 = arith.constant 16 : i32
        %mul3A_868 = arith.muli %add3A_866, %mul3A_867 : i32
        %get3A_869 = arith.index_cast %mul3A_868 : i32 to index
        %get3A_870 = tpu.vector_load %arg10[%get3A_869] {strides = array<i32>} : memref<2048xi32, #tpu.memory_space<vmem>>, vector<16xi32>,
        %slice3A_871 = vector.extract_strided_slice %get3A_234 {offsets = [12], sizes = [1], strides = [1]} : vector<16xi32> to vector<1xi32>
        %squeeze3A_872 = vector.extract %slice3A_871[0] : i32 from vector<1xi32>
        %add3A_873 = vector.broadcast %squeeze3A_872 : i32 to vector<16xi32>
        %add3A_874 = arith.addi %get3A_852, %add3A_873 : vector<16xi32>
        %shift_right_arithmetic3A_875 = arith.constant 16 : i32
        %shift_right_arithmetic3A_876 = vector.broadcast %shift_right_arithmetic3A_875 : i32 to vector<16xi32>
        %shift_right_arithmetic3A_877 = arith.shrsi %get3A_828, %shift_right_arithmetic3A_876 : vector<16xi32>
        %and3A_878 = arith.constant 65535 : i32
        %and3A_879 = vector.broadcast %and3A_878 : i32 to vector<16xi32>
        %and3A_880 = arith.andi %get3A_828, %and3A_879 : vector<16xi32>
        %shift_right_arithmetic3A_881 = arith.constant 16 : i32
        %shift_right_arithmetic3A_882 = vector.broadcast %shift_right_arithmetic3A_881 : i32 to vector<16xi32>
        %shift_right_arithmetic3A_883 = arith.shrsi %add3A_874, %shift_right_arithmetic3A_882 : vector<16xi32>
        %and3A_884 = arith.constant 65535 : i32
        %and3A_885 = vector.broadcast %and3A_884 : i32 to vector<16xi32>
        %and3A_886 = arith.andi %add3A_874, %and3A_885 : vector<16xi32>
        %shift_left3A_887 = arith.constant 1 : i32
        %shift_left3A_888 = vector.broadcast %shift_left3A_887 : i32 to vector<16xi32>
        %shift_left3A_889 = arith.shli %and3A_886, %shift_left3A_888 : vector<16xi32>
        %sub3A_890 = arith.subi %shift_left3A_889, %and3A_880 : vector<16xi32>
        %add3A_891 = arith.constant 1 : i32
        %add3A_892 = vector.broadcast %add3A_891 : i32 to vector<16xi32>
        %add3A_893 = arith.addi %sub3A_890, %add3A_892 : vector<16xi32>
        %shift_left3A_894 = arith.constant 1 : i32
        %shift_left3A_895 = vector.broadcast %shift_left3A_894 : i32 to vector<16xi32>
        %shift_left3A_896 = arith.shli %shift_right_arithmetic3A_883, %shift_left3A_895 : vector<16xi32>
        %sub3A_897 = arith.subi %shift_left3A_896, %shift_right_arithmetic3A_877 : vector<16xi32>
        %add3A_898 = arith.constant 1 : i32
        %add3A_899 = vector.broadcast %add3A_898 : i32 to vector<16xi32>
        %add3A_900 = arith.addi %sub3A_897, %add3A_899 : vector<16xi32>
        %convert_element_type3A_901 = arith.sitofp %and3A_880 : vector<16xi32> to vector<16xf32>
        %convert_element_type3A_902 = arith.sitofp %add3A_893 : vector<16xi32> to vector<16xf32>
        %mul3A_903 = arith.mulf %convert_element_type3A_901, %convert_element_type3A_902 : vector<16xf32>
        %convert_element_type3A_904 = arith.sitofp %add3A_900 : vector<16xi32> to vector<16xf32>
        %div3A_905 = arith.divf %mul3A_903, %convert_element_type3A_904 : vector<16xf32>
        %slice3A_906 = vector.extract_strided_slice %get3A_234 {offsets = [13], sizes = [1], strides = [1]} : vector<16xi32> to vector<1xi32>
        %squeeze3A_907 = vector.extract %slice3A_906[0] : i32 from vector<1xi32>
        %add3A_908 = vector.broadcast %squeeze3A_907 : i32 to vector<16xi32>
        %add3A_909 = arith.addi %get3A_858, %add3A_908 : vector<16xi32>
        %shift_right_arithmetic3A_910 = arith.constant 16 : i32
        %shift_right_arithmetic3A_911 = vector.broadcast %shift_right_arithmetic3A_910 : i32 to vector<16xi32>
        %shift_right_arithmetic3A_912 = arith.shrsi %get3A_834, %shift_right_arithmetic3A_911 : vector<16xi32>
        %and3A_913 = arith.constant 65535 : i32
        %and3A_914 = vector.broadcast %and3A_913 : i32 to vector<16xi32>
        %and3A_915 = arith.andi %get3A_834, %and3A_914 : vector<16xi32>
        %shift_right_arithmetic3A_916 = arith.constant 16 : i32
        %shift_right_arithmetic3A_917 = vector.broadcast %shift_right_arithmetic3A_916 : i32 to vector<16xi32>
        %shift_right_arithmetic3A_918 = arith.shrsi %add3A_909, %shift_right_arithmetic3A_917 : vector<16xi32>
        %and3A_919 = arith.constant 65535 : i32
        %and3A_920 = vector.broadcast %and3A_919 : i32 to vector<16xi32>
        %and3A_921 = arith.andi %add3A_909, %and3A_920 : vector<16xi32>
        %shift_left3A_922 = arith.constant 1 : i32
        %shift_left3A_923 = vector.broadcast %shift_left3A_922 : i32 to vector<16xi32>
        %shift_left3A_924 = arith.shli %and3A_921, %shift_left3A_923 : vector<16xi32>
        %sub3A_925 = arith.subi %shift_left3A_924, %and3A_915 : vector<16xi32>
        %add3A_926 = arith.constant 1 : i32
        %add3A_927 = vector.broadcast %add3A_926 : i32 to vector<16xi32>
        %add3A_928 = arith.addi %sub3A_925, %add3A_927 : vector<16xi32>
        %shift_left3A_929 = arith.constant 1 : i32
        %shift_left3A_930 = vector.broadcast %shift_left3A_929 : i32 to vector<16xi32>
        %shift_left3A_931 = arith.shli %shift_right_arithmetic3A_918, %shift_left3A_930 : vector<16xi32>
        %sub3A_932 = arith.subi %shift_left3A_931, %shift_right_arithmetic3A_912 : vector<16xi32>
        %add3A_933 = arith.constant 1 : i32
        %add3A_934 = vector.broadcast %add3A_933 : i32 to vector<16xi32>
        %add3A_935 = arith.addi %sub3A_932, %add3A_934 : vector<16xi32>
        %convert_element_type3A_936 = arith.sitofp %and3A_915 : vector<16xi32> to vector<16xf32>
        %convert_element_type3A_937 = arith.sitofp %add3A_928 : vector<16xi32> to vector<16xf32>
        %mul3A_938 = arith.mulf %convert_element_type3A_936, %convert_element_type3A_937 : vector<16xf32>
        %convert_element_type3A_939 = arith.sitofp %add3A_935 : vector<16xi32> to vector<16xf32>
        %div3A_940 = arith.divf %mul3A_938, %convert_element_type3A_939 : vector<16xf32>
        %slice3A_941 = vector.extract_strided_slice %get3A_234 {offsets = [14], sizes = [1], strides = [1]} : vector<16xi32> to vector<1xi32>
        %squeeze3A_942 = vector.extract %slice3A_941[0] : i32 from vector<1xi32>
        %add3A_943 = vector.broadcast %squeeze3A_942 : i32 to vector<16xi32>
        %add3A_944 = arith.addi %get3A_864, %add3A_943 : vector<16xi32>
        %shift_right_arithmetic3A_945 = arith.constant 16 : i32
        %shift_right_arithmetic3A_946 = vector.broadcast %shift_right_arithmetic3A_945 : i32 to vector<16xi32>
        %shift_right_arithmetic3A_947 = arith.shrsi %get3A_840, %shift_right_arithmetic3A_946 : vector<16xi32>
        %and3A_948 = arith.constant 65535 : i32
        %and3A_949 = vector.broadcast %and3A_948 : i32 to vector<16xi32>
        %and3A_950 = arith.andi %get3A_840, %and3A_949 : vector<16xi32>
        %shift_right_arithmetic3A_951 = arith.constant 16 : i32
        %shift_right_arithmetic3A_952 = vector.broadcast %shift_right_arithmetic3A_951 : i32 to vector<16xi32>
        %shift_right_arithmetic3A_953 = arith.shrsi %add3A_944, %shift_right_arithmetic3A_952 : vector<16xi32>
        %and3A_954 = arith.constant 65535 : i32
        %and3A_955 = vector.broadcast %and3A_954 : i32 to vector<16xi32>
        %and3A_956 = arith.andi %add3A_944, %and3A_955 : vector<16xi32>
        %shift_left3A_957 = arith.constant 1 : i32
        %shift_left3A_958 = vector.broadcast %shift_left3A_957 : i32 to vector<16xi32>
        %shift_left3A_959 = arith.shli %and3A_956, %shift_left3A_958 : vector<16xi32>
        %sub3A_960 = arith.subi %shift_left3A_959, %and3A_950 : vector<16xi32>
        %add3A_961 = arith.constant 1 : i32
        %add3A_962 = vector.broadcast %add3A_961 : i32 to vector<16xi32>
        %add3A_963 = arith.addi %sub3A_960, %add3A_962 : vector<16xi32>
        %shift_left3A_964 = arith.constant 1 : i32
        %shift_left3A_965 = vector.broadcast %shift_left3A_964 : i32 to vector<16xi32>
        %shift_left3A_966 = arith.shli %shift_right_arithmetic3A_953, %shift_left3A_965 : vector<16xi32>
        %sub3A_967 = arith.subi %shift_left3A_966, %shift_right_arithmetic3A_947 : vector<16xi32>
        %add3A_968 = arith.constant 1 : i32
        %add3A_969 = vector.broadcast %add3A_968 : i32 to vector<16xi32>
        %add3A_970 = arith.addi %sub3A_967, %add3A_969 : vector<16xi32>
        %convert_element_type3A_971 = arith.sitofp %and3A_950 : vector<16xi32> to vector<16xf32>
        %convert_element_type3A_972 = arith.sitofp %add3A_963 : vector<16xi32> to vector<16xf32>
        %mul3A_973 = arith.mulf %convert_element_type3A_971, %convert_element_type3A_972 : vector<16xf32>
        %convert_element_type3A_974 = arith.sitofp %add3A_970 : vector<16xi32> to vector<16xf32>
        %div3A_975 = arith.divf %mul3A_973, %convert_element_type3A_974 : vector<16xf32>
        %slice3A_976 = vector.extract_strided_slice %get3A_234 {offsets = [15], sizes = [1], strides = [1]} : vector<16xi32> to vector<1xi32>
        %squeeze3A_977 = vector.extract %slice3A_976[0] : i32 from vector<1xi32>
        %add3A_978 = vector.broadcast %squeeze3A_977 : i32 to vector<16xi32>
        %add3A_979 = arith.addi %get3A_870, %add3A_978 : vector<16xi32>
        %shift_right_arithmetic3A_980 = arith.constant 16 : i32
        %shift_right_arithmetic3A_981 = vector.broadcast %shift_right_arithmetic3A_980 : i32 to vector<16xi32>
        %shift_right_arithmetic3A_982 = arith.shrsi %get3A_846, %shift_right_arithmetic3A_981 : vector<16xi32>
        %and3A_983 = arith.constant 65535 : i32
        %and3A_984 = vector.broadcast %and3A_983 : i32 to vector<16xi32>
        %and3A_985 = arith.andi %get3A_846, %and3A_984 : vector<16xi32>
        %shift_right_arithmetic3A_986 = arith.constant 16 : i32
        %shift_right_arithmetic3A_987 = vector.broadcast %shift_right_arithmetic3A_986 : i32 to vector<16xi32>
        %shift_right_arithmetic3A_988 = arith.shrsi %add3A_979, %shift_right_arithmetic3A_987 : vector<16xi32>
        %and3A_989 = arith.constant 65535 : i32
        %and3A_990 = vector.broadcast %and3A_989 : i32 to vector<16xi32>
        %and3A_991 = arith.andi %add3A_979, %and3A_990 : vector<16xi32>
        %shift_left3A_992 = arith.constant 1 : i32
        %shift_left3A_993 = vector.broadcast %shift_left3A_992 : i32 to vector<16xi32>
        %shift_left3A_994 = arith.shli %and3A_991, %shift_left3A_993 : vector<16xi32>
        %sub3A_995 = arith.subi %shift_left3A_994, %and3A_985 : vector<16xi32>
        %add3A_996 = arith.constant 1 : i32
        %add3A_997 = vector.broadcast %add3A_996 : i32 to vector<16xi32>
        %add3A_998 = arith.addi %sub3A_995, %add3A_997 : vector<16xi32>
        %shift_left3A_999 = arith.constant 1 : i32
        %shift_left3A_1000 = vector.broadcast %shift_left3A_999 : i32 to vector<16xi32>
        %shift_left3A_1001 = arith.shli %shift_right_arithmetic3A_988, %shift_left3A_1000 : vector<16xi32>
        %sub3A_1002 = arith.subi %shift_left3A_1001, %shift_right_arithmetic3A_982 : vector<16xi32>
        %add3A_1003 = arith.constant 1 : i32
        %add3A_1004 = vector.broadcast %add3A_1003 : i32 to vector<16xi32>
        %add3A_1005 = arith.addi %sub3A_1002, %add3A_1004 : vector<16xi32>
        %convert_element_type3A_1006 = arith.sitofp %and3A_985 : vector<16xi32> to vector<16xf32>
        %convert_element_type3A_1007 = arith.sitofp %add3A_998 : vector<16xi32> to vector<16xf32>
        %mul3A_1008 = arith.mulf %convert_element_type3A_1006, %convert_element_type3A_1007 : vector<16xf32>
        %convert_element_type3A_1009 = arith.sitofp %add3A_1005 : vector<16xi32> to vector<16xf32>
        %div3A_1010 = arith.divf %mul3A_1008, %convert_element_type3A_1009 : vector<16xf32>
        %add3A_1011 = arith.addf %div3A_905, %div3A_940 : vector<16xf32>
        %add3A_1012 = arith.addf %div3A_975, %div3A_1010 : vector<16xf32>
        %add3A_1013 = arith.addf %add3A_1011, %add3A_1012 : vector<16xf32>
        %add3A_1014 = arith.addf %add3A_818, %add3A_1013 : vector<16xf32>
        scf.yield %add3A_1014 : vector<16xf32>
      }
      %scan3A_117 = arith.constant 8 : i32
      %broadcast_in_dim3A_118 = arith.constant 0.000000e+00 : f32
      %broadcast_in_dim3A_119 = vector.broadcast %broadcast_in_dim3A_118 : f32 to vector<16xf32>
      %reduce_sum3A = arith.constant true
      %reduce_sum3A_120 = vector.broadcast %reduce_sum3A : i1 to vector<16xi1>
      %reduce_sum3A_121 = tpu.scan <sum>, %scan3A_116 masked %reduce_sum3A_120 : vector<16xf32>, vector<16xi1> -> vector<16xf32>
      %reduce_sum3A_122 = vector.extract %reduce_sum3A_121[15] : f32 from vector<16xf32>
      %add3A_123 = vector.broadcast %reduce_sum3A_122 : f32 to vector<16xf32>
      %add3A_124 = arith.addf %add3A_123, %broadcast_in_dim3A_119 : vector<16xf32>
      %convert_element_type3A = arith.sitofp %and3A_109 : i32 to f32
      %add3A_125 = arith.constant 9.99999974E-6 : f32
      %add3A_126 = arith.addf %convert_element_type3A, %add3A_125 : f32
      %add3A_127 = vector.broadcast %add3A_126 : f32 to vector<16xf32>
      %add3A_128 = arith.addf %add3A_127, %broadcast_in_dim3A_119 : vector<16xf32>
      %broadcast_in_dim3A_129 = arith.constant 0 : i32
      %broadcast_in_dim3A_130 = vector.broadcast %broadcast_in_dim3A_129 : i32 to vector<16xi32>
      %add3A_131 = vector.broadcast %mul3A_74 : i32 to vector<16xi32>
      %add3A_132 = arith.addi %broadcast_in_dim3A_130, %add3A_131 : vector<16xi32>
      %div3A = arith.divf %add3A_124, %add3A_128 : vector<16xf32>
      %eq3A = arith.constant 0 : i32
      %eq3A_133 = vector.broadcast %eq3A : i32 to vector<16xi32>
      %eq3A_134 = arith.cmpi eq, %iota3A, %eq3A_133 : vector<16xi32>
      tpu.vector_store_idx %arg13[%add3A_132], %div3A masked %eq3A_134 : memref<64xf32, #tpu.memory_space<vmem>>[vector<16xi32>], vector<16xf32>, vector<16xi1>
      %add3A_135 = arith.constant 2 : i32
      %add3A_136 = arith.addi %add3A_46, %add3A_135 : i32
      %min3A = arith.minsi %add3A_136, %sub3A_23 : i32
      %dma_start3A_137 = arith.constant 0 : i32
      %dma_start3A_138 = tpu.memref_slice %arg2[%min3A, %dma_start3A_137] : memref<2048x16384xf32, #tpu.memory_space<hbm>> -> memref<1x16384xf32, #tpu.memory_space<hbm>>
      %dma_start3A_139 = tpu.memref_squeeze %dma_start3A_138 : memref<1x16384xf32, #tpu.memory_space<hbm>> -> memref<16384xf32, #tpu.memory_space<hbm>>
      %dma_start3A_140 = arith.constant 0 : i32
      %dma_start3A_141 = tpu.memref_slice %arg2[%min3A, %dma_start3A_140] : memref<2048x16384xf32, #tpu.memory_space<hbm>> -> memref<1x16384xf32, #tpu.memory_space<hbm>>
      %dma_start3A_142 = tpu.memref_squeeze %dma_start3A_141 : memref<1x16384xf32, #tpu.memory_space<hbm>> -> memref<16384xf32, #tpu.memory_space<hbm>>
      tpu.enqueue_dma source(%dma_start3A_142 : memref<16384xf32, #tpu.memory_space<hbm>>) target(%arg5 : memref<16384xf32, #tpu.memory_space<vmem>>) target_semaphore(%arg14 : memref<!tpu.dma_semaphore, #tpu.memory_space<semaphore_mem>>)
      %dma_start3A_143 = arith.constant 0 : i32
      %dma_start3A_144 = tpu.memref_slice %arg3[%min3A, %dma_start3A_143] : memref<2048x16384xi32, #tpu.memory_space<hbm>> -> memref<1x16384xi32, #tpu.memory_space<hbm>>
      %dma_start3A_145 = tpu.memref_squeeze %dma_start3A_144 : memref<1x16384xi32, #tpu.memory_space<hbm>> -> memref<16384xi32, #tpu.memory_space<hbm>>
      %dma_start3A_146 = arith.constant 0 : i32
      %dma_start3A_147 = tpu.memref_slice %arg3[%min3A, %dma_start3A_146] : memref<2048x16384xi32, #tpu.memory_space<hbm>> -> memref<1x16384xi32, #tpu.memory_space<hbm>>
      %dma_start3A_148 = tpu.memref_squeeze %dma_start3A_147 : memref<1x16384xi32, #tpu.memory_space<hbm>> -> memref<16384xi32, #tpu.memory_space<hbm>>
      tpu.enqueue_dma source(%dma_start3A_148 : memref<16384xi32, #tpu.memory_space<hbm>>) target(%arg7 : memref<16384xi32, #tpu.memory_space<vmem>>) target_semaphore(%arg16 : memref<!tpu.dma_semaphore, #tpu.memory_space<semaphore_mem>>)
      %dma_wait3A_149 = arith.constant 0 : i32
      %dma_wait3A_150 = tpu.memref_slice %arg2[%add3A_48, %dma_wait3A_149] : memref<2048x16384xf32, #tpu.memory_space<hbm>> -> memref<1x16384xf32, #tpu.memory_space<hbm>>
      %dma_wait3A_151 = tpu.memref_squeeze %dma_wait3A_150 : memref<1x16384xf32, #tpu.memory_space<hbm>> -> memref<16384xf32, #tpu.memory_space<hbm>>
      %dma_wait3A_152 = arith.constant 0 : i32
      %dma_wait3A_153 = tpu.memref_slice %arg2[%add3A_48, %dma_wait3A_152] : memref<2048x16384xf32, #tpu.memory_space<hbm>> -> memref<1x16384xf32, #tpu.memory_space<hbm>>
      %dma_wait3A_154 = tpu.memref_squeeze %dma_wait3A_153 : memref<1x16384xf32, #tpu.memory_space<hbm>> -> memref<16384xf32, #tpu.memory_space<hbm>>
      tpu.wait_dma2 semaphore(%arg15 : memref<!tpu.dma_semaphore, #tpu.memory_space<semaphore_mem>>) src(%dma_wait3A_154 : memref<16384xf32, #tpu.memory_space<hbm>>) dst(%arg6 : memref<16384xf32, #tpu.memory_space<vmem>>)
      %dma_wait3A_155 = arith.constant 0 : i32
      %dma_wait3A_156 = tpu.memref_slice %arg3[%add3A_48, %dma_wait3A_155] : memref<2048x16384xi32, #tpu.memory_space<hbm>> -> memref<1x16384xi32, #tpu.memory_space<hbm>>
      %dma_wait3A_157 = tpu.memref_squeeze %dma_wait3A_156 : memref<1x16384xi32, #tpu.memory_space<hbm>> -> memref<16384xi32, #tpu.memory_space<hbm>>
      %dma_wait3A_158 = arith.constant 0 : i32
      %dma_wait3A_159 = tpu.memref_slice %arg3[%add3A_48, %dma_wait3A_158] : memref<2048x16384xi32, #tpu.memory_space<hbm>> -> memref<1x16384xi32, #tpu.memory_space<hbm>>
      %dma_wait3A_160 = tpu.memref_squeeze %dma_wait3A_159 : memref<1x16384xi32, #tpu.memory_space<hbm>> -> memref<16384xi32, #tpu.memory_space<hbm>>
      tpu.wait_dma2 semaphore(%arg17 : memref<!tpu.dma_semaphore, #tpu.memory_space<semaphore_mem>>) src(%dma_wait3A_160 : memref<16384xi32, #tpu.memory_space<hbm>>) dst(%arg8 : memref<16384xi32, #tpu.memory_space<vmem>>)
      %mul3A_161 = arith.constant 2 : i32
      %mul3A_162 = arith.muli %mul3A_161, %scan3A_43 : i32
      %add3A_163 = arith.constant 1 : i32
      %add3A_164 = arith.addi %mul3A_162, %add3A_163 : i32
      %mul3A_165 = arith.constant 16384 : i32
      %mul3A_166 = arith.muli %add3A_48, %mul3A_165 : i32
      %mul3A_167 = arith.constant -1640531527 : i32
      %mul3A_168 = arith.muli %mul3A_166, %mul3A_167 : i32
      %mul3A_169 = arith.constant -1640531527 : i32
      %mul3A_170 = vector.broadcast %mul3A_169 : i32 to vector<16xi32>
      %mul3A_171 = arith.muli %iota3A_1, %mul3A_170 : vector<16xi32>
      %add3A_172 = vector.broadcast %mul3A_168 : i32 to vector<16xi32>
      %add3A_173 = arith.addi %add3A_172, %mul3A_171 : vector<16xi32>
      %scan3A_174 = arith.constant 0 : i32
      %scan3A_175 = arith.constant 64 : i32
      %scan3A_176 = arith.addi %scan3A_174, %scan3A_175 : i32
      %scan3A_177 = arith.constant 1 : i32
      %scan3A_178 = scf.for %scan3A_230 = %scan3A_174 to %scan3A_176 step %scan3A_177 iter_args(%scan3A_231 = %add3A_173) -> (vector<16xi32>)  : i32 {
        %mul3A_232 = arith.constant 256 : i32
        %mul3A_233 = arith.muli %scan3A_230, %mul3A_232 : i32
        %add3A_234 = arith.constant 0 : i32
        %add3A_235 = vector.broadcast %add3A_234 : i32 to vector<16xi32>
        %add3A_236 = arith.addi %scan3A_231, %add3A_235 : vector<16xi32>
        %add3A_237 = arith.constant -478700656 : i32
        %add3A_238 = vector.broadcast %add3A_237 : i32 to vector<16xi32>
        %add3A_239 = arith.addi %scan3A_231, %add3A_238 : vector<16xi32>
        %add3A_240 = arith.constant -957401312 : i32
        %add3A_241 = vector.broadcast %add3A_240 : i32 to vector<16xi32>
        %add3A_242 = arith.addi %scan3A_231, %add3A_241 : vector<16xi32>
        %add3A_243 = arith.constant -1436101968 : i32
        %add3A_244 = vector.broadcast %add3A_243 : i32 to vector<16xi32>
        %add3A_245 = arith.addi %scan3A_231, %add3A_244 : vector<16xi32>
        %add3A_246 = arith.constant -1914802624 : i32
        %add3A_247 = vector.broadcast %add3A_246 : i32 to vector<16xi32>
        %add3A_248 = arith.addi %scan3A_231, %add3A_247 : vector<16xi32>
        %add3A_249 = arith.constant 1901464016 : i32
        %add3A_250 = vector.broadcast %add3A_249 : i32 to vector<16xi32>
        %add3A_251 = arith.addi %scan3A_231, %add3A_250 : vector<16xi32>
        %add3A_252 = arith.constant 1422763360 : i32
        %add3A_253 = vector.broadcast %add3A_252 : i32 to vector<16xi32>
        %add3A_254 = arith.addi %scan3A_231, %add3A_253 : vector<16xi32>
        %add3A_255 = arith.constant 944062704 : i32
        %add3A_256 = vector.broadcast %add3A_255 : i32 to vector<16xi32>
        %add3A_257 = arith.addi %scan3A_231, %add3A_256 : vector<16xi32>
        %add3A_258 = arith.constant 465362048 : i32
        %add3A_259 = vector.broadcast %add3A_258 : i32 to vector<16xi32>
        %add3A_260 = arith.addi %scan3A_231, %add3A_259 : vector<16xi32>
        %add3A_261 = arith.constant -13338608 : i32
        %add3A_262 = vector.broadcast %add3A_261 : i32 to vector<16xi32>
        %add3A_263 = arith.addi %scan3A_231, %add3A_262 : vector<16xi32>
        %add3A_264 = arith.constant -492039264 : i32
        %add3A_265 = vector.broadcast %add3A_264 : i32 to vector<16xi32>
        %add3A_266 = arith.addi %scan3A_231, %add3A_265 : vector<16xi32>
        %add3A_267 = arith.constant -970739920 : i32
        %add3A_268 = vector.broadcast %add3A_267 : i32 to vector<16xi32>
        %add3A_269 = arith.addi %scan3A_231, %add3A_268 : vector<16xi32>
        %add3A_270 = arith.constant -1449440576 : i32
        %add3A_271 = vector.broadcast %add3A_270 : i32 to vector<16xi32>
        %add3A_272 = arith.addi %scan3A_231, %add3A_271 : vector<16xi32>
        %add3A_273 = arith.constant -1928141232 : i32
        %add3A_274 = vector.broadcast %add3A_273 : i32 to vector<16xi32>
        %add3A_275 = arith.addi %scan3A_231, %add3A_274 : vector<16xi32>
        %add3A_276 = arith.constant 1888125408 : i32
        %add3A_277 = vector.broadcast %add3A_276 : i32 to vector<16xi32>
        %add3A_278 = arith.addi %scan3A_231, %add3A_277 : vector<16xi32>
        %add3A_279 = arith.constant 1409424752 : i32
        %add3A_280 = vector.broadcast %add3A_279 : i32 to vector<16xi32>
        %add3A_281 = arith.addi %scan3A_231, %add3A_280 : vector<16xi32>
        %add3A_282 = arith.constant 0 : i32
        %add3A_283 = arith.addi %mul3A_233, %add3A_282 : i32
        %get3A = arith.index_cast %add3A_283 : i32 to index
        %get3A_284 = tpu.vector_load %arg6[%get3A] {strides = array<i32>} : memref<16384xf32, #tpu.memory_space<vmem>>, vector<16xf32>,
        %add3A_285 = arith.constant 16 : i32
        %add3A_286 = arith.addi %mul3A_233, %add3A_285 : i32
        %get3A_287 = arith.index_cast %add3A_286 : i32 to index
        %get3A_288 = tpu.vector_load %arg6[%get3A_287] {strides = array<i32>} : memref<16384xf32, #tpu.memory_space<vmem>>, vector<16xf32>,
        %add3A_289 = arith.constant 32 : i32
        %add3A_290 = arith.addi %mul3A_233, %add3A_289 : i32
        %get3A_291 = arith.index_cast %add3A_290 : i32 to index
        %get3A_292 = tpu.vector_load %arg6[%get3A_291] {strides = array<i32>} : memref<16384xf32, #tpu.memory_space<vmem>>, vector<16xf32>,
        %add3A_293 = arith.constant 48 : i32
        %add3A_294 = arith.addi %mul3A_233, %add3A_293 : i32
        %get3A_295 = arith.index_cast %add3A_294 : i32 to index
        %get3A_296 = tpu.vector_load %arg6[%get3A_295] {strides = array<i32>} : memref<16384xf32, #tpu.memory_space<vmem>>, vector<16xf32>,
        %add3A_297 = arith.constant 64 : i32
        %add3A_298 = arith.addi %mul3A_233, %add3A_297 : i32
        %get3A_299 = arith.index_cast %add3A_298 : i32 to index
        %get3A_300 = tpu.vector_load %arg6[%get3A_299] {strides = array<i32>} : memref<16384xf32, #tpu.memory_space<vmem>>, vector<16xf32>,
        %add3A_301 = arith.constant 80 : i32
        %add3A_302 = arith.addi %mul3A_233, %add3A_301 : i32
        %get3A_303 = arith.index_cast %add3A_302 : i32 to index
        %get3A_304 = tpu.vector_load %arg6[%get3A_303] {strides = array<i32>} : memref<16384xf32, #tpu.memory_space<vmem>>, vector<16xf32>,
        %add3A_305 = arith.constant 96 : i32
        %add3A_306 = arith.addi %mul3A_233, %add3A_305 : i32
        %get3A_307 = arith.index_cast %add3A_306 : i32 to index
        %get3A_308 = tpu.vector_load %arg6[%get3A_307] {strides = array<i32>} : memref<16384xf32, #tpu.memory_space<vmem>>, vector<16xf32>,
        %add3A_309 = arith.constant 112 : i32
        %add3A_310 = arith.addi %mul3A_233, %add3A_309 : i32
        %get3A_311 = arith.index_cast %add3A_310 : i32 to index
        %get3A_312 = tpu.vector_load %arg6[%get3A_311] {strides = array<i32>} : memref<16384xf32, #tpu.memory_space<vmem>>, vector<16xf32>,
        %add3A_313 = arith.constant 128 : i32
        %add3A_314 = arith.addi %mul3A_233, %add3A_313 : i32
        %get3A_315 = arith.index_cast %add3A_314 : i32 to index
        %get3A_316 = tpu.vector_load %arg6[%get3A_315] {strides = array<i32>} : memref<16384xf32, #tpu.memory_space<vmem>>, vector<16xf32>,
        %add3A_317 = arith.constant 144 : i32
        %add3A_318 = arith.addi %mul3A_233, %add3A_317 : i32
        %get3A_319 = arith.index_cast %add3A_318 : i32 to index
        %get3A_320 = tpu.vector_load %arg6[%get3A_319] {strides = array<i32>} : memref<16384xf32, #tpu.memory_space<vmem>>, vector<16xf32>,
        %add3A_321 = arith.constant 160 : i32
        %add3A_322 = arith.addi %mul3A_233, %add3A_321 : i32
        %get3A_323 = arith.index_cast %add3A_322 : i32 to index
        %get3A_324 = tpu.vector_load %arg6[%get3A_323] {strides = array<i32>} : memref<16384xf32, #tpu.memory_space<vmem>>, vector<16xf32>,
        %add3A_325 = arith.constant 176 : i32
        %add3A_326 = arith.addi %mul3A_233, %add3A_325 : i32
        %get3A_327 = arith.index_cast %add3A_326 : i32 to index
        %get3A_328 = tpu.vector_load %arg6[%get3A_327] {strides = array<i32>} : memref<16384xf32, #tpu.memory_space<vmem>>, vector<16xf32>,
        %add3A_329 = arith.constant 192 : i32
        %add3A_330 = arith.addi %mul3A_233, %add3A_329 : i32
        %get3A_331 = arith.index_cast %add3A_330 : i32 to index
        %get3A_332 = tpu.vector_load %arg6[%get3A_331] {strides = array<i32>} : memref<16384xf32, #tpu.memory_space<vmem>>, vector<16xf32>,
        %add3A_333 = arith.constant 208 : i32
        %add3A_334 = arith.addi %mul3A_233, %add3A_333 : i32
        %get3A_335 = arith.index_cast %add3A_334 : i32 to index
        %get3A_336 = tpu.vector_load %arg6[%get3A_335] {strides = array<i32>} : memref<16384xf32, #tpu.memory_space<vmem>>, vector<16xf32>,
        %add3A_337 = arith.constant 224 : i32
        %add3A_338 = arith.addi %mul3A_233, %add3A_337 : i32
        %get3A_339 = arith.index_cast %add3A_338 : i32 to index
        %get3A_340 = tpu.vector_load %arg6[%get3A_339] {strides = array<i32>} : memref<16384xf32, #tpu.memory_space<vmem>>, vector<16xf32>,
        %add3A_341 = arith.constant 240 : i32
        %add3A_342 = arith.addi %mul3A_233, %add3A_341 : i32
        %get3A_343 = arith.index_cast %add3A_342 : i32 to index
        %get3A_344 = tpu.vector_load %arg6[%get3A_343] {strides = array<i32>} : memref<16384xf32, #tpu.memory_space<vmem>>, vector<16xf32>,
        %add3A_345 = arith.constant 0 : i32
        %add3A_346 = arith.addi %mul3A_233, %add3A_345 : i32
        %get3A_347 = arith.index_cast %add3A_346 : i32 to index
        %get3A_348 = tpu.vector_load %arg8[%get3A_347] {strides = array<i32>} : memref<16384xi32, #tpu.memory_space<vmem>>, vector<16xi32>,
        %add3A_349 = arith.constant 16 : i32
        %add3A_350 = arith.addi %mul3A_233, %add3A_349 : i32
        %get3A_351 = arith.index_cast %add3A_350 : i32 to index
        %get3A_352 = tpu.vector_load %arg8[%get3A_351] {strides = array<i32>} : memref<16384xi32, #tpu.memory_space<vmem>>, vector<16xi32>,
        %add3A_353 = arith.constant 32 : i32
        %add3A_354 = arith.addi %mul3A_233, %add3A_353 : i32
        %get3A_355 = arith.index_cast %add3A_354 : i32 to index
        %get3A_356 = tpu.vector_load %arg8[%get3A_355] {strides = array<i32>} : memref<16384xi32, #tpu.memory_space<vmem>>, vector<16xi32>,
        %add3A_357 = arith.constant 48 : i32
        %add3A_358 = arith.addi %mul3A_233, %add3A_357 : i32
        %get3A_359 = arith.index_cast %add3A_358 : i32 to index
        %get3A_360 = tpu.vector_load %arg8[%get3A_359] {strides = array<i32>} : memref<16384xi32, #tpu.memory_space<vmem>>, vector<16xi32>,
        %add3A_361 = arith.constant 64 : i32
        %add3A_362 = arith.addi %mul3A_233, %add3A_361 : i32
        %get3A_363 = arith.index_cast %add3A_362 : i32 to index
        %get3A_364 = tpu.vector_load %arg8[%get3A_363] {strides = array<i32>} : memref<16384xi32, #tpu.memory_space<vmem>>, vector<16xi32>,
        %add3A_365 = arith.constant 80 : i32
        %add3A_366 = arith.addi %mul3A_233, %add3A_365 : i32
        %get3A_367 = arith.index_cast %add3A_366 : i32 to index
        %get3A_368 = tpu.vector_load %arg8[%get3A_367] {strides = array<i32>} : memref<16384xi32, #tpu.memory_space<vmem>>, vector<16xi32>,
        %add3A_369 = arith.constant 96 : i32
        %add3A_370 = arith.addi %mul3A_233, %add3A_369 : i32
        %get3A_371 = arith.index_cast %add3A_370 : i32 to index
        %get3A_372 = tpu.vector_load %arg8[%get3A_371] {strides = array<i32>} : memref<16384xi32, #tpu.memory_space<vmem>>, vector<16xi32>,
        %add3A_373 = arith.constant 112 : i32
        %add3A_374 = arith.addi %mul3A_233, %add3A_373 : i32
        %get3A_375 = arith.index_cast %add3A_374 : i32 to index
        %get3A_376 = tpu.vector_load %arg8[%get3A_375] {strides = array<i32>} : memref<16384xi32, #tpu.memory_space<vmem>>, vector<16xi32>,
        %add3A_377 = arith.constant 128 : i32
        %add3A_378 = arith.addi %mul3A_233, %add3A_377 : i32
        %get3A_379 = arith.index_cast %add3A_378 : i32 to index
        %get3A_380 = tpu.vector_load %arg8[%get3A_379] {strides = array<i32>} : memref<16384xi32, #tpu.memory_space<vmem>>, vector<16xi32>,
        %add3A_381 = arith.constant 144 : i32
        %add3A_382 = arith.addi %mul3A_233, %add3A_381 : i32
        %get3A_383 = arith.index_cast %add3A_382 : i32 to index
        %get3A_384 = tpu.vector_load %arg8[%get3A_383] {strides = array<i32>} : memref<16384xi32, #tpu.memory_space<vmem>>, vector<16xi32>,
        %add3A_385 = arith.constant 160 : i32
        %add3A_386 = arith.addi %mul3A_233, %add3A_385 : i32
        %get3A_387 = arith.index_cast %add3A_386 : i32 to index
        %get3A_388 = tpu.vector_load %arg8[%get3A_387] {strides = array<i32>} : memref<16384xi32, #tpu.memory_space<vmem>>, vector<16xi32>,
        %add3A_389 = arith.constant 176 : i32
        %add3A_390 = arith.addi %mul3A_233, %add3A_389 : i32
        %get3A_391 = arith.index_cast %add3A_390 : i32 to index
        %get3A_392 = tpu.vector_load %arg8[%get3A_391] {strides = array<i32>} : memref<16384xi32, #tpu.memory_space<vmem>>, vector<16xi32>,
        %add3A_393 = arith.constant 192 : i32
        %add3A_394 = arith.addi %mul3A_233, %add3A_393 : i32
        %get3A_395 = arith.index_cast %add3A_394 : i32 to index
        %get3A_396 = tpu.vector_load %arg8[%get3A_395] {strides = array<i32>} : memref<16384xi32, #tpu.memory_space<vmem>>, vector<16xi32>,
        %add3A_397 = arith.constant 208 : i32
        %add3A_398 = arith.addi %mul3A_233, %add3A_397 : i32
        %get3A_399 = arith.index_cast %add3A_398 : i32 to index
        %get3A_400 = tpu.vector_load %arg8[%get3A_399] {strides = array<i32>} : memref<16384xi32, #tpu.memory_space<vmem>>, vector<16xi32>,
        %add3A_401 = arith.constant 224 : i32
        %add3A_402 = arith.addi %mul3A_233, %add3A_401 : i32
        %get3A_403 = arith.index_cast %add3A_402 : i32 to index
        %get3A_404 = tpu.vector_load %arg8[%get3A_403] {strides = array<i32>} : memref<16384xi32, #tpu.memory_space<vmem>>, vector<16xi32>,
        %add3A_405 = arith.constant 240 : i32
        %add3A_406 = arith.addi %mul3A_233, %add3A_405 : i32
        %get3A_407 = arith.index_cast %add3A_406 : i32 to index
        %get3A_408 = tpu.vector_load %arg8[%get3A_407] {strides = array<i32>} : memref<16384xi32, #tpu.memory_space<vmem>>, vector<16xi32>,
        %shift_right_logical3A = arith.constant 8 : i32
        %shift_right_logical3A_409 = vector.broadcast %shift_right_logical3A : i32 to vector<16xi32>
        %shift_right_logical3A_410 = arith.shrui %add3A_236, %shift_right_logical3A_409 : vector<16xi32>
        %convert_element_type3A_411 = arith.uitofp %shift_right_logical3A_410 : vector<16xi32> to vector<16xf32>
        %convert_element_type3A_412 = arith.sitofp %get3A_348 : vector<16xi32> to vector<16xf32>
        %mul3A_413 = vector.broadcast %scan3A_25 : f32 to vector<16xf32>
        %mul3A_414 = arith.mulf %convert_element_type3A_411, %mul3A_413 : vector<16xf32>
        %sub3A_415 = arith.constant 5.000000e-01 : f32
        %sub3A_416 = vector.broadcast %sub3A_415 : f32 to vector<16xf32>
        %sub3A_417 = arith.subf %convert_element_type3A_412, %sub3A_416 : vector<16xf32>
        %mul3A_418 = arith.mulf %mul3A_414, %sub3A_417 : vector<16xf32>
        %sub3A_419 = arith.subf %get3A_284, %mul3A_418 : vector<16xf32>
        %sub3A_420 = arith.constant 8.000000e+00 : f32
        %sub3A_421 = vector.broadcast %sub3A_420 : f32 to vector<16xf32>
        %sub3A_422 = arith.subf %sub3A_421, %sub3A_419 : vector<16xf32>
        %mul3A_423 = arith.constant 1.280000e+02 : f32
        %mul3A_424 = vector.broadcast %mul3A_423 : f32 to vector<16xf32>
        %mul3A_425 = arith.mulf %sub3A_422, %mul3A_424 : vector<16xf32>
        %max3A = arith.constant 0.000000e+00 : f32
        %max3A_426 = vector.broadcast %max3A : f32 to vector<16xf32>
        %max3A_427 = arith.maximumf %mul3A_425, %max3A_426 : vector<16xf32>
        %min3A_428 = arith.constant 2.047000e+03 : f32
        %min3A_429 = vector.broadcast %min3A_428 : f32 to vector<16xf32>
        %min3A_430 = arith.minimumf %max3A_427, %min3A_429 : vector<16xf32>
        %convert_element_type3A_431 = arith.fptosi %min3A_430 : vector<16xf32> to vector<16xi32>
        %add3A_432 = arith.constant 65536 : i32
        %add3A_433 = vector.broadcast %add3A_432 : i32 to vector<16xi32>
        %add3A_434 = arith.addi %get3A_348, %add3A_433 : vector<16xi32>
        %shift_right_logical3A_435 = arith.constant 8 : i32
        %shift_right_logical3A_436 = vector.broadcast %shift_right_logical3A_435 : i32 to vector<16xi32>
        %shift_right_logical3A_437 = arith.shrui %add3A_239, %shift_right_logical3A_436 : vector<16xi32>
        %convert_element_type3A_438 = arith.uitofp %shift_right_logical3A_437 : vector<16xi32> to vector<16xf32>
        %convert_element_type3A_439 = arith.sitofp %get3A_352 : vector<16xi32> to vector<16xf32>
        %mul3A_440 = vector.broadcast %scan3A_25 : f32 to vector<16xf32>
        %mul3A_441 = arith.mulf %convert_element_type3A_438, %mul3A_440 : vector<16xf32>
        %sub3A_442 = arith.constant 5.000000e-01 : f32
        %sub3A_443 = vector.broadcast %sub3A_442 : f32 to vector<16xf32>
        %sub3A_444 = arith.subf %convert_element_type3A_439, %sub3A_443 : vector<16xf32>
        %mul3A_445 = arith.mulf %mul3A_441, %sub3A_444 : vector<16xf32>
        %sub3A_446 = arith.subf %get3A_288, %mul3A_445 : vector<16xf32>
        %sub3A_447 = arith.constant 8.000000e+00 : f32
        %sub3A_448 = vector.broadcast %sub3A_447 : f32 to vector<16xf32>
        %sub3A_449 = arith.subf %sub3A_448, %sub3A_446 : vector<16xf32>
        %mul3A_450 = arith.constant 1.280000e+02 : f32
        %mul3A_451 = vector.broadcast %mul3A_450 : f32 to vector<16xf32>
        %mul3A_452 = arith.mulf %sub3A_449, %mul3A_451 : vector<16xf32>
        %max3A_453 = arith.constant 0.000000e+00 : f32
        %max3A_454 = vector.broadcast %max3A_453 : f32 to vector<16xf32>
        %max3A_455 = arith.maximumf %mul3A_452, %max3A_454 : vector<16xf32>
        %min3A_456 = arith.constant 2.047000e+03 : f32
        %min3A_457 = vector.broadcast %min3A_456 : f32 to vector<16xf32>
        %min3A_458 = arith.minimumf %max3A_455, %min3A_457 : vector<16xf32>
        %convert_element_type3A_459 = arith.fptosi %min3A_458 : vector<16xf32> to vector<16xi32>
        %add3A_460 = arith.constant 65536 : i32
        %add3A_461 = vector.broadcast %add3A_460 : i32 to vector<16xi32>
        %add3A_462 = arith.addi %get3A_352, %add3A_461 : vector<16xi32>
        %shift_right_logical3A_463 = arith.constant 8 : i32
        %shift_right_logical3A_464 = vector.broadcast %shift_right_logical3A_463 : i32 to vector<16xi32>
        %shift_right_logical3A_465 = arith.shrui %add3A_242, %shift_right_logical3A_464 : vector<16xi32>
        %convert_element_type3A_466 = arith.uitofp %shift_right_logical3A_465 : vector<16xi32> to vector<16xf32>
        %convert_element_type3A_467 = arith.sitofp %get3A_356 : vector<16xi32> to vector<16xf32>
        %mul3A_468 = vector.broadcast %scan3A_25 : f32 to vector<16xf32>
        %mul3A_469 = arith.mulf %convert_element_type3A_466, %mul3A_468 : vector<16xf32>
        %sub3A_470 = arith.constant 5.000000e-01 : f32
        %sub3A_471 = vector.broadcast %sub3A_470 : f32 to vector<16xf32>
        %sub3A_472 = arith.subf %convert_element_type3A_467, %sub3A_471 : vector<16xf32>
        %mul3A_473 = arith.mulf %mul3A_469, %sub3A_472 : vector<16xf32>
        %sub3A_474 = arith.subf %get3A_292, %mul3A_473 : vector<16xf32>
        %sub3A_475 = arith.constant 8.000000e+00 : f32
        %sub3A_476 = vector.broadcast %sub3A_475 : f32 to vector<16xf32>
        %sub3A_477 = arith.subf %sub3A_476, %sub3A_474 : vector<16xf32>
        %mul3A_478 = arith.constant 1.280000e+02 : f32
        %mul3A_479 = vector.broadcast %mul3A_478 : f32 to vector<16xf32>
        %mul3A_480 = arith.mulf %sub3A_477, %mul3A_479 : vector<16xf32>
        %max3A_481 = arith.constant 0.000000e+00 : f32
        %max3A_482 = vector.broadcast %max3A_481 : f32 to vector<16xf32>
        %max3A_483 = arith.maximumf %mul3A_480, %max3A_482 : vector<16xf32>
        %min3A_484 = arith.constant 2.047000e+03 : f32
        %min3A_485 = vector.broadcast %min3A_484 : f32 to vector<16xf32>
        %min3A_486 = arith.minimumf %max3A_483, %min3A_485 : vector<16xf32>
        %convert_element_type3A_487 = arith.fptosi %min3A_486 : vector<16xf32> to vector<16xi32>
        %add3A_488 = arith.constant 65536 : i32
        %add3A_489 = vector.broadcast %add3A_488 : i32 to vector<16xi32>
        %add3A_490 = arith.addi %get3A_356, %add3A_489 : vector<16xi32>
        %shift_right_logical3A_491 = arith.constant 8 : i32
        %shift_right_logical3A_492 = vector.broadcast %shift_right_logical3A_491 : i32 to vector<16xi32>
        %shift_right_logical3A_493 = arith.shrui %add3A_245, %shift_right_logical3A_492 : vector<16xi32>
        %convert_element_type3A_494 = arith.uitofp %shift_right_logical3A_493 : vector<16xi32> to vector<16xf32>
        %convert_element_type3A_495 = arith.sitofp %get3A_360 : vector<16xi32> to vector<16xf32>
        %mul3A_496 = vector.broadcast %scan3A_25 : f32 to vector<16xf32>
        %mul3A_497 = arith.mulf %convert_element_type3A_494, %mul3A_496 : vector<16xf32>
        %sub3A_498 = arith.constant 5.000000e-01 : f32
        %sub3A_499 = vector.broadcast %sub3A_498 : f32 to vector<16xf32>
        %sub3A_500 = arith.subf %convert_element_type3A_495, %sub3A_499 : vector<16xf32>
        %mul3A_501 = arith.mulf %mul3A_497, %sub3A_500 : vector<16xf32>
        %sub3A_502 = arith.subf %get3A_296, %mul3A_501 : vector<16xf32>
        %sub3A_503 = arith.constant 8.000000e+00 : f32
        %sub3A_504 = vector.broadcast %sub3A_503 : f32 to vector<16xf32>
        %sub3A_505 = arith.subf %sub3A_504, %sub3A_502 : vector<16xf32>
        %mul3A_506 = arith.constant 1.280000e+02 : f32
        %mul3A_507 = vector.broadcast %mul3A_506 : f32 to vector<16xf32>
        %mul3A_508 = arith.mulf %sub3A_505, %mul3A_507 : vector<16xf32>
        %max3A_509 = arith.constant 0.000000e+00 : f32
        %max3A_510 = vector.broadcast %max3A_509 : f32 to vector<16xf32>
        %max3A_511 = arith.maximumf %mul3A_508, %max3A_510 : vector<16xf32>
        %min3A_512 = arith.constant 2.047000e+03 : f32
        %min3A_513 = vector.broadcast %min3A_512 : f32 to vector<16xf32>
        %min3A_514 = arith.minimumf %max3A_511, %min3A_513 : vector<16xf32>
        %convert_element_type3A_515 = arith.fptosi %min3A_514 : vector<16xf32> to vector<16xi32>
        %add3A_516 = arith.constant 65536 : i32
        %add3A_517 = vector.broadcast %add3A_516 : i32 to vector<16xi32>
        %add3A_518 = arith.addi %get3A_360, %add3A_517 : vector<16xi32>
        %shift_right_logical3A_519 = arith.constant 8 : i32
        %shift_right_logical3A_520 = vector.broadcast %shift_right_logical3A_519 : i32 to vector<16xi32>
        %shift_right_logical3A_521 = arith.shrui %add3A_248, %shift_right_logical3A_520 : vector<16xi32>
        %convert_element_type3A_522 = arith.uitofp %shift_right_logical3A_521 : vector<16xi32> to vector<16xf32>
        %convert_element_type3A_523 = arith.sitofp %get3A_364 : vector<16xi32> to vector<16xf32>
        %mul3A_524 = vector.broadcast %scan3A_25 : f32 to vector<16xf32>
        %mul3A_525 = arith.mulf %convert_element_type3A_522, %mul3A_524 : vector<16xf32>
        %sub3A_526 = arith.constant 5.000000e-01 : f32
        %sub3A_527 = vector.broadcast %sub3A_526 : f32 to vector<16xf32>
        %sub3A_528 = arith.subf %convert_element_type3A_523, %sub3A_527 : vector<16xf32>
        %mul3A_529 = arith.mulf %mul3A_525, %sub3A_528 : vector<16xf32>
        %sub3A_530 = arith.subf %get3A_300, %mul3A_529 : vector<16xf32>
        %sub3A_531 = arith.constant 8.000000e+00 : f32
        %sub3A_532 = vector.broadcast %sub3A_531 : f32 to vector<16xf32>
        %sub3A_533 = arith.subf %sub3A_532, %sub3A_530 : vector<16xf32>
        %mul3A_534 = arith.constant 1.280000e+02 : f32
        %mul3A_535 = vector.broadcast %mul3A_534 : f32 to vector<16xf32>
        %mul3A_536 = arith.mulf %sub3A_533, %mul3A_535 : vector<16xf32>
        %max3A_537 = arith.constant 0.000000e+00 : f32
        %max3A_538 = vector.broadcast %max3A_537 : f32 to vector<16xf32>
        %max3A_539 = arith.maximumf %mul3A_536, %max3A_538 : vector<16xf32>
        %min3A_540 = arith.constant 2.047000e+03 : f32
        %min3A_541 = vector.broadcast %min3A_540 : f32 to vector<16xf32>
        %min3A_542 = arith.minimumf %max3A_539, %min3A_541 : vector<16xf32>
        %convert_element_type3A_543 = arith.fptosi %min3A_542 : vector<16xf32> to vector<16xi32>
        %add3A_544 = arith.constant 65536 : i32
        %add3A_545 = vector.broadcast %add3A_544 : i32 to vector<16xi32>
        %add3A_546 = arith.addi %get3A_364, %add3A_545 : vector<16xi32>
        %shift_right_logical3A_547 = arith.constant 8 : i32
        %shift_right_logical3A_548 = vector.broadcast %shift_right_logical3A_547 : i32 to vector<16xi32>
        %shift_right_logical3A_549 = arith.shrui %add3A_251, %shift_right_logical3A_548 : vector<16xi32>
        %convert_element_type3A_550 = arith.uitofp %shift_right_logical3A_549 : vector<16xi32> to vector<16xf32>
        %convert_element_type3A_551 = arith.sitofp %get3A_368 : vector<16xi32> to vector<16xf32>
        %mul3A_552 = vector.broadcast %scan3A_25 : f32 to vector<16xf32>
        %mul3A_553 = arith.mulf %convert_element_type3A_550, %mul3A_552 : vector<16xf32>
        %sub3A_554 = arith.constant 5.000000e-01 : f32
        %sub3A_555 = vector.broadcast %sub3A_554 : f32 to vector<16xf32>
        %sub3A_556 = arith.subf %convert_element_type3A_551, %sub3A_555 : vector<16xf32>
        %mul3A_557 = arith.mulf %mul3A_553, %sub3A_556 : vector<16xf32>
        %sub3A_558 = arith.subf %get3A_304, %mul3A_557 : vector<16xf32>
        %sub3A_559 = arith.constant 8.000000e+00 : f32
        %sub3A_560 = vector.broadcast %sub3A_559 : f32 to vector<16xf32>
        %sub3A_561 = arith.subf %sub3A_560, %sub3A_558 : vector<16xf32>
        %mul3A_562 = arith.constant 1.280000e+02 : f32
        %mul3A_563 = vector.broadcast %mul3A_562 : f32 to vector<16xf32>
        %mul3A_564 = arith.mulf %sub3A_561, %mul3A_563 : vector<16xf32>
        %max3A_565 = arith.constant 0.000000e+00 : f32
        %max3A_566 = vector.broadcast %max3A_565 : f32 to vector<16xf32>
        %max3A_567 = arith.maximumf %mul3A_564, %max3A_566 : vector<16xf32>
        %min3A_568 = arith.constant 2.047000e+03 : f32
        %min3A_569 = vector.broadcast %min3A_568 : f32 to vector<16xf32>
        %min3A_570 = arith.minimumf %max3A_567, %min3A_569 : vector<16xf32>
        %convert_element_type3A_571 = arith.fptosi %min3A_570 : vector<16xf32> to vector<16xi32>
        %add3A_572 = arith.constant 65536 : i32
        %add3A_573 = vector.broadcast %add3A_572 : i32 to vector<16xi32>
        %add3A_574 = arith.addi %get3A_368, %add3A_573 : vector<16xi32>
        %shift_right_logical3A_575 = arith.constant 8 : i32
        %shift_right_logical3A_576 = vector.broadcast %shift_right_logical3A_575 : i32 to vector<16xi32>
        %shift_right_logical3A_577 = arith.shrui %add3A_254, %shift_right_logical3A_576 : vector<16xi32>
        %convert_element_type3A_578 = arith.uitofp %shift_right_logical3A_577 : vector<16xi32> to vector<16xf32>
        %convert_element_type3A_579 = arith.sitofp %get3A_372 : vector<16xi32> to vector<16xf32>
        %mul3A_580 = vector.broadcast %scan3A_25 : f32 to vector<16xf32>
        %mul3A_581 = arith.mulf %convert_element_type3A_578, %mul3A_580 : vector<16xf32>
        %sub3A_582 = arith.constant 5.000000e-01 : f32
        %sub3A_583 = vector.broadcast %sub3A_582 : f32 to vector<16xf32>
        %sub3A_584 = arith.subf %convert_element_type3A_579, %sub3A_583 : vector<16xf32>
        %mul3A_585 = arith.mulf %mul3A_581, %sub3A_584 : vector<16xf32>
        %sub3A_586 = arith.subf %get3A_308, %mul3A_585 : vector<16xf32>
        %sub3A_587 = arith.constant 8.000000e+00 : f32
        %sub3A_588 = vector.broadcast %sub3A_587 : f32 to vector<16xf32>
        %sub3A_589 = arith.subf %sub3A_588, %sub3A_586 : vector<16xf32>
        %mul3A_590 = arith.constant 1.280000e+02 : f32
        %mul3A_591 = vector.broadcast %mul3A_590 : f32 to vector<16xf32>
        %mul3A_592 = arith.mulf %sub3A_589, %mul3A_591 : vector<16xf32>
        %max3A_593 = arith.constant 0.000000e+00 : f32
        %max3A_594 = vector.broadcast %max3A_593 : f32 to vector<16xf32>
        %max3A_595 = arith.maximumf %mul3A_592, %max3A_594 : vector<16xf32>
        %min3A_596 = arith.constant 2.047000e+03 : f32
        %min3A_597 = vector.broadcast %min3A_596 : f32 to vector<16xf32>
        %min3A_598 = arith.minimumf %max3A_595, %min3A_597 : vector<16xf32>
        %convert_element_type3A_599 = arith.fptosi %min3A_598 : vector<16xf32> to vector<16xi32>
        %add3A_600 = arith.constant 65536 : i32
        %add3A_601 = vector.broadcast %add3A_600 : i32 to vector<16xi32>
        %add3A_602 = arith.addi %get3A_372, %add3A_601 : vector<16xi32>
        %shift_right_logical3A_603 = arith.constant 8 : i32
        %shift_right_logical3A_604 = vector.broadcast %shift_right_logical3A_603 : i32 to vector<16xi32>
        %shift_right_logical3A_605 = arith.shrui %add3A_257, %shift_right_logical3A_604 : vector<16xi32>
        %convert_element_type3A_606 = arith.uitofp %shift_right_logical3A_605 : vector<16xi32> to vector<16xf32>
        %convert_element_type3A_607 = arith.sitofp %get3A_376 : vector<16xi32> to vector<16xf32>
        %mul3A_608 = vector.broadcast %scan3A_25 : f32 to vector<16xf32>
        %mul3A_609 = arith.mulf %convert_element_type3A_606, %mul3A_608 : vector<16xf32>
        %sub3A_610 = arith.constant 5.000000e-01 : f32
        %sub3A_611 = vector.broadcast %sub3A_610 : f32 to vector<16xf32>
        %sub3A_612 = arith.subf %convert_element_type3A_607, %sub3A_611 : vector<16xf32>
        %mul3A_613 = arith.mulf %mul3A_609, %sub3A_612 : vector<16xf32>
        %sub3A_614 = arith.subf %get3A_312, %mul3A_613 : vector<16xf32>
        %sub3A_615 = arith.constant 8.000000e+00 : f32
        %sub3A_616 = vector.broadcast %sub3A_615 : f32 to vector<16xf32>
        %sub3A_617 = arith.subf %sub3A_616, %sub3A_614 : vector<16xf32>
        %mul3A_618 = arith.constant 1.280000e+02 : f32
        %mul3A_619 = vector.broadcast %mul3A_618 : f32 to vector<16xf32>
        %mul3A_620 = arith.mulf %sub3A_617, %mul3A_619 : vector<16xf32>
        %max3A_621 = arith.constant 0.000000e+00 : f32
        %max3A_622 = vector.broadcast %max3A_621 : f32 to vector<16xf32>
        %max3A_623 = arith.maximumf %mul3A_620, %max3A_622 : vector<16xf32>
        %min3A_624 = arith.constant 2.047000e+03 : f32
        %min3A_625 = vector.broadcast %min3A_624 : f32 to vector<16xf32>
        %min3A_626 = arith.minimumf %max3A_623, %min3A_625 : vector<16xf32>
        %convert_element_type3A_627 = arith.fptosi %min3A_626 : vector<16xf32> to vector<16xi32>
        %add3A_628 = arith.constant 65536 : i32
        %add3A_629 = vector.broadcast %add3A_628 : i32 to vector<16xi32>
        %add3A_630 = arith.addi %get3A_376, %add3A_629 : vector<16xi32>
        %shift_right_logical3A_631 = arith.constant 8 : i32
        %shift_right_logical3A_632 = vector.broadcast %shift_right_logical3A_631 : i32 to vector<16xi32>
        %shift_right_logical3A_633 = arith.shrui %add3A_260, %shift_right_logical3A_632 : vector<16xi32>
        %convert_element_type3A_634 = arith.uitofp %shift_right_logical3A_633 : vector<16xi32> to vector<16xf32>
        %convert_element_type3A_635 = arith.sitofp %get3A_380 : vector<16xi32> to vector<16xf32>
        %mul3A_636 = vector.broadcast %scan3A_25 : f32 to vector<16xf32>
        %mul3A_637 = arith.mulf %convert_element_type3A_634, %mul3A_636 : vector<16xf32>
        %sub3A_638 = arith.constant 5.000000e-01 : f32
        %sub3A_639 = vector.broadcast %sub3A_638 : f32 to vector<16xf32>
        %sub3A_640 = arith.subf %convert_element_type3A_635, %sub3A_639 : vector<16xf32>
        %mul3A_641 = arith.mulf %mul3A_637, %sub3A_640 : vector<16xf32>
        %sub3A_642 = arith.subf %get3A_316, %mul3A_641 : vector<16xf32>
        %sub3A_643 = arith.constant 8.000000e+00 : f32
        %sub3A_644 = vector.broadcast %sub3A_643 : f32 to vector<16xf32>
        %sub3A_645 = arith.subf %sub3A_644, %sub3A_642 : vector<16xf32>
        %mul3A_646 = arith.constant 1.280000e+02 : f32
        %mul3A_647 = vector.broadcast %mul3A_646 : f32 to vector<16xf32>
        %mul3A_648 = arith.mulf %sub3A_645, %mul3A_647 : vector<16xf32>
        %max3A_649 = arith.constant 0.000000e+00 : f32
        %max3A_650 = vector.broadcast %max3A_649 : f32 to vector<16xf32>
        %max3A_651 = arith.maximumf %mul3A_648, %max3A_650 : vector<16xf32>
        %min3A_652 = arith.constant 2.047000e+03 : f32
        %min3A_653 = vector.broadcast %min3A_652 : f32 to vector<16xf32>
        %min3A_654 = arith.minimumf %max3A_651, %min3A_653 : vector<16xf32>
        %convert_element_type3A_655 = arith.fptosi %min3A_654 : vector<16xf32> to vector<16xi32>
        %add3A_656 = arith.constant 65536 : i32
        %add3A_657 = vector.broadcast %add3A_656 : i32 to vector<16xi32>
        %add3A_658 = arith.addi %get3A_380, %add3A_657 : vector<16xi32>
        %shift_right_logical3A_659 = arith.constant 8 : i32
        %shift_right_logical3A_660 = vector.broadcast %shift_right_logical3A_659 : i32 to vector<16xi32>
        %shift_right_logical3A_661 = arith.shrui %add3A_263, %shift_right_logical3A_660 : vector<16xi32>
        %convert_element_type3A_662 = arith.uitofp %shift_right_logical3A_661 : vector<16xi32> to vector<16xf32>
        %convert_element_type3A_663 = arith.sitofp %get3A_384 : vector<16xi32> to vector<16xf32>
        %mul3A_664 = vector.broadcast %scan3A_25 : f32 to vector<16xf32>
        %mul3A_665 = arith.mulf %convert_element_type3A_662, %mul3A_664 : vector<16xf32>
        %sub3A_666 = arith.constant 5.000000e-01 : f32
        %sub3A_667 = vector.broadcast %sub3A_666 : f32 to vector<16xf32>
        %sub3A_668 = arith.subf %convert_element_type3A_663, %sub3A_667 : vector<16xf32>
        %mul3A_669 = arith.mulf %mul3A_665, %sub3A_668 : vector<16xf32>
        %sub3A_670 = arith.subf %get3A_320, %mul3A_669 : vector<16xf32>
        %sub3A_671 = arith.constant 8.000000e+00 : f32
        %sub3A_672 = vector.broadcast %sub3A_671 : f32 to vector<16xf32>
        %sub3A_673 = arith.subf %sub3A_672, %sub3A_670 : vector<16xf32>
        %mul3A_674 = arith.constant 1.280000e+02 : f32
        %mul3A_675 = vector.broadcast %mul3A_674 : f32 to vector<16xf32>
        %mul3A_676 = arith.mulf %sub3A_673, %mul3A_675 : vector<16xf32>
        %max3A_677 = arith.constant 0.000000e+00 : f32
        %max3A_678 = vector.broadcast %max3A_677 : f32 to vector<16xf32>
        %max3A_679 = arith.maximumf %mul3A_676, %max3A_678 : vector<16xf32>
        %min3A_680 = arith.constant 2.047000e+03 : f32
        %min3A_681 = vector.broadcast %min3A_680 : f32 to vector<16xf32>
        %min3A_682 = arith.minimumf %max3A_679, %min3A_681 : vector<16xf32>
        %convert_element_type3A_683 = arith.fptosi %min3A_682 : vector<16xf32> to vector<16xi32>
        %add3A_684 = arith.constant 65536 : i32
        %add3A_685 = vector.broadcast %add3A_684 : i32 to vector<16xi32>
        %add3A_686 = arith.addi %get3A_384, %add3A_685 : vector<16xi32>
        %shift_right_logical3A_687 = arith.constant 8 : i32
        %shift_right_logical3A_688 = vector.broadcast %shift_right_logical3A_687 : i32 to vector<16xi32>
        %shift_right_logical3A_689 = arith.shrui %add3A_266, %shift_right_logical3A_688 : vector<16xi32>
        %convert_element_type3A_690 = arith.uitofp %shift_right_logical3A_689 : vector<16xi32> to vector<16xf32>
        %convert_element_type3A_691 = arith.sitofp %get3A_388 : vector<16xi32> to vector<16xf32>
        %mul3A_692 = vector.broadcast %scan3A_25 : f32 to vector<16xf32>
        %mul3A_693 = arith.mulf %convert_element_type3A_690, %mul3A_692 : vector<16xf32>
        %sub3A_694 = arith.constant 5.000000e-01 : f32
        %sub3A_695 = vector.broadcast %sub3A_694 : f32 to vector<16xf32>
        %sub3A_696 = arith.subf %convert_element_type3A_691, %sub3A_695 : vector<16xf32>
        %mul3A_697 = arith.mulf %mul3A_693, %sub3A_696 : vector<16xf32>
        %sub3A_698 = arith.subf %get3A_324, %mul3A_697 : vector<16xf32>
        %sub3A_699 = arith.constant 8.000000e+00 : f32
        %sub3A_700 = vector.broadcast %sub3A_699 : f32 to vector<16xf32>
        %sub3A_701 = arith.subf %sub3A_700, %sub3A_698 : vector<16xf32>
        %mul3A_702 = arith.constant 1.280000e+02 : f32
        %mul3A_703 = vector.broadcast %mul3A_702 : f32 to vector<16xf32>
        %mul3A_704 = arith.mulf %sub3A_701, %mul3A_703 : vector<16xf32>
        %max3A_705 = arith.constant 0.000000e+00 : f32
        %max3A_706 = vector.broadcast %max3A_705 : f32 to vector<16xf32>
        %max3A_707 = arith.maximumf %mul3A_704, %max3A_706 : vector<16xf32>
        %min3A_708 = arith.constant 2.047000e+03 : f32
        %min3A_709 = vector.broadcast %min3A_708 : f32 to vector<16xf32>
        %min3A_710 = arith.minimumf %max3A_707, %min3A_709 : vector<16xf32>
        %convert_element_type3A_711 = arith.fptosi %min3A_710 : vector<16xf32> to vector<16xi32>
        %add3A_712 = arith.constant 65536 : i32
        %add3A_713 = vector.broadcast %add3A_712 : i32 to vector<16xi32>
        %add3A_714 = arith.addi %get3A_388, %add3A_713 : vector<16xi32>
        %shift_right_logical3A_715 = arith.constant 8 : i32
        %shift_right_logical3A_716 = vector.broadcast %shift_right_logical3A_715 : i32 to vector<16xi32>
        %shift_right_logical3A_717 = arith.shrui %add3A_269, %shift_right_logical3A_716 : vector<16xi32>
        %convert_element_type3A_718 = arith.uitofp %shift_right_logical3A_717 : vector<16xi32> to vector<16xf32>
        %convert_element_type3A_719 = arith.sitofp %get3A_392 : vector<16xi32> to vector<16xf32>
        %mul3A_720 = vector.broadcast %scan3A_25 : f32 to vector<16xf32>
        %mul3A_721 = arith.mulf %convert_element_type3A_718, %mul3A_720 : vector<16xf32>
        %sub3A_722 = arith.constant 5.000000e-01 : f32
        %sub3A_723 = vector.broadcast %sub3A_722 : f32 to vector<16xf32>
        %sub3A_724 = arith.subf %convert_element_type3A_719, %sub3A_723 : vector<16xf32>
        %mul3A_725 = arith.mulf %mul3A_721, %sub3A_724 : vector<16xf32>
        %sub3A_726 = arith.subf %get3A_328, %mul3A_725 : vector<16xf32>
        %sub3A_727 = arith.constant 8.000000e+00 : f32
        %sub3A_728 = vector.broadcast %sub3A_727 : f32 to vector<16xf32>
        %sub3A_729 = arith.subf %sub3A_728, %sub3A_726 : vector<16xf32>
        %mul3A_730 = arith.constant 1.280000e+02 : f32
        %mul3A_731 = vector.broadcast %mul3A_730 : f32 to vector<16xf32>
        %mul3A_732 = arith.mulf %sub3A_729, %mul3A_731 : vector<16xf32>
        %max3A_733 = arith.constant 0.000000e+00 : f32
        %max3A_734 = vector.broadcast %max3A_733 : f32 to vector<16xf32>
        %max3A_735 = arith.maximumf %mul3A_732, %max3A_734 : vector<16xf32>
        %min3A_736 = arith.constant 2.047000e+03 : f32
        %min3A_737 = vector.broadcast %min3A_736 : f32 to vector<16xf32>
        %min3A_738 = arith.minimumf %max3A_735, %min3A_737 : vector<16xf32>
        %convert_element_type3A_739 = arith.fptosi %min3A_738 : vector<16xf32> to vector<16xi32>
        %add3A_740 = arith.constant 65536 : i32
        %add3A_741 = vector.broadcast %add3A_740 : i32 to vector<16xi32>
        %add3A_742 = arith.addi %get3A_392, %add3A_741 : vector<16xi32>
        %shift_right_logical3A_743 = arith.constant 8 : i32
        %shift_right_logical3A_744 = vector.broadcast %shift_right_logical3A_743 : i32 to vector<16xi32>
        %shift_right_logical3A_745 = arith.shrui %add3A_272, %shift_right_logical3A_744 : vector<16xi32>
        %convert_element_type3A_746 = arith.uitofp %shift_right_logical3A_745 : vector<16xi32> to vector<16xf32>
        %convert_element_type3A_747 = arith.sitofp %get3A_396 : vector<16xi32> to vector<16xf32>
        %mul3A_748 = vector.broadcast %scan3A_25 : f32 to vector<16xf32>
        %mul3A_749 = arith.mulf %convert_element_type3A_746, %mul3A_748 : vector<16xf32>
        %sub3A_750 = arith.constant 5.000000e-01 : f32
        %sub3A_751 = vector.broadcast %sub3A_750 : f32 to vector<16xf32>
        %sub3A_752 = arith.subf %convert_element_type3A_747, %sub3A_751 : vector<16xf32>
        %mul3A_753 = arith.mulf %mul3A_749, %sub3A_752 : vector<16xf32>
        %sub3A_754 = arith.subf %get3A_332, %mul3A_753 : vector<16xf32>
        %sub3A_755 = arith.constant 8.000000e+00 : f32
        %sub3A_756 = vector.broadcast %sub3A_755 : f32 to vector<16xf32>
        %sub3A_757 = arith.subf %sub3A_756, %sub3A_754 : vector<16xf32>
        %mul3A_758 = arith.constant 1.280000e+02 : f32
        %mul3A_759 = vector.broadcast %mul3A_758 : f32 to vector<16xf32>
        %mul3A_760 = arith.mulf %sub3A_757, %mul3A_759 : vector<16xf32>
        %max3A_761 = arith.constant 0.000000e+00 : f32
        %max3A_762 = vector.broadcast %max3A_761 : f32 to vector<16xf32>
        %max3A_763 = arith.maximumf %mul3A_760, %max3A_762 : vector<16xf32>
        %min3A_764 = arith.constant 2.047000e+03 : f32
        %min3A_765 = vector.broadcast %min3A_764 : f32 to vector<16xf32>
        %min3A_766 = arith.minimumf %max3A_763, %min3A_765 : vector<16xf32>
        %convert_element_type3A_767 = arith.fptosi %min3A_766 : vector<16xf32> to vector<16xi32>
        %add3A_768 = arith.constant 65536 : i32
        %add3A_769 = vector.broadcast %add3A_768 : i32 to vector<16xi32>
        %add3A_770 = arith.addi %get3A_396, %add3A_769 : vector<16xi32>
        %shift_right_logical3A_771 = arith.constant 8 : i32
        %shift_right_logical3A_772 = vector.broadcast %shift_right_logical3A_771 : i32 to vector<16xi32>
        %shift_right_logical3A_773 = arith.shrui %add3A_275, %shift_right_logical3A_772 : vector<16xi32>
        %convert_element_type3A_774 = arith.uitofp %shift_right_logical3A_773 : vector<16xi32> to vector<16xf32>
        %convert_element_type3A_775 = arith.sitofp %get3A_400 : vector<16xi32> to vector<16xf32>
        %mul3A_776 = vector.broadcast %scan3A_25 : f32 to vector<16xf32>
        %mul3A_777 = arith.mulf %convert_element_type3A_774, %mul3A_776 : vector<16xf32>
        %sub3A_778 = arith.constant 5.000000e-01 : f32
        %sub3A_779 = vector.broadcast %sub3A_778 : f32 to vector<16xf32>
        %sub3A_780 = arith.subf %convert_element_type3A_775, %sub3A_779 : vector<16xf32>
        %mul3A_781 = arith.mulf %mul3A_777, %sub3A_780 : vector<16xf32>
        %sub3A_782 = arith.subf %get3A_336, %mul3A_781 : vector<16xf32>
        %sub3A_783 = arith.constant 8.000000e+00 : f32
        %sub3A_784 = vector.broadcast %sub3A_783 : f32 to vector<16xf32>
        %sub3A_785 = arith.subf %sub3A_784, %sub3A_782 : vector<16xf32>
        %mul3A_786 = arith.constant 1.280000e+02 : f32
        %mul3A_787 = vector.broadcast %mul3A_786 : f32 to vector<16xf32>
        %mul3A_788 = arith.mulf %sub3A_785, %mul3A_787 : vector<16xf32>
        %max3A_789 = arith.constant 0.000000e+00 : f32
        %max3A_790 = vector.broadcast %max3A_789 : f32 to vector<16xf32>
        %max3A_791 = arith.maximumf %mul3A_788, %max3A_790 : vector<16xf32>
        %min3A_792 = arith.constant 2.047000e+03 : f32
        %min3A_793 = vector.broadcast %min3A_792 : f32 to vector<16xf32>
        %min3A_794 = arith.minimumf %max3A_791, %min3A_793 : vector<16xf32>
        %convert_element_type3A_795 = arith.fptosi %min3A_794 : vector<16xf32> to vector<16xi32>
        %add3A_796 = arith.constant 65536 : i32
        %add3A_797 = vector.broadcast %add3A_796 : i32 to vector<16xi32>
        %add3A_798 = arith.addi %get3A_400, %add3A_797 : vector<16xi32>
        %shift_right_logical3A_799 = arith.constant 8 : i32
        %shift_right_logical3A_800 = vector.broadcast %shift_right_logical3A_799 : i32 to vector<16xi32>
        %shift_right_logical3A_801 = arith.shrui %add3A_278, %shift_right_logical3A_800 : vector<16xi32>
        %convert_element_type3A_802 = arith.uitofp %shift_right_logical3A_801 : vector<16xi32> to vector<16xf32>
        %convert_element_type3A_803 = arith.sitofp %get3A_404 : vector<16xi32> to vector<16xf32>
        %mul3A_804 = vector.broadcast %scan3A_25 : f32 to vector<16xf32>
        %mul3A_805 = arith.mulf %convert_element_type3A_802, %mul3A_804 : vector<16xf32>
        %sub3A_806 = arith.constant 5.000000e-01 : f32
        %sub3A_807 = vector.broadcast %sub3A_806 : f32 to vector<16xf32>
        %sub3A_808 = arith.subf %convert_element_type3A_803, %sub3A_807 : vector<16xf32>
        %mul3A_809 = arith.mulf %mul3A_805, %sub3A_808 : vector<16xf32>
        %sub3A_810 = arith.subf %get3A_340, %mul3A_809 : vector<16xf32>
        %sub3A_811 = arith.constant 8.000000e+00 : f32
        %sub3A_812 = vector.broadcast %sub3A_811 : f32 to vector<16xf32>
        %sub3A_813 = arith.subf %sub3A_812, %sub3A_810 : vector<16xf32>
        %mul3A_814 = arith.constant 1.280000e+02 : f32
        %mul3A_815 = vector.broadcast %mul3A_814 : f32 to vector<16xf32>
        %mul3A_816 = arith.mulf %sub3A_813, %mul3A_815 : vector<16xf32>
        %max3A_817 = arith.constant 0.000000e+00 : f32
        %max3A_818 = vector.broadcast %max3A_817 : f32 to vector<16xf32>
        %max3A_819 = arith.maximumf %mul3A_816, %max3A_818 : vector<16xf32>
        %min3A_820 = arith.constant 2.047000e+03 : f32
        %min3A_821 = vector.broadcast %min3A_820 : f32 to vector<16xf32>
        %min3A_822 = arith.minimumf %max3A_819, %min3A_821 : vector<16xf32>
        %convert_element_type3A_823 = arith.fptosi %min3A_822 : vector<16xf32> to vector<16xi32>
        %add3A_824 = arith.constant 65536 : i32
        %add3A_825 = vector.broadcast %add3A_824 : i32 to vector<16xi32>
        %add3A_826 = arith.addi %get3A_404, %add3A_825 : vector<16xi32>
        %shift_right_logical3A_827 = arith.constant 8 : i32
        %shift_right_logical3A_828 = vector.broadcast %shift_right_logical3A_827 : i32 to vector<16xi32>
        %shift_right_logical3A_829 = arith.shrui %add3A_281, %shift_right_logical3A_828 : vector<16xi32>
        %convert_element_type3A_830 = arith.uitofp %shift_right_logical3A_829 : vector<16xi32> to vector<16xf32>
        %convert_element_type3A_831 = arith.sitofp %get3A_408 : vector<16xi32> to vector<16xf32>
        %mul3A_832 = vector.broadcast %scan3A_25 : f32 to vector<16xf32>
        %mul3A_833 = arith.mulf %convert_element_type3A_830, %mul3A_832 : vector<16xf32>
        %sub3A_834 = arith.constant 5.000000e-01 : f32
        %sub3A_835 = vector.broadcast %sub3A_834 : f32 to vector<16xf32>
        %sub3A_836 = arith.subf %convert_element_type3A_831, %sub3A_835 : vector<16xf32>
        %mul3A_837 = arith.mulf %mul3A_833, %sub3A_836 : vector<16xf32>
        %sub3A_838 = arith.subf %get3A_344, %mul3A_837 : vector<16xf32>
        %sub3A_839 = arith.constant 8.000000e+00 : f32
        %sub3A_840 = vector.broadcast %sub3A_839 : f32 to vector<16xf32>
        %sub3A_841 = arith.subf %sub3A_840, %sub3A_838 : vector<16xf32>
        %mul3A_842 = arith.constant 1.280000e+02 : f32
        %mul3A_843 = vector.broadcast %mul3A_842 : f32 to vector<16xf32>
        %mul3A_844 = arith.mulf %sub3A_841, %mul3A_843 : vector<16xf32>
        %max3A_845 = arith.constant 0.000000e+00 : f32
        %max3A_846 = vector.broadcast %max3A_845 : f32 to vector<16xf32>
        %max3A_847 = arith.maximumf %mul3A_844, %max3A_846 : vector<16xf32>
        %min3A_848 = arith.constant 2.047000e+03 : f32
        %min3A_849 = vector.broadcast %min3A_848 : f32 to vector<16xf32>
        %min3A_850 = arith.minimumf %max3A_847, %min3A_849 : vector<16xf32>
        %convert_element_type3A_851 = arith.fptosi %min3A_850 : vector<16xf32> to vector<16xi32>
        %add3A_852 = arith.constant 65536 : i32
        %add3A_853 = vector.broadcast %add3A_852 : i32 to vector<16xi32>
        %add3A_854 = arith.addi %get3A_408, %add3A_853 : vector<16xi32>
        tpu.vector_store_idx %arg9[%convert_element_type3A_431], %add3A_434 {add = true} : memref<2048xi32, #tpu.memory_space<vmem>>[vector<16xi32>], vector<16xi32>,
        tpu.vector_store_idx %arg9[%convert_element_type3A_459], %add3A_462 {add = true} : memref<2048xi32, #tpu.memory_space<vmem>>[vector<16xi32>], vector<16xi32>,
        tpu.vector_store_idx %arg9[%convert_element_type3A_487], %add3A_490 {add = true} : memref<2048xi32, #tpu.memory_space<vmem>>[vector<16xi32>], vector<16xi32>,
        tpu.vector_store_idx %arg9[%convert_element_type3A_515], %add3A_518 {add = true} : memref<2048xi32, #tpu.memory_space<vmem>>[vector<16xi32>], vector<16xi32>,
        tpu.vector_store_idx %arg9[%convert_element_type3A_543], %add3A_546 {add = true} : memref<2048xi32, #tpu.memory_space<vmem>>[vector<16xi32>], vector<16xi32>,
        tpu.vector_store_idx %arg9[%convert_element_type3A_571], %add3A_574 {add = true} : memref<2048xi32, #tpu.memory_space<vmem>>[vector<16xi32>], vector<16xi32>,
        tpu.vector_store_idx %arg9[%convert_element_type3A_599], %add3A_602 {add = true} : memref<2048xi32, #tpu.memory_space<vmem>>[vector<16xi32>], vector<16xi32>,
        tpu.vector_store_idx %arg9[%convert_element_type3A_627], %add3A_630 {add = true} : memref<2048xi32, #tpu.memory_space<vmem>>[vector<16xi32>], vector<16xi32>,
        tpu.vector_store_idx %arg9[%convert_element_type3A_655], %add3A_658 {add = true} : memref<2048xi32, #tpu.memory_space<vmem>>[vector<16xi32>], vector<16xi32>,
        tpu.vector_store_idx %arg9[%convert_element_type3A_683], %add3A_686 {add = true} : memref<2048xi32, #tpu.memory_space<vmem>>[vector<16xi32>], vector<16xi32>,
        tpu.vector_store_idx %arg9[%convert_element_type3A_711], %add3A_714 {add = true} : memref<2048xi32, #tpu.memory_space<vmem>>[vector<16xi32>], vector<16xi32>,
        tpu.vector_store_idx %arg9[%convert_element_type3A_739], %add3A_742 {add = true} : memref<2048xi32, #tpu.memory_space<vmem>>[vector<16xi32>], vector<16xi32>,
        tpu.vector_store_idx %arg9[%convert_element_type3A_767], %add3A_770 {add = true} : memref<2048xi32, #tpu.memory_space<vmem>>[vector<16xi32>], vector<16xi32>,
        tpu.vector_store_idx %arg9[%convert_element_type3A_795], %add3A_798 {add = true} : memref<2048xi32, #tpu.memory_space<vmem>>[vector<16xi32>], vector<16xi32>,
        tpu.vector_store_idx %arg9[%convert_element_type3A_823], %add3A_826 {add = true} : memref<2048xi32, #tpu.memory_space<vmem>>[vector<16xi32>], vector<16xi32>,
        tpu.vector_store_idx %arg9[%convert_element_type3A_851], %add3A_854 {add = true} : memref<2048xi32, #tpu.memory_space<vmem>>[vector<16xi32>], vector<16xi32>,
        %add3A_855 = vector.broadcast %scan3A_26 : i32 to vector<16xi32>
        %add3A_856 = arith.addi %scan3A_231, %add3A_855 : vector<16xi32>
        scf.yield %add3A_856 : vector<16xi32>
      }
      %scan3A_179 = arith.constant 64 : i32
      %scan3A_180 = arith.constant 0 : i32
      %scan3A_181 = arith.constant 0 : i32
      %scan3A_182 = arith.constant 32 : i32
      %scan3A_183 = arith.addi %scan3A_181, %scan3A_182 : i32
      %scan3A_184 = arith.constant 1 : i32
      scf.for %scan3A_230 = %scan3A_181 to %scan3A_183 step %scan3A_184  : i32 {
        %mul3A_231 = arith.constant 4 : i32
        %mul3A_232 = arith.muli %scan3A_230, %mul3A_231 : i32
        %add3A_233 = arith.constant 0 : i32
        %add3A_234 = arith.addi %mul3A_232, %add3A_233 : i32
        %mul3A_235 = arith.constant 16 : i32
        %mul3A_236 = arith.muli %add3A_234, %mul3A_235 : i32
        %mul3A_237 = arith.constant 4 : i32
        %mul3A_238 = arith.muli %scan3A_230, %mul3A_237 : i32
        %add3A_239 = arith.constant 1 : i32
        %add3A_240 = arith.addi %mul3A_238, %add3A_239 : i32
        %mul3A_241 = arith.constant 16 : i32
        %mul3A_242 = arith.muli %add3A_240, %mul3A_241 : i32
        %mul3A_243 = arith.constant 4 : i32
        %mul3A_244 = arith.muli %scan3A_230, %mul3A_243 : i32
        %add3A_245 = arith.constant 2 : i32
        %add3A_246 = arith.addi %mul3A_244, %add3A_245 : i32
        %mul3A_247 = arith.constant 16 : i32
        %mul3A_248 = arith.muli %add3A_246, %mul3A_247 : i32
        %mul3A_249 = arith.constant 4 : i32
        %mul3A_250 = arith.muli %scan3A_230, %mul3A_249 : i32
        %add3A_251 = arith.constant 3 : i32
        %add3A_252 = arith.addi %mul3A_250, %add3A_251 : i32
        %mul3A_253 = arith.constant 16 : i32
        %mul3A_254 = arith.muli %add3A_252, %mul3A_253 : i32
        %get3A = arith.index_cast %mul3A_236 : i32 to index
        %get3A_255 = tpu.vector_load %arg9[%get3A] {strides = array<i32>} : memref<2048xi32, #tpu.memory_space<vmem>>, vector<16xi32>,
        %get3A_256 = arith.index_cast %mul3A_242 : i32 to index
        %get3A_257 = tpu.vector_load %arg9[%get3A_256] {strides = array<i32>} : memref<2048xi32, #tpu.memory_space<vmem>>, vector<16xi32>,
        %get3A_258 = arith.index_cast %mul3A_248 : i32 to index
        %get3A_259 = tpu.vector_load %arg9[%get3A_258] {strides = array<i32>} : memref<2048xi32, #tpu.memory_space<vmem>>, vector<16xi32>,
        %get3A_260 = arith.index_cast %mul3A_254 : i32 to index
        %get3A_261 = tpu.vector_load %arg9[%get3A_260] {strides = array<i32>} : memref<2048xi32, #tpu.memory_space<vmem>>, vector<16xi32>,
        %broadcast_in_dim3A_262 = arith.constant true
        %broadcast_in_dim3A_263 = vector.broadcast %broadcast_in_dim3A_262 : i1 to vector<16xi1>
        %masked_cumsum3A = tpu.scan <sum>, %get3A_255 masked %broadcast_in_dim3A_263 : vector<16xi32>, vector<16xi1> -> vector<16xi32>
        %broadcast_in_dim3A_264 = arith.constant true
        %broadcast_in_dim3A_265 = vector.broadcast %broadcast_in_dim3A_264 : i1 to vector<16xi1>
        %masked_cumsum3A_266 = tpu.scan <sum>, %get3A_257 masked %broadcast_in_dim3A_265 : vector<16xi32>, vector<16xi1> -> vector<16xi32>
        %broadcast_in_dim3A_267 = arith.constant true
        %broadcast_in_dim3A_268 = vector.broadcast %broadcast_in_dim3A_267 : i1 to vector<16xi1>
        %masked_cumsum3A_269 = tpu.scan <sum>, %get3A_259 masked %broadcast_in_dim3A_268 : vector<16xi32>, vector<16xi1> -> vector<16xi32>
        %broadcast_in_dim3A_270 = arith.constant true
        %broadcast_in_dim3A_271 = vector.broadcast %broadcast_in_dim3A_270 : i1 to vector<16xi1>
        %masked_cumsum3A_272 = tpu.scan <sum>, %get3A_261 masked %broadcast_in_dim3A_271 : vector<16xi32>, vector<16xi1> -> vector<16xi32>
        %swap3A = arith.index_cast %mul3A_236 : i32 to index
        %swap3A_273 = tpu.vector_load %arg9[%swap3A] {strides = array<i32>} : memref<2048xi32, #tpu.memory_space<vmem>>, vector<16xi32>,
        tpu.vector_store %arg9[%swap3A], %broadcast_in_dim3A_2 {strides = array<i32>} : memref<2048xi32, #tpu.memory_space<vmem>>, vector<16xi32>,
        %swap3A_274 = arith.index_cast %mul3A_236 : i32 to index
        %swap3A_275 = tpu.vector_load %arg11[%swap3A_274] {strides = array<i32>} : memref<2048xi32, #tpu.memory_space<vmem>>, vector<16xi32>,
        tpu.vector_store %arg11[%swap3A_274], %get3A_255 {strides = array<i32>} : memref<2048xi32, #tpu.memory_space<vmem>>, vector<16xi32>,
        %swap3A_276 = arith.index_cast %mul3A_236 : i32 to index
        %swap3A_277 = tpu.vector_load %arg10[%swap3A_276] {strides = array<i32>} : memref<2048xi32, #tpu.memory_space<vmem>>, vector<16xi32>,
        tpu.vector_store %arg10[%swap3A_276], %masked_cumsum3A {strides = array<i32>} : memref<2048xi32, #tpu.memory_space<vmem>>, vector<16xi32>,
        %swap3A_278 = arith.index_cast %mul3A_242 : i32 to index
        %swap3A_279 = tpu.vector_load %arg9[%swap3A_278] {strides = array<i32>} : memref<2048xi32, #tpu.memory_space<vmem>>, vector<16xi32>,
        tpu.vector_store %arg9[%swap3A_278], %broadcast_in_dim3A_2 {strides = array<i32>} : memref<2048xi32, #tpu.memory_space<vmem>>, vector<16xi32>,
        %swap3A_280 = arith.index_cast %mul3A_242 : i32 to index
        %swap3A_281 = tpu.vector_load %arg11[%swap3A_280] {strides = array<i32>} : memref<2048xi32, #tpu.memory_space<vmem>>, vector<16xi32>,
        tpu.vector_store %arg11[%swap3A_280], %get3A_257 {strides = array<i32>} : memref<2048xi32, #tpu.memory_space<vmem>>, vector<16xi32>,
        %swap3A_282 = arith.index_cast %mul3A_242 : i32 to index
        %swap3A_283 = tpu.vector_load %arg10[%swap3A_282] {strides = array<i32>} : memref<2048xi32, #tpu.memory_space<vmem>>, vector<16xi32>,
        tpu.vector_store %arg10[%swap3A_282], %masked_cumsum3A_266 {strides = array<i32>} : memref<2048xi32, #tpu.memory_space<vmem>>, vector<16xi32>,
        %swap3A_284 = arith.index_cast %mul3A_248 : i32 to index
        %swap3A_285 = tpu.vector_load %arg9[%swap3A_284] {strides = array<i32>} : memref<2048xi32, #tpu.memory_space<vmem>>, vector<16xi32>,
        tpu.vector_store %arg9[%swap3A_284], %broadcast_in_dim3A_2 {strides = array<i32>} : memref<2048xi32, #tpu.memory_space<vmem>>, vector<16xi32>,
        %swap3A_286 = arith.index_cast %mul3A_248 : i32 to index
        %swap3A_287 = tpu.vector_load %arg11[%swap3A_286] {strides = array<i32>} : memref<2048xi32, #tpu.memory_space<vmem>>, vector<16xi32>,
        tpu.vector_store %arg11[%swap3A_286], %get3A_259 {strides = array<i32>} : memref<2048xi32, #tpu.memory_space<vmem>>, vector<16xi32>,
        %swap3A_288 = arith.index_cast %mul3A_248 : i32 to index
        %swap3A_289 = tpu.vector_load %arg10[%swap3A_288] {strides = array<i32>} : memref<2048xi32, #tpu.memory_space<vmem>>, vector<16xi32>,
        tpu.vector_store %arg10[%swap3A_288], %masked_cumsum3A_269 {strides = array<i32>} : memref<2048xi32, #tpu.memory_space<vmem>>, vector<16xi32>,
        %swap3A_290 = arith.index_cast %mul3A_254 : i32 to index
        %swap3A_291 = tpu.vector_load %arg9[%swap3A_290] {strides = array<i32>} : memref<2048xi32, #tpu.memory_space<vmem>>, vector<16xi32>,
        tpu.vector_store %arg9[%swap3A_290], %broadcast_in_dim3A_2 {strides = array<i32>} : memref<2048xi32, #tpu.memory_space<vmem>>, vector<16xi32>,
        %swap3A_292 = arith.index_cast %mul3A_254 : i32 to index
        %swap3A_293 = tpu.vector_load %arg11[%swap3A_292] {strides = array<i32>} : memref<2048xi32, #tpu.memory_space<vmem>>, vector<16xi32>,
        tpu.vector_store %arg11[%swap3A_292], %get3A_261 {strides = array<i32>} : memref<2048xi32, #tpu.memory_space<vmem>>, vector<16xi32>,
        %swap3A_294 = arith.index_cast %mul3A_254 : i32 to index
        %swap3A_295 = tpu.vector_load %arg10[%swap3A_294] {strides = array<i32>} : memref<2048xi32, #tpu.memory_space<vmem>>, vector<16xi32>,
        tpu.vector_store %arg10[%swap3A_294], %masked_cumsum3A_272 {strides = array<i32>} : memref<2048xi32, #tpu.memory_space<vmem>>, vector<16xi32>,
      }
      %scan3A_185 = arith.constant 32 : i32
      %mul3A_186 = arith.constant 16 : i32
      %mul3A_187 = vector.broadcast %mul3A_186 : i32 to vector<16xi32>
      %mul3A_188 = arith.muli %iota3A, %mul3A_187 : vector<16xi32>
      %add3A_189 = arith.constant 15 : i32
      %add3A_190 = vector.broadcast %add3A_189 : i32 to vector<16xi32>
      %add3A_191 = arith.addi %mul3A_188, %add3A_190 : vector<16xi32>
      %scan3A_192 = arith.constant 0 : i32
      %scan3A_193 = arith.constant 0 : i32
      %scan3A_194 = arith.constant 8 : i32
      %scan3A_195 = arith.addi %scan3A_193, %scan3A_194 : i32
      %scan3A_196 = arith.constant 1 : i32
      %scan3A_197 = scf.for %scan3A_230 = %scan3A_193 to %scan3A_195 step %scan3A_196 iter_args(%scan3A_231 = %scan3A_192) -> (i32)  : i32 {
        %mul3A_232 = arith.constant 256 : i32
        %mul3A_233 = arith.muli %scan3A_230, %mul3A_232 : i32
        %add3A_234 = vector.broadcast %mul3A_233 : i32 to vector<16xi32>
        %add3A_235 = arith.addi %add3A_234, %add3A_191 : vector<16xi32>
        %gather3A = tpu.vector_load_idx %arg10[%add3A_235] : memref<2048xi32, #tpu.memory_space<vmem>>[vector<16xi32>], vector<16xi32>,
        %broadcast_in_dim3A_236 = arith.constant true
        %broadcast_in_dim3A_237 = vector.broadcast %broadcast_in_dim3A_236 : i1 to vector<16xi1>
        %masked_cumsum3A = tpu.scan <sum>, %gather3A masked %broadcast_in_dim3A_237 : vector<16xi32>, vector<16xi1> -> vector<16xi32>
        %add3A_238 = vector.broadcast %scan3A_231 : i32 to vector<16xi32>
        %add3A_239 = arith.addi %add3A_238, %masked_cumsum3A : vector<16xi32>
        %sub3A_240 = arith.subi %add3A_239, %gather3A : vector<16xi32>
        %mul3A_241 = arith.constant 16 : i32
        %mul3A_242 = arith.muli %scan3A_230, %mul3A_241 : i32
        %swap3A = arith.index_cast %mul3A_242 : i32 to index
        %swap3A_243 = tpu.vector_load %arg12[%swap3A] {strides = array<i32>} : memref<128xi32, #tpu.memory_space<vmem>>, vector<16xi32>,
        tpu.vector_store %arg12[%swap3A], %sub3A_240 {strides = array<i32>} : memref<128xi32, #tpu.memory_space<vmem>>, vector<16xi32>,
        %reduce_sum3A_244 = arith.constant true
        %reduce_sum3A_245 = vector.broadcast %reduce_sum3A_244 : i1 to vector<16xi1>
        %reduce_sum3A_246 = tpu.scan <sum>, %gather3A masked %reduce_sum3A_245 : vector<16xi32>, vector<16xi1> -> vector<16xi32>
        %reduce_sum3A_247 = vector.extract %reduce_sum3A_246[15] : i32 from vector<16xi32>
        %add3A_248 = arith.addi %scan3A_231, %reduce_sum3A_247 : i32
        scf.yield %add3A_248 : i32
      }
      %scan3A_198 = arith.constant 8 : i32
      %and3A_199 = arith.constant 65535 : i32
      %and3A_200 = arith.andi %scan3A_197, %and3A_199 : i32
      %broadcast_in_dim3A_201 = arith.constant 0.000000e+00 : f32
      %broadcast_in_dim3A_202 = vector.broadcast %broadcast_in_dim3A_201 : f32 to vector<16xf32>
      %scan3A_203 = arith.constant 0 : i32
      %scan3A_204 = arith.constant 8 : i32
      %scan3A_205 = arith.addi %scan3A_203, %scan3A_204 : i32
      %scan3A_206 = arith.constant 1 : i32
      %scan3A_207 = scf.for %scan3A_230 = %scan3A_203 to %scan3A_205 step %scan3A_206 iter_args(%scan3A_231 = %broadcast_in_dim3A_202) -> (vector<16xf32>)  : i32 {
        %mul3A_232 = arith.constant 16 : i32
        %mul3A_233 = arith.muli %scan3A_230, %mul3A_232 : i32
        %get3A = arith.index_cast %mul3A_233 : i32 to index
        %get3A_234 = tpu.vector_load %arg12[%get3A] {strides = array<i32>} : memref<128xi32, #tpu.memory_space<vmem>>, vector<16xi32>,
        %mul3A_235 = arith.constant 16 : i32
        %mul3A_236 = arith.muli %scan3A_230, %mul3A_235 : i32
        %add3A_237 = arith.constant 0 : i32
        %add3A_238 = arith.addi %mul3A_236, %add3A_237 : i32
        %add3A_239 = arith.constant 0 : i32
        %add3A_240 = arith.addi %add3A_238, %add3A_239 : i32
        %mul3A_241 = arith.constant 16 : i32
        %mul3A_242 = arith.muli %add3A_240, %mul3A_241 : i32
        %get3A_243 = arith.index_cast %mul3A_242 : i32 to index
        %get3A_244 = tpu.vector_load %arg11[%get3A_243] {strides = array<i32>} : memref<2048xi32, #tpu.memory_space<vmem>>, vector<16xi32>,
        %add3A_245 = arith.constant 1 : i32
        %add3A_246 = arith.addi %add3A_238, %add3A_245 : i32
        %mul3A_247 = arith.constant 16 : i32
        %mul3A_248 = arith.muli %add3A_246, %mul3A_247 : i32
        %get3A_249 = arith.index_cast %mul3A_248 : i32 to index
        %get3A_250 = tpu.vector_load %arg11[%get3A_249] {strides = array<i32>} : memref<2048xi32, #tpu.memory_space<vmem>>, vector<16xi32>,
        %add3A_251 = arith.constant 2 : i32
        %add3A_252 = arith.addi %add3A_238, %add3A_251 : i32
        %mul3A_253 = arith.constant 16 : i32
        %mul3A_254 = arith.muli %add3A_252, %mul3A_253 : i32
        %get3A_255 = arith.index_cast %mul3A_254 : i32 to index
        %get3A_256 = tpu.vector_load %arg11[%get3A_255] {strides = array<i32>} : memref<2048xi32, #tpu.memory_space<vmem>>, vector<16xi32>,
        %add3A_257 = arith.constant 3 : i32
        %add3A_258 = arith.addi %add3A_238, %add3A_257 : i32
        %mul3A_259 = arith.constant 16 : i32
        %mul3A_260 = arith.muli %add3A_258, %mul3A_259 : i32
        %get3A_261 = arith.index_cast %mul3A_260 : i32 to index
        %get3A_262 = tpu.vector_load %arg11[%get3A_261] {strides = array<i32>} : memref<2048xi32, #tpu.memory_space<vmem>>, vector<16xi32>,
        %add3A_263 = arith.constant 0 : i32
        %add3A_264 = arith.addi %add3A_238, %add3A_263 : i32
        %mul3A_265 = arith.constant 16 : i32
        %mul3A_266 = arith.muli %add3A_264, %mul3A_265 : i32
        %get3A_267 = arith.index_cast %mul3A_266 : i32 to index
        %get3A_268 = tpu.vector_load %arg10[%get3A_267] {strides = array<i32>} : memref<2048xi32, #tpu.memory_space<vmem>>, vector<16xi32>,
        %add3A_269 = arith.constant 1 : i32
        %add3A_270 = arith.addi %add3A_238, %add3A_269 : i32
        %mul3A_271 = arith.constant 16 : i32
        %mul3A_272 = arith.muli %add3A_270, %mul3A_271 : i32
        %get3A_273 = arith.index_cast %mul3A_272 : i32 to index
        %get3A_274 = tpu.vector_load %arg10[%get3A_273] {strides = array<i32>} : memref<2048xi32, #tpu.memory_space<vmem>>, vector<16xi32>,
        %add3A_275 = arith.constant 2 : i32
        %add3A_276 = arith.addi %add3A_238, %add3A_275 : i32
        %mul3A_277 = arith.constant 16 : i32
        %mul3A_278 = arith.muli %add3A_276, %mul3A_277 : i32
        %get3A_279 = arith.index_cast %mul3A_278 : i32 to index
        %get3A_280 = tpu.vector_load %arg10[%get3A_279] {strides = array<i32>} : memref<2048xi32, #tpu.memory_space<vmem>>, vector<16xi32>,
        %add3A_281 = arith.constant 3 : i32
        %add3A_282 = arith.addi %add3A_238, %add3A_281 : i32
        %mul3A_283 = arith.constant 16 : i32
        %mul3A_284 = arith.muli %add3A_282, %mul3A_283 : i32
        %get3A_285 = arith.index_cast %mul3A_284 : i32 to index
        %get3A_286 = tpu.vector_load %arg10[%get3A_285] {strides = array<i32>} : memref<2048xi32, #tpu.memory_space<vmem>>, vector<16xi32>,
        %slice3A = vector.extract_strided_slice %get3A_234 {offsets = [0], sizes = [1], strides = [1]} : vector<16xi32> to vector<1xi32>
        %squeeze3A = vector.extract %slice3A[0] : i32 from vector<1xi32>
        %add3A_287 = vector.broadcast %squeeze3A : i32 to vector<16xi32>
        %add3A_288 = arith.addi %get3A_268, %add3A_287 : vector<16xi32>
        %shift_right_arithmetic3A = arith.constant 16 : i32
        %shift_right_arithmetic3A_289 = vector.broadcast %shift_right_arithmetic3A : i32 to vector<16xi32>
        %shift_right_arithmetic3A_290 = arith.shrsi %get3A_244, %shift_right_arithmetic3A_289 : vector<16xi32>
        %and3A_291 = arith.constant 65535 : i32
        %and3A_292 = vector.broadcast %and3A_291 : i32 to vector<16xi32>
        %and3A_293 = arith.andi %get3A_244, %and3A_292 : vector<16xi32>
        %shift_right_arithmetic3A_294 = arith.constant 16 : i32
        %shift_right_arithmetic3A_295 = vector.broadcast %shift_right_arithmetic3A_294 : i32 to vector<16xi32>
        %shift_right_arithmetic3A_296 = arith.shrsi %add3A_288, %shift_right_arithmetic3A_295 : vector<16xi32>
        %and3A_297 = arith.constant 65535 : i32
        %and3A_298 = vector.broadcast %and3A_297 : i32 to vector<16xi32>
        %and3A_299 = arith.andi %add3A_288, %and3A_298 : vector<16xi32>
        %shift_left3A = arith.constant 1 : i32
        %shift_left3A_300 = vector.broadcast %shift_left3A : i32 to vector<16xi32>
        %shift_left3A_301 = arith.shli %and3A_299, %shift_left3A_300 : vector<16xi32>
        %sub3A_302 = arith.subi %shift_left3A_301, %and3A_293 : vector<16xi32>
        %add3A_303 = arith.constant 1 : i32
        %add3A_304 = vector.broadcast %add3A_303 : i32 to vector<16xi32>
        %add3A_305 = arith.addi %sub3A_302, %add3A_304 : vector<16xi32>
        %shift_left3A_306 = arith.constant 1 : i32
        %shift_left3A_307 = vector.broadcast %shift_left3A_306 : i32 to vector<16xi32>
        %shift_left3A_308 = arith.shli %shift_right_arithmetic3A_296, %shift_left3A_307 : vector<16xi32>
        %sub3A_309 = arith.subi %shift_left3A_308, %shift_right_arithmetic3A_290 : vector<16xi32>
        %add3A_310 = arith.constant 1 : i32
        %add3A_311 = vector.broadcast %add3A_310 : i32 to vector<16xi32>
        %add3A_312 = arith.addi %sub3A_309, %add3A_311 : vector<16xi32>
        %convert_element_type3A_313 = arith.sitofp %and3A_293 : vector<16xi32> to vector<16xf32>
        %convert_element_type3A_314 = arith.sitofp %add3A_305 : vector<16xi32> to vector<16xf32>
        %mul3A_315 = arith.mulf %convert_element_type3A_313, %convert_element_type3A_314 : vector<16xf32>
        %convert_element_type3A_316 = arith.sitofp %add3A_312 : vector<16xi32> to vector<16xf32>
        %div3A_317 = arith.divf %mul3A_315, %convert_element_type3A_316 : vector<16xf32>
        %slice3A_318 = vector.extract_strided_slice %get3A_234 {offsets = [1], sizes = [1], strides = [1]} : vector<16xi32> to vector<1xi32>
        %squeeze3A_319 = vector.extract %slice3A_318[0] : i32 from vector<1xi32>
        %add3A_320 = vector.broadcast %squeeze3A_319 : i32 to vector<16xi32>
        %add3A_321 = arith.addi %get3A_274, %add3A_320 : vector<16xi32>
        %shift_right_arithmetic3A_322 = arith.constant 16 : i32
        %shift_right_arithmetic3A_323 = vector.broadcast %shift_right_arithmetic3A_322 : i32 to vector<16xi32>
        %shift_right_arithmetic3A_324 = arith.shrsi %get3A_250, %shift_right_arithmetic3A_323 : vector<16xi32>
        %and3A_325 = arith.constant 65535 : i32
        %and3A_326 = vector.broadcast %and3A_325 : i32 to vector<16xi32>
        %and3A_327 = arith.andi %get3A_250, %and3A_326 : vector<16xi32>
        %shift_right_arithmetic3A_328 = arith.constant 16 : i32
        %shift_right_arithmetic3A_329 = vector.broadcast %shift_right_arithmetic3A_328 : i32 to vector<16xi32>
        %shift_right_arithmetic3A_330 = arith.shrsi %add3A_321, %shift_right_arithmetic3A_329 : vector<16xi32>
        %and3A_331 = arith.constant 65535 : i32
        %and3A_332 = vector.broadcast %and3A_331 : i32 to vector<16xi32>
        %and3A_333 = arith.andi %add3A_321, %and3A_332 : vector<16xi32>
        %shift_left3A_334 = arith.constant 1 : i32
        %shift_left3A_335 = vector.broadcast %shift_left3A_334 : i32 to vector<16xi32>
        %shift_left3A_336 = arith.shli %and3A_333, %shift_left3A_335 : vector<16xi32>
        %sub3A_337 = arith.subi %shift_left3A_336, %and3A_327 : vector<16xi32>
        %add3A_338 = arith.constant 1 : i32
        %add3A_339 = vector.broadcast %add3A_338 : i32 to vector<16xi32>
        %add3A_340 = arith.addi %sub3A_337, %add3A_339 : vector<16xi32>
        %shift_left3A_341 = arith.constant 1 : i32
        %shift_left3A_342 = vector.broadcast %shift_left3A_341 : i32 to vector<16xi32>
        %shift_left3A_343 = arith.shli %shift_right_arithmetic3A_330, %shift_left3A_342 : vector<16xi32>
        %sub3A_344 = arith.subi %shift_left3A_343, %shift_right_arithmetic3A_324 : vector<16xi32>
        %add3A_345 = arith.constant 1 : i32
        %add3A_346 = vector.broadcast %add3A_345 : i32 to vector<16xi32>
        %add3A_347 = arith.addi %sub3A_344, %add3A_346 : vector<16xi32>
        %convert_element_type3A_348 = arith.sitofp %and3A_327 : vector<16xi32> to vector<16xf32>
        %convert_element_type3A_349 = arith.sitofp %add3A_340 : vector<16xi32> to vector<16xf32>
        %mul3A_350 = arith.mulf %convert_element_type3A_348, %convert_element_type3A_349 : vector<16xf32>
        %convert_element_type3A_351 = arith.sitofp %add3A_347 : vector<16xi32> to vector<16xf32>
        %div3A_352 = arith.divf %mul3A_350, %convert_element_type3A_351 : vector<16xf32>
        %slice3A_353 = vector.extract_strided_slice %get3A_234 {offsets = [2], sizes = [1], strides = [1]} : vector<16xi32> to vector<1xi32>
        %squeeze3A_354 = vector.extract %slice3A_353[0] : i32 from vector<1xi32>
        %add3A_355 = vector.broadcast %squeeze3A_354 : i32 to vector<16xi32>
        %add3A_356 = arith.addi %get3A_280, %add3A_355 : vector<16xi32>
        %shift_right_arithmetic3A_357 = arith.constant 16 : i32
        %shift_right_arithmetic3A_358 = vector.broadcast %shift_right_arithmetic3A_357 : i32 to vector<16xi32>
        %shift_right_arithmetic3A_359 = arith.shrsi %get3A_256, %shift_right_arithmetic3A_358 : vector<16xi32>
        %and3A_360 = arith.constant 65535 : i32
        %and3A_361 = vector.broadcast %and3A_360 : i32 to vector<16xi32>
        %and3A_362 = arith.andi %get3A_256, %and3A_361 : vector<16xi32>
        %shift_right_arithmetic3A_363 = arith.constant 16 : i32
        %shift_right_arithmetic3A_364 = vector.broadcast %shift_right_arithmetic3A_363 : i32 to vector<16xi32>
        %shift_right_arithmetic3A_365 = arith.shrsi %add3A_356, %shift_right_arithmetic3A_364 : vector<16xi32>
        %and3A_366 = arith.constant 65535 : i32
        %and3A_367 = vector.broadcast %and3A_366 : i32 to vector<16xi32>
        %and3A_368 = arith.andi %add3A_356, %and3A_367 : vector<16xi32>
        %shift_left3A_369 = arith.constant 1 : i32
        %shift_left3A_370 = vector.broadcast %shift_left3A_369 : i32 to vector<16xi32>
        %shift_left3A_371 = arith.shli %and3A_368, %shift_left3A_370 : vector<16xi32>
        %sub3A_372 = arith.subi %shift_left3A_371, %and3A_362 : vector<16xi32>
        %add3A_373 = arith.constant 1 : i32
        %add3A_374 = vector.broadcast %add3A_373 : i32 to vector<16xi32>
        %add3A_375 = arith.addi %sub3A_372, %add3A_374 : vector<16xi32>
        %shift_left3A_376 = arith.constant 1 : i32
        %shift_left3A_377 = vector.broadcast %shift_left3A_376 : i32 to vector<16xi32>
        %shift_left3A_378 = arith.shli %shift_right_arithmetic3A_365, %shift_left3A_377 : vector<16xi32>
        %sub3A_379 = arith.subi %shift_left3A_378, %shift_right_arithmetic3A_359 : vector<16xi32>
        %add3A_380 = arith.constant 1 : i32
        %add3A_381 = vector.broadcast %add3A_380 : i32 to vector<16xi32>
        %add3A_382 = arith.addi %sub3A_379, %add3A_381 : vector<16xi32>
        %convert_element_type3A_383 = arith.sitofp %and3A_362 : vector<16xi32> to vector<16xf32>
        %convert_element_type3A_384 = arith.sitofp %add3A_375 : vector<16xi32> to vector<16xf32>
        %mul3A_385 = arith.mulf %convert_element_type3A_383, %convert_element_type3A_384 : vector<16xf32>
        %convert_element_type3A_386 = arith.sitofp %add3A_382 : vector<16xi32> to vector<16xf32>
        %div3A_387 = arith.divf %mul3A_385, %convert_element_type3A_386 : vector<16xf32>
        %slice3A_388 = vector.extract_strided_slice %get3A_234 {offsets = [3], sizes = [1], strides = [1]} : vector<16xi32> to vector<1xi32>
        %squeeze3A_389 = vector.extract %slice3A_388[0] : i32 from vector<1xi32>
        %add3A_390 = vector.broadcast %squeeze3A_389 : i32 to vector<16xi32>
        %add3A_391 = arith.addi %get3A_286, %add3A_390 : vector<16xi32>
        %shift_right_arithmetic3A_392 = arith.constant 16 : i32
        %shift_right_arithmetic3A_393 = vector.broadcast %shift_right_arithmetic3A_392 : i32 to vector<16xi32>
        %shift_right_arithmetic3A_394 = arith.shrsi %get3A_262, %shift_right_arithmetic3A_393 : vector<16xi32>
        %and3A_395 = arith.constant 65535 : i32
        %and3A_396 = vector.broadcast %and3A_395 : i32 to vector<16xi32>
        %and3A_397 = arith.andi %get3A_262, %and3A_396 : vector<16xi32>
        %shift_right_arithmetic3A_398 = arith.constant 16 : i32
        %shift_right_arithmetic3A_399 = vector.broadcast %shift_right_arithmetic3A_398 : i32 to vector<16xi32>
        %shift_right_arithmetic3A_400 = arith.shrsi %add3A_391, %shift_right_arithmetic3A_399 : vector<16xi32>
        %and3A_401 = arith.constant 65535 : i32
        %and3A_402 = vector.broadcast %and3A_401 : i32 to vector<16xi32>
        %and3A_403 = arith.andi %add3A_391, %and3A_402 : vector<16xi32>
        %shift_left3A_404 = arith.constant 1 : i32
        %shift_left3A_405 = vector.broadcast %shift_left3A_404 : i32 to vector<16xi32>
        %shift_left3A_406 = arith.shli %and3A_403, %shift_left3A_405 : vector<16xi32>
        %sub3A_407 = arith.subi %shift_left3A_406, %and3A_397 : vector<16xi32>
        %add3A_408 = arith.constant 1 : i32
        %add3A_409 = vector.broadcast %add3A_408 : i32 to vector<16xi32>
        %add3A_410 = arith.addi %sub3A_407, %add3A_409 : vector<16xi32>
        %shift_left3A_411 = arith.constant 1 : i32
        %shift_left3A_412 = vector.broadcast %shift_left3A_411 : i32 to vector<16xi32>
        %shift_left3A_413 = arith.shli %shift_right_arithmetic3A_400, %shift_left3A_412 : vector<16xi32>
        %sub3A_414 = arith.subi %shift_left3A_413, %shift_right_arithmetic3A_394 : vector<16xi32>
        %add3A_415 = arith.constant 1 : i32
        %add3A_416 = vector.broadcast %add3A_415 : i32 to vector<16xi32>
        %add3A_417 = arith.addi %sub3A_414, %add3A_416 : vector<16xi32>
        %convert_element_type3A_418 = arith.sitofp %and3A_397 : vector<16xi32> to vector<16xf32>
        %convert_element_type3A_419 = arith.sitofp %add3A_410 : vector<16xi32> to vector<16xf32>
        %mul3A_420 = arith.mulf %convert_element_type3A_418, %convert_element_type3A_419 : vector<16xf32>
        %convert_element_type3A_421 = arith.sitofp %add3A_417 : vector<16xi32> to vector<16xf32>
        %div3A_422 = arith.divf %mul3A_420, %convert_element_type3A_421 : vector<16xf32>
        %add3A_423 = arith.addf %div3A_317, %div3A_352 : vector<16xf32>
        %add3A_424 = arith.addf %div3A_387, %div3A_422 : vector<16xf32>
        %add3A_425 = arith.addf %add3A_423, %add3A_424 : vector<16xf32>
        %add3A_426 = arith.addf %scan3A_231, %add3A_425 : vector<16xf32>
        %mul3A_427 = arith.constant 16 : i32
        %mul3A_428 = arith.muli %scan3A_230, %mul3A_427 : i32
        %add3A_429 = arith.constant 4 : i32
        %add3A_430 = arith.addi %mul3A_428, %add3A_429 : i32
        %add3A_431 = arith.constant 0 : i32
        %add3A_432 = arith.addi %add3A_430, %add3A_431 : i32
        %mul3A_433 = arith.constant 16 : i32
        %mul3A_434 = arith.muli %add3A_432, %mul3A_433 : i32
        %get3A_435 = arith.index_cast %mul3A_434 : i32 to index
        %get3A_436 = tpu.vector_load %arg11[%get3A_435] {strides = array<i32>} : memref<2048xi32, #tpu.memory_space<vmem>>, vector<16xi32>,
        %add3A_437 = arith.constant 1 : i32
        %add3A_438 = arith.addi %add3A_430, %add3A_437 : i32
        %mul3A_439 = arith.constant 16 : i32
        %mul3A_440 = arith.muli %add3A_438, %mul3A_439 : i32
        %get3A_441 = arith.index_cast %mul3A_440 : i32 to index
        %get3A_442 = tpu.vector_load %arg11[%get3A_441] {strides = array<i32>} : memref<2048xi32, #tpu.memory_space<vmem>>, vector<16xi32>,
        %add3A_443 = arith.constant 2 : i32
        %add3A_444 = arith.addi %add3A_430, %add3A_443 : i32
        %mul3A_445 = arith.constant 16 : i32
        %mul3A_446 = arith.muli %add3A_444, %mul3A_445 : i32
        %get3A_447 = arith.index_cast %mul3A_446 : i32 to index
        %get3A_448 = tpu.vector_load %arg11[%get3A_447] {strides = array<i32>} : memref<2048xi32, #tpu.memory_space<vmem>>, vector<16xi32>,
        %add3A_449 = arith.constant 3 : i32
        %add3A_450 = arith.addi %add3A_430, %add3A_449 : i32
        %mul3A_451 = arith.constant 16 : i32
        %mul3A_452 = arith.muli %add3A_450, %mul3A_451 : i32
        %get3A_453 = arith.index_cast %mul3A_452 : i32 to index
        %get3A_454 = tpu.vector_load %arg11[%get3A_453] {strides = array<i32>} : memref<2048xi32, #tpu.memory_space<vmem>>, vector<16xi32>,
        %add3A_455 = arith.constant 0 : i32
        %add3A_456 = arith.addi %add3A_430, %add3A_455 : i32
        %mul3A_457 = arith.constant 16 : i32
        %mul3A_458 = arith.muli %add3A_456, %mul3A_457 : i32
        %get3A_459 = arith.index_cast %mul3A_458 : i32 to index
        %get3A_460 = tpu.vector_load %arg10[%get3A_459] {strides = array<i32>} : memref<2048xi32, #tpu.memory_space<vmem>>, vector<16xi32>,
        %add3A_461 = arith.constant 1 : i32
        %add3A_462 = arith.addi %add3A_430, %add3A_461 : i32
        %mul3A_463 = arith.constant 16 : i32
        %mul3A_464 = arith.muli %add3A_462, %mul3A_463 : i32
        %get3A_465 = arith.index_cast %mul3A_464 : i32 to index
        %get3A_466 = tpu.vector_load %arg10[%get3A_465] {strides = array<i32>} : memref<2048xi32, #tpu.memory_space<vmem>>, vector<16xi32>,
        %add3A_467 = arith.constant 2 : i32
        %add3A_468 = arith.addi %add3A_430, %add3A_467 : i32
        %mul3A_469 = arith.constant 16 : i32
        %mul3A_470 = arith.muli %add3A_468, %mul3A_469 : i32
        %get3A_471 = arith.index_cast %mul3A_470 : i32 to index
        %get3A_472 = tpu.vector_load %arg10[%get3A_471] {strides = array<i32>} : memref<2048xi32, #tpu.memory_space<vmem>>, vector<16xi32>,
        %add3A_473 = arith.constant 3 : i32
        %add3A_474 = arith.addi %add3A_430, %add3A_473 : i32
        %mul3A_475 = arith.constant 16 : i32
        %mul3A_476 = arith.muli %add3A_474, %mul3A_475 : i32
        %get3A_477 = arith.index_cast %mul3A_476 : i32 to index
        %get3A_478 = tpu.vector_load %arg10[%get3A_477] {strides = array<i32>} : memref<2048xi32, #tpu.memory_space<vmem>>, vector<16xi32>,
        %slice3A_479 = vector.extract_strided_slice %get3A_234 {offsets = [4], sizes = [1], strides = [1]} : vector<16xi32> to vector<1xi32>
        %squeeze3A_480 = vector.extract %slice3A_479[0] : i32 from vector<1xi32>
        %add3A_481 = vector.broadcast %squeeze3A_480 : i32 to vector<16xi32>
        %add3A_482 = arith.addi %get3A_460, %add3A_481 : vector<16xi32>
        %shift_right_arithmetic3A_483 = arith.constant 16 : i32
        %shift_right_arithmetic3A_484 = vector.broadcast %shift_right_arithmetic3A_483 : i32 to vector<16xi32>
        %shift_right_arithmetic3A_485 = arith.shrsi %get3A_436, %shift_right_arithmetic3A_484 : vector<16xi32>
        %and3A_486 = arith.constant 65535 : i32
        %and3A_487 = vector.broadcast %and3A_486 : i32 to vector<16xi32>
        %and3A_488 = arith.andi %get3A_436, %and3A_487 : vector<16xi32>
        %shift_right_arithmetic3A_489 = arith.constant 16 : i32
        %shift_right_arithmetic3A_490 = vector.broadcast %shift_right_arithmetic3A_489 : i32 to vector<16xi32>
        %shift_right_arithmetic3A_491 = arith.shrsi %add3A_482, %shift_right_arithmetic3A_490 : vector<16xi32>
        %and3A_492 = arith.constant 65535 : i32
        %and3A_493 = vector.broadcast %and3A_492 : i32 to vector<16xi32>
        %and3A_494 = arith.andi %add3A_482, %and3A_493 : vector<16xi32>
        %shift_left3A_495 = arith.constant 1 : i32
        %shift_left3A_496 = vector.broadcast %shift_left3A_495 : i32 to vector<16xi32>
        %shift_left3A_497 = arith.shli %and3A_494, %shift_left3A_496 : vector<16xi32>
        %sub3A_498 = arith.subi %shift_left3A_497, %and3A_488 : vector<16xi32>
        %add3A_499 = arith.constant 1 : i32
        %add3A_500 = vector.broadcast %add3A_499 : i32 to vector<16xi32>
        %add3A_501 = arith.addi %sub3A_498, %add3A_500 : vector<16xi32>
        %shift_left3A_502 = arith.constant 1 : i32
        %shift_left3A_503 = vector.broadcast %shift_left3A_502 : i32 to vector<16xi32>
        %shift_left3A_504 = arith.shli %shift_right_arithmetic3A_491, %shift_left3A_503 : vector<16xi32>
        %sub3A_505 = arith.subi %shift_left3A_504, %shift_right_arithmetic3A_485 : vector<16xi32>
        %add3A_506 = arith.constant 1 : i32
        %add3A_507 = vector.broadcast %add3A_506 : i32 to vector<16xi32>
        %add3A_508 = arith.addi %sub3A_505, %add3A_507 : vector<16xi32>
        %convert_element_type3A_509 = arith.sitofp %and3A_488 : vector<16xi32> to vector<16xf32>
        %convert_element_type3A_510 = arith.sitofp %add3A_501 : vector<16xi32> to vector<16xf32>
        %mul3A_511 = arith.mulf %convert_element_type3A_509, %convert_element_type3A_510 : vector<16xf32>
        %convert_element_type3A_512 = arith.sitofp %add3A_508 : vector<16xi32> to vector<16xf32>
        %div3A_513 = arith.divf %mul3A_511, %convert_element_type3A_512 : vector<16xf32>
        %slice3A_514 = vector.extract_strided_slice %get3A_234 {offsets = [5], sizes = [1], strides = [1]} : vector<16xi32> to vector<1xi32>
        %squeeze3A_515 = vector.extract %slice3A_514[0] : i32 from vector<1xi32>
        %add3A_516 = vector.broadcast %squeeze3A_515 : i32 to vector<16xi32>
        %add3A_517 = arith.addi %get3A_466, %add3A_516 : vector<16xi32>
        %shift_right_arithmetic3A_518 = arith.constant 16 : i32
        %shift_right_arithmetic3A_519 = vector.broadcast %shift_right_arithmetic3A_518 : i32 to vector<16xi32>
        %shift_right_arithmetic3A_520 = arith.shrsi %get3A_442, %shift_right_arithmetic3A_519 : vector<16xi32>
        %and3A_521 = arith.constant 65535 : i32
        %and3A_522 = vector.broadcast %and3A_521 : i32 to vector<16xi32>
        %and3A_523 = arith.andi %get3A_442, %and3A_522 : vector<16xi32>
        %shift_right_arithmetic3A_524 = arith.constant 16 : i32
        %shift_right_arithmetic3A_525 = vector.broadcast %shift_right_arithmetic3A_524 : i32 to vector<16xi32>
        %shift_right_arithmetic3A_526 = arith.shrsi %add3A_517, %shift_right_arithmetic3A_525 : vector<16xi32>
        %and3A_527 = arith.constant 65535 : i32
        %and3A_528 = vector.broadcast %and3A_527 : i32 to vector<16xi32>
        %and3A_529 = arith.andi %add3A_517, %and3A_528 : vector<16xi32>
        %shift_left3A_530 = arith.constant 1 : i32
        %shift_left3A_531 = vector.broadcast %shift_left3A_530 : i32 to vector<16xi32>
        %shift_left3A_532 = arith.shli %and3A_529, %shift_left3A_531 : vector<16xi32>
        %sub3A_533 = arith.subi %shift_left3A_532, %and3A_523 : vector<16xi32>
        %add3A_534 = arith.constant 1 : i32
        %add3A_535 = vector.broadcast %add3A_534 : i32 to vector<16xi32>
        %add3A_536 = arith.addi %sub3A_533, %add3A_535 : vector<16xi32>
        %shift_left3A_537 = arith.constant 1 : i32
        %shift_left3A_538 = vector.broadcast %shift_left3A_537 : i32 to vector<16xi32>
        %shift_left3A_539 = arith.shli %shift_right_arithmetic3A_526, %shift_left3A_538 : vector<16xi32>
        %sub3A_540 = arith.subi %shift_left3A_539, %shift_right_arithmetic3A_520 : vector<16xi32>
        %add3A_541 = arith.constant 1 : i32
        %add3A_542 = vector.broadcast %add3A_541 : i32 to vector<16xi32>
        %add3A_543 = arith.addi %sub3A_540, %add3A_542 : vector<16xi32>
        %convert_element_type3A_544 = arith.sitofp %and3A_523 : vector<16xi32> to vector<16xf32>
        %convert_element_type3A_545 = arith.sitofp %add3A_536 : vector<16xi32> to vector<16xf32>
        %mul3A_546 = arith.mulf %convert_element_type3A_544, %convert_element_type3A_545 : vector<16xf32>
        %convert_element_type3A_547 = arith.sitofp %add3A_543 : vector<16xi32> to vector<16xf32>
        %div3A_548 = arith.divf %mul3A_546, %convert_element_type3A_547 : vector<16xf32>
        %slice3A_549 = vector.extract_strided_slice %get3A_234 {offsets = [6], sizes = [1], strides = [1]} : vector<16xi32> to vector<1xi32>
        %squeeze3A_550 = vector.extract %slice3A_549[0] : i32 from vector<1xi32>
        %add3A_551 = vector.broadcast %squeeze3A_550 : i32 to vector<16xi32>
        %add3A_552 = arith.addi %get3A_472, %add3A_551 : vector<16xi32>
        %shift_right_arithmetic3A_553 = arith.constant 16 : i32
        %shift_right_arithmetic3A_554 = vector.broadcast %shift_right_arithmetic3A_553 : i32 to vector<16xi32>
        %shift_right_arithmetic3A_555 = arith.shrsi %get3A_448, %shift_right_arithmetic3A_554 : vector<16xi32>
        %and3A_556 = arith.constant 65535 : i32
        %and3A_557 = vector.broadcast %and3A_556 : i32 to vector<16xi32>
        %and3A_558 = arith.andi %get3A_448, %and3A_557 : vector<16xi32>
        %shift_right_arithmetic3A_559 = arith.constant 16 : i32
        %shift_right_arithmetic3A_560 = vector.broadcast %shift_right_arithmetic3A_559 : i32 to vector<16xi32>
        %shift_right_arithmetic3A_561 = arith.shrsi %add3A_552, %shift_right_arithmetic3A_560 : vector<16xi32>
        %and3A_562 = arith.constant 65535 : i32
        %and3A_563 = vector.broadcast %and3A_562 : i32 to vector<16xi32>
        %and3A_564 = arith.andi %add3A_552, %and3A_563 : vector<16xi32>
        %shift_left3A_565 = arith.constant 1 : i32
        %shift_left3A_566 = vector.broadcast %shift_left3A_565 : i32 to vector<16xi32>
        %shift_left3A_567 = arith.shli %and3A_564, %shift_left3A_566 : vector<16xi32>
        %sub3A_568 = arith.subi %shift_left3A_567, %and3A_558 : vector<16xi32>
        %add3A_569 = arith.constant 1 : i32
        %add3A_570 = vector.broadcast %add3A_569 : i32 to vector<16xi32>
        %add3A_571 = arith.addi %sub3A_568, %add3A_570 : vector<16xi32>
        %shift_left3A_572 = arith.constant 1 : i32
        %shift_left3A_573 = vector.broadcast %shift_left3A_572 : i32 to vector<16xi32>
        %shift_left3A_574 = arith.shli %shift_right_arithmetic3A_561, %shift_left3A_573 : vector<16xi32>
        %sub3A_575 = arith.subi %shift_left3A_574, %shift_right_arithmetic3A_555 : vector<16xi32>
        %add3A_576 = arith.constant 1 : i32
        %add3A_577 = vector.broadcast %add3A_576 : i32 to vector<16xi32>
        %add3A_578 = arith.addi %sub3A_575, %add3A_577 : vector<16xi32>
        %convert_element_type3A_579 = arith.sitofp %and3A_558 : vector<16xi32> to vector<16xf32>
        %convert_element_type3A_580 = arith.sitofp %add3A_571 : vector<16xi32> to vector<16xf32>
        %mul3A_581 = arith.mulf %convert_element_type3A_579, %convert_element_type3A_580 : vector<16xf32>
        %convert_element_type3A_582 = arith.sitofp %add3A_578 : vector<16xi32> to vector<16xf32>
        %div3A_583 = arith.divf %mul3A_581, %convert_element_type3A_582 : vector<16xf32>
        %slice3A_584 = vector.extract_strided_slice %get3A_234 {offsets = [7], sizes = [1], strides = [1]} : vector<16xi32> to vector<1xi32>
        %squeeze3A_585 = vector.extract %slice3A_584[0] : i32 from vector<1xi32>
        %add3A_586 = vector.broadcast %squeeze3A_585 : i32 to vector<16xi32>
        %add3A_587 = arith.addi %get3A_478, %add3A_586 : vector<16xi32>
        %shift_right_arithmetic3A_588 = arith.constant 16 : i32
        %shift_right_arithmetic3A_589 = vector.broadcast %shift_right_arithmetic3A_588 : i32 to vector<16xi32>
        %shift_right_arithmetic3A_590 = arith.shrsi %get3A_454, %shift_right_arithmetic3A_589 : vector<16xi32>
        %and3A_591 = arith.constant 65535 : i32
        %and3A_592 = vector.broadcast %and3A_591 : i32 to vector<16xi32>
        %and3A_593 = arith.andi %get3A_454, %and3A_592 : vector<16xi32>
        %shift_right_arithmetic3A_594 = arith.constant 16 : i32
        %shift_right_arithmetic3A_595 = vector.broadcast %shift_right_arithmetic3A_594 : i32 to vector<16xi32>
        %shift_right_arithmetic3A_596 = arith.shrsi %add3A_587, %shift_right_arithmetic3A_595 : vector<16xi32>
        %and3A_597 = arith.constant 65535 : i32
        %and3A_598 = vector.broadcast %and3A_597 : i32 to vector<16xi32>
        %and3A_599 = arith.andi %add3A_587, %and3A_598 : vector<16xi32>
        %shift_left3A_600 = arith.constant 1 : i32
        %shift_left3A_601 = vector.broadcast %shift_left3A_600 : i32 to vector<16xi32>
        %shift_left3A_602 = arith.shli %and3A_599, %shift_left3A_601 : vector<16xi32>
        %sub3A_603 = arith.subi %shift_left3A_602, %and3A_593 : vector<16xi32>
        %add3A_604 = arith.constant 1 : i32
        %add3A_605 = vector.broadcast %add3A_604 : i32 to vector<16xi32>
        %add3A_606 = arith.addi %sub3A_603, %add3A_605 : vector<16xi32>
        %shift_left3A_607 = arith.constant 1 : i32
        %shift_left3A_608 = vector.broadcast %shift_left3A_607 : i32 to vector<16xi32>
        %shift_left3A_609 = arith.shli %shift_right_arithmetic3A_596, %shift_left3A_608 : vector<16xi32>
        %sub3A_610 = arith.subi %shift_left3A_609, %shift_right_arithmetic3A_590 : vector<16xi32>
        %add3A_611 = arith.constant 1 : i32
        %add3A_612 = vector.broadcast %add3A_611 : i32 to vector<16xi32>
        %add3A_613 = arith.addi %sub3A_610, %add3A_612 : vector<16xi32>
        %convert_element_type3A_614 = arith.sitofp %and3A_593 : vector<16xi32> to vector<16xf32>
        %convert_element_type3A_615 = arith.sitofp %add3A_606 : vector<16xi32> to vector<16xf32>
        %mul3A_616 = arith.mulf %convert_element_type3A_614, %convert_element_type3A_615 : vector<16xf32>
        %convert_element_type3A_617 = arith.sitofp %add3A_613 : vector<16xi32> to vector<16xf32>
        %div3A_618 = arith.divf %mul3A_616, %convert_element_type3A_617 : vector<16xf32>
        %add3A_619 = arith.addf %div3A_513, %div3A_548 : vector<16xf32>
        %add3A_620 = arith.addf %div3A_583, %div3A_618 : vector<16xf32>
        %add3A_621 = arith.addf %add3A_619, %add3A_620 : vector<16xf32>
        %add3A_622 = arith.addf %add3A_426, %add3A_621 : vector<16xf32>
        %mul3A_623 = arith.constant 16 : i32
        %mul3A_624 = arith.muli %scan3A_230, %mul3A_623 : i32
        %add3A_625 = arith.constant 8 : i32
        %add3A_626 = arith.addi %mul3A_624, %add3A_625 : i32
        %add3A_627 = arith.constant 0 : i32
        %add3A_628 = arith.addi %add3A_626, %add3A_627 : i32
        %mul3A_629 = arith.constant 16 : i32
        %mul3A_630 = arith.muli %add3A_628, %mul3A_629 : i32
        %get3A_631 = arith.index_cast %mul3A_630 : i32 to index
        %get3A_632 = tpu.vector_load %arg11[%get3A_631] {strides = array<i32>} : memref<2048xi32, #tpu.memory_space<vmem>>, vector<16xi32>,
        %add3A_633 = arith.constant 1 : i32
        %add3A_634 = arith.addi %add3A_626, %add3A_633 : i32
        %mul3A_635 = arith.constant 16 : i32
        %mul3A_636 = arith.muli %add3A_634, %mul3A_635 : i32
        %get3A_637 = arith.index_cast %mul3A_636 : i32 to index
        %get3A_638 = tpu.vector_load %arg11[%get3A_637] {strides = array<i32>} : memref<2048xi32, #tpu.memory_space<vmem>>, vector<16xi32>,
        %add3A_639 = arith.constant 2 : i32
        %add3A_640 = arith.addi %add3A_626, %add3A_639 : i32
        %mul3A_641 = arith.constant 16 : i32
        %mul3A_642 = arith.muli %add3A_640, %mul3A_641 : i32
        %get3A_643 = arith.index_cast %mul3A_642 : i32 to index
        %get3A_644 = tpu.vector_load %arg11[%get3A_643] {strides = array<i32>} : memref<2048xi32, #tpu.memory_space<vmem>>, vector<16xi32>,
        %add3A_645 = arith.constant 3 : i32
        %add3A_646 = arith.addi %add3A_626, %add3A_645 : i32
        %mul3A_647 = arith.constant 16 : i32
        %mul3A_648 = arith.muli %add3A_646, %mul3A_647 : i32
        %get3A_649 = arith.index_cast %mul3A_648 : i32 to index
        %get3A_650 = tpu.vector_load %arg11[%get3A_649] {strides = array<i32>} : memref<2048xi32, #tpu.memory_space<vmem>>, vector<16xi32>,
        %add3A_651 = arith.constant 0 : i32
        %add3A_652 = arith.addi %add3A_626, %add3A_651 : i32
        %mul3A_653 = arith.constant 16 : i32
        %mul3A_654 = arith.muli %add3A_652, %mul3A_653 : i32
        %get3A_655 = arith.index_cast %mul3A_654 : i32 to index
        %get3A_656 = tpu.vector_load %arg10[%get3A_655] {strides = array<i32>} : memref<2048xi32, #tpu.memory_space<vmem>>, vector<16xi32>,
        %add3A_657 = arith.constant 1 : i32
        %add3A_658 = arith.addi %add3A_626, %add3A_657 : i32
        %mul3A_659 = arith.constant 16 : i32
        %mul3A_660 = arith.muli %add3A_658, %mul3A_659 : i32
        %get3A_661 = arith.index_cast %mul3A_660 : i32 to index
        %get3A_662 = tpu.vector_load %arg10[%get3A_661] {strides = array<i32>} : memref<2048xi32, #tpu.memory_space<vmem>>, vector<16xi32>,
        %add3A_663 = arith.constant 2 : i32
        %add3A_664 = arith.addi %add3A_626, %add3A_663 : i32
        %mul3A_665 = arith.constant 16 : i32
        %mul3A_666 = arith.muli %add3A_664, %mul3A_665 : i32
        %get3A_667 = arith.index_cast %mul3A_666 : i32 to index
        %get3A_668 = tpu.vector_load %arg10[%get3A_667] {strides = array<i32>} : memref<2048xi32, #tpu.memory_space<vmem>>, vector<16xi32>,
        %add3A_669 = arith.constant 3 : i32
        %add3A_670 = arith.addi %add3A_626, %add3A_669 : i32
        %mul3A_671 = arith.constant 16 : i32
        %mul3A_672 = arith.muli %add3A_670, %mul3A_671 : i32
        %get3A_673 = arith.index_cast %mul3A_672 : i32 to index
        %get3A_674 = tpu.vector_load %arg10[%get3A_673] {strides = array<i32>} : memref<2048xi32, #tpu.memory_space<vmem>>, vector<16xi32>,
        %slice3A_675 = vector.extract_strided_slice %get3A_234 {offsets = [8], sizes = [1], strides = [1]} : vector<16xi32> to vector<1xi32>
        %squeeze3A_676 = vector.extract %slice3A_675[0] : i32 from vector<1xi32>
        %add3A_677 = vector.broadcast %squeeze3A_676 : i32 to vector<16xi32>
        %add3A_678 = arith.addi %get3A_656, %add3A_677 : vector<16xi32>
        %shift_right_arithmetic3A_679 = arith.constant 16 : i32
        %shift_right_arithmetic3A_680 = vector.broadcast %shift_right_arithmetic3A_679 : i32 to vector<16xi32>
        %shift_right_arithmetic3A_681 = arith.shrsi %get3A_632, %shift_right_arithmetic3A_680 : vector<16xi32>
        %and3A_682 = arith.constant 65535 : i32
        %and3A_683 = vector.broadcast %and3A_682 : i32 to vector<16xi32>
        %and3A_684 = arith.andi %get3A_632, %and3A_683 : vector<16xi32>
        %shift_right_arithmetic3A_685 = arith.constant 16 : i32
        %shift_right_arithmetic3A_686 = vector.broadcast %shift_right_arithmetic3A_685 : i32 to vector<16xi32>
        %shift_right_arithmetic3A_687 = arith.shrsi %add3A_678, %shift_right_arithmetic3A_686 : vector<16xi32>
        %and3A_688 = arith.constant 65535 : i32
        %and3A_689 = vector.broadcast %and3A_688 : i32 to vector<16xi32>
        %and3A_690 = arith.andi %add3A_678, %and3A_689 : vector<16xi32>
        %shift_left3A_691 = arith.constant 1 : i32
        %shift_left3A_692 = vector.broadcast %shift_left3A_691 : i32 to vector<16xi32>
        %shift_left3A_693 = arith.shli %and3A_690, %shift_left3A_692 : vector<16xi32>
        %sub3A_694 = arith.subi %shift_left3A_693, %and3A_684 : vector<16xi32>
        %add3A_695 = arith.constant 1 : i32
        %add3A_696 = vector.broadcast %add3A_695 : i32 to vector<16xi32>
        %add3A_697 = arith.addi %sub3A_694, %add3A_696 : vector<16xi32>
        %shift_left3A_698 = arith.constant 1 : i32
        %shift_left3A_699 = vector.broadcast %shift_left3A_698 : i32 to vector<16xi32>
        %shift_left3A_700 = arith.shli %shift_right_arithmetic3A_687, %shift_left3A_699 : vector<16xi32>
        %sub3A_701 = arith.subi %shift_left3A_700, %shift_right_arithmetic3A_681 : vector<16xi32>
        %add3A_702 = arith.constant 1 : i32
        %add3A_703 = vector.broadcast %add3A_702 : i32 to vector<16xi32>
        %add3A_704 = arith.addi %sub3A_701, %add3A_703 : vector<16xi32>
        %convert_element_type3A_705 = arith.sitofp %and3A_684 : vector<16xi32> to vector<16xf32>
        %convert_element_type3A_706 = arith.sitofp %add3A_697 : vector<16xi32> to vector<16xf32>
        %mul3A_707 = arith.mulf %convert_element_type3A_705, %convert_element_type3A_706 : vector<16xf32>
        %convert_element_type3A_708 = arith.sitofp %add3A_704 : vector<16xi32> to vector<16xf32>
        %div3A_709 = arith.divf %mul3A_707, %convert_element_type3A_708 : vector<16xf32>
        %slice3A_710 = vector.extract_strided_slice %get3A_234 {offsets = [9], sizes = [1], strides = [1]} : vector<16xi32> to vector<1xi32>
        %squeeze3A_711 = vector.extract %slice3A_710[0] : i32 from vector<1xi32>
        %add3A_712 = vector.broadcast %squeeze3A_711 : i32 to vector<16xi32>
        %add3A_713 = arith.addi %get3A_662, %add3A_712 : vector<16xi32>
        %shift_right_arithmetic3A_714 = arith.constant 16 : i32
        %shift_right_arithmetic3A_715 = vector.broadcast %shift_right_arithmetic3A_714 : i32 to vector<16xi32>
        %shift_right_arithmetic3A_716 = arith.shrsi %get3A_638, %shift_right_arithmetic3A_715 : vector<16xi32>
        %and3A_717 = arith.constant 65535 : i32
        %and3A_718 = vector.broadcast %and3A_717 : i32 to vector<16xi32>
        %and3A_719 = arith.andi %get3A_638, %and3A_718 : vector<16xi32>
        %shift_right_arithmetic3A_720 = arith.constant 16 : i32
        %shift_right_arithmetic3A_721 = vector.broadcast %shift_right_arithmetic3A_720 : i32 to vector<16xi32>
        %shift_right_arithmetic3A_722 = arith.shrsi %add3A_713, %shift_right_arithmetic3A_721 : vector<16xi32>
        %and3A_723 = arith.constant 65535 : i32
        %and3A_724 = vector.broadcast %and3A_723 : i32 to vector<16xi32>
        %and3A_725 = arith.andi %add3A_713, %and3A_724 : vector<16xi32>
        %shift_left3A_726 = arith.constant 1 : i32
        %shift_left3A_727 = vector.broadcast %shift_left3A_726 : i32 to vector<16xi32>
        %shift_left3A_728 = arith.shli %and3A_725, %shift_left3A_727 : vector<16xi32>
        %sub3A_729 = arith.subi %shift_left3A_728, %and3A_719 : vector<16xi32>
        %add3A_730 = arith.constant 1 : i32
        %add3A_731 = vector.broadcast %add3A_730 : i32 to vector<16xi32>
        %add3A_732 = arith.addi %sub3A_729, %add3A_731 : vector<16xi32>
        %shift_left3A_733 = arith.constant 1 : i32
        %shift_left3A_734 = vector.broadcast %shift_left3A_733 : i32 to vector<16xi32>
        %shift_left3A_735 = arith.shli %shift_right_arithmetic3A_722, %shift_left3A_734 : vector<16xi32>
        %sub3A_736 = arith.subi %shift_left3A_735, %shift_right_arithmetic3A_716 : vector<16xi32>
        %add3A_737 = arith.constant 1 : i32
        %add3A_738 = vector.broadcast %add3A_737 : i32 to vector<16xi32>
        %add3A_739 = arith.addi %sub3A_736, %add3A_738 : vector<16xi32>
        %convert_element_type3A_740 = arith.sitofp %and3A_719 : vector<16xi32> to vector<16xf32>
        %convert_element_type3A_741 = arith.sitofp %add3A_732 : vector<16xi32> to vector<16xf32>
        %mul3A_742 = arith.mulf %convert_element_type3A_740, %convert_element_type3A_741 : vector<16xf32>
        %convert_element_type3A_743 = arith.sitofp %add3A_739 : vector<16xi32> to vector<16xf32>
        %div3A_744 = arith.divf %mul3A_742, %convert_element_type3A_743 : vector<16xf32>
        %slice3A_745 = vector.extract_strided_slice %get3A_234 {offsets = [10], sizes = [1], strides = [1]} : vector<16xi32> to vector<1xi32>
        %squeeze3A_746 = vector.extract %slice3A_745[0] : i32 from vector<1xi32>
        %add3A_747 = vector.broadcast %squeeze3A_746 : i32 to vector<16xi32>
        %add3A_748 = arith.addi %get3A_668, %add3A_747 : vector<16xi32>
        %shift_right_arithmetic3A_749 = arith.constant 16 : i32
        %shift_right_arithmetic3A_750 = vector.broadcast %shift_right_arithmetic3A_749 : i32 to vector<16xi32>
        %shift_right_arithmetic3A_751 = arith.shrsi %get3A_644, %shift_right_arithmetic3A_750 : vector<16xi32>
        %and3A_752 = arith.constant 65535 : i32
        %and3A_753 = vector.broadcast %and3A_752 : i32 to vector<16xi32>
        %and3A_754 = arith.andi %get3A_644, %and3A_753 : vector<16xi32>
        %shift_right_arithmetic3A_755 = arith.constant 16 : i32
        %shift_right_arithmetic3A_756 = vector.broadcast %shift_right_arithmetic3A_755 : i32 to vector<16xi32>
        %shift_right_arithmetic3A_757 = arith.shrsi %add3A_748, %shift_right_arithmetic3A_756 : vector<16xi32>
        %and3A_758 = arith.constant 65535 : i32
        %and3A_759 = vector.broadcast %and3A_758 : i32 to vector<16xi32>
        %and3A_760 = arith.andi %add3A_748, %and3A_759 : vector<16xi32>
        %shift_left3A_761 = arith.constant 1 : i32
        %shift_left3A_762 = vector.broadcast %shift_left3A_761 : i32 to vector<16xi32>
        %shift_left3A_763 = arith.shli %and3A_760, %shift_left3A_762 : vector<16xi32>
        %sub3A_764 = arith.subi %shift_left3A_763, %and3A_754 : vector<16xi32>
        %add3A_765 = arith.constant 1 : i32
        %add3A_766 = vector.broadcast %add3A_765 : i32 to vector<16xi32>
        %add3A_767 = arith.addi %sub3A_764, %add3A_766 : vector<16xi32>
        %shift_left3A_768 = arith.constant 1 : i32
        %shift_left3A_769 = vector.broadcast %shift_left3A_768 : i32 to vector<16xi32>
        %shift_left3A_770 = arith.shli %shift_right_arithmetic3A_757, %shift_left3A_769 : vector<16xi32>
        %sub3A_771 = arith.subi %shift_left3A_770, %shift_right_arithmetic3A_751 : vector<16xi32>
        %add3A_772 = arith.constant 1 : i32
        %add3A_773 = vector.broadcast %add3A_772 : i32 to vector<16xi32>
        %add3A_774 = arith.addi %sub3A_771, %add3A_773 : vector<16xi32>
        %convert_element_type3A_775 = arith.sitofp %and3A_754 : vector<16xi32> to vector<16xf32>
        %convert_element_type3A_776 = arith.sitofp %add3A_767 : vector<16xi32> to vector<16xf32>
        %mul3A_777 = arith.mulf %convert_element_type3A_775, %convert_element_type3A_776 : vector<16xf32>
        %convert_element_type3A_778 = arith.sitofp %add3A_774 : vector<16xi32> to vector<16xf32>
        %div3A_779 = arith.divf %mul3A_777, %convert_element_type3A_778 : vector<16xf32>
        %slice3A_780 = vector.extract_strided_slice %get3A_234 {offsets = [11], sizes = [1], strides = [1]} : vector<16xi32> to vector<1xi32>
        %squeeze3A_781 = vector.extract %slice3A_780[0] : i32 from vector<1xi32>
        %add3A_782 = vector.broadcast %squeeze3A_781 : i32 to vector<16xi32>
        %add3A_783 = arith.addi %get3A_674, %add3A_782 : vector<16xi32>
        %shift_right_arithmetic3A_784 = arith.constant 16 : i32
        %shift_right_arithmetic3A_785 = vector.broadcast %shift_right_arithmetic3A_784 : i32 to vector<16xi32>
        %shift_right_arithmetic3A_786 = arith.shrsi %get3A_650, %shift_right_arithmetic3A_785 : vector<16xi32>
        %and3A_787 = arith.constant 65535 : i32
        %and3A_788 = vector.broadcast %and3A_787 : i32 to vector<16xi32>
        %and3A_789 = arith.andi %get3A_650, %and3A_788 : vector<16xi32>
        %shift_right_arithmetic3A_790 = arith.constant 16 : i32
        %shift_right_arithmetic3A_791 = vector.broadcast %shift_right_arithmetic3A_790 : i32 to vector<16xi32>
        %shift_right_arithmetic3A_792 = arith.shrsi %add3A_783, %shift_right_arithmetic3A_791 : vector<16xi32>
        %and3A_793 = arith.constant 65535 : i32
        %and3A_794 = vector.broadcast %and3A_793 : i32 to vector<16xi32>
        %and3A_795 = arith.andi %add3A_783, %and3A_794 : vector<16xi32>
        %shift_left3A_796 = arith.constant 1 : i32
        %shift_left3A_797 = vector.broadcast %shift_left3A_796 : i32 to vector<16xi32>
        %shift_left3A_798 = arith.shli %and3A_795, %shift_left3A_797 : vector<16xi32>
        %sub3A_799 = arith.subi %shift_left3A_798, %and3A_789 : vector<16xi32>
        %add3A_800 = arith.constant 1 : i32
        %add3A_801 = vector.broadcast %add3A_800 : i32 to vector<16xi32>
        %add3A_802 = arith.addi %sub3A_799, %add3A_801 : vector<16xi32>
        %shift_left3A_803 = arith.constant 1 : i32
        %shift_left3A_804 = vector.broadcast %shift_left3A_803 : i32 to vector<16xi32>
        %shift_left3A_805 = arith.shli %shift_right_arithmetic3A_792, %shift_left3A_804 : vector<16xi32>
        %sub3A_806 = arith.subi %shift_left3A_805, %shift_right_arithmetic3A_786 : vector<16xi32>
        %add3A_807 = arith.constant 1 : i32
        %add3A_808 = vector.broadcast %add3A_807 : i32 to vector<16xi32>
        %add3A_809 = arith.addi %sub3A_806, %add3A_808 : vector<16xi32>
        %convert_element_type3A_810 = arith.sitofp %and3A_789 : vector<16xi32> to vector<16xf32>
        %convert_element_type3A_811 = arith.sitofp %add3A_802 : vector<16xi32> to vector<16xf32>
        %mul3A_812 = arith.mulf %convert_element_type3A_810, %convert_element_type3A_811 : vector<16xf32>
        %convert_element_type3A_813 = arith.sitofp %add3A_809 : vector<16xi32> to vector<16xf32>
        %div3A_814 = arith.divf %mul3A_812, %convert_element_type3A_813 : vector<16xf32>
        %add3A_815 = arith.addf %div3A_709, %div3A_744 : vector<16xf32>
        %add3A_816 = arith.addf %div3A_779, %div3A_814 : vector<16xf32>
        %add3A_817 = arith.addf %add3A_815, %add3A_816 : vector<16xf32>
        %add3A_818 = arith.addf %add3A_622, %add3A_817 : vector<16xf32>
        %mul3A_819 = arith.constant 16 : i32
        %mul3A_820 = arith.muli %scan3A_230, %mul3A_819 : i32
        %add3A_821 = arith.constant 12 : i32
        %add3A_822 = arith.addi %mul3A_820, %add3A_821 : i32
        %add3A_823 = arith.constant 0 : i32
        %add3A_824 = arith.addi %add3A_822, %add3A_823 : i32
        %mul3A_825 = arith.constant 16 : i32
        %mul3A_826 = arith.muli %add3A_824, %mul3A_825 : i32
        %get3A_827 = arith.index_cast %mul3A_826 : i32 to index
        %get3A_828 = tpu.vector_load %arg11[%get3A_827] {strides = array<i32>} : memref<2048xi32, #tpu.memory_space<vmem>>, vector<16xi32>,
        %add3A_829 = arith.constant 1 : i32
        %add3A_830 = arith.addi %add3A_822, %add3A_829 : i32
        %mul3A_831 = arith.constant 16 : i32
        %mul3A_832 = arith.muli %add3A_830, %mul3A_831 : i32
        %get3A_833 = arith.index_cast %mul3A_832 : i32 to index
        %get3A_834 = tpu.vector_load %arg11[%get3A_833] {strides = array<i32>} : memref<2048xi32, #tpu.memory_space<vmem>>, vector<16xi32>,
        %add3A_835 = arith.constant 2 : i32
        %add3A_836 = arith.addi %add3A_822, %add3A_835 : i32
        %mul3A_837 = arith.constant 16 : i32
        %mul3A_838 = arith.muli %add3A_836, %mul3A_837 : i32
        %get3A_839 = arith.index_cast %mul3A_838 : i32 to index
        %get3A_840 = tpu.vector_load %arg11[%get3A_839] {strides = array<i32>} : memref<2048xi32, #tpu.memory_space<vmem>>, vector<16xi32>,
        %add3A_841 = arith.constant 3 : i32
        %add3A_842 = arith.addi %add3A_822, %add3A_841 : i32
        %mul3A_843 = arith.constant 16 : i32
        %mul3A_844 = arith.muli %add3A_842, %mul3A_843 : i32
        %get3A_845 = arith.index_cast %mul3A_844 : i32 to index
        %get3A_846 = tpu.vector_load %arg11[%get3A_845] {strides = array<i32>} : memref<2048xi32, #tpu.memory_space<vmem>>, vector<16xi32>,
        %add3A_847 = arith.constant 0 : i32
        %add3A_848 = arith.addi %add3A_822, %add3A_847 : i32
        %mul3A_849 = arith.constant 16 : i32
        %mul3A_850 = arith.muli %add3A_848, %mul3A_849 : i32
        %get3A_851 = arith.index_cast %mul3A_850 : i32 to index
        %get3A_852 = tpu.vector_load %arg10[%get3A_851] {strides = array<i32>} : memref<2048xi32, #tpu.memory_space<vmem>>, vector<16xi32>,
        %add3A_853 = arith.constant 1 : i32
        %add3A_854 = arith.addi %add3A_822, %add3A_853 : i32
        %mul3A_855 = arith.constant 16 : i32
        %mul3A_856 = arith.muli %add3A_854, %mul3A_855 : i32
        %get3A_857 = arith.index_cast %mul3A_856 : i32 to index
        %get3A_858 = tpu.vector_load %arg10[%get3A_857] {strides = array<i32>} : memref<2048xi32, #tpu.memory_space<vmem>>, vector<16xi32>,
        %add3A_859 = arith.constant 2 : i32
        %add3A_860 = arith.addi %add3A_822, %add3A_859 : i32
        %mul3A_861 = arith.constant 16 : i32
        %mul3A_862 = arith.muli %add3A_860, %mul3A_861 : i32
        %get3A_863 = arith.index_cast %mul3A_862 : i32 to index
        %get3A_864 = tpu.vector_load %arg10[%get3A_863] {strides = array<i32>} : memref<2048xi32, #tpu.memory_space<vmem>>, vector<16xi32>,
        %add3A_865 = arith.constant 3 : i32
        %add3A_866 = arith.addi %add3A_822, %add3A_865 : i32
        %mul3A_867 = arith.constant 16 : i32
        %mul3A_868 = arith.muli %add3A_866, %mul3A_867 : i32
        %get3A_869 = arith.index_cast %mul3A_868 : i32 to index
        %get3A_870 = tpu.vector_load %arg10[%get3A_869] {strides = array<i32>} : memref<2048xi32, #tpu.memory_space<vmem>>, vector<16xi32>,
        %slice3A_871 = vector.extract_strided_slice %get3A_234 {offsets = [12], sizes = [1], strides = [1]} : vector<16xi32> to vector<1xi32>
        %squeeze3A_872 = vector.extract %slice3A_871[0] : i32 from vector<1xi32>
        %add3A_873 = vector.broadcast %squeeze3A_872 : i32 to vector<16xi32>
        %add3A_874 = arith.addi %get3A_852, %add3A_873 : vector<16xi32>
        %shift_right_arithmetic3A_875 = arith.constant 16 : i32
        %shift_right_arithmetic3A_876 = vector.broadcast %shift_right_arithmetic3A_875 : i32 to vector<16xi32>
        %shift_right_arithmetic3A_877 = arith.shrsi %get3A_828, %shift_right_arithmetic3A_876 : vector<16xi32>
        %and3A_878 = arith.constant 65535 : i32
        %and3A_879 = vector.broadcast %and3A_878 : i32 to vector<16xi32>
        %and3A_880 = arith.andi %get3A_828, %and3A_879 : vector<16xi32>
        %shift_right_arithmetic3A_881 = arith.constant 16 : i32
        %shift_right_arithmetic3A_882 = vector.broadcast %shift_right_arithmetic3A_881 : i32 to vector<16xi32>
        %shift_right_arithmetic3A_883 = arith.shrsi %add3A_874, %shift_right_arithmetic3A_882 : vector<16xi32>
        %and3A_884 = arith.constant 65535 : i32
        %and3A_885 = vector.broadcast %and3A_884 : i32 to vector<16xi32>
        %and3A_886 = arith.andi %add3A_874, %and3A_885 : vector<16xi32>
        %shift_left3A_887 = arith.constant 1 : i32
        %shift_left3A_888 = vector.broadcast %shift_left3A_887 : i32 to vector<16xi32>
        %shift_left3A_889 = arith.shli %and3A_886, %shift_left3A_888 : vector<16xi32>
        %sub3A_890 = arith.subi %shift_left3A_889, %and3A_880 : vector<16xi32>
        %add3A_891 = arith.constant 1 : i32
        %add3A_892 = vector.broadcast %add3A_891 : i32 to vector<16xi32>
        %add3A_893 = arith.addi %sub3A_890, %add3A_892 : vector<16xi32>
        %shift_left3A_894 = arith.constant 1 : i32
        %shift_left3A_895 = vector.broadcast %shift_left3A_894 : i32 to vector<16xi32>
        %shift_left3A_896 = arith.shli %shift_right_arithmetic3A_883, %shift_left3A_895 : vector<16xi32>
        %sub3A_897 = arith.subi %shift_left3A_896, %shift_right_arithmetic3A_877 : vector<16xi32>
        %add3A_898 = arith.constant 1 : i32
        %add3A_899 = vector.broadcast %add3A_898 : i32 to vector<16xi32>
        %add3A_900 = arith.addi %sub3A_897, %add3A_899 : vector<16xi32>
        %convert_element_type3A_901 = arith.sitofp %and3A_880 : vector<16xi32> to vector<16xf32>
        %convert_element_type3A_902 = arith.sitofp %add3A_893 : vector<16xi32> to vector<16xf32>
        %mul3A_903 = arith.mulf %convert_element_type3A_901, %convert_element_type3A_902 : vector<16xf32>
        %convert_element_type3A_904 = arith.sitofp %add3A_900 : vector<16xi32> to vector<16xf32>
        %div3A_905 = arith.divf %mul3A_903, %convert_element_type3A_904 : vector<16xf32>
        %slice3A_906 = vector.extract_strided_slice %get3A_234 {offsets = [13], sizes = [1], strides = [1]} : vector<16xi32> to vector<1xi32>
        %squeeze3A_907 = vector.extract %slice3A_906[0] : i32 from vector<1xi32>
        %add3A_908 = vector.broadcast %squeeze3A_907 : i32 to vector<16xi32>
        %add3A_909 = arith.addi %get3A_858, %add3A_908 : vector<16xi32>
        %shift_right_arithmetic3A_910 = arith.constant 16 : i32
        %shift_right_arithmetic3A_911 = vector.broadcast %shift_right_arithmetic3A_910 : i32 to vector<16xi32>
        %shift_right_arithmetic3A_912 = arith.shrsi %get3A_834, %shift_right_arithmetic3A_911 : vector<16xi32>
        %and3A_913 = arith.constant 65535 : i32
        %and3A_914 = vector.broadcast %and3A_913 : i32 to vector<16xi32>
        %and3A_915 = arith.andi %get3A_834, %and3A_914 : vector<16xi32>
        %shift_right_arithmetic3A_916 = arith.constant 16 : i32
        %shift_right_arithmetic3A_917 = vector.broadcast %shift_right_arithmetic3A_916 : i32 to vector<16xi32>
        %shift_right_arithmetic3A_918 = arith.shrsi %add3A_909, %shift_right_arithmetic3A_917 : vector<16xi32>
        %and3A_919 = arith.constant 65535 : i32
        %and3A_920 = vector.broadcast %and3A_919 : i32 to vector<16xi32>
        %and3A_921 = arith.andi %add3A_909, %and3A_920 : vector<16xi32>
        %shift_left3A_922 = arith.constant 1 : i32
        %shift_left3A_923 = vector.broadcast %shift_left3A_922 : i32 to vector<16xi32>
        %shift_left3A_924 = arith.shli %and3A_921, %shift_left3A_923 : vector<16xi32>
        %sub3A_925 = arith.subi %shift_left3A_924, %and3A_915 : vector<16xi32>
        %add3A_926 = arith.constant 1 : i32
        %add3A_927 = vector.broadcast %add3A_926 : i32 to vector<16xi32>
        %add3A_928 = arith.addi %sub3A_925, %add3A_927 : vector<16xi32>
        %shift_left3A_929 = arith.constant 1 : i32
        %shift_left3A_930 = vector.broadcast %shift_left3A_929 : i32 to vector<16xi32>
        %shift_left3A_931 = arith.shli %shift_right_arithmetic3A_918, %shift_left3A_930 : vector<16xi32>
        %sub3A_932 = arith.subi %shift_left3A_931, %shift_right_arithmetic3A_912 : vector<16xi32>
        %add3A_933 = arith.constant 1 : i32
        %add3A_934 = vector.broadcast %add3A_933 : i32 to vector<16xi32>
        %add3A_935 = arith.addi %sub3A_932, %add3A_934 : vector<16xi32>
        %convert_element_type3A_936 = arith.sitofp %and3A_915 : vector<16xi32> to vector<16xf32>
        %convert_element_type3A_937 = arith.sitofp %add3A_928 : vector<16xi32> to vector<16xf32>
        %mul3A_938 = arith.mulf %convert_element_type3A_936, %convert_element_type3A_937 : vector<16xf32>
        %convert_element_type3A_939 = arith.sitofp %add3A_935 : vector<16xi32> to vector<16xf32>
        %div3A_940 = arith.divf %mul3A_938, %convert_element_type3A_939 : vector<16xf32>
        %slice3A_941 = vector.extract_strided_slice %get3A_234 {offsets = [14], sizes = [1], strides = [1]} : vector<16xi32> to vector<1xi32>
        %squeeze3A_942 = vector.extract %slice3A_941[0] : i32 from vector<1xi32>
        %add3A_943 = vector.broadcast %squeeze3A_942 : i32 to vector<16xi32>
        %add3A_944 = arith.addi %get3A_864, %add3A_943 : vector<16xi32>
        %shift_right_arithmetic3A_945 = arith.constant 16 : i32
        %shift_right_arithmetic3A_946 = vector.broadcast %shift_right_arithmetic3A_945 : i32 to vector<16xi32>
        %shift_right_arithmetic3A_947 = arith.shrsi %get3A_840, %shift_right_arithmetic3A_946 : vector<16xi32>
        %and3A_948 = arith.constant 65535 : i32
        %and3A_949 = vector.broadcast %and3A_948 : i32 to vector<16xi32>
        %and3A_950 = arith.andi %get3A_840, %and3A_949 : vector<16xi32>
        %shift_right_arithmetic3A_951 = arith.constant 16 : i32
        %shift_right_arithmetic3A_952 = vector.broadcast %shift_right_arithmetic3A_951 : i32 to vector<16xi32>
        %shift_right_arithmetic3A_953 = arith.shrsi %add3A_944, %shift_right_arithmetic3A_952 : vector<16xi32>
        %and3A_954 = arith.constant 65535 : i32
        %and3A_955 = vector.broadcast %and3A_954 : i32 to vector<16xi32>
        %and3A_956 = arith.andi %add3A_944, %and3A_955 : vector<16xi32>
        %shift_left3A_957 = arith.constant 1 : i32
        %shift_left3A_958 = vector.broadcast %shift_left3A_957 : i32 to vector<16xi32>
        %shift_left3A_959 = arith.shli %and3A_956, %shift_left3A_958 : vector<16xi32>
        %sub3A_960 = arith.subi %shift_left3A_959, %and3A_950 : vector<16xi32>
        %add3A_961 = arith.constant 1 : i32
        %add3A_962 = vector.broadcast %add3A_961 : i32 to vector<16xi32>
        %add3A_963 = arith.addi %sub3A_960, %add3A_962 : vector<16xi32>
        %shift_left3A_964 = arith.constant 1 : i32
        %shift_left3A_965 = vector.broadcast %shift_left3A_964 : i32 to vector<16xi32>
        %shift_left3A_966 = arith.shli %shift_right_arithmetic3A_953, %shift_left3A_965 : vector<16xi32>
        %sub3A_967 = arith.subi %shift_left3A_966, %shift_right_arithmetic3A_947 : vector<16xi32>
        %add3A_968 = arith.constant 1 : i32
        %add3A_969 = vector.broadcast %add3A_968 : i32 to vector<16xi32>
        %add3A_970 = arith.addi %sub3A_967, %add3A_969 : vector<16xi32>
        %convert_element_type3A_971 = arith.sitofp %and3A_950 : vector<16xi32> to vector<16xf32>
        %convert_element_type3A_972 = arith.sitofp %add3A_963 : vector<16xi32> to vector<16xf32>
        %mul3A_973 = arith.mulf %convert_element_type3A_971, %convert_element_type3A_972 : vector<16xf32>
        %convert_element_type3A_974 = arith.sitofp %add3A_970 : vector<16xi32> to vector<16xf32>
        %div3A_975 = arith.divf %mul3A_973, %convert_element_type3A_974 : vector<16xf32>
        %slice3A_976 = vector.extract_strided_slice %get3A_234 {offsets = [15], sizes = [1], strides = [1]} : vector<16xi32> to vector<1xi32>
        %squeeze3A_977 = vector.extract %slice3A_976[0] : i32 from vector<1xi32>
        %add3A_978 = vector.broadcast %squeeze3A_977 : i32 to vector<16xi32>
        %add3A_979 = arith.addi %get3A_870, %add3A_978 : vector<16xi32>
        %shift_right_arithmetic3A_980 = arith.constant 16 : i32
        %shift_right_arithmetic3A_981 = vector.broadcast %shift_right_arithmetic3A_980 : i32 to vector<16xi32>
        %shift_right_arithmetic3A_982 = arith.shrsi %get3A_846, %shift_right_arithmetic3A_981 : vector<16xi32>
        %and3A_983 = arith.constant 65535 : i32
        %and3A_984 = vector.broadcast %and3A_983 : i32 to vector<16xi32>
        %and3A_985 = arith.andi %get3A_846, %and3A_984 : vector<16xi32>
        %shift_right_arithmetic3A_986 = arith.constant 16 : i32
        %shift_right_arithmetic3A_987 = vector.broadcast %shift_right_arithmetic3A_986 : i32 to vector<16xi32>
        %shift_right_arithmetic3A_988 = arith.shrsi %add3A_979, %shift_right_arithmetic3A_987 : vector<16xi32>
        %and3A_989 = arith.constant 65535 : i32
        %and3A_990 = vector.broadcast %and3A_989 : i32 to vector<16xi32>
        %and3A_991 = arith.andi %add3A_979, %and3A_990 : vector<16xi32>
        %shift_left3A_992 = arith.constant 1 : i32
        %shift_left3A_993 = vector.broadcast %shift_left3A_992 : i32 to vector<16xi32>
        %shift_left3A_994 = arith.shli %and3A_991, %shift_left3A_993 : vector<16xi32>
        %sub3A_995 = arith.subi %shift_left3A_994, %and3A_985 : vector<16xi32>
        %add3A_996 = arith.constant 1 : i32
        %add3A_997 = vector.broadcast %add3A_996 : i32 to vector<16xi32>
        %add3A_998 = arith.addi %sub3A_995, %add3A_997 : vector<16xi32>
        %shift_left3A_999 = arith.constant 1 : i32
        %shift_left3A_1000 = vector.broadcast %shift_left3A_999 : i32 to vector<16xi32>
        %shift_left3A_1001 = arith.shli %shift_right_arithmetic3A_988, %shift_left3A_1000 : vector<16xi32>
        %sub3A_1002 = arith.subi %shift_left3A_1001, %shift_right_arithmetic3A_982 : vector<16xi32>
        %add3A_1003 = arith.constant 1 : i32
        %add3A_1004 = vector.broadcast %add3A_1003 : i32 to vector<16xi32>
        %add3A_1005 = arith.addi %sub3A_1002, %add3A_1004 : vector<16xi32>
        %convert_element_type3A_1006 = arith.sitofp %and3A_985 : vector<16xi32> to vector<16xf32>
        %convert_element_type3A_1007 = arith.sitofp %add3A_998 : vector<16xi32> to vector<16xf32>
        %mul3A_1008 = arith.mulf %convert_element_type3A_1006, %convert_element_type3A_1007 : vector<16xf32>
        %convert_element_type3A_1009 = arith.sitofp %add3A_1005 : vector<16xi32> to vector<16xf32>
        %div3A_1010 = arith.divf %mul3A_1008, %convert_element_type3A_1009 : vector<16xf32>
        %add3A_1011 = arith.addf %div3A_905, %div3A_940 : vector<16xf32>
        %add3A_1012 = arith.addf %div3A_975, %div3A_1010 : vector<16xf32>
        %add3A_1013 = arith.addf %add3A_1011, %add3A_1012 : vector<16xf32>
        %add3A_1014 = arith.addf %add3A_818, %add3A_1013 : vector<16xf32>
        scf.yield %add3A_1014 : vector<16xf32>
      }
      %scan3A_208 = arith.constant 8 : i32
      %broadcast_in_dim3A_209 = arith.constant 0.000000e+00 : f32
      %broadcast_in_dim3A_210 = vector.broadcast %broadcast_in_dim3A_209 : f32 to vector<16xf32>
      %reduce_sum3A_211 = arith.constant true
      %reduce_sum3A_212 = vector.broadcast %reduce_sum3A_211 : i1 to vector<16xi1>
      %reduce_sum3A_213 = tpu.scan <sum>, %scan3A_207 masked %reduce_sum3A_212 : vector<16xf32>, vector<16xi1> -> vector<16xf32>
      %reduce_sum3A_214 = vector.extract %reduce_sum3A_213[15] : f32 from vector<16xf32>
      %add3A_215 = vector.broadcast %reduce_sum3A_214 : f32 to vector<16xf32>
      %add3A_216 = arith.addf %add3A_215, %broadcast_in_dim3A_210 : vector<16xf32>
      %convert_element_type3A_217 = arith.sitofp %and3A_200 : i32 to f32
      %add3A_218 = arith.constant 9.99999974E-6 : f32
      %add3A_219 = arith.addf %convert_element_type3A_217, %add3A_218 : f32
      %add3A_220 = vector.broadcast %add3A_219 : f32 to vector<16xf32>
      %add3A_221 = arith.addf %add3A_220, %broadcast_in_dim3A_210 : vector<16xf32>
      %broadcast_in_dim3A_222 = arith.constant 0 : i32
      %broadcast_in_dim3A_223 = vector.broadcast %broadcast_in_dim3A_222 : i32 to vector<16xi32>
      %add3A_224 = vector.broadcast %add3A_164 : i32 to vector<16xi32>
      %add3A_225 = arith.addi %broadcast_in_dim3A_223, %add3A_224 : vector<16xi32>
      %div3A_226 = arith.divf %add3A_216, %add3A_221 : vector<16xf32>
      %eq3A_227 = arith.constant 0 : i32
      %eq3A_228 = vector.broadcast %eq3A_227 : i32 to vector<16xi32>
      %eq3A_229 = arith.cmpi eq, %iota3A, %eq3A_228 : vector<16xi32>
      tpu.vector_store_idx %arg13[%add3A_225], %div3A_226 masked %eq3A_229 : memref<64xf32, #tpu.memory_space<vmem>>[vector<16xi32>], vector<16xf32>, vector<16xi1>
    }
    %scan3A_31 = arith.constant 32 : i32
    %dma_wait3A = arith.constant 0 : i32
    %dma_wait3A_32 = tpu.memref_slice %arg2[%sub3A_23, %dma_wait3A] : memref<2048x16384xf32, #tpu.memory_space<hbm>> -> memref<1x16384xf32, #tpu.memory_space<hbm>>
    %dma_wait3A_33 = tpu.memref_squeeze %dma_wait3A_32 : memref<1x16384xf32, #tpu.memory_space<hbm>> -> memref<16384xf32, #tpu.memory_space<hbm>>
    %dma_wait3A_34 = arith.constant 0 : i32
    %dma_wait3A_35 = tpu.memref_slice %arg2[%sub3A_23, %dma_wait3A_34] : memref<2048x16384xf32, #tpu.memory_space<hbm>> -> memref<1x16384xf32, #tpu.memory_space<hbm>>
    %dma_wait3A_36 = tpu.memref_squeeze %dma_wait3A_35 : memref<1x16384xf32, #tpu.memory_space<hbm>> -> memref<16384xf32, #tpu.memory_space<hbm>>
    tpu.wait_dma2 semaphore(%arg14 : memref<!tpu.dma_semaphore, #tpu.memory_space<semaphore_mem>>) src(%dma_wait3A_36 : memref<16384xf32, #tpu.memory_space<hbm>>) dst(%arg5 : memref<16384xf32, #tpu.memory_space<vmem>>)
    %dma_wait3A_37 = arith.constant 0 : i32
    %dma_wait3A_38 = tpu.memref_slice %arg3[%sub3A_23, %dma_wait3A_37] : memref<2048x16384xi32, #tpu.memory_space<hbm>> -> memref<1x16384xi32, #tpu.memory_space<hbm>>
    %dma_wait3A_39 = tpu.memref_squeeze %dma_wait3A_38 : memref<1x16384xi32, #tpu.memory_space<hbm>> -> memref<16384xi32, #tpu.memory_space<hbm>>
    %dma_wait3A_40 = arith.constant 0 : i32
    %dma_wait3A_41 = tpu.memref_slice %arg3[%sub3A_23, %dma_wait3A_40] : memref<2048x16384xi32, #tpu.memory_space<hbm>> -> memref<1x16384xi32, #tpu.memory_space<hbm>>
    %dma_wait3A_42 = tpu.memref_squeeze %dma_wait3A_41 : memref<1x16384xi32, #tpu.memory_space<hbm>> -> memref<16384xi32, #tpu.memory_space<hbm>>
    tpu.wait_dma2 semaphore(%arg16 : memref<!tpu.dma_semaphore, #tpu.memory_space<semaphore_mem>>) src(%dma_wait3A_42 : memref<16384xi32, #tpu.memory_space<hbm>>) dst(%arg7 : memref<16384xi32, #tpu.memory_space<vmem>>)
    "tpu.region"() ({
      %run_scoped3A = tpu.sem_alloc : memref<!tpu.dma_semaphore, #tpu.memory_space<semaphore_mem>>
      %dma_start3A_43 = tpu.memref_slice %arg4[%mul3A_4] : memref<2048xf32, #tpu.memory_space<hbm>> -> memref<64xf32, #tpu.memory_space<hbm>>
      %dma_start3A_44 = tpu.memref_slice %arg4[%mul3A_4] : memref<2048xf32, #tpu.memory_space<hbm>> -> memref<64xf32, #tpu.memory_space<hbm>>
      tpu.enqueue_dma source(%arg13 : memref<64xf32, #tpu.memory_space<vmem>>) target(%dma_start3A_44 : memref<64xf32, #tpu.memory_space<hbm>>) target_semaphore(%run_scoped3A : memref<!tpu.dma_semaphore, #tpu.memory_space<semaphore_mem>>)
      %dma_wait3A_45 = tpu.memref_slice %arg4[%mul3A_4] : memref<2048xf32, #tpu.memory_space<hbm>> -> memref<64xf32, #tpu.memory_space<hbm>>
      %dma_wait3A_46 = tpu.memref_slice %arg4[%mul3A_4] : memref<2048xf32, #tpu.memory_space<hbm>> -> memref<64xf32, #tpu.memory_space<hbm>>
      tpu.wait_dma2 semaphore(%run_scoped3A : memref<!tpu.dma_semaphore, #tpu.memory_space<semaphore_mem>>) src(%arg13 : memref<64xf32, #tpu.memory_space<vmem>>) dst(%dma_wait3A_46 : memref<64xf32, #tpu.memory_space<hbm>>)
      tpu.yield
    }) : () -> ()
    return
  }
}

module attributes {stable_mosaic.version = 14 : i64} {
  func.func @_tc_finish(%arg0: memref<16x128xf32, #tpu.memory_space<vmem>>, %arg1: memref<1x1xf32, #tpu.memory_space<smem>>) attributes {dimension_semantics = [], scalar_prefetch = 0 : i64, scratch_operands = 0 : i64, tpu.core_type = #tpu.core_type<tc>} {
    %get3A = arith.constant 0 : index
    %get3A_0 = arith.constant 0 : index
    %get3A_1 = vector.load %arg0[%get3A, %get3A_0] : memref<16x128xf32, #tpu.memory_space<vmem>>, vector<16x128xf32>
    %reduce_sum3A = vector.shape_cast %get3A_1 : vector<16x128xf32> to vector<1x16x128xf32>
    %reduce_sum3A_2 = arith.constant dense<0.000000e+00> : vector<1xf32>
    %reduce_sum3A_3 = vector.multi_reduction <add>, %reduce_sum3A, %reduce_sum3A_2 [1, 2] : vector<1x16x128xf32> to vector<1xf32>
    %reduce_sum3A_4 = vector.shape_cast %reduce_sum3A_3 : vector<1xf32> to vector<1x1x1xf32>
    %reduce_sum3A_5 = vector.extract %reduce_sum3A_4[0, 0, 0] : f32 from vector<1x1x1xf32>
    %div3A = arith.constant 2.048000e+03 : f32
    %div3A_6 = arith.divf %reduce_sum3A_5, %div3A : f32
    %sub3A = arith.constant 1.000000e+00 : f32
    %sub3A_7 = arith.subf %sub3A, %div3A_6 : f32
    %swap3A = arith.constant 0 : index
    %swap3A_8 = arith.constant 0 : index
    %swap3A_9 = memref.load %arg1[%swap3A, %swap3A_8] : memref<1x1xf32, #tpu.memory_space<smem>>
    memref.store %sub3A_7, %arg1[%swap3A, %swap3A_8] : memref<1x1xf32, #tpu.memory_space<smem>>
    return
  }
}

</mosaic_0001>

<sc_bundles>
// kernel: kernel.4.cloned.1.call-start
scs
__scs_entry_jumppad:
0x0: {  	(pc) =	sbr.rel $0x88, $3  }
0x1: {  	(tag) =	ssettag $0x0;
	lr =	simm.s32 $0x1  }
0x2: {  	[smem:$0x3F9F] =	sst lr;
	_ =	strace $0xD0000000  }
0x3: {  	_ = 	snop  }
0x4: {  	_ = 	snop  }
0x5: {  	_ = 	snop  }
0x6: {  	_ = 	snop  }
0x7: {  	_ = 	snop  }
__scs_overlays_trampoline_lowered:
0x8: {  	[smem:$0x3FAE] =	sst s0  }
0x9: {  	[smem:$0x3FAF] =	sst s1  }
0xa: {  	[smem:$0x3FB0] =	sst s2  }
0xb: {  	[smem:$0x3FB1] =	sst s3  }
0xc: {  	[smem:$0x3FB2] =	sst s4  }
0xd: {  	[smem:$0x3FB3] =	sst s5  }
0xe: {  	[smem:$0x3FB4] =	sst s6  }
0xf: {  	[smem:$0x3FB5] =	sst s7  }
0x10: {  	[smem:$0x3FB6] =	sst s8  }
0x11: {  	[smem:$0x3FB7] =	sst s9;
	s0 =	simm.s32 @!p0 $0x0  }
0x12: {  	s1 =	sld [smem:$0x3F9D];
	s0 =	simm.s32 @p0 $0x1  }
0x13: {  	[smem:$0x3FB8] =	sst s0;
	s0 =	simm.s32 @!p1 $0x0  }
0x14: {  	s2 =	sld [smem:$0x3F9C];
	s0 =	simm.s32 @p1 $0x1  }
0x15: {  	[smem:$0x3FB9] =	sst s0;
	s0 =	simm.s32 @!p2 $0x0  }
0x16: {  	s3 =	sld [smem:$0x3FDB];
	s0 =	simm.s32 @p2 $0x1  }
0x17: {  	s4 =	simm.s32 $0x1BF5;
	[smem:$0x3FBB] =	sst s0  }
0x18: {  	s0 =	sld [smem:$0x3F9E];
	_ =	swait.ge [sflag:s4], $0x0  }
0x19: {  	s7 =	sld [smem:$0x3F9F]  }
0x1a: {  	s8 =	sadd.s32 $0xFFFFE003, lr  }
0x1b: {  	s9 =	sadd.s32 $0xFFFFFEF7, lr;
	s5 =	simm.s32 $0xFFFFFFFF;
	p2 =	slt.u32 s8, $0xFFFFF086  }
0x1c: {  	p1 =	slt.u32 s9, $0xF7A;
	s5 =	simm.s32 @!p2 $0x0  }
0x1d: {  	s5 =	simm.s32 @p1 $0x1;
	p0 =	seq.s32 s7, s2  }
0x1e: {  	s7 =	smul.u32 @!p0 $0xF7A, s2;
	p2 =	seq.s32 @!p0 s5, $0x0  }
0x1f: {  	s9 =	smul.u32 $0xF7A, s1;
	s8 =	simm.s32 @!p0 $0x1BF5;
	p2 =	por !p2, p0  }
0x20: {  	[sflag:s8] =	ssyncset.s32 @!p0 $0xFFFFF086;
	s6 =	sadd.s32 @!p0 s3, s7;
	s7 =	simm.s32 @!p0 $0x108  }
0x21: {  	s3 =	sadd.s32 s3, s9;
	s6 =	sadd.s32 @!p0 $0x88, s6;
	s7 =	simm.s32 @p2 $0x1082  }
0x22: {  	[simem:s7], [sflag:s8] =	dma.local @!p0 [hbm:s6], $0xF7A  }
0x23: {  	s9 =	sor.u32 $0xD0000000, s2;
	s6 =	simm.s32 $0x108;
	_ =	swait.ge @!p0 [sflag:s8], $0x0  }
0x24: {  	s3 =	sadd.s32 $0x88, s3;
	s6 =	simm.s32 @!p1 $0x1082;
	[sflag:s4] =	ssyncset.s32 $0xFFFFF086  }
0x25: {  	[simem:s6], [sflag:s4] =	dma.local [hbm:s3], $0xF7A  }
0x26: {  	[smem:$0x3F9F] =	sst s1;
	(tag) =	ssettag s2;
	_ =	strace s9  }
0x27: {  	s1 =	sld [smem:$0x3FAF]  }
0x28: {  	s2 =	sld [smem:$0x3FB0]  }
0x29: {  	s4 =	sld [smem:$0x3FB2]  }
0x2a: {  	p0 =	seq.s32 s5, $0x0;
	s5 =	sld [smem:$0x3FB3]  }
0x2b: {  	s6 =	sld [smem:$0x3FB4]  }
0x2c: {  	s7 =	sld [smem:$0x3FB5]  }
0x2d: {  	s3 =	simm.s32 $0x108;
	s8 =	sld [smem:$0x3FB6]  }
0x2e: {  	s3 =	simm.s32 @!p0 $0x1082;
	s9 =	sld [smem:$0x3FB7]  }
0x2f: {  	lr =	sadd.s32 s0, s3;
	s0 =	sld [smem:$0x3FAE]  }
0x30: {  	s3 =	sld [smem:$0x3FB1]  }
0x31: {  	[smem:$0x3FBA] =	sst s10  }
0x32: {  	s10 =	sld [smem:$0x3FB8];
	_ =	sdelay $0x3  }
0x33: {  	p0 =	seq.s32 s10, $0x1;
	s10 =	sld [smem:$0x3FBA];
	_ =	sdelay $0x3  }
0x34: {  	[smem:$0x3FBA] =	sst s10  }
0x35: {  	s10 =	sld [smem:$0x3FB9];
	_ =	sdelay $0x3  }
0x36: {  	p1 =	seq.s32 s10, $0x1;
	s10 =	sld [smem:$0x3FBA];
	_ =	sdelay $0x3  }
0x37: {  	[smem:$0x3FBA] =	sst s10  }
0x38: {  	s10 =	sld [smem:$0x3FBB]  }
0x39: {  	_ = 	snop;
	(pc) =	sbr.ind lr, $3  }
0x3a: {  	_ = 	snop  }
0x3b: {  	_ = 	snop  }
0x3c: {  	p2 =	seq.s32 s10, $0x1;
	s10 =	sld [smem:$0x3FBA]  }
0x3d: {  	_ =	shalt  }
0x3e: {  	_ =	shalt  }
0x3f: {  	_ =	shalt  }
0x40: {  	_ =	shalt  }
0x41: {  	_ =	shalt  }
0x42: {  	_ =	shalt  }
0x43: {  	_ =	shalt  }
0x44: {  	_ =	shalt  }
0x45: {  	_ =	shalt  }
0x46: {  	_ =	shalt  }
0x47: {  	_ =	shalt  }
0x48: {  	_ =	shalt  }
0x49: {  	_ =	shalt  }
0x4a: {  	_ =	shalt  }
0x4b: {  	_ =	shalt  }
0x4c: {  	_ =	shalt  }
0x4d: {  	_ =	shalt  }
0x4e: {  	_ =	shalt  }
0x4f: {  	_ =	shalt  }
0x50: {  	_ =	shalt  }
0x51: {  	_ =	shalt  }
0x52: {  	_ =	shalt  }
0x53: {  	_ =	shalt  }
0x54: {  	_ =	shalt  }
0x55: {  	_ =	shalt  }
0x56: {  	_ =	shalt  }
0x57: {  	_ =	shalt  }
0x58: {  	_ =	shalt  }
0x59: {  	_ =	shalt  }
0x5a: {  	_ =	shalt  }
0x5b: {  	_ =	shalt  }
0x5c: {  	_ =	shalt  }
0x5d: {  	_ =	shalt  }
0x5e: {  	_ =	shalt  }
0x5f: {  	_ =	shalt  }
0x60: {  	_ =	shalt  }
0x61: {  	_ =	shalt  }
0x62: {  	_ =	shalt  }
0x63: {  	_ =	shalt  }
0x64: {  	_ =	shalt  }
0x65: {  	_ =	shalt  }
0x66: {  	_ =	shalt  }
0x67: {  	_ =	shalt  }
0x68: {  	_ =	shalt  }
0x69: {  	_ =	shalt  }
0x6a: {  	_ =	shalt  }
0x6b: {  	_ =	shalt  }
0x6c: {  	_ =	shalt  }
0x6d: {  	_ =	shalt  }
0x6e: {  	_ =	shalt  }
0x6f: {  	_ =	shalt  }
0x70: {  	_ =	shalt  }
0x71: {  	_ =	shalt  }
0x72: {  	_ =	shalt  }
0x73: {  	_ =	shalt  }
0x74: {  	_ =	shalt  }
0x75: {  	_ =	shalt  }
0x76: {  	_ =	shalt  }
0x77: {  	_ =	shalt  }
0x78: {  	_ =	shalt  }
0x79: {  	_ =	shalt  }
0x7a: {  	_ =	shalt  }
0x7b: {  	_ =	shalt  }
0x7c: {  	_ =	shalt  }
0x7d: {  	_ =	shalt  }
0x7e: {  	_ =	shalt  }
0x7f: {  	_ =	shalt  }
0x80: {  	_ =	shalt  }
0x81: {  	_ =	shalt  }
0x82: {  	_ =	shalt  }
0x83: {  	_ =	shalt  }
0x84: {  	_ =	shalt  }
0x85: {  	_ =	shalt  }
0x86: {  	_ =	shalt  }
0x87: {  	_ =	shalt  }
.Lfunc_end0:
.L_simem_size_0:
called_computation_lowered:
.L_overlay_start_0:
0x88: {  	s2 =	sld [smem:$0x3FD9]  }
0x89: {  	s3 =	sld [smem:$0x3FFE];
	_ =	sdelay $0x1  }
0x8a: {  	s1 =	srdreg.scid  }
0x8b: {  	s0 =	sand.u32 $0x1, s1  }
0x8c: {  	s17 =	sshll.u32 s0, $0xA;
	s2 =	sadd.s32 s3, s2  }
0x8d: {  	s2 =	sadd.s32 s2, s17  }
0x8e: {  	[smem:$0x3FC6] =	sst s2  }
0x8f: {  	_ = 	snop  }
0x90: {  	s2 =	sld [smem:$0x3FC9]  }
0x91: {  	s18 =	sld [smem:$0x3FC8];
	(tm) =	ssettm $0x1  }
0x92: {  	s4 =	sld [smem:$0x3FFB];
	_ =	sdelay $0x3  }
0x93: {  	_ =	strace s4  }
0x94: {  	s4 =	sld [smem:$0x3FFC];
	_ =	sdelay $0x3  }
0x95: {  	_ =	strace s4  }
0x96: {  	s4 =	sld [smem:$0x3FFD];
	_ =	sdelay $0x3  }
0x97: {  	_ =	strace s4  }
0x98: {  	_ =	strace $0x8FFFFFFF  }
0x99: {  	s19 =	sld [smem:$0x3FDB];
	_ =	sdelay $0x1  }
0x9a: {  	s5 =	simm.s32 $_scs_section_size  }
0x9b: {  	s6 =	simm.s32 $_size__tile_overlayer_lowered;
	s7 =	simm.s32 $_tile_overlayer_lowered  }
0x9c: {  	s22 =	simm.s32 $0x1BFF;
	s21 =	sshll.u32 s7, $0x1;
	s4 =	sadd.s32 s5, s19  }
0x9d: {  	s8 =	simm.s32 $0x0;
	s20 =	sshll.u32 s6, $0x1;
	s6 =	sadd.s32 s21, s4  }
0x9e: {  	[timem:s8], [sflag:s22] =	dma.local [hbm:s6], s20  }
0x9f: {  	_ =	swait.ge [sflag:s22], s20  }
0xa0: {  	s5 =	ssub.s32 $0x0, s20;
	[sflag:s22] =	ssyncset.done $0x0  }
0xa1: {  	[sflag:s22] =	ssyncadd.s32 s5;
	_ =	sdelay $0x1  }
0xa2: {  	s23 =	simm.s32 $0x1B8B  }
0xa3: {  	_ =	swait.ge [sflag:s23], $0x1  }
0xa4: {  	[sflag:s23] =	ssyncset.done $0x0  }
0xa5: {  	s25 =	simm.s32 $0x1B8E;
	s24 =	sld [smem:$0x3FFE];
	[sflag:s23] =	ssyncadd.s32 $0xFFFFFFFF  }
0xa6: {  	s26 =	simm.s32 $execute0_lowered;
	[smem:$0x3FD2] =	sst s25  }
0xa7: {  	s6 =	sshll.u32 s26, $0x1;
	_ =	strace $0x80000046;
	[dreg:$0x1] =	wrdreg $0xFFFFFFFF  }
0xa8: {  	s28 =	simm.s32 $_size_execute0_lowered;
	s4 =	sadd.s32 s4, s6;
	[dreg:$0x0] =	wrdreg $0x0  }
0xa9: {  	s6 =	sshll.u32 s28, $0x1;
	[dreg:$0x2] =	wrdreg s4  }
0xaa: {  	[dreg:$0x3] =	wrdreg s6  }
0xab: {  	[dreg:$0x4] =	wrdreg $0xC0  }
0xac: {  	_ =	task [dreg:s8], $0x5FFFF  }
0xad: {  	[dreg:$0x1] =	wrdreg $0xFFFFFFFF  }
0xae: {  	[dreg:$0x0] =	wrdreg $0x60  }
0xaf: {  	[dreg:$0x2] =	wrdreg s2  }
0xb0: {  	[dreg:$0x3] =	wrdreg s18  }
0xb1: {  	[dreg:$0x4] =	wrdreg s24  }
0xb2: {  	[dreg:$0x5] =	wrdreg $0x9  }
0xb3: {  	_ =	task.clear_ibuf [dreg:s8], $0x6FFFF;
	_ =	strace $0x90000046  }
0xb4: {  	s29 =	simm.s32 $0x9;
	_ =	strace $0x80000048  }
0xb5: {  	_ =	swait.ge [sflag:s29], $0x1  }
0xb6: {  	[sflag:s29] =	ssyncadd.s32 $0xFFFFFFFF  }
0xb7: {  	_ =	strace $0x90000048  }
0xb8: {  	_ =	sfence  }
0xb9: {  	s30 =	sld [smem:$0x0];
	_ =	sdelay $0x2  }
0xba: {  	s31 =	sshll.u32 s1, $0xD;
	s1 =	sshrl.u32 s1, $0x2  }
0xbb: {  	s3 =	sand.u32 $0x4000, s31;
	s1 =	sadd.s32 s1, s30  }
0xbc: {  	s0 =	sor.u32 s3, s0;
	s1 =	sshll.u32 s1, $0x11  }
0xbd: {  	s0 =	sor.u32 s1, s0  }
0xbe: {  	s0 =	sadd.s32 $0x8F2B, s0  }
0xbf: {  	[sflag:s0] =	ssyncadd.remote.s32 $0x1  }
0xc0: {  	_ =	sfence.sel $0xFFFF  }
0xc1: {  	[dreg:$0x0] =	wrdreg $0xFFFFFFFF;
	(pc) =	sbr.abs _section_cstart, $3  }
0xc2: {  	[dreg:$0x1] =	wrdreg $0xFFFFFFFF  }
0xc3: {  	_ =	task.clear_ibuf [dreg:s8], $0x2FFFF;
	_ =	strace $0x9FFFFFFF  }
0xc4: {  	(tm) =	ssettm $0x7FFFFFFF  }
0xc5: {  	_ =	shalt  }
tec
execute0_lowered:
.L_overlay_start_1:
0x0: {  	(tag) =	ssettag $0x1  }
0x1: {  	s1 =	rddreg [dreg:$0x0]  }
0x2: {  	s2 =	rddreg [dreg:$0x1]  }
0x3: {  	s0 =	rddreg [dreg:$0x2];
	s3 =	srdreg.scid  }
0x4: {  	s5 =	simm.s32 $0x0;
	s4 =	stileid.u32;
	s11 =	simm.s32 $0x80  }
0x5: {  	s12 =	simm.s32 $0x400;
	s13 =	simm.s32 $0x8000;
	s14 =	simm.s32 $0x4000  }
0x6: {  	s15 =	simm.s32 $0xC000;
	s16 =	simm.s32 $0x1;
	s17 =	simm.s32 $0x3  }
0x7: {  	s18 =	simm.s32 $0x10000;
	s19 =	simm.s32 $0x10800;
	s20 =	simm.s32 $0x11880  }
0x8: {  	s21 =	simm.s32 $0x2;
	s22 =	simm.s32 $0x4;
	s23 =	simm.s32 $0x5  }
0x9: {  	s24 =	simm.s32 $0x0;
	s3 =	sand.u32 $0x1, s3;
	[smem:$0x7FF] =	sst s5  }
0xa: {  	s4 =	sshll.u32 s4, $0x7;
	s29 =	sshll.u32 s3, $0x6;
	_ =	strace $0x80000047  }
.Ltmp0:
0xb: {  	v1 =	vlaneseq.u32;
	s3 =	ssub.s32 $0x2, s3;
	s5 =	sor.u32 s29, s4;
	(pc) =	sbr.rel .LBB2_1-.Ltmp0, $4  }
0xc: {  	v2 =	vmul.u32 $0x10, v1;
	v1 =	vmul.u32 $0x9E3779B9, v1;
	s6 =	sshrl.u32 s3, $0x1;
	s4 =	sshrl.u32 s5, $0x3;
	s7 =	sshll.u32 s5, $0xB  }
0xd: {  	s3 =	ssub.s32 s3, s6;
	s8 =	sor.u32 $0x3F, s5;
	s30 =	sadd.s32 s1, s7  }
0xe: {  	[tilespmem:$0x1FFE0] =	vst v1;
	v2 =	vor.u32 $0xF, v2;
	s0 =	sadd.s32 s4, s0;
	s31 =	sadd.s32 s2, s7;
	[dreg:$0x4] =	wrdreg s30  }
0xf: {  	v0 =	vimm.s32 $0x0;
	[tilespmem:$0x1FFF0] =	vst v2;
	s10 =	smax.u32 s3, $0x1;
	[dreg:$0x5] =	wrdreg s31;
	s9 =	sadd.s32 $0x600, s0  }
.LBB2_26:
0x10: {  	_ =	swait.ge [sflag:s16], $0x4000  }
0x11: {  	[sflag:s16] =	ssyncset.done $0x0  }
0x12: {  	[sflag:s16] =	ssyncadd.s32 $0xFFFFC000  }
0x13: {  	s24 =	sadd.s32 $0x1, s24;
	_ =	swait.ge [sflag:s17], $0x4000  }
0x14: {  	p0 =	sne.s32 s24, s10;
	[sflag:s17] =	ssyncset.done $0x0  }
.Ltmp1:
0x15: {  	s0 =	simm.s32 $0x0;
	[sflag:s17] =	ssyncadd.s32 $0xFFFFC000;
	(pc) =	sbr.rel @!p0 .LBB2_27-.Ltmp1, $4  }
0x16: {  	[hbm4b:s9+s0] =	stream.linear.scatter [tilespmem:s20], [sflag:$0x5], $0x40, $0x38;
	[tilespmem:$0x11900] =	vst v63  }
0x17: {  	_ =	swait.ge [sflag:s23], $0x40  }
0x18: {  	[sflag:s23] =	ssyncset.done $0x0  }
0x19: {  	[sflag:s23] =	ssyncadd.s32 $0xFFFFFFC0  }
.LBB2_1:
0x1a: {  	s0 =	simm.s32 $0x40;
	s3 =	simm.s32 $0x0  }
.LBB2_2:
0x1b: {  	p0 =	sne.s32 s0, $0x1FC0;
	[tilespmem:s3+$0x10000] =	vst v0;
	s3 =	smov.u32 s0;
	s0 =	sadd.s32 $0x40, s0  }
.Ltmp2:
0x1c: {  	(pc) =	sbr.rel @p0 .LBB2_2-.Ltmp2, $2  }
0x1d: {  	_ =	sdelay $0x2  }
0x1e: {  	s3 =	sshra.s32 s3, $0x2  }
0x1f: {  	[tilespmem:s3+$0x10000] =	vst v0;
	s25 =	simm.s32 $0x0;
	s0 =	rddreg [dreg:$0x4]  }
0x20: {  	[tilespmem:s25], [sflag:$0x1] =	stream.strided.gather [hbm4b:s0+s11], $0x4000, s12, s11, $0x38;
	[tilespmem:$0x11900] =	vst v63  }
0x21: {  	s31 =	rddreg [dreg:$0x5]  }
0x22: {  	[tilespmem:s13], [sflag:$0x3] =	stream.strided.gather [hbm4b:s31+s11], $0x4000, s12, s11, $0x38;
	[tilespmem:$0x11900] =	vst v63  }
.LBB2_4:
0x23: {  	s26 =	sshll.u32 s25, $0x1  }
0x24: {  	s29 =	sor.u32 s5, s26  }
0x25: {  	s28 =	sor.u32 $0x1, s29  }
0x26: {  	s0 =	sshll.u32 s29, $0xB;
	s3 =	sshll.u32 s28, $0x4  }
0x27: {  	s0 =	sand.u32 $0x3FC000, s0;
	s3 =	sand.u32 $0x70, s3  }
0x28: {  	s0 =	sor.u32 s0, s3  }
0x29: {  	s3 =	sadd.s32 s1, s0  }
0x2a: {  	[tilespmem:s14], [sflag:$0x2] =	stream.strided.gather [hbm4b:s3+s11], $0x4000, s12, s11, $0x38;
	[tilespmem:$0x11900] =	vst v63  }
0x2b: {  	s0 =	sadd.s32 s2, s0  }
0x2c: {  	[tilespmem:s15], [sflag:$0x4] =	stream.strided.gather [hbm4b:s0+s11], $0x4000, s12, s11, $0x38;
	[tilespmem:$0x11900] =	vst v63  }
0x2d: {  	_ =	swait.ge [sflag:s16], $0x4000  }
0x2e: {  	v1 =	vld [tilespmem:$0x1FFE0];
	_ =	sdelay $0x2  }
0x2f: {  	s30 =	smul.u32 $0xDE6E4000, s29;
	[sflag:s16] =	ssyncset.done $0x0  }
0x30: {  	[sflag:s16] =	ssyncadd.s32 $0xFFFFC000  }
0x31: {  	_ =	swait.ge [sflag:s17], $0x4000;
	v5 =	vadd.s32 s30, v1  }
0x32: {  	[sflag:s17] =	ssyncset.done $0x0;
	v3 =	vadd.s32 $0xE3779B90, v5;
	v4 =	vadd.s32 $0xC6EF3720, v5  }
0x33: {  	[sflag:s17] =	ssyncadd.s32 $0xFFFFC000;
	v6 =	vadd.s32 $0xAA66D2B0, v5;
	v7 =	vadd.s32 $0x1BBCDC80, v5;
	v11 =	vshrl.u32 v5, $0x8  }
0x34: {  	s31 =	simm.s32 $0x0;
	v12 =	vadd.s32 $0x8D12E650, v5;
	v15 =	vadd.s32 $0xFF347810, v5;
	v38 =	vadd.s32 $0xC623AF30, v5  }
0x35: {  	v20 =	vld [tilespmem:s31+$0x8050];
	v52 =	vadd.s32 $0xA99B4AC0, v5;
	v3 =	vshrl.u32 v3, $0x8;
	v4 =	vshrl.u32 v4, $0x8  }
0x36: {  	v21 =	vld [tilespmem:s31+$0x8020];
	v7 =	vshrl.u32 v7, $0x8;
	v11 =	vcvt.s32.f32 v11;
	v8 =	vcvt.s32.f32 v3  }
0x37: {  	v33 =	vld [tilespmem:s31+$0x8010];
	v4 =	vcvt.s32.f32 v4;
	v3 =	vshrl.u32 v6, $0x8;
	v6 =	vadd.s32 $0x384540F0, v5  }
0x38: {  	v50 =	vld [tilespmem:s31+$0x8070];
	v10 =	vcvt.s32.f32 v7;
	v9 =	vcvt.s32.f32 v3;
	v3 =	vshrl.u32 v6, $0x8  }
0x39: {  	v58 =	vadd.s32 $0xE2AC13A0, v5;
	v28 =	vmul.f32 $1.902304980e-09, v11;
	v13 =	vcvt.s32.f32 v3  }
0x3a: {  	v6 =	vadd.s32 $0x708A81E0, v5;
	v19 =	vmul.f32 $1.902304980e-09, v8;
	v25 =	vmul.f32 $1.902304980e-09, v4  }
0x3b: {  	v14 =	vshrl.u32 v6, $0x8;
	v17 =	vmul.f32 $1.902304980e-09, v10;
	v30 =	vcvt.s32.f32 v20  }
0x3c: {  	v8 =	vshrl.u32 v15, $0x8;
	v37 =	vcvt.s32.f32 v21;
	v41 =	vcvt.s32.f32 v33  }
0x3d: {  	v55 =	vcvt.s32.f32 v50;
	v33 =	vadd.s32 $0x10000, v33;
	v20 =	vadd.s32 $0x10000, v20  }
0x3e: {  	v21 =	vadd.s32 $0x10000, v21;
	v18 =	vmul.f32 $1.902304980e-09, v9;
	v9 =	vshrl.u32 v12, $0x8  }
0x3f: {  	v26 =	vcvt.s32.f32 v14;
	v14 =	vadd.s32 $0x8DDE6E40, v5;
	v27 =	vcvt.s32.f32 v8  }
0x40: {  	v51 =	vld [tilespmem:s31+$0x20];
	v15 =	vcvt.s32.f32 v9;
	v9 =	vadd.s32 $0x54021D70, v5;
	v14 =	vshrl.u32 v14, $0x8  }
0x41: {  	v3 =	vld [tilespmem:s31+$0x80F0];
	v30 =	vadd.f32 $-5.000000000e-01, v30;
	v37 =	vadd.f32 $-5.000000000e-01, v37;
	v40 =	vmul.f32 $1.902304980e-09, v13  }
0x42: {  	v6 =	vld [tilespmem:s31+$0x80D0];
	v13 =	vshrl.u32 v38, $0x8;
	v57 =	vadd.f32 $-5.000000000e-01, v55;
	v31 =	vcvt.s32.f32 v14  }
0x43: {  	v4 =	vld [tilespmem:s31+$0x80B0];
	v16 =	vshrl.u32 v9, $0x8;
	v13 =	vcvt.s32.f32 v13;
	v27 =	vmul.f32 $1.902304980e-09, v27  }
0x44: {  	v12 =	vld [tilespmem:s31+$0x8040];
	v9 =	vadd.s32 $0x54CDA560, v5;
	v26 =	vmul.f32 $1.902304980e-09, v26;
	v11 =	vmul.f32 $1.902304980e-09, v15  }
0x45: {  	v8 =	vld [tilespmem:s31+$0x8090];
	v23 =	vshrl.u32 v9, $0x8;
	v10 =	vcvt.s32.f32 v16;
	v25 =	vmul.f32 v37, v25  }
0x46: {  	v61 =	vld [tilespmem:s31+$0x70];
	v15 =	vadd.s32 $0x715609D0, v5;
	v38 =	vmul.f32 v57, v40;
	v22 =	vcvt.s32.f32 v3  }
0x47: {  	v7 =	vld [tilespmem:s31+$0x80E0];
	v37 =	vshrl.u32 v52, $0x8;
	v29 =	vcvt.s32.f32 v23;
	v24 =	vcvt.s32.f32 v6  }
0x48: {  	v5 =	vadd.s32 $0x3779B900, v5;
	v16 =	vcvt.s32.f32 v4;
	v31 =	vmul.f32 $1.902304980e-09, v31  }
0x49: {  	v15 =	vshrl.u32 v15, $0x8;
	v62 =	vcvt.s32.f32 v37;
	v32 =	vcvt.s32.f32 v12  }
0x4a: {  	v9 =	vld [tilespmem:s31+$0x8030];
	v4 =	vadd.s32 $0x10000, v4;
	v15 =	vcvt.s32.f32 v15;
	v35 =	vcvt.s32.f32 v8  }
0x4b: {  	v25 =	vsub.f32 v25, v51;
	v38 =	vsub.f32 v38, v61;
	v12 =	vadd.s32 $0x10000, v12  }
0x4c: {  	v23 =	vld [tilespmem:s31+$0x8000];
	v10 =	vmul.f32 $1.902304980e-09, v10;
	v14 =	vadd.f32 $-5.000000000e-01, v24;
	v24 =	vcvt.s32.f32 v7  }
0x4d: {  	v29 =	vmul.f32 $1.902304980e-09, v29;
	v22 =	vadd.f32 $-5.000000000e-01, v22;
	v16 =	vadd.f32 $-5.000000000e-01, v16  }
0x4e: {  	v36 =	vld [tilespmem:s31+$0x50];
	v7 =	vadd.s32 $0x10000, v7;
	v15 =	vmul.f32 $1.902304980e-09, v15;
	v32 =	vadd.f32 $-5.000000000e-01, v32  }
0x4f: {  	v53 =	vld [tilespmem:s31+$0x90];
	v35 =	vadd.f32 $-5.000000000e-01, v35;
	v34 =	vcvt.s32.f32 v9;
	v14 =	vmul.f32 v14, v11  }
0x50: {  	v57 =	vld [tilespmem:s31+$0xD0];
	v25 =	vadd.f32 $8.000000000e+00, v25;
	v10 =	vmul.f32 v22, v10;
	v15 =	vmul.f32 v30, v15  }
0x51: {  	v60 =	vld [tilespmem:s31+$0x40];
	v38 =	vadd.f32 $8.000000000e+00, v38;
	v49 =	vcvt.s32.f32 v23;
	v31 =	vmul.f32 v32, v31  }
0x52: {  	v24 =	vadd.f32 $-5.000000000e-01, v24;
	v32 =	vmul.f32 $1.902304980e-09, v13;
	v27 =	vmul.f32 v35, v27  }
0x53: {  	v13 =	vadd.f32 $-5.000000000e-01, v41;
	v25 =	vmul.f32 $1.280000000e+02, v25;
	v38 =	vmul.f32 $1.280000000e+02, v38  }
0x54: {  	v46 =	vld [tilespmem:s31+$0x8080];
	v23 =	vadd.s32 $0x10000, v23;
	v34 =	vadd.f32 $-5.000000000e-01, v34;
	v24 =	vmul.f32 v24, v26  }
0x55: {  	v14 =	vsub.f32 v14, v57;
	v15 =	vsub.f32 v15, v36;
	v54 =	vmul.f32 v13, v19  }
0x56: {  	v27 =	vsub.f32 v27, v53;
	v31 =	vsub.f32 v31, v60;
	v25 =	vmax.f32 v25, $0.0e+00  }
0x57: {  	v43 =	vld [tilespmem:s31+$0x10];
	v38 =	vmax.f32 v38, $0.0e+00;
	v16 =	vmul.f32 v16, v32;
	v60 =	vadd.s32 $0x10000, v9  }
0x58: {  	v48 =	vld [tilespmem:s31+$0x30];
	v47 =	vmul.f32 v34, v18;
	v18 =	vadd.f32 $-5.000000000e-01, v49;
	v25 =	vmin.f32 v25, $2.047000000e+03  }
0x59: {  	v39 =	vld [tilespmem:s31+$0x0];
	v34 =	vmul.f32 $1.902304980e-09, v62;
	v49 =	vcvt.s32.f32 v46;
	v14 =	vadd.f32 $8.000000000e+00, v14  }
0x5a: {  	v13 =	vld [tilespmem:s31+$0x80A0];
	v38 =	vmin.f32 v38, $2.047000000e+03;
	v15 =	vadd.f32 $8.000000000e+00, v15;
	v27 =	vadd.f32 $8.000000000e+00, v27  }
0x5b: {  	v53 =	vld [tilespmem:s31+$0xE0];
	v31 =	vadd.f32 $8.000000000e+00, v31;
	v25 =	vtrunc.f32 v25;
	v38 =	vtrunc.f32 v38  }
0x5c: {  	v35 =	vsub.f32 v54, v43;
	v28 =	vmul.f32 v18, v28;
	v38 =	vcvt.f32.s32 v38  }
0x5d: {  	v30 =	vsub.f32 v47, v48;
	v25 =	vcvt.f32.s32 v25;
	v14 =	vmul.f32 $1.280000000e+02, v14  }
0x5e: {  	v15 =	vmul.f32 $1.280000000e+02, v15;
	v31 =	vmul.f32 $1.280000000e+02, v31;
	v35 =	vadd.f32 $8.000000000e+00, v35  }
0x5f: {  	v27 =	vmul.f32 $1.280000000e+02, v27;
	v28 =	vsub.f32 v28, v39;
	v30 =	vadd.f32 $8.000000000e+00, v30  }
0x60: {  	v39 =	vshrl.u32 v58, $0x8;
	v63 =	vcvt.s32.f32 v13;
	v24 =	vsub.f32 v24, v53  }
0x61: {  	v18 =	vld [tilespmem:s31+$0x8060];
	v14 =	vmax.f32 v14, $0.0e+00;
	v56 =	vmax.f32 v15, $0.0e+00;
	v15 =	vadd.s32 $0x10000, v50  }
0x62: {  	v48 =	vld [tilespmem:s31+$0x80C0];
	v44 =	vcvt.s32.f32 v39;
	v35 =	vmul.f32 $1.280000000e+02, v35;
	v39 =	vadd.f32 $-5.000000000e-01, v49  }
0x63: {  	v31 =	vmax.f32 v31, $0.0e+00;
	v27 =	vmax.f32 v27, $0.0e+00;
	v14 =	vmin.f32 v14, $2.047000000e+03  }
0x64: {  	v36 =	vmin.f32 v56, $2.047000000e+03;
	v28 =	vadd.f32 $8.000000000e+00, v28;
	v30 =	vmul.f32 $1.280000000e+02, v30  }
0x65: {  	v37 =	vadd.f32 $-5.000000000e-01, v63;
	v14 =	vtrunc.f32 v14;
	v59 =	vtrunc.f32 v36  }
0x66: {  	v31 =	vmin.f32 v31, $2.047000000e+03;
	v42 =	vcvt.s32.f32 v18;
	v36 =	vmul.f32 $1.902304980e-09, v44  }
0x67: {  	v27 =	vmin.f32 v27, $2.047000000e+03;
	v50 =	vcvt.s32.f32 v48;
	v31 =	vtrunc.f32 v31  }
0x68: {  	v52 =	vld [tilespmem:s31+$0x80];
	v24 =	vadd.f32 $8.000000000e+00, v24;
	v17 =	vmul.f32 v39, v17;
	v27 =	vtrunc.f32 v27  }
0x69: {  	v35 =	vmax.f32 v35, $0.0e+00;
	v19 =	vcvt.f32.s32 v59;
	v28 =	vmul.f32 $1.280000000e+02, v28  }
0x6a: {  	v47 =	vld [tilespmem:s31+$0x60];
	v30 =	vmax.f32 v30, $0.0e+00;
	v35 =	vmin.f32 v35, $2.047000000e+03;
	v54 =	vcvt.f32.s32 v31  }
0x6b: {  	v45 =	vld [tilespmem:s31+$0xA0];
	v9 =	vmul.f32 $1.280000000e+02, v24;
	v62 =	vcvt.f32.s32 v27;
	v42 =	vadd.f32 $-5.000000000e-01, v42  }
0x6c: {  	v36 =	vmul.f32 v37, v36;
	v35 =	vtrunc.f32 v35;
	v41 =	vadd.f32 $-5.000000000e-01, v50  }
0x6d: {  	v56 =	vld [tilespmem:s31+$0xB0];
	v30 =	vmin.f32 v30, $2.047000000e+03;
	v17 =	vsub.f32 v17, v52;
	v29 =	vmul.f32 v42, v29  }
0x6e: {  	v28 =	vmax.f32 v28, $0.0e+00;
	v35 =	vcvt.f32.s32 v35;
	v30 =	vtrunc.f32 v30  }
0x6f: {  	v51 =	vld [tilespmem:s31+$0xC0];
	v9 =	vmax.f32 v9, $0.0e+00;
	v28 =	vmin.f32 v28, $2.047000000e+03;
	v29 =	vsub.f32 v29, v47  }
0x70: {  	v59 =	vld [tilespmem:s31+$0xF0];
	v36 =	vsub.f32 v36, v45;
	v34 =	vmul.f32 v41, v34;
	v17 =	vadd.f32 $8.000000000e+00, v17  }
0x71: {  	v30 =	vcvt.f32.s32 v30;
	v28 =	vtrunc.f32 v28;
	v29 =	vadd.f32 $8.000000000e+00, v29  }
0x72: {  	v16 =	vsub.f32 v16, v56;
	v9 =	vmin.f32 v9, $2.047000000e+03;
	v28 =	vcvt.f32.s32 v28  }
0x73: {  	v61 =	vtrunc.f32 v9;
	v36 =	vadd.f32 $8.000000000e+00, v36;
	v29 =	vmul.f32 $1.280000000e+02, v29  }
0x74: {  	v34 =	vsub.f32 v34, v51;
	v16 =	vadd.f32 $8.000000000e+00, v16;
	v17 =	vmul.f32 $1.280000000e+02, v17  }
0x75: {  	v10 =	vsub.f32 v10, v59;
	v36 =	vmul.f32 $1.280000000e+02, v36;
	v29 =	vmax.f32 v29, $0.0e+00  }
0x76: {  	v55 =	vadd.f32 $8.000000000e+00, v34;
	v16 =	vmul.f32 $1.280000000e+02, v16;
	v29 =	vmin.f32 v29, $2.047000000e+03  }
0x77: {  	v17 =	vmax.f32 v17, $0.0e+00;
	v10 =	vadd.f32 $8.000000000e+00, v10;
	v29 =	vtrunc.f32 v29  }
0x78: {  	v17 =	vmin.f32 v17, $2.047000000e+03;
	v36 =	vmax.f32 v36, $0.0e+00;
	[tilespmem:v28+s18+$0x0] =	vst.idx.add.s32.msk $0xffff, v23;
	v29 =	vcvt.f32.s32 v29  }
0x79: {  	v31 =	vmul.f32 $1.280000000e+02, v55;
	v17 =	vtrunc.f32 v17;
	v36 =	vmin.f32 v36, $2.047000000e+03;
	[tilespmem:v35+s18+$0x0] =	vst.idx.add.s32.msk $0xffff, v33  }
0x7a: {  	v16 =	vmax.f32 v16, $0.0e+00;
	v17 =	vcvt.f32.s32 v17;
	v58 =	vtrunc.f32 v36;
	[tilespmem:v25+s18+$0x0] =	vst.idx.add.s32.msk $0xffff, v21  }
0x7b: {  	v16 =	vmin.f32 v16, $2.047000000e+03;
	v31 =	vmax.f32 v31, $0.0e+00;
	v9 =	vcvt.f32.s32 v58;
	[tilespmem:v30+s18+$0x0] =	vst.idx.add.s32.msk $0xffff, v60  }
0x7c: {  	v31 =	vmin.f32 v31, $2.047000000e+03;
	[tilespmem:v54+s18+$0x0] =	vst.idx.add.s32.msk $0xffff, v12;
	v12 =	vtrunc.f32 v16;
	v16 =	vmul.f32 $1.280000000e+02, v10  }
0x7d: {  	v18 =	vadd.s32 $0x10000, v18;
	v11 =	vtrunc.f32 v31;
	[tilespmem:v19+s18+$0x0] =	vst.idx.add.s32.msk $0xffff, v20;
	v12 =	vcvt.f32.s32 v12  }
0x7e: {  	v63 =	vadd.s32 $0x10000, v8;
	v11 =	vcvt.f32.s32 v11;
	v16 =	vmax.f32 v16, $0.0e+00;
	[tilespmem:v29+s18+$0x0] =	vst.idx.add.s32.msk $0xffff, v18  }
0x7f: {  	v14 =	vcvt.f32.s32 v14;
	v16 =	vmin.f32 v16, $2.047000000e+03;
	[tilespmem:v38+s18+$0x0] =	vst.idx.add.s32.msk $0xffff, v15;
	v15 =	vadd.s32 $0x10000, v46  }
0x80: {  	v8 =	vadd.s32 $0x10000, v48;
	v10 =	vcvt.f32.s32 v61;
	v16 =	vtrunc.f32 v16;
	[tilespmem:v17+s18+$0x0] =	vst.idx.add.s32.msk $0xffff, v15  }
0x81: {  	s0 =	simm.s32 $0x400;
	v15 =	vadd.s32 $0x10000, v13;
	v13 =	vadd.s32 $0x10000, v6;
	v6 =	vcvt.f32.s32 v16;
	[tilespmem:v62+s18+$0x0] =	vst.idx.add.s32.msk $0xffff, v63  }
.LBB2_5:
0x82: {  	v16 =	vadd.s32 $0xE3779B90, v5;
	v17 =	vadd.s32 $0xC6EF3720, v5;
	v18 =	vadd.s32 $0xAA66D2B0, v5;
	s30 =	sshra.s32 s0, $0x2;
	[tilespmem:v9+s18+$0x0] =	vst.idx.add.s32.msk $0xffff, v15  }
0x83: {  	v9 =	vadd.s32 $0x1BBCDC80, v5;
	p0 =	sne.s32 s0, $0xFC00;
	s0 =	sadd.s32 $0x400, s0;
	v15 =	vshrl.u32 v16, $0x8;
	v16 =	vshrl.u32 v17, $0x8;
	[tilespmem:v12+s18+$0x0] =	vst.idx.add.s32.msk $0xffff, v4  }
0x84: {  	v4 =	vcvt.s32.f32 v15;
	v12 =	vcvt.s32.f32 v16;
	v15 =	vshrl.u32 v18, $0x8;
	[tilespmem:v11+s18+$0x0] =	vst.idx.add.s32.msk $0xffff, v8  }
0x85: {  	v9 =	vshrl.u32 v9, $0x8;
	v8 =	vadd.s32 $0x384540F0, v5;
	v11 =	vcvt.s32.f32 v15;
	[tilespmem:v14+s18+$0x0] =	vst.idx.add.s32.msk $0xffff, v13  }
0x86: {  	v3 =	vadd.s32 $0x10000, v3;
	v9 =	vcvt.s32.f32 v9;
	v8 =	vshrl.u32 v8, $0x8;
	[tilespmem:v10+s18+$0x0] =	vst.idx.add.s32.msk $0xffff, v7  }
0x87: {  	v13 =	vshrl.u32 v5, $0x8;
	v10 =	vadd.s32 $0x708A81E0, v5;
	v17 =	vcvt.s32.f32 v8;
	[tilespmem:v6+s18+$0x0] =	vst.idx.add.s32.msk $0xffff, v3  }
0x88: {  	v13 =	vcvt.s32.f32 v13;
	v6 =	vadd.s32 $0x8D12E650, v5;
	v8 =	vshrl.u32 v10, $0x8;
	v7 =	vld [tilespmem:s30+$0x80E0]  }
0x89: {  	v10 =	vadd.s32 $0xFF347810, v5;
	v19 =	vmul.f32 $1.902304980e-09, v11;
	v11 =	vshrl.u32 v6, $0x8;
	v3 =	vld [tilespmem:s30+$0x80F0]  }
0x8a: {  	v24 =	vmul.f32 $1.902304980e-09, v4;
	v4 =	vshrl.u32 v10, $0x8;
	v14 =	vcvt.s32.f32 v11;
	v6 =	vld [tilespmem:s30+$0x80D0]  }
0x8b: {  	v26 =	vmul.f32 $1.902304980e-09, v12;
	v10 =	vadd.s32 $0x54021D70, v5;
	v25 =	vcvt.s32.f32 v8;
	v21 =	vld [tilespmem:s30+$0x8050]  }
0x8c: {  	v12 =	vadd.s32 $0x8DDE6E40, v5;
	v28 =	vcvt.s32.f32 v4;
	v4 =	vshrl.u32 v10, $0x8;
	v27 =	vld [tilespmem:s30+$0x80B0]  }
0x8d: {  	v16 =	vmul.f32 $1.902304980e-09, v9;
	v10 =	vadd.s32 $0x54CDA560, v5;
	v11 =	vld [tilespmem:s30+$0x8040]  }
0x8e: {  	v13 =	vmul.f32 $1.902304980e-09, v13;
	v15 =	vshrl.u32 v10, $0x8;
	v8 =	vld [tilespmem:s30+$0x8090];
	v22 =	vcvt.s32.f32 v3  }
0x8f: {  	v23 =	vshrl.u32 v12, $0x8;
	v9 =	vcvt.s32.f32 v4;
	v12 =	vmul.f32 $1.902304980e-09, v14;
	v10 =	vld [tilespmem:s30+$0x8030]  }
0x90: {  	v4 =	vadd.s32 $0x715609D0, v5;
	v29 =	vcvt.s32.f32 v15;
	v14 =	vcvt.s32.f32 v6;
	v20 =	vld [tilespmem:s30+$0x8020]  }
0x91: {  	v4 =	vshrl.u32 v4, $0x8;
	v30 =	vcvt.s32.f32 v21;
	v18 =	vld [tilespmem:s30+$0x8000];
	v15 =	vcvt.s32.f32 v27  }
0x92: {  	v32 =	vcvt.s32.f32 v23;
	v23 =	vcvt.s32.f32 v7;
	v14 =	vadd.f32 $-5.000000000e-01, v14;
	v31 =	vld [tilespmem:s30+$0x8010]  }
0x93: {  	v34 =	vcvt.s32.f32 v11;
	v30 =	vadd.f32 $-5.000000000e-01, v30;
	v33 =	vld [tilespmem:s30+$0x0];
	v35 =	vcvt.s32.f32 v8  }
0x94: {  	v38 =	vcvt.s32.f32 v4;
	v4 =	vadd.s32 $0x10000, v27;
	v36 =	vld [tilespmem:s30+$0x50];
	v37 =	vcvt.s32.f32 v10  }
0x95: {  	v32 =	vmul.f32 $1.902304980e-09, v32;
	v27 =	vadd.s32 $0xC623AF30, v5;
	v39 =	vld [tilespmem:s30+$0x40];
	v40 =	vcvt.s32.f32 v20  }
0x96: {  	v38 =	vmul.f32 $1.902304980e-09, v38;
	v34 =	vadd.f32 $-5.000000000e-01, v34;
	v37 =	vadd.f32 $-5.000000000e-01, v37  }
0x97: {  	v42 =	vmul.f32 $1.902304980e-09, v17;
	v17 =	vshrl.u32 v27, $0x8;
	v41 =	vld [tilespmem:s30+$0x20];
	v40 =	vadd.f32 $-5.000000000e-01, v40  }
0x98: {  	v43 =	vld [tilespmem:s30+$0x10];
	v27 =	vmul.f32 v37, v19;
	v19 =	vmul.f32 v30, v38  }
0x99: {  	v17 =	vcvt.s32.f32 v17;
	v35 =	vadd.f32 $-5.000000000e-01, v35;
	v37 =	vcvt.s32.f32 v18;
	v30 =	vld [tilespmem:s30+$0x30]  }
0x9a: {  	v44 =	vcvt.s32.f32 v31;
	v38 =	vld [tilespmem:s30+$0x8070];
	v19 =	vsub.f32 v19, v36;
	v36 =	vmul.f32 $1.902304980e-09, v28  }
0x9b: {  	v32 =	vmul.f32 v34, v32;
	v37 =	vadd.f32 $-5.000000000e-01, v37;
	v28 =	vmul.f32 $1.902304980e-09, v25  }
0x9c: {  	v34 =	vadd.f32 $-5.000000000e-01, v44;
	v25 =	vmul.f32 $1.902304980e-09, v17;
	v44 =	vadd.f32 $8.000000000e+00, v19  }
0x9d: {  	v45 =	vadd.s32 $0xA99B4AC0, v5;
	v17 =	vmul.f32 v40, v26;
	v13 =	vmul.f32 v37, v13  }
0x9e: {  	v19 =	vld [tilespmem:s30+$0x8060];
	v26 =	vsub.f32 v27, v30;
	v27 =	vmul.f32 $1.280000000e+02, v44;
	v30 =	vmul.f32 v35, v36  }
0x9f: {  	v34 =	vmul.f32 v34, v24;
	v24 =	vsub.f32 v17, v41;
	v35 =	vld [tilespmem:s30+$0x90];
	v36 =	vcvt.s32.f32 v38  }
0xa0: {  	v33 =	vsub.f32 v13, v33;
	v17 =	vadd.s32 $0x10000, v38;
	v27 =	vmax.f32 v27, $0.0e+00  }
0xa1: {  	v37 =	vshrl.u32 v45, $0x8;
	v13 =	vld [tilespmem:s30+$0x80A0];
	v27 =	vmin.f32 v27, $2.047000000e+03;
	v36 =	vadd.f32 $-5.000000000e-01, v36  }
0xa2: {  	v38 =	vadd.s32 $0xE2AC13A0, v5;
	v33 =	vadd.f32 $8.000000000e+00, v33;
	v27 =	vtrunc.f32 v27  }
0xa3: {  	v26 =	vadd.f32 $8.000000000e+00, v26;
	v38 =	vshrl.u32 v38, $0x8;
	v27 =	vcvt.f32.s32 v27  }
0xa4: {  	v24 =	vadd.f32 $8.000000000e+00, v24;
	v41 =	vcvt.s32.f32 v19;
	v40 =	vld [tilespmem:s30+$0x70];
	v30 =	vsub.f32 v30, v35  }
0xa5: {  	v29 =	vmul.f32 $1.902304980e-09, v29;
	v35 =	vcvt.s32.f32 v37  }
0xa6: {  	v33 =	vmul.f32 $1.280000000e+02, v33;
	v30 =	vadd.f32 $8.000000000e+00, v30;
	v37 =	vcvt.s32.f32 v13  }
0xa7: {  	v26 =	vmul.f32 $1.280000000e+02, v26;
	v36 =	vmul.f32 v36, v42;
	v41 =	vadd.f32 $-5.000000000e-01, v41  }
0xa8: {  	v32 =	vsub.f32 v32, v39;
	v38 =	vcvt.s32.f32 v38;
	v33 =	vmax.f32 v33, $0.0e+00  }
0xa9: {  	v42 =	vmul.f32 $1.280000000e+02, v24;
	v44 =	vmax.f32 v26, $0.0e+00;
	v39 =	vld [tilespmem:s30+$0xA0];
	v26 =	vsub.f32 v36, v40  }
0xaa: {  	v32 =	vadd.f32 $8.000000000e+00, v32;
	v37 =	vadd.f32 $-5.000000000e-01, v37;
	v36 =	vmul.f32 $1.902304980e-09, v38  }
0xab: {  	v33 =	vmin.f32 v33, $2.047000000e+03;
	v38 =	vmax.f32 v42, $0.0e+00;
	v24 =	vld [tilespmem:s30+$0x8080];
	v40 =	vadd.f32 $8.000000000e+00, v26  }
0xac: {  	v34 =	vsub.f32 v34, v43;
	v32 =	vmul.f32 $1.280000000e+02, v32;
	v36 =	vmul.f32 v37, v36;
	v42 =	vld [tilespmem:s30+$0x60]  }
0xad: {  	v35 =	vmul.f32 $1.902304980e-09, v35;
	v37 =	vmin.f32 v38, $2.047000000e+03;
	v26 =	vld [tilespmem:s30+$0x80C0];
	v38 =	vmul.f32 $1.280000000e+02, v40  }
0xae: {  	v31 =	vadd.s32 $0x10000, v31;
	v34 =	vadd.f32 $8.000000000e+00, v34;
	v36 =	vsub.f32 v36, v39  }
0xaf: {  	v33 =	vtrunc.f32 v33;
	v29 =	vmul.f32 v41, v29;
	v38 =	vmax.f32 v38, $0.0e+00  }
0xb0: {  	v34 =	vmul.f32 $1.280000000e+02, v34;
	v37 =	vtrunc.f32 v37;
	v36 =	vadd.f32 $8.000000000e+00, v36  }
0xb1: {  	v33 =	vcvt.f32.s32 v33;
	v39 =	vcvt.s32.f32 v24;
	v29 =	vsub.f32 v29, v42  }
0xb2: {  	v21 =	vadd.s32 $0x10000, v21;
	v34 =	vmax.f32 v34, $0.0e+00;
	v40 =	vcvt.s32.f32 v26  }
0xb3: {  	v34 =	vmin.f32 v34, $2.047000000e+03;
	v38 =	vmin.f32 v38, $2.047000000e+03;
	v39 =	vadd.f32 $-5.000000000e-01, v39  }
0xb4: {  	v34 =	vtrunc.f32 v34;
	v38 =	vtrunc.f32 v38;
	v41 =	vld [tilespmem:s30+$0xF0];
	v40 =	vadd.f32 $-5.000000000e-01, v40  }
0xb5: {  	v22 =	vadd.f32 $-5.000000000e-01, v22;
	v34 =	vcvt.f32.s32 v34;
	v38 =	vcvt.f32.s32 v38;
	v42 =	vld [tilespmem:s30+$0xC0]  }
0xb6: {  	v32 =	vmax.f32 v32, $0.0e+00;
	v37 =	vcvt.f32.s32 v37;
	v29 =	vadd.f32 $8.000000000e+00, v29;
	v43 =	vld [tilespmem:s30+$0xE0]  }
0xb7: {  	v32 =	vmin.f32 v32, $2.047000000e+03;
	v30 =	vmul.f32 $1.280000000e+02, v30;
	v36 =	vmul.f32 $1.280000000e+02, v36;
	v45 =	vld [tilespmem:s30+$0x80]  }
0xb8: {  	v23 =	vadd.f32 $-5.000000000e-01, v23;
	v20 =	vadd.s32 $0x10000, v20;
	v35 =	vmul.f32 v40, v35;
	v46 =	vld [tilespmem:s30+$0xD0]  }
0xb9: {  	v18 =	vadd.s32 $0x10000, v18;
	v32 =	vtrunc.f32 v32;
	v16 =	vmul.f32 v39, v16;
	v40 =	vld [tilespmem:s30+$0xB0]  }
0xba: {  	v30 =	vmax.f32 v30, $0.0e+00;
	v36 =	vmax.f32 v36, $0.0e+00;
	v35 =	vsub.f32 v35, v42;
	[tilespmem:v33+s18+$0x0] =	vst.idx.add.s32.msk $0xffff, v18  }
0xbb: {  	v18 =	vmul.f32 $1.280000000e+02, v29;
	v29 =	vmin.f32 v30, $2.047000000e+03;
	v30 =	vmin.f32 v36, $2.047000000e+03;
	[tilespmem:v34+s18+$0x0] =	vst.idx.add.s32.msk $0xffff, v31  }
0xbc: {  	v23 =	vmul.f32 v23, v28;
	v31 =	vmin.f32 v44, $2.047000000e+03;
	v16 =	vsub.f32 v16, v45;
	[tilespmem:v37+s18+$0x0] =	vst.idx.add.s32.msk $0xffff, v20  }
0xbd: {  	v20 =	vcvt.f32.s32 v32;
	v18 =	vmax.f32 v18, $0.0e+00;
	v28 =	vadd.f32 $8.000000000e+00, v35  }
0xbe: {  	v31 =	vtrunc.f32 v31;
	v18 =	vmin.f32 v18, $2.047000000e+03;
	v16 =	vadd.f32 $8.000000000e+00, v16  }
0xbf: {  	v15 =	vadd.f32 $-5.000000000e-01, v15;
	v31 =	vcvt.f32.s32 v31;
	v28 =	vmul.f32 $1.280000000e+02, v28  }
0xc0: {  	v29 =	vtrunc.f32 v29;
	v32 =	vadd.s32 $0x10000, v11;
	v11 =	vsub.f32 v23, v43  }
0xc1: {  	v15 =	vmul.f32 v15, v25;
	v18 =	vtrunc.f32 v18;
	v23 =	vmax.f32 v28, $0.0e+00  }
0xc2: {  	v12 =	vmul.f32 v14, v12;
	v18 =	vcvt.f32.s32 v18;
	v23 =	vmin.f32 v23, $2.047000000e+03  }
0xc3: {  	v14 =	vtrunc.f32 v30;
	v25 =	vadd.f32 $8.000000000e+00, v11;
	v23 =	vtrunc.f32 v23  }
0xc4: {  	v10 =	vadd.s32 $0x10000, v10;
	v15 =	vsub.f32 v15, v40;
	v11 =	vcvt.f32.s32 v23  }
0xc5: {  	v9 =	vmul.f32 $1.902304980e-09, v9;
	v12 =	vsub.f32 v12, v46;
	v23 =	vmul.f32 $1.280000000e+02, v25;
	[tilespmem:v31+s18+$0x0] =	vst.idx.add.s32.msk $0xffff, v10  }
0xc6: {  	v15 =	vadd.f32 $8.000000000e+00, v15;
	v10 =	vmul.f32 $1.280000000e+02, v16;
	[tilespmem:v20+s18+$0x0] =	vst.idx.add.s32.msk $0xffff, v32  }
0xc7: {  	v9 =	vmul.f32 v22, v9;
	v16 =	vadd.s32 $0x10000, v19;
	v19 =	vmax.f32 v23, $0.0e+00;
	[tilespmem:v27+s18+$0x0] =	vst.idx.add.s32.msk $0xffff, v21  }
0xc8: {  	v12 =	vadd.f32 $8.000000000e+00, v12;
	v15 =	vmul.f32 $1.280000000e+02, v15;
	v19 =	vmin.f32 v19, $2.047000000e+03;
	[tilespmem:v18+s18+$0x0] =	vst.idx.add.s32.msk $0xffff, v16  }
0xc9: {  	v10 =	vmax.f32 v10, $0.0e+00;
	v16 =	vtrunc.f32 v19;
	v18 =	vsub.f32 v9, v41;
	[tilespmem:v38+s18+$0x0] =	vst.idx.add.s32.msk $0xffff, v17  }
0xca: {  	v10 =	vmin.f32 v10, $2.047000000e+03;
	v9 =	vcvt.f32.s32 v14;
	v14 =	vmax.f32 v15, $0.0e+00  }
0xcb: {  	v12 =	vmul.f32 $1.280000000e+02, v12;
	v10 =	vtrunc.f32 v10;
	v14 =	vmin.f32 v14, $2.047000000e+03  }
0xcc: {  	v15 =	vcvt.f32.s32 v10;
	v10 =	vtrunc.f32 v14;
	v14 =	vadd.f32 $8.000000000e+00, v18  }
0xcd: {  	v12 =	vmax.f32 v12, $0.0e+00;
	v17 =	vcvt.f32.s32 v29  }
0xce: {  	v18 =	vmin.f32 v12, $2.047000000e+03;
	v14 =	vmul.f32 $1.280000000e+02, v14  }
.Ltmp3:
0xcf: {  	v5 =	vadd.s32 $0x3779B900, v5;
	v12 =	vcvt.f32.s32 v10;
	v18 =	vtrunc.f32 v18;
	(pc) =	sbr.rel @p0 .LBB2_5-.Ltmp3, $4  }
0xd0: {  	v7 =	vadd.s32 $0x10000, v7;
	v10 =	vcvt.f32.s32 v16;
	v16 =	vmax.f32 v14, $0.0e+00  }
0xd1: {  	v19 =	vadd.s32 $0x10000, v24;
	v14 =	vcvt.f32.s32 v18;
	v16 =	vmin.f32 v16, $2.047000000e+03  }
0xd2: {  	v18 =	vadd.s32 $0x10000, v8;
	v8 =	vadd.s32 $0x10000, v26;
	v16 =	vtrunc.f32 v16;
	[tilespmem:v15+s18+$0x0] =	vst.idx.add.s32.msk $0xffff, v19  }
0xd3: {  	v15 =	vadd.s32 $0x10000, v13;
	v13 =	vadd.s32 $0x10000, v6;
	v6 =	vcvt.f32.s32 v16;
	[tilespmem:v17+s18+$0x0] =	vst.idx.add.s32.msk $0xffff, v18  }
0xd4: {  	_ =	sdelay $0x3  }
0xd5: {  	[tilespmem:v9+s18+$0x0] =	vst.idx.add.s32.msk $0xffff, v15  }
0xd6: {  	[tilespmem:v12+s18+$0x0] =	vst.idx.add.s32.msk $0xffff, v4  }
0xd7: {  	[tilespmem:v11+s18+$0x0] =	vst.idx.add.s32.msk $0xffff, v8  }
0xd8: {  	[tilespmem:v14+s18+$0x0] =	vst.idx.add.s32.msk $0xffff, v13  }
0xd9: {  	v3 =	vadd.s32 $0x10000, v3;
	[tilespmem:v10+s18+$0x0] =	vst.idx.add.s32.msk $0xffff, v7  }
0xda: {  	s4 =	simm.s32 $0x0;
	[tilespmem:v6+s18+$0x0] =	vst.idx.add.s32.msk $0xffff, v3  }
0xdb: {  	v3 =	vld [tilespmem:s4+$0x10000]  }
0xdc: {  	v4 =	vld [tilespmem:s4+$0x10010]  }
0xdd: {  	v5 =	vld [tilespmem:s4+$0x10020]  }
0xde: {  	v6 =	vld [tilespmem:s4+$0x10030]  }
0xdf: {  	[tilespmem:s4+$0x10000] =	vst v0  }
0xe0: {  	[tilespmem:s4+$0x10010] =	vst v0;
	(xrf0) =	vadd.scan.msk.s32 $0xffff, v3  }
0xe1: {  	[tilespmem:s4+$0x10020] =	vst v0;
	(xrf0) =	vadd.scan.msk.s32 $0xffff, v4  }
0xe2: {  	[tilespmem:s4+$0x10030] =	vst v0;
	(xrf0) =	vadd.scan.msk.s32 $0xffff, v5  }
0xe3: {  	[tilespmem:s4+$0x11000] =	vst v3;
	(xrf0) =	vadd.scan.msk.s32 $0xffff, v6  }
0xe4: {  	[tilespmem:s4+$0x11010] =	vst v4  }
0xe5: {  	[tilespmem:s4+$0x11020] =	vst v5  }
0xe6: {  	s31 =	simm.s32 $0x40;
	[tilespmem:s4+$0x11030] =	vst v6;
	v6, _, _ =	vpop (xrf0)  }
0xe7: {  	v3 =	vld [tilespmem:s31+$0x10000];
	[tilespmem:s31+$0x10000] =	vst v0;
	v7, _, _ =	vpop (xrf0)  }
0xe8: {  	s3 =	simm.s32 $0x0;
	s30 =	simm.s32 $0x100;
	v4 =	vld [tilespmem:s31+$0x10010];
	[tilespmem:s31+$0x10010] =	vst v0;
	v8, _, _ =	vpop (xrf0)  }
0xe9: {  	s0 =	simm.s32 $0x200;
	s7 =	simm.s32 $0x300;
	s6 =	simm.s32 $0x200;
	v5 =	vld [tilespmem:s31+$0x10020];
	[tilespmem:s31+$0x10020] =	vst v0;
	v9, _, _ =	vpop (xrf0)  }
.LBB2_7:
0xea: {  	p0 =	sne.s32 s7, $0x1F00;
	v10 =	vld [tilespmem:s31+$0x10030];
	[tilespmem:s31+$0x10030] =	vst v0  }
0xeb: {  	[tilespmem:s4+$0x10800] =	vst v6  }
0xec: {  	(xrf0) =	vadd.scan.msk.s32 $0xffff, v3;
	[tilespmem:s4+$0x10810] =	vst v7  }
0xed: {  	(xrf0) =	vadd.scan.msk.s32 $0xffff, v4;
	[tilespmem:s4+$0x10820] =	vst v8  }
0xee: {  	(xrf0) =	vadd.scan.msk.s32 $0xffff, v5;
	[tilespmem:s4+$0x10830] =	vst v9;
	s4 =	smov.u32 s31  }
0xef: {  	[tilespmem:s4+$0x11000] =	vst v3;
	(xrf0) =	vadd.scan.msk.s32 $0xffff, v10  }
0xf0: {  	[tilespmem:s4+$0x11010] =	vst v4  }
.Ltmp4:
0xf1: {  	[tilespmem:s4+$0x11020] =	vst v5;
	(pc) =	sbr.rel @p0 .LBB2_7-.Ltmp4, $4  }
0xf2: {  	s31 =	sshra.s32 s6, $0x2;
	s6 =	smov.u32 s7;
	[tilespmem:s4+$0x11030] =	vst v10;
	v6, _, _ =	vpop (xrf0)  }
0xf3: {  	v3 =	vld [tilespmem:s31+$0x10000];
	[tilespmem:s31+$0x10000] =	vst v0;
	v7, _, _ =	vpop (xrf0)  }
0xf4: {  	v4 =	vld [tilespmem:s31+$0x10010];
	[tilespmem:s31+$0x10010] =	vst v0;
	v8, _, _ =	vpop (xrf0)  }
0xf5: {  	s7 =	sadd.s32 $0x100, s7;
	v5 =	vld [tilespmem:s31+$0x10020];
	[tilespmem:s31+$0x10020] =	vst v0;
	v9, _, _ =	vpop (xrf0)  }
0xf6: {  	v10 =	vld [tilespmem:s31+$0x10030];
	[tilespmem:s31+$0x10030] =	vst v0  }
0xf7: {  	[tilespmem:s4+$0x10800] =	vst v6  }
0xf8: {  	[tilespmem:s4+$0x10810] =	vst v7  }
0xf9: {  	[tilespmem:s4+$0x10820] =	vst v8  }
0xfa: {  	[tilespmem:s4+$0x10830] =	vst v9  }
0xfb: {  	[tilespmem:s31+$0x11000] =	vst v3  }
0xfc: {  	(xrf0) =	vadd.scan.msk.s32 $0xffff, v3;
	[tilespmem:s31+$0x11010] =	vst v4  }
0xfd: {  	(xrf0) =	vadd.scan.msk.s32 $0xffff, v4;
	[tilespmem:s31+$0x11020] =	vst v5  }
0xfe: {  	s7 =	sshra.s32 s6, $0x2;
	(xrf0) =	vadd.scan.msk.s32 $0xffff, v5;
	[tilespmem:s31+$0x11030] =	vst v10  }
0xff: {  	(xrf0) =	vadd.scan.msk.s32 $0xffff, v10;
	v3 =	vld [tilespmem:s7+$0x10000];
	[tilespmem:s7+$0x10000] =	vst v0  }
0x100: {  	v4 =	vld [tilespmem:s7+$0x10010];
	[tilespmem:s7+$0x10010] =	vst v0  }
0x101: {  	v5 =	vld [tilespmem:s7+$0x10020];
	[tilespmem:s7+$0x10020] =	vst v0  }
0x102: {  	v6 =	vld [tilespmem:s7+$0x10030];
	[tilespmem:s7+$0x10030] =	vst v0;
	v7, _, _ =	vpop (xrf0)  }
0x103: {  	v62, _, _ =	vpop (xrf0);
	[tilespmem:s31+$0x10800] =	vst v7  }
0x104: {  	v7, _, _ =	vpop (xrf0);
	[tilespmem:s31+$0x10810] =	vst v62;
	(xrf0) =	vadd.scan.msk.s32 $0xffff, v3  }
0x105: {  	v63, _, _ =	vpop (xrf0);
	[tilespmem:s31+$0x10820] =	vst v7;
	(xrf0) =	vadd.scan.msk.s32 $0xffff, v4  }
0x106: {  	[tilespmem:s31+$0x10830] =	vst v63;
	(xrf0) =	vadd.scan.msk.s32 $0xffff, v5  }
0x107: {  	[tilespmem:s7+$0x11000] =	vst v3;
	(xrf0) =	vadd.scan.msk.s32 $0xffff, v6  }
0x108: {  	[tilespmem:s7+$0x11010] =	vst v4  }
0x109: {  	[tilespmem:s7+$0x11020] =	vst v5  }
0x10a: {  	[tilespmem:s7+$0x11030] =	vst v6;
	v4 =	vor.u32 s3, v2;
	v3, _, _ =	vpop (xrf0)  }
0x10b: {  	v5, _, _ =	vpop (xrf0);
	[tilespmem:s7+$0x10800] =	vst v3  }
0x10c: {  	v3, _, _ =	vpop (xrf0);
	[tilespmem:s7+$0x10810] =	vst v5  }
0x10d: {  	v5, _, _ =	vpop (xrf0);
	[tilespmem:s7+$0x10820] =	vst v3  }
0x10e: {  	[tilespmem:s7+$0x10830] =	vst v5  }
0x10f: {  	v3 =	vld.idx.msk [tilespmem:v4+s19+$0x0], $0xffff;
	_ =	sdelay $0x4  }
0x110: {  	(xrf0) =	vadd.scan.msk.s32 $0xffff, v3;
	_ =	sdelay $0x5  }
0x111: {  	v4, _, _ =	vpop (xrf0)  }
0x112: {  	v5 =	vor.u32 s30, v2;
	(v2sf) =	vpush v4, $0xF;
	_ =	sdelay $0x1  }
0x113: {  	v3 =	vsub.s32 s3, v3  }
0x114: {  	s30 =	simm.s32 $0x11800;
	v3 =	vadd.s32 v4, v3  }
0x115: {  	[tilespmem:s30+$0x0] =	vst v3  }
0x116: {  	v3 =	vld.idx.msk [tilespmem:v5+s19+$0x0], $0xffff;
	_ =	sdelay $0x4  }
0x117: {  	(xrf0) =	vadd.scan.msk.s32 $0xffff, v3;
	_ =	sdelay $0x4  }
0x118: {  	s31 =	spop (v2sf)  }
0x119: {  	s4 =	simm.s32 $0x300;
	s3 =	simm.s32 $0x11800;
	v4 =	vor.u32 s0, v2;
	v5, _, _ =	vpop (xrf0);
	s0 =	sadd.s32 $0x0, s31  }
.LBB2_9:
0x11a: {  	p0 =	sne.s32 s4, $0x700;
	v3 =	vsub.s32 s0, v3;
	(v2sf) =	vpush v5, $0xF  }
0x11b: {  	s3 =	sadd.s32 $0x10, s3;
	v3 =	vadd.s32 v5, v3  }
0x11c: {  	[tilespmem:s3+$0x0] =	vst v3;
	_ =	sdelay $0x1  }
0x11d: {  	v3 =	vld.idx.msk [tilespmem:v4+s19+$0x0], $0xffff;
	_ =	sdelay $0x5  }
0x11e: {  	(xrf0) =	vadd.scan.msk.s32 $0xffff, v3;
	_ =	sdelay $0x1  }
.Ltmp5:
0x11f: {  	(pc) =	sbr.rel @p0 .LBB2_9-.Ltmp5, $3  }
0x120: {  	_ =	sdelay $0x1  }
0x121: {  	s6 =	spop (v2sf)  }
0x122: {  	v4 =	vor.u32 s4, v2;
	s4 =	sadd.s32 $0x100, s4;
	v5, _, _ =	vpop (xrf0);
	s0 =	sadd.s32 s0, s6  }
0x123: {  	(v2sf) =	vpush v5, $0xF;
	_ =	sdelay $0x2  }
0x124: {  	v3 =	vsub.s32 s0, v3  }
0x125: {  	s3 =	sadd.s32 $0x10, s3;
	v3 =	vadd.s32 v5, v3  }
0x126: {  	[tilespmem:s3+$0x0] =	vst v3  }
0x127: {  	v3 =	vld.idx.msk [tilespmem:v4+s19+$0x0], $0xffff;
	_ =	sdelay $0x4  }
0x128: {  	(xrf0) =	vadd.scan.msk.s32 $0xffff, v3;
	_ =	sdelay $0x3  }
0x129: {  	s4 =	spop (v2sf)  }
0x12a: {  	s4 =	sadd.s32 s0, s4  }
0x12b: {  	v20, _, _ =	vpop (xrf0);
	v3 =	vsub.s32 s4, v3  }
0x12c: {  	s3 =	sadd.s32 $0x10, s3;
	v3 =	vadd.s32 v20, v3  }
0x12d: {  	s6 =	simm.s32 $0x0;
	[tilespmem:s3+$0x0] =	vst v3  }
0x12e: {  	v7 =	vld [tilespmem:s6+$0x110C0]  }
0x12f: {  	v8 =	vld [tilespmem:s6+$0x110D0]  }
0x130: {  	v9 =	vld [tilespmem:s6+$0x110E0]  }
0x131: {  	v10 =	vld [tilespmem:s6+$0x110F0]  }
0x132: {  	v11 =	vld [tilespmem:s6+$0x11080]  }
0x133: {  	v12 =	vld [tilespmem:s6+$0x11090]  }
0x134: {  	v13 =	vld [tilespmem:s6+$0x110A0]  }
0x135: {  	v14 =	vld [tilespmem:s6+$0x110B0]  }
0x136: {  	v15 =	vld [tilespmem:s6+$0x11040]  }
0x137: {  	v16 =	vld [tilespmem:s6+$0x11050]  }
0x138: {  	v17 =	vld [tilespmem:s6+$0x11060]  }
0x139: {  	v18 =	vld [tilespmem:s6+$0x11070]  }
0x13a: {  	v19 =	vld [tilespmem:s6+$0x11000]  }
0x13b: {  	v5 =	vld [tilespmem:s6+$0x11010]  }
0x13c: {  	v3 =	vld [tilespmem:s30+$0x0]  }
0x13d: {  	v6 =	vld [tilespmem:s6+$0x11020]  }
0x13e: {  	v4 =	vld [tilespmem:s6+$0x11030]  }
0x13f: {  	v21 =	vld [tilespmem:s6+$0x108C0]  }
0x140: {  	(v2sf) =	vpush v20, $0xF;
	v22 =	vld [tilespmem:s6+$0x108D0]  }
0x141: {  	v23 =	vld [tilespmem:s6+$0x108E0];
	v24 =	vshra.s32 v7, $0x10;
	v25 =	vbroadcast v3, $0xC;
	v26 =	vbroadcast v3, $0xD  }
0x142: {  	v20 =	vld [tilespmem:s6+$0x108F0];
	v28 =	vshra.s32 v8, $0x10;
	v29 =	vbroadcast v3, $0xE;
	v30 =	vbroadcast v3, $0xF  }
0x143: {  	v27 =	vld [tilespmem:s6+$0x10880];
	v32 =	vshra.s32 v9, $0x10;
	v33 =	vbroadcast v3, $0x8;
	v34 =	vbroadcast v3, $0x9  }
0x144: {  	v31 =	vld [tilespmem:s6+$0x10890];
	v36 =	vshra.s32 v10, $0x10;
	v37 =	vbroadcast v3, $0xA;
	v38 =	vbroadcast v3, $0xB  }
0x145: {  	v35 =	vld [tilespmem:s6+$0x108A0];
	v40 =	vshra.s32 v11, $0x10;
	v41 =	vbroadcast v3, $0x4;
	v42 =	vbroadcast v3, $0x5  }
0x146: {  	v39 =	vld [tilespmem:s6+$0x108B0];
	v44 =	vshra.s32 v12, $0x10;
	v45 =	vbroadcast v3, $0x6;
	v46 =	vbroadcast v3, $0x7  }
0x147: {  	v43 =	vld [tilespmem:s6+$0x10840];
	v48 =	vshra.s32 v13, $0x10;
	v49 =	vbroadcast v3, $0x0;
	v50 =	vbroadcast v3, $0x1  }
0x148: {  	v47 =	vld [tilespmem:s6+$0x10850];
	v52 =	vshra.s32 v14, $0x10;
	v53 =	vbroadcast v3, $0x2;
	v3 =	vbroadcast v3, $0x3  }
0x149: {  	v51 =	vld [tilespmem:s6+$0x10860];
	v59 =	vshra.s32 v16, $0x10;
	v60 =	vshra.s32 v4, $0x10;
	v7 =	vand.u32 $0xFFFF, v7  }
0x14a: {  	v8 =	vand.u32 $0xFFFF, v8;
	v9 =	vand.u32 $0xFFFF, v9;
	v54 =	vadd.s32 v25, v21;
	v21 =	vld [tilespmem:s6+$0x10870]  }
0x14b: {  	v10 =	vand.u32 $0xFFFF, v10;
	v4 =	vand.u32 $0xFFFF, v4;
	v55 =	vadd.s32 v26, v22;
	v22 =	vld [tilespmem:s6+$0x10800]  }
0x14c: {  	v56 =	vadd.s32 v29, v23;
	v23 =	vshra.s32 v15, $0x10;
	v57 =	vadd.s32 v30, v20;
	v20 =	vld [tilespmem:s6+$0x10810]  }
0x14d: {  	v58 =	vadd.s32 v33, v27;
	v31 =	vadd.s32 v34, v31;
	v25 =	vld [tilespmem:s6+$0x10820];
	v35 =	vadd.s32 v37, v35  }
0x14e: {  	v37 =	vshra.s32 v17, $0x10;
	v41 =	vadd.s32 v41, v43;
	v26 =	vld [tilespmem:s6+$0x10830];
	v42 =	vadd.s32 v42, v47  }
0x14f: {  	v43 =	vshra.s32 v18, $0x10;
	v47 =	vadd.s32 v38, v39;
	v38 =	vshra.s32 v19, $0x10  }
0x150: {  	v45 =	vadd.s32 v45, v51;
	v51 =	vshra.s32 v6, $0x10;
	v34 =	vshra.s32 v55, $0xF  }
0x151: {  	v39 =	vshra.s32 v58, $0xF;
	v1 =	vshll.u32 v56, $0x1;
	v49 =	vadd.s32 v49, v22  }
0x152: {  	v22 =	vshra.s32 v5, $0x10;
	v46 =	vadd.s32 v46, v21;
	v50 =	vadd.s32 v50, v20  }
0x153: {  	v53 =	vadd.s32 v53, v25;
	v20 =	vshra.s32 v54, $0xF;
	v61 =	vadd.s32 v3, v26  }
0x154: {  	v21 =	vshra.s32 v56, $0xF;
	v3 =	vand.u32 $0xFFFFFFFE, v34;
	v5 =	vand.u32 $0xFFFF, v5  }
0x155: {  	v20 =	vand.u32 $0xFFFFFFFE, v20;
	v21 =	vand.u32 $0xFFFFFFFE, v21;
	v29 =	vsub.s32 v3, v28  }
0x156: {  	v3 =	vand.u32 $0xFFFFFFFE, v39;
	v62 =	vshra.s32 v49, $0xF;
	v63 =	vshra.s32 v50, $0xF  }
0x157: {  	v24 =	vsub.s32 v20, v24;
	v20 =	vshra.s32 v57, $0xF;
	v26 =	vsub.s32 v21, v32  }
0x158: {  	v21 =	vshra.s32 v31, $0xF;
	v27 =	vsub.s32 v3, v40;
	v40 =	vshra.s32 v41, $0xF  }
0x159: {  	v20 =	vand.u32 $0xFFFFFFFE, v20;
	v21 =	vand.u32 $0xFFFFFFFE, v21;
	v3 =	vand.u32 $0xFFFFFFFE, v40  }
0x15a: {  	v40 =	vand.u32 $0xFFFF, v13;
	v25 =	vsub.s32 v20, v36;
	v20 =	vshra.s32 v35, $0xF  }
0x15b: {  	v28 =	vsub.s32 v21, v44;
	v21 =	vshra.s32 v42, $0xF;
	v33 =	vsub.s32 v3, v23  }
0x15c: {  	v3 =	vand.u32 $0xFFFFFFFE, v62;
	v36 =	vand.u32 $0xFFFF, v11;
	v44 =	vand.u32 $0xFFFF, v15  }
0x15d: {  	v11 =	vshll.u32 v54, $0x1;
	v54 =	vand.u32 $0xFFFF, v6;
	v6 =	vand.u32 $0x1FFFE, v1  }
0x15e: {  	v62 =	vshll.u32 v58, $0x1;
	v1 =	vshll.u32 v47, $0x1;
	v20 =	vand.u32 $0xFFFFFFFE, v20  }
0x15f: {  	v21 =	vand.u32 $0xFFFFFFFE, v21;
	v23 =	vsub.s32 v3, v38;
	v3 =	vand.u32 $0xFFFFFFFE, v63  }
0x160: {  	v0 =	vand.u32 $0x1FFFE, v11;
	v11 =	vcvt.s32.f32 v7;
	v63 =	vshll.u32 v31, $0x1  }
0x161: {  	v30 =	vsub.s32 v20, v48;
	v20 =	vshra.s32 v47, $0xF;
	v34 =	vsub.s32 v21, v59  }
0x162: {  	v21 =	vshra.s32 v45, $0xF;
	v22 =	vsub.s32 v3, v22;
	v48 =	vand.u32 $0xFFFF, v16  }
0x163: {  	v59 =	vand.u32 $0xFFFF, v19;
	v16 =	vcvt.s32.f32 v44;
	v45 =	vshll.u32 v45, $0x1  }
0x164: {  	v47 =	vshll.u32 v49, $0x1;
	v20 =	vand.u32 $0xFFFFFFFE, v20;
	v21 =	vand.u32 $0xFFFFFFFE, v21  }
0x165: {  	v32 =	vsub.s32 v20, v52;
	v20 =	vshra.s32 v46, $0xF;
	v39 =	vsub.s32 v21, v37  }
0x166: {  	v21 =	vshra.s32 v53, $0xF;
	v37 =	vand.u32 $0xFFFF, v12;
	v52 =	vand.u32 $0xFFFF, v18  }
0x167: {  	v12 =	vshll.u32 v55, $0x1;
	v55 =	vsub.s32 v0, v7;
	v7 =	vand.u32 $0x1FFFE, v63  }
0x168: {  	v46 =	vshll.u32 v46, $0x1;
	v53 =	vshll.u32 v53, $0x1;
	v63 =	vcvt.s32.f32 v5  }
0x169: {  	v20 =	vand.u32 $0xFFFFFFFE, v20;
	v21 =	vand.u32 $0xFFFFFFFE, v21;
	v2 =	vand.u32 $0x1FFFE, v12  }
0x16a: {  	v12 =	vshll.u32 v57, $0x1;
	v57 =	vsub.s32 v6, v9;
	v9 =	vcvt.s32.f32 v9  }
0x16b: {  	v6 =	vand.u32 $0x1FFFE, v62;
	v13 =	vcvt.s32.f32 v37;
	v49 =	vcvt.s32.f32 v52  }
0x16c: {  	v62 =	vcvt.s32.f32 v54;
	v38 =	vsub.s32 v20, v43;
	v20 =	vshra.s32 v61, $0xF  }
0x16d: {  	v21 =	vsub.s32 v21, v51;
	v43 =	vand.u32 $0xFFFF, v14;
	v51 =	vand.u32 $0xFFFF, v17  }
0x16e: {  	v56 =	vsub.s32 v2, v8;
	v17 =	vcvt.s32.f32 v8;
	v3 =	vand.u32 $0x1FFFE, v12  }
0x16f: {  	v8 =	vshll.u32 v35, $0x1;
	v31 =	vsub.s32 v6, v36;
	v12 =	vcvt.s32.f32 v36  }
0x170: {  	v35 =	vsub.s32 v7, v37;
	v14 =	vcvt.s32.f32 v40;
	v2 =	vshll.u32 v41, $0x1  }
0x171: {  	v7 =	vand.u32 $0x1FFFE, v1;
	v1 =	vand.u32 $0x1FFFE, v46;
	v20 =	vand.u32 $0xFFFFFFFE, v20  }
0x172: {  	v58 =	vsub.s32 v3, v10;
	v10 =	vcvt.s32.f32 v10;
	v0 =	vand.u32 $0x1FFFE, v8  }
0x173: {  	v8 =	vshll.u32 v42, $0x1;
	v6 =	vand.u32 $0x1FFFE, v2;
	v37 =	vsub.s32 v7, v43  }
0x174: {  	v15 =	vcvt.s32.f32 v43;
	v2 =	vcvt.s32.f32 v51;
	v43 =	vsub.s32 v1, v52  }
0x175: {  	[tilespmem:$0x1FFC0] =	vst v49;
	v52 =	vcvt.s32.f32 v59;
	v1 =	vadd.s32 $0x1, v55;
	v49 =	vadd.s32 $0x1, v56  }
0x176: {  	v31 =	vadd.s32 $0x1, v31;
	v35 =	vadd.s32 $0x1, v35;
	v20 =	vsub.s32 v20, v60  }
0x177: {  	v60 =	vimm.f32 $0.0e+00;
	v36 =	vsub.s32 v0, v40;
	v3 =	vand.u32 $0x1FFFE, v8  }
0x178: {  	v40 =	vsub.s32 v6, v44;
	v0 =	vcvt.s32.f32 v48;
	v6 =	vand.u32 $0x1FFFE, v45  }
0x179: {  	v41 =	vsub.s32 v3, v48;
	v42 =	vsub.s32 v6, v51;
	v48 =	vand.u32 $0x1FFFE, v47  }
0x17a: {  	[tilespmem:$0x1FFB0] =	vst v2;
	v51 =	vshll.u32 v50, $0x1;
	v2 =	vadd.s32 $0x1, v57;
	v3 =	vadd.s32 $0x1, v58  }
0x17b: {  	[tilespmem:$0x1FFD0] =	vst v52;
	v52 =	vadd.s32 $0x1, v40;
	v6 =	vadd.s32 $0x1, v43;
	v57 =	vadd.s32 $0x1, v33  }
0x17c: {  	v45 =	vsub.s32 v48, v59;
	v44 =	vand.u32 $0x1FFFE, v51;
	v59 =	vshll.u32 v61, $0x1  }
0x17d: {  	[tilespmem:$0x1FFA0] =	vst v0;
	v0 =	vand.u32 $0x1FFFE, v53;
	v61 =	vcvt.s32.f32 v4;
	v41 =	vadd.s32 $0x1, v41  }
0x17e: {  	v40 =	vcvt.s32.f32 v2;
	v2 =	vadd.s32 $0x1, v26;
	v43 =	vcvt.s32.f32 v3  }
0x17f: {  	v3 =	vadd.s32 $0x1, v25;
	v25 =	vcvt.s32.f32 v52;
	v48 =	vadd.s32 $0x1, v34  }
0x180: {  	v51 =	vadd.s32 $0x1, v23;
	v23 =	vcvt.s32.f32 v57;
	v44 =	vsub.s32 v44, v5  }
0x181: {  	v46 =	vand.u32 $0x1FFFE, v59;
	v47 =	vsub.s32 v0, v54;
	v54 =	vadd.s32 $0x1, v37  }
0x182: {  	v5 =	vadd.s32 $0x1, v42;
	v45 =	vadd.s32 $0x1, v45;
	v42 =	vcvt.s32.f32 v1  }
0x183: {  	v0 =	vadd.s32 $0x1, v24;
	v37 =	vcvt.s32.f32 v35;
	v26 =	vcvt.s32.f32 v41  }
0x184: {  	v1 =	vadd.s32 $0x1, v29;
	v34 =	vcvt.s32.f32 v2;
	v33 =	vcvt.s32.f32 v3  }
0x185: {  	v46 =	vsub.s32 v46, v4;
	v7 =	vadd.s32 $0x1, v44;
	v44 =	vcvt.s32.f32 v49  }
0x186: {  	v4 =	vadd.s32 $0x1, v36;
	v36 =	vcvt.s32.f32 v31;
	v35 =	vcvt.s32.f32 v54  }
0x187: {  	v47 =	vadd.s32 $0x1, v47;
	v29 =	vcvt.s32.f32 v45;
	v41 =	vcvt.s32.f32 v0  }
0x188: {  	v46 =	vadd.s32 $0x1, v46;
	v24 =	vcvt.s32.f32 v4;
	v4 =	vadd.s32 $0x1, v27  }
0x189: {  	v27 =	vcvt.s32.f32 v5;
	v5 =	vadd.s32 $0x1, v28;
	v28 =	vcvt.s32.f32 v6  }
0x18a: {  	v6 =	vadd.s32 $0x1, v30;
	v30 =	vcvt.s32.f32 v7;
	v31 =	vcvt.s32.f32 v47  }
0x18b: {  	v7 =	vadd.s32 $0x1, v32;
	v32 =	vcvt.s32.f32 v46;
	v46 =	vcvt.s32.f32 v1  }
0x18c: {  	s7 =	spop (v2sf);
	v49 =	vadd.s32 $0x1, v39;
	v39 =	vcvt.s32.f32 v4;
	v47 =	vcvt.s32.f32 v5  }
0x18d: {  	s0 =	simm.s32 $0x400;
	s31 =	sadd.s32 s4, s7;
	v50 =	vadd.s32 $0x1, v38;
	v45 =	vcvt.s32.f32 v6;
	v38 =	vcvt.s32.f32 v7  }
.LBB2_11:
0x18e: {  	v22 =	vadd.s32 $0x1, v22;
	v48 =	vcvt.s32.f32 v48  }
0x18f: {  	v49 =	vcvt.s32.f32 v49;
	v51 =	vcvt.s32.f32 v51;
	v21 =	vadd.s32 $0x1, v21  }
0x190: {  	v50 =	vcvt.s32.f32 v50;
	v20 =	vadd.s32 $0x1, v20;
	v57 =	vld [tilespmem:$0x1FFB0];
	v52 =	vcvt.s32.f32 v22  }
0x191: {  	s3 =	sshra.s32 s0, $0x2;
	v58 =	vld [tilespmem:$0x1FFC0];
	v53 =	vcvt.s32.f32 v21;
	v55 =	vcvt.s32.f32 v20  }
0x192: {  	v54 =	vld [tilespmem:s3+$0x110C0];
	(erf) = vrcp.f32 v41;
	v6 =	vmul.f32 v30, v63  }
0x193: {  	v41 =	vld [tilespmem:s3+$0x110D0];
	v5 =	vmul.f32 v31, v62;
	(erf) = vrcp.f32 v46  }
0x194: {  	v4 =	vmul.f32 v32, v61;
	(erf) = vrcp.f32 v39;
	v39 =	vld [tilespmem:s3+$0x110F0]  }
0x195: {  	v56 =	vmul.f32 v42, v11;
	v42 =	vld [tilespmem:s3+$0x110E0];
	v44 =	vmul.f32 v44, v17  }
0x196: {  	v18 =	vmul.f32 v40, v9;
	(erf) = vrcp.f32 v47;
	v17 =	vld [tilespmem:s3+$0x11080]  }
0x197: {  	v40 =	vmul.f32 v43, v10;
	v11 =	vld [tilespmem:s3+$0x11090];
	v19 =	vmul.f32 v36, v12  }
0x198: {  	v36 =	vmul.f32 v37, v13;
	v13 =	vld [tilespmem:s3+$0x110B0];
	v37 =	vmul.f32 v24, v14  }
0x199: {  	v14 =	vld [tilespmem:s3+$0x11040];
	v43 =	vmul.f32 v35, v15;
	(erf) = vrcp.f32 v45  }
0x19a: {  	v15 =	vld [tilespmem:s3+$0x11050];
	v35 =	vmul.f32 v25, v16;
	(erf) = vrcp.f32 v23  }
0x19b: {  	v16 =	vld [tilespmem:s3+$0x11060];
	v20 =	vand.u32 $0xFFFF, v54;
	v21 =	vand.u32 $0xFFFF, v41;
	(erf) = vrcp.f32 v48  }
0x19c: {  	v10 =	vld [tilespmem:s3+$0x11000];
	v62 =	vshra.s32 v54, $0x10;
	v48 =	vmul.f32 v27, v57;
	(erf) = vrcp.f32 v51  }
0x19d: {  	v12 =	vld [tilespmem:s3+$0x110A0];
	v24 =	vand.u32 $0xFFFF, v39;
	v22 =	vand.u32 $0xFFFF, v42;
	(erf) = vrcp.f32 v52  }
0x19e: {  	v51 =	vld [tilespmem:s3+$0x11030];
	v23 =	vand.u32 $0xFFFF, v17;
	v0 =	vand.u32 $0xFFFF, v11;
	v27 =	vand.u32 $0xFFFF, v13  }
0x19f: {  	v52 =	vmul.f32 v28, v58;
	v28 =	vand.u32 $0xFFFF, v14;
	(erf) = vrcp.f32 v53;
	v45 =	vpop (erf);
	v53 =	vld [tilespmem:$0x1FFA0]  }
0x1a0: {  	v59 =	vld [tilespmem:$0x1FFD0];
	v25 =	vand.u32 $0xFFFF, v15;
	v30 =	vand.u32 $0xFFFF, v16;
	(erf) = vrcp.f32 v55;
	v47 =	vpop (erf)  }
0x1a1: {  	v31 =	vand.u32 $0xFFFF, v10;
	v45 =	vmul.f32 v45, v56;
	(erf) = vrcp.f32 v49;
	v49 =	vpop (erf)  }
0x1a2: {  	v9 =	vld [tilespmem:s3+$0x11070];
	v42 =	vshra.s32 v42, $0x10;
	v44 =	vmul.f32 v47, v44;
	(erf) = vrcp.f32 v50;
	v50 =	vpop (erf)  }
0x1a3: {  	v8 =	vld [tilespmem:s3+$0x11010];
	[tilespmem:$0x1FED0] =	vst v42;
	v42 =	vshra.s32 v12, $0x10;
	v19 =	vmul.f32 v49, v19;
	v55 =	vpop (erf);
	(erf) = vrcp.f32 v38  }
0x1a4: {  	s30 =	sadd.s32 $0x10, s30;
	v7 =	vld [tilespmem:s3+$0x11020];
	v32 =	vand.u32 $0xFFFF, v51;
	v49 =	vmul.f32 v50, v36;
	v46 =	vmul.f32 v26, v53  }
0x1a5: {  	[tilespmem:$0x1FEA0] =	vst v0;
	v51 =	vshra.s32 v51, $0x10;
	v50 =	vld [tilespmem:s30+$0x0];
	v53 =	vmul.f32 v29, v59;
	v0 =	vpop (erf);
	(erf) = vrcp.f32 v34  }
0x1a6: {  	v26 =	vand.u32 $0xFFFF, v12;
	v37 =	vmul.f32 v55, v37;
	v57 =	vpop (erf);
	(erf) = vrcp.f32 v33  }
0x1a7: {  	v29 =	vand.u32 $0xFFFF, v9;
	v38 =	vmul.f32 v0, v35;
	v1 =	vpop (erf);
	v63 =	vmul.f32 v57, v46  }
0x1a8: {  	v46 =	vadd.f32 v44, v45;
	v45 =	vshra.s32 v15, $0x10;
	v15 =	vcvt.s32.f32 v20;
	v2 =	vpop (erf)  }
0x1a9: {  	v34 =	vand.u32 $0xFFFF, v7;
	v58 =	vmul.f32 v1, v53;
	v6 =	vmul.f32 v2, v6  }
0x1aa: {  	v33 =	vand.u32 $0xFFFF, v8;
	v54 =	vbroadcast v50, $0xD;
	v55 =	vbroadcast v50, $0xE  }
0x1ab: {  	[tilespmem:$0x1FEB0] =	vst v62;
	v44 =	vshra.s32 v14, $0x10;
	v14 =	vld [tilespmem:s3+$0x108B0];
	v3 =	vpop (erf);
	v57 =	vbroadcast v50, $0xF;
	v62 =	vbroadcast v50, $0xB  }
0x1ac: {  	v19 =	vadd.f32 v49, v19;
	[tilespmem:$0x1FF90] =	vst v15;
	v15 =	vcvt.s32.f32 v21;
	v59 =	vpop (erf);
	v5 =	vmul.f32 v3, v5  }
0x1ad: {  	v0 =	vld [tilespmem:s3+$0x10880];
	v4 =	vmul.f32 v59, v4;
	v61 =	vpop (erf);
	v6 =	vadd.f32 v6, v58;
	v58 =	vbroadcast v50, $0x8  }
0x1ae: {  	v12 =	vld [tilespmem:s3+$0x108A0];
	v38 =	vadd.f32 v63, v38;
	v59 =	vbroadcast v50, $0x9;
	v47 =	vmul.f32 v61, v48  }
0x1af: {  	v1 =	vpop (erf);
	v48 =	vshra.s32 v39, $0x10;
	v61 =	vbroadcast v50, $0xA;
	v39 =	vcvt.s32.f32 v29  }
0x1b0: {  	v53 =	vld [tilespmem:s3+$0x108C0];
	v14 =	vadd.s32 v62, v14;
	v4 =	vadd.f32 v4, v5;
	v2 =	vmul.f32 v1, v52  }
0x1b1: {  	v56 =	vld [tilespmem:s3+$0x108D0];
	v3 =	vpop (erf);
	v52 =	vbroadcast v50, $0xC;
	[tilespmem:$0x1FEE0] =	vst v48;
	v1 =	vbroadcast v50, $0x4;
	v48 =	vshra.s32 v10, $0x10  }
0x1b2: {  	v10 =	vcvt.s32.f32 v26;
	v0 =	vadd.s32 v58, v0;
	v43 =	vmul.f32 v3, v43  }
0x1b3: {  	v35 =	vpop (erf);
	v12 =	vadd.s32 v61, v12;
	v4 =	vadd.f32 v4, v6;
	v5 =	vadd.f32 v2, v47  }
0x1b4: {  	[tilespmem:$0x1FF40] =	vst v15;
	v15 =	vld [tilespmem:s3+$0x10850];
	v36 =	vmul.f32 v35, v18;
	v2 =	vbroadcast v50, $0x5;
	v35 =	vshra.s32 v11, $0x10  }
0x1b5: {  	v11 =	vbroadcast v50, $0x1;
	[tilespmem:$0x1FF60] =	vst v10;
	v10 =	vcvt.s32.f32 v27;
	v52 =	vadd.s32 v52, v53  }
0x1b6: {  	v18 =	vpop (erf);
	v53 =	vadd.s32 v54, v56;
	v56 =	vshll.u32 v14, $0x1;
	v14 =	vshra.s32 v14, $0xF  }
0x1b7: {  	v43 =	vadd.f32 v43, v37;
	v18 =	vmul.f32 v18, v40;
	v40 =	vshra.s32 v41, $0x10  }
0x1b8: {  	v56 =	vand.u32 $0x1FFFE, v56;
	v14 =	vand.u32 $0xFFFFFFFE, v14;
	v3 =	vadd.f32 v4, v60  }
0x1b9: {  	v41 =	vadd.f32 v5, v38;
	v4 =	vbroadcast v50, $0x7;
	v2 =	vadd.s32 v2, v15  }
0x1ba: {  	v15 =	vshll.u32 v0, $0x1;
	v6 =	vadd.f32 v18, v36;
	v47 =	vadd.f32 v43, v19  }
0x1bb: {  	v43 =	vshra.s32 v13, $0x10;
	v13 =	vbroadcast v50, $0x2;
	v36 =	vcvt.s32.f32 v30  }
0x1bc: {  	v63 =	vld [tilespmem:s3+$0x108F0];
	[tilespmem:$0x1FF00] =	vst v35;
	v0 =	vshra.s32 v0, $0xF;
	v35 =	vmovc v30;
	v19 =	vcvt.s32.f32 v31;
	v30 =	vcvt.s32.f32 v34  }
0x1bd: {  	[tilespmem:$0x1FEC0] =	vst v40;
	v60 =	vld [tilespmem:s3+$0x108E0];
	v15 =	vand.u32 $0x1FFFE, v15;
	v0 =	vand.u32 $0xFFFFFFFE, v0;
	v3 =	vadd.f32 v41, v3  }
0x1be: {  	v5 =	vld [tilespmem:s3+$0x10890];
	[tilespmem:$0x1FF30] =	vst v10;
	v14 =	vsub.s32 v14, v43;
	v49 =	vadd.f32 v6, v46;
	v6 =	vshra.s32 v17, $0x10  }
0x1bf: {  	v10 =	vld [tilespmem:s3+$0x10800];
	v17 =	vbroadcast v50, $0x3;
	v46 =	vshra.s32 v16, $0x10;
	v16 =	vcvt.s32.f32 v22;
	[tilespmem:$0x1FFB0] =	vst v36  }
0x1c0: {  	v38 =	vmovc v22;
	v40 =	vld [tilespmem:s3+$0x10820];
	v22 =	vmovc v23;
	v36 =	vcvt.s32.f32 v33;
	v3 =	vadd.f32 v47, v3;
	[tilespmem:$0x1FEF0] =	vst v6;
	v6 =	vbroadcast v50, $0x0  }
0x1c1: {  	v18 =	vld [tilespmem:s3+$0x10840];
	v47 =	vshra.s32 v9, $0x10;
	v9 =	vcvt.s32.f32 v23;
	v15 =	vsub.s32 v15, v22  }
0x1c2: {  	[tilespmem:$0x1FF70] =	vst v16;
	v16 =	vcvt.s32.f32 v24;
	v54 =	vadd.s32 v55, v60;
	v55 =	vadd.s32 v57, v63  }
0x1c3: {  	v5 =	vadd.s32 v59, v5;
	v57 =	vshll.u32 v2, $0x1;
	v2 =	vshra.s32 v2, $0xF  }
0x1c4: {  	v41 =	vadd.f32 v49, v3;
	v3 =	vbroadcast v50, $0x6;
	v49 =	vshra.s32 v8, $0x10  }
0x1c5: {  	v37 =	vmovc v28;
	v8 =	vcvt.s32.f32 v28;
	v50 =	vshra.s32 v7, $0x10;
	v28 =	vcvt.s32.f32 v32  }
0x1c6: {  	v1 =	vadd.s32 v1, v18;
	v6 =	vadd.s32 v6, v10;
	v7 =	vadd.s32 v13, v40  }
0x1c7: {  	v10 =	vshll.u32 v52, $0x1;
	v13 =	vshll.u32 v54, $0x1;
	v52 =	vshra.s32 v52, $0xF  }
0x1c8: {  	v54 =	vshra.s32 v54, $0xF;
	v57 =	vand.u32 $0x1FFFE, v57;
	v2 =	vand.u32 $0xFFFFFFFE, v2  }
0x1c9: {  	[tilespmem:$0x1FFC0] =	vst v39;
	v23 =	vld [tilespmem:$0x1FEA0];
	v18 =	vshll.u32 v1, $0x1;
	v60 =	vshll.u32 v6, $0x1;
	v39 =	vshll.u32 v7, $0x1  }
0x1ca: {  	v1 =	vshra.s32 v1, $0xF;
	v6 =	vshra.s32 v6, $0xF;
	v7 =	vshra.s32 v7, $0xF  }
0x1cb: {  	[tilespmem:$0x1FF80] =	vst v16;
	v10 =	vand.u32 $0x1FFFE, v10;
	v13 =	vand.u32 $0x1FFFE, v13;
	v52 =	vand.u32 $0xFFFFFFFE, v52  }
0x1cc: {  	v16 =	vld [tilespmem:s3+$0x10860];
	v54 =	vand.u32 $0xFFFFFFFE, v54;
	v2 =	vsub.s32 v2, v45;
	[tilespmem:$0x1FF20] =	vst v8;
	v8 =	vcvt.s32.f32 v25  }
0x1cd: {  	v18 =	vand.u32 $0x1FFFE, v18;
	v60 =	vand.u32 $0x1FFFE, v60;
	v62 =	vand.u32 $0x1FFFE, v39  }
0x1ce: {  	[tilespmem:$0x1FF50] =	vst v9;
	v1 =	vand.u32 $0xFFFFFFFE, v1;
	v6 =	vand.u32 $0xFFFFFFFE, v6;
	v9 =	vcvt.s32.f32 v23  }
0x1cf: {  	[tilespmem:$0x1FFD0] =	vst v19;
	v19 =	vld [tilespmem:s3+$0x10830];
	v7 =	vand.u32 $0xFFFFFFFE, v7;
	v10 =	vsub.s32 v10, v20;
	v13 =	vsub.s32 v13, v38  }
0x1d0: {  	v18 =	vsub.s32 v18, v37;
	v1 =	vsub.s32 v1, v44;
	v6 =	vsub.s32 v6, v48;
	[tilespmem:$0x1FF10] =	vst v9;
	v9 =	vld [tilespmem:s3+$0x10870]  }
0x1d1: {  	v48 =	vadd.s32 $0x1, v2;
	[tilespmem:$0x1FFA0] =	vst v8;
	v8 =	vld [tilespmem:s3+$0x10810];
	v1 =	vadd.s32 $0x1, v1;
	v3 =	vadd.s32 v3, v16  }
0x1d2: {  	v20 =	vld [tilespmem:$0x1FEB0];
	v16 =	vshll.u32 v5, $0x1;
	v5 =	vshra.s32 v5, $0xF;
	v58 =	vshll.u32 v3, $0x1  }
0x1d3: {  	v3 =	vshra.s32 v3, $0xF;
	v16 =	vand.u32 $0x1FFFE, v16;
	v5 =	vand.u32 $0xFFFFFFFE, v5  }
0x1d4: {  	v58 =	vand.u32 $0x1FFFE, v58;
	v3 =	vand.u32 $0xFFFFFFFE, v3;
	v16 =	vsub.s32 v16, v23  }
0x1d5: {  	v4 =	vadd.s32 v4, v9;
	v9 =	vadd.s32 v17, v19;
	v19 =	vshll.u32 v12, $0x1  }
0x1d6: {  	v23 =	vsub.s32 v56, v27;
	v8 =	vadd.s32 v11, v8;
	v19 =	vand.u32 $0x1FFFE, v19  }
0x1d7: {  	v19 =	vsub.s32 v19, v26;
	v26 =	vsub.s32 v60, v31;
	v31 =	vsub.s32 v52, v20;
	v20 =	vld [tilespmem:$0x1FEC0]  }
0x1d8: {  	v11 =	vshll.u32 v53, $0x1;
	v53 =	vshra.s32 v53, $0xF;
	v61 =	vshll.u32 v8, $0x1  }
0x1d9: {  	v3 =	vsub.s32 v3, v46;
	v17 =	vshll.u32 v55, $0x1;
	v61 =	vand.u32 $0x1FFFE, v61  }
0x1da: {  	v55 =	vshra.s32 v55, $0xF;
	v12 =	vshra.s32 v12, $0xF;
	v59 =	vshll.u32 v4, $0x1  }
0x1db: {  	v8 =	vshra.s32 v8, $0xF;
	v53 =	vand.u32 $0xFFFFFFFE, v53;
	v59 =	vand.u32 $0x1FFFE, v59  }
0x1dc: {  	v27 =	vsub.s32 v61, v33;
	v61 =	vmovc v28;
	v28 =	vsub.s32 v59, v29;
	v59 =	vsub.s32 v53, v20;
	v20 =	vld [tilespmem:$0x1FED0]  }
0x1dd: {  	v11 =	vand.u32 $0x1FFFE, v11;
	v40 =	vshll.u32 v9, $0x1;
	v4 =	vshra.s32 v4, $0xF  }
0x1de: {  	v9 =	vshra.s32 v9, $0xF;
	v17 =	vand.u32 $0x1FFFE, v17;
	v55 =	vand.u32 $0xFFFFFFFE, v55  }
0x1df: {  	v12 =	vand.u32 $0xFFFFFFFE, v12;
	v8 =	vand.u32 $0xFFFFFFFE, v8;
	v11 =	vsub.s32 v11, v21  }
0x1e0: {  	v21 =	vsub.s32 v7, v50;
	v63 =	vand.u32 $0x1FFFE, v40;
	v4 =	vand.u32 $0xFFFFFFFE, v4  }
0x1e1: {  	v9 =	vand.u32 $0xFFFFFFFE, v9;
	v17 =	vsub.s32 v17, v24;
	v52 =	vsub.s32 v54, v20;
	v20 =	vld [tilespmem:$0x1FEE0]  }
0x1e2: {  	v24 =	vsub.s32 v57, v25;
	v25 =	vsub.s32 v58, v35;
	v12 =	vsub.s32 v12, v42  }
0x1e3: {  	v22 =	vsub.s32 v8, v49;
	v8 =	vadd.s32 $0x1, v11;
	v11 =	vadd.s32 $0x1, v16  }
0x1e4: {  	v49 =	vadd.s32 $0x1, v3;
	v4 =	vsub.s32 v4, v47;
	v58 =	vadd.s32 $0x1, v31  }
0x1e5: {  	v44 =	vcvt.s32.f32 v8;
	v37 =	vcvt.s32.f32 v11;
	v11 =	vadd.s32 $0x1, v14  }
0x1e6: {  	v29 =	vsub.s32 v62, v34;
	v62 =	vmovc v30;
	v30 =	vsub.s32 v63, v32;
	v53 =	vsub.s32 v55, v20;
	v20 =	vld [tilespmem:$0x1FEF0]  }
0x1e7: {  	v60 =	vmovc v41;
	v41 =	vcvt.s32.f32 v58;
	v38 =	vcvt.s32.f32 v11;
	v56 =	vadd.s32 $0x1, v29  }
0x1e8: {  	v57 =	vadd.s32 $0x1, v30;
	v31 =	vcvt.s32.f32 v56;
	v59 =	vadd.s32 $0x1, v59  }
0x1e9: {  	v16 =	vadd.s32 $0x1, v19;
	v32 =	vcvt.s32.f32 v57;
	v46 =	vcvt.s32.f32 v59  }
0x1ea: {  	v54 =	vadd.s32 $0x1, v10;
	v10 =	vadd.s32 $0x1, v15;
	v15 =	vadd.s32 $0x1, v18  }
0x1eb: {  	v18 =	vadd.s32 $0x1, v24;
	v24 =	vcvt.s32.f32 v16;
	v0 =	vsub.s32 v0, v20;
	v20 =	vld [tilespmem:$0x1FF00]  }
0x1ec: {  	v19 =	vadd.s32 $0x1, v25;
	v63 =	vmovc v36;
	v42 =	vcvt.s32.f32 v54;
	v36 =	vcvt.s32.f32 v10  }
0x1ed: {  	v8 =	vadd.s32 $0x1, v52;
	v25 =	vcvt.s32.f32 v15;
	v10 =	vadd.s32 $0x1, v12  }
0x1ee: {  	v14 =	vld [tilespmem:$0x1FF60];
	v34 =	vcvt.s32.f32 v8;
	v45 =	vcvt.s32.f32 v10;
	v55 =	vadd.s32 $0x1, v27  }
0x1ef: {  	v11 =	vld [tilespmem:$0x1FF90];
	v27 =	vcvt.s32.f32 v19;
	v30 =	vcvt.s32.f32 v55;
	v0 =	vadd.s32 $0x1, v0  }
0x1f0: {  	v16 =	vld [tilespmem:$0x1FF20];
	v39 =	vcvt.s32.f32 v0;
	v5 =	vsub.s32 v5, v20;
	v20 =	vsub.s32 v9, v51  }
0x1f1: {  	p0 =	sne.s32 s0, $0x1C00;
	v15 =	vld [tilespmem:$0x1FF30];
	v9 =	vadd.s32 $0x1, v13;
	v13 =	vadd.s32 $0x1, v17;
	v17 =	vadd.s32 $0x1, v23  }
.Ltmp6:
0x1f2: {  	v12 =	vld [tilespmem:$0x1FF50];
	v23 =	vadd.s32 $0x1, v28;
	v28 =	vadd.s32 $0x1, v26;
	v26 =	vcvt.s32.f32 v18;
	(pc) =	sbr.rel @p0 .LBB2_11-.Ltmp6, $4  }
0x1f3: {  	v50 =	vadd.s32 $0x1, v4;
	v10 =	vld [tilespmem:$0x1FF80];
	v40 =	vcvt.s32.f32 v9;
	v43 =	vcvt.s32.f32 v13  }
0x1f4: {  	v13 =	vld [tilespmem:$0x1FF10];
	v9 =	vadd.s32 $0x1, v53;
	v35 =	vcvt.s32.f32 v17;
	v29 =	vcvt.s32.f32 v28  }
0x1f5: {  	v17 =	vld [tilespmem:$0x1FF40];
	v5 =	vadd.s32 $0x1, v5;
	v28 =	vcvt.s32.f32 v23;
	v23 =	vcvt.s32.f32 v1  }
0x1f6: {  	s0 =	sadd.s32 $0x400, s0;
	v51 =	vadd.s32 $0x1, v6;
	v33 =	vcvt.s32.f32 v9;
	v9 =	vld [tilespmem:$0x1FF70];
	v47 =	vcvt.s32.f32 v5  }
0x1f7: {  	v1 =	vcvt.s32.f32 v48  }
0x1f8: {  	v2 =	vcvt.s32.f32 v49;
	v3 =	vcvt.s32.f32 v51  }
0x1f9: {  	v5 =	vcvt.s32.f32 v50;
	(erf) = vrcp.f32 v41  }
0x1fa: {  	v7 =	vmul.f32 v42, v11;
	(erf) = vrcp.f32 v46  }
0x1fb: {  	v11 =	vmul.f32 v36, v12;
	(erf) = vrcp.f32 v39  }
0x1fc: {  	v0 =	vadd.s32 $0x1, v22;
	v18 =	vmul.f32 v30, v63;
	(erf) = vrcp.f32 v47  }
0x1fd: {  	v4 =	vadd.s32 $0x1, v21;
	v0 =	vcvt.s32.f32 v0;
	(erf) = vrcp.f32 v45  }
0x1fe: {  	v6 =	vadd.s32 $0x1, v20;
	v4 =	vcvt.s32.f32 v4;
	(erf) = vrcp.f32 v23  }
0x1ff: {  	v6 =	vcvt.s32.f32 v6;
	(erf) = vrcp.f32 v1  }
0x200: {  	v48 =	vld [tilespmem:$0x1FFA0];
	v53 =	vmul.f32 v31, v62;
	(erf) = vrcp.f32 v3  }
0x201: {  	v49 =	vld [tilespmem:$0x1FFB0];
	v55 =	vmul.f32 v32, v61;
	(erf) = vrcp.f32 v0  }
0x202: {  	v8 =	vmul.f32 v44, v17;
	(erf) = vrcp.f32 v4;
	v4 =	vpop (erf)  }
0x203: {  	v51 =	vld [tilespmem:$0x1FFD0];
	v47 =	vmul.f32 v37, v13;
	(erf) = vrcp.f32 v6;
	v6 =	vpop (erf)  }
0x204: {  	v9 =	vmul.f32 v40, v9;
	(erf) = vrcp.f32 v2;
	v2 =	vpop (erf)  }
0x205: {  	v13 =	vmul.f32 v26, v48;
	(erf) = vrcp.f32 v5;
	v5 =	vpop (erf)  }
0x206: {  	v50 =	vld [tilespmem:$0x1FFC0];
	v1 =	vmul.f32 v24, v14;
	v14 =	vmul.f32 v27, v49;
	v52 =	vpop (erf)  }
0x207: {  	v3 =	vmul.f32 v35, v15;
	(erf) = vrcp.f32 v38;
	v19 =	vpop (erf)  }
0x208: {  	v0 =	vmul.f32 v25, v16;
	v16 =	vmul.f32 v29, v51;
	v54 =	vpop (erf)  }
0x209: {  	v4 =	vmul.f32 v4, v7;
	(erf) = vrcp.f32 v34;
	v7 =	vpop (erf)  }
0x20a: {  	v6 =	vmul.f32 v6, v8;
	(erf) = vrcp.f32 v33;
	v8 =	vpop (erf)  }
0x20b: {  	v15 =	vmul.f32 v28, v50;
	v2 =	vmul.f32 v2, v11;
	v11 =	vpop (erf)  }
0x20c: {  	v7 =	vmul.f32 v7, v16;
	v8 =	vmul.f32 v8, v18;
	v56 =	vpop (erf)  }
0x20d: {  	v11 =	vmul.f32 v11, v53;
	v12 =	vmul.f32 v56, v55;
	v57 =	vpop (erf)  }
0x20e: {  	v0 =	vmul.f32 v19, v0;
	v13 =	vmul.f32 v54, v13;
	v58 =	vpop (erf)  }
0x20f: {  	v7 =	vadd.f32 v8, v7;
	v8 =	vadd.f32 v12, v11;
	v11 =	vmul.f32 v58, v15  }
0x210: {  	v5 =	vmul.f32 v5, v47;
	v14 =	vmul.f32 v57, v14;
	v59 =	vpop (erf)  }
0x211: {  	v1 =	vmul.f32 v52, v1;
	v0 =	vadd.f32 v13, v0;
	v3 =	vmul.f32 v59, v3  }
0x212: {  	v10 =	vmul.f32 v43, v10;
	v61 =	vpop (erf);
	v7 =	vadd.f32 v8, v7;
	v8 =	vadd.f32 v11, v14  }
0x213: {  	v2 =	vadd.f32 v5, v2;
	v9 =	vmul.f32 v61, v9;
	v1 =	vadd.f32 v3, v1;
	v11 =	vpop (erf)  }
0x214: {  	v5 =	vadd.f32 v7, v60;
	v0 =	vadd.f32 v8, v0;
	v3 =	vmul.f32 v11, v10  }
0x215: {  	v4 =	vadd.f32 v6, v4;
	v1 =	vadd.f32 v1, v2  }
0x216: {  	v0 =	vadd.f32 v0, v5;
	v3 =	vadd.f32 v3, v9;
	_ =	sdelay $0x1  }
0x217: {  	v0 =	vadd.f32 v1, v0;
	v1 =	vadd.f32 v3, v4;
	_ =	sdelay $0x1  }
0x218: {  	v0 =	vadd.f32 v1, v0  }
0x219: {  	s0 =	sand.u32 $0xFFFF, s31  }
0x21a: {  	s0 =	scvt.s32.f32 s0;
	(xrf2) =	vadd.scan.msk.f32 $0xffff, v0;
	_ =	sdelay $0x1  }
0x21b: {  	s0 =	sadd.f32 $9.999999740e-06, s0;
	_ =	sdelay $0x1  }
0x21c: {  	v0 =	vmov s0  }
0x21d: {  	(erf) = vrcp.f32 v0;
	_ =	sdelay $0x3  }
0x21e: {  	v0 =	vmov s26  }
0x21f: {  	v0 =	vand.u32 $0xFFFFFFFE, v0;
	v1, _, _ =	vpop (xrf2)  }
0x220: {  	v0 =	vbroadcast v0, $0x0;
	v1 =	vadd.f32 $0.0e+00, v1  }
0x221: {  	s29 =	sadd.s32 $0x2, s29  }
0x222: {  	s0 =	smin.u32 s29, s8;
	v1 =	vbroadcast v1, $0xF  }
0x223: {  	s3 =	sshll.u32 s0, $0xB;
	s0 =	sshll.u32 s0, $0x4;
	v2 =	vpop (erf)  }
0x224: {  	s3 =	sand.u32 $0x3FC000, s3;
	s0 =	sand.u32 $0x70, s0;
	v1 =	vmul.f32 v1, v2  }
0x225: {  	s0 =	sor.u32 s0, s3  }
0x226: {  	s4 =	simm.s32 $0x0;
	s3 =	sadd.s32 s1, s0;
	[tilespmem:v0+s20+$0x0] =	vst.idx.msk $0x1, v1  }
0x227: {  	[tilespmem:s4], [sflag:$0x1] =	stream.strided.gather [hbm4b:s3+s11], $0x4000, s12, s11, $0x38;
	[tilespmem:$0x11900] =	vst v63  }
0x228: {  	s0 =	sadd.s32 s2, s0  }
0x229: {  	[tilespmem:s13], [sflag:$0x3] =	stream.strided.gather [hbm4b:s0+s11], $0x4000, s12, s11, $0x38;
	[tilespmem:$0x11900] =	vst v63  }
0x22a: {  	_ =	swait.ge [sflag:s21], $0x4000  }
0x22b: {  	v0 =	vld [tilespmem:$0x1FFE0];
	_ =	sdelay $0x2  }
0x22c: {  	s30 =	smul.u32 $0xDE6E4000, s28;
	_ =	sdelay $0x1  }
0x22d: {  	v3 =	vadd.s32 s30, v0  }
0x22e: {  	v0 =	vadd.s32 $0xE3779B90, v3;
	v1 =	vadd.s32 $0x715609D0, v3  }
0x22f: {  	v2 =	vadd.s32 $0x1BBCDC80, v3;
	v4 =	vadd.s32 $0x8D12E650, v3;
	v10 =	vadd.s32 $0xFF347810, v3  }
0x230: {  	v5 =	vadd.s32 $0xA99B4AC0, v3;
	v8 =	vadd.s32 $0xC6EF3720, v3;
	v9 =	vshrl.u32 v3, $0x8  }
0x231: {  	[sflag:s21] =	ssyncset.done $0x0;
	v42 =	vadd.s32 $0x54021D70, v3;
	v44 =	vadd.s32 $0xC623AF30, v3;
	v47 =	vadd.s32 $0xAA66D2B0, v3  }
0x232: {  	[sflag:s21] =	ssyncadd.s32 $0xFFFFC000;
	v48 =	vadd.s32 $0x384540F0, v3;
	v52 =	vadd.s32 $0x54CDA560, v3;
	v0 =	vshrl.u32 v0, $0x8  }
0x233: {  	_ =	swait.ge [sflag:s22], $0x4000;
	v1 =	vshrl.u32 v1, $0x8;
	v2 =	vshrl.u32 v2, $0x8;
	v6 =	vshrl.u32 v4, $0x8  }
0x234: {  	[sflag:s22] =	ssyncset.done $0x0;
	v11 =	vcvt.s32.f32 v9;
	v5 =	vshrl.u32 v5, $0x8;
	v46 =	vshrl.u32 v42, $0x8  }
0x235: {  	s31 =	simm.s32 $0x0;
	[sflag:s22] =	ssyncadd.s32 $0xFFFFC000;
	v18 =	vshrl.u32 v44, $0x8;
	v20 =	vshrl.u32 v47, $0x8;
	v0 =	vcvt.s32.f32 v0  }
0x236: {  	v7 =	vld [tilespmem:s31+$0xC0D0];
	v10 =	vshrl.u32 v10, $0x8;
	v1 =	vcvt.s32.f32 v1;
	v2 =	vcvt.s32.f32 v2  }
0x237: {  	v24 =	vld [tilespmem:s31+$0xC000];
	v30 =	vshrl.u32 v52, $0x8;
	v63 =	vcvt.s32.f32 v6;
	v41 =	vcvt.s32.f32 v5  }
0x238: {  	v50 =	vld [tilespmem:s31+$0xC040];
	v23 =	vshrl.u32 v48, $0x8;
	v12 =	vcvt.s32.f32 v46;
	v53 =	vcvt.s32.f32 v20  }
0x239: {  	v27 =	vld [tilespmem:s31+$0xC020];
	v6 =	vshrl.u32 v8, $0x8;
	v34 =	vcvt.s32.f32 v18;
	v30 =	vcvt.s32.f32 v30  }
0x23a: {  	v21 =	vld [tilespmem:s31+$0xC010];
	v8 =	vadd.s32 $0x8DDE6E40, v3;
	v61 =	vcvt.s32.f32 v10;
	v23 =	vcvt.s32.f32 v23  }
0x23b: {  	v15 =	vld [tilespmem:s31+$0xC030];
	v40 =	vcvt.s32.f32 v6;
	v43 =	vshrl.u32 v8, $0x8;
	v28 =	vmul.f32 $1.902304980e-09, v11  }
0x23c: {  	v0 =	vmul.f32 $1.902304980e-09, v0;
	v17 =	vcvt.s32.f32 v43  }
0x23d: {  	v49 =	vcvt.s32.f32 v7;
	v12 =	vmul.f32 $1.902304980e-09, v12  }
0x23e: {  	v4 =	vld [tilespmem:s31+$0xC0E0];
	v54 =	vcvt.s32.f32 v24;
	v55 =	vcvt.s32.f32 v50  }
0x23f: {  	v9 =	vld [tilespmem:s31+$0xC050];
	v57 =	vcvt.s32.f32 v27;
	v19 =	vmul.f32 $1.902304980e-09, v63  }
0x240: {  	v14 =	vadd.s32 $0x708A81E0, v3;
	v44 =	vld [tilespmem:s31+$0xC070];
	v60 =	vcvt.s32.f32 v21;
	v63 =	vcvt.s32.f32 v15  }
0x241: {  	v62 =	vadd.s32 $0xE2AC13A0, v3;
	v5 =	vld [tilespmem:s31+$0xC0C0];
	v31 =	vmul.f32 $1.902304980e-09, v53;
	v23 =	vmul.f32 $1.902304980e-09, v23  }
0x242: {  	v13 =	vshrl.u32 v62, $0x8;
	v20 =	vld [tilespmem:s31+$0xC060];
	v1 =	vmul.f32 $1.902304980e-09, v1;
	v30 =	vmul.f32 $1.902304980e-09, v30  }
0x243: {  	v10 =	vld [tilespmem:s31+$0xC0F0];
	v2 =	vmul.f32 $1.902304980e-09, v2;
	v24 =	vadd.s32 $0x10000, v24;
	v21 =	vadd.s32 $0x10000, v21  }
0x244: {  	v6 =	vld [tilespmem:s31+$0xC0B0];
	v15 =	vadd.s32 $0x10000, v15;
	v45 =	vmul.f32 $1.902304980e-09, v40;
	v16 =	vcvt.s32.f32 v4  }
0x245: {  	v8 =	vld [tilespmem:s31+$0xC0A0];
	v26 =	vmul.f32 $1.902304980e-09, v17;
	v51 =	vadd.f32 $-5.000000000e-01, v49;
	v17 =	vmul.f32 $1.902304980e-09, v41  }
0x246: {  	v56 =	vcvt.s32.f32 v9;
	v33 =	vadd.f32 $-5.000000000e-01, v54;
	v36 =	vadd.f32 $-5.000000000e-01, v57  }
0x247: {  	v40 =	vadd.f32 $-5.000000000e-01, v60;
	v41 =	vmul.f32 $1.902304980e-09, v61;
	v57 =	vcvt.s32.f32 v44  }
0x248: {  	v49 =	vshrl.u32 v14, $0x8;
	v11 =	vcvt.s32.f32 v5;
	v48 =	vcvt.s32.f32 v20  }
0x249: {  	v35 =	vadd.f32 $-5.000000000e-01, v55;
	v54 =	vcvt.s32.f32 v10;
	v38 =	vcvt.s32.f32 v49  }
0x24a: {  	v58 =	vld [tilespmem:s31+$0x4020];
	v9 =	vadd.s32 $0x10000, v9;
	v32 =	vcvt.s32.f32 v6;
	v37 =	vcvt.s32.f32 v8  }
0x24b: {  	v59 =	vld [tilespmem:s31+$0x40D0];
	v20 =	vadd.s32 $0x10000, v20;
	v19 =	vmul.f32 v51, v19;
	v22 =	vmul.f32 v36, v45  }
0x24c: {  	v62 =	vld [tilespmem:s31+$0x4010];
	v25 =	vadd.f32 $-5.000000000e-01, v56;
	v36 =	vcvt.s32.f32 v13;
	v28 =	vmul.f32 v33, v28  }
0x24d: {  	v47 =	vld [tilespmem:s31+$0x4040];
	v51 =	vadd.f32 $-5.000000000e-01, v63;
	v0 =	vmul.f32 v40, v0;
	v26 =	vmul.f32 v35, v26  }
0x24e: {  	v14 =	vld [tilespmem:s31+$0xC090];
	v16 =	vadd.f32 $-5.000000000e-01, v16;
	v18 =	vadd.f32 $-5.000000000e-01, v11;
	v11 =	vadd.s32 $0x10000, v50  }
0x24f: {  	v55 =	vld [tilespmem:s31+$0x4000];
	v53 =	vadd.f32 $-5.000000000e-01, v48;
	v48 =	vmul.f32 $1.902304980e-09, v34;
	v22 =	vsub.f32 v22, v58  }
0x250: {  	v39 =	vsub.f32 v19, v59;
	v19 =	vadd.s32 $0x10000, v27;
	v1 =	vmul.f32 v25, v1  }
0x251: {  	v0 =	vsub.f32 v0, v62;
	v25 =	vadd.f32 $-5.000000000e-01, v54;
	v31 =	vmul.f32 v51, v31  }
0x252: {  	v52 =	vld [tilespmem:s31+$0x4060];
	v26 =	vsub.f32 v26, v47;
	v32 =	vadd.f32 $-5.000000000e-01, v32;
	v49 =	vmul.f32 $1.902304980e-09, v36  }
0x253: {  	v13 =	vld [tilespmem:s31+$0xC080];
	v51 =	vadd.f32 $-5.000000000e-01, v37;
	v54 =	vmul.f32 $1.902304980e-09, v38;
	v56 =	vmul.f32 v53, v30  }
0x254: {  	v30 =	vadd.f32 $-5.000000000e-01, v57;
	v62 =	vcvt.s32.f32 v14;
	v27 =	vsub.f32 v28, v55  }
0x255: {  	v50 =	vld [tilespmem:s31+$0x4050];
	v17 =	vmul.f32 v18, v17;
	v14 =	vadd.s32 $0x10000, v14;
	v22 =	vadd.f32 $8.000000000e+00, v22  }
0x256: {  	v46 =	vadd.f32 $8.000000000e+00, v39;
	v0 =	vadd.f32 $8.000000000e+00, v0;
	v34 =	vmul.f32 v51, v49  }
0x257: {  	v58 =	vld [tilespmem:s31+$0x4070];
	v26 =	vadd.f32 $8.000000000e+00, v26;
	v16 =	vmul.f32 v16, v54;
	v12 =	vmul.f32 v25, v12  }
0x258: {  	v45 =	vld [tilespmem:s31+$0x4030];
	v59 =	vcvt.s32.f32 v13;
	v29 =	vsub.f32 v56, v52;
	v23 =	vmul.f32 v30, v23  }
0x259: {  	v30 =	vadd.f32 $-5.000000000e-01, v62;
	v27 =	vadd.f32 $8.000000000e+00, v27;
	v56 =	vadd.s32 $0x10000, v44  }
0x25a: {  	v53 =	vld [tilespmem:s31+$0x40A0];
	v13 =	vadd.s32 $0x10000, v13;
	v1 =	vsub.f32 v1, v50;
	v22 =	vmul.f32 $1.280000000e+02, v22  }
0x25b: {  	v55 =	vld [tilespmem:s31+$0x40E0];
	v0 =	vmul.f32 $1.280000000e+02, v0;
	v26 =	vmul.f32 $1.280000000e+02, v26;
	v61 =	vadd.f32 $-5.000000000e-01, v59  }
0x25c: {  	v57 =	vmul.f32 $1.280000000e+02, v46;
	v29 =	vadd.f32 $8.000000000e+00, v29;
	v23 =	vsub.f32 v23, v58  }
0x25d: {  	v43 =	vmul.f32 v30, v41;
	v30 =	vsub.f32 v31, v45;
	v27 =	vmul.f32 $1.280000000e+02, v27  }
0x25e: {  	v31 =	vmul.f32 v32, v48;
	v1 =	vadd.f32 $8.000000000e+00, v1;
	v22 =	vmax.f32 v22, $0.0e+00  }
0x25f: {  	v52 =	vld [tilespmem:s31+$0x40B0];
	v0 =	vmax.f32 v0, $0.0e+00;
	v26 =	vmax.f32 v26, $0.0e+00;
	v18 =	vsub.f32 v34, v53  }
0x260: {  	v16 =	vsub.f32 v16, v55;
	v32 =	vmax.f32 v57, $0.0e+00;
	v2 =	vmul.f32 v61, v2  }
0x261: {  	v60 =	vld [tilespmem:s31+$0x4080];
	v29 =	vmul.f32 $1.280000000e+02, v29;
	v23 =	vadd.f32 $8.000000000e+00, v23;
	v22 =	vmin.f32 v22, $2.047000000e+03  }
0x262: {  	v63 =	vld [tilespmem:s31+$0x4090];
	v30 =	vadd.f32 $8.000000000e+00, v30;
	v0 =	vmin.f32 v0, $2.047000000e+03;
	v27 =	vmax.f32 v27, $0.0e+00  }
0x263: {  	v50 =	vld [tilespmem:s31+$0x40C0];
	v26 =	vmin.f32 v26, $2.047000000e+03;
	v1 =	vmul.f32 $1.280000000e+02, v1;
	v22 =	vtrunc.f32 v22  }
0x264: {  	v0 =	vtrunc.f32 v0;
	v27 =	vmin.f32 v27, $2.047000000e+03;
	v31 =	vsub.f32 v31, v52  }
0x265: {  	v18 =	vadd.f32 $8.000000000e+00, v18;
	v26 =	vtrunc.f32 v26;
	v16 =	vadd.f32 $8.000000000e+00, v16  }
0x266: {  	v58 =	vld [tilespmem:s31+$0x40F0];
	v2 =	vsub.f32 v2, v60;
	v40 =	vmax.f32 v29, $0.0e+00;
	v23 =	vmul.f32 $1.280000000e+02, v23  }
0x267: {  	v29 =	vsub.f32 v43, v63;
	v30 =	vmul.f32 $1.280000000e+02, v30;
	v0 =	vcvt.f32.s32 v0  }
0x268: {  	v17 =	vsub.f32 v17, v50;
	v27 =	vtrunc.f32 v27;
	v22 =	vcvt.f32.s32 v22  }
0x269: {  	v59 =	vcvt.f32.s32 v26;
	v63 =	vadd.s32 $0x10000, v8;
	v1 =	vmax.f32 v1, $0.0e+00  }
0x26a: {  	v28 =	vmin.f32 v40, $2.047000000e+03;
	v27 =	vcvt.f32.s32 v27;
	v31 =	vadd.f32 $8.000000000e+00, v31  }
0x26b: {  	v18 =	vmul.f32 $1.280000000e+02, v18;
	v12 =	vsub.f32 v12, v58;
	v16 =	vmul.f32 $1.280000000e+02, v16  }
0x26c: {  	v1 =	vmin.f32 v1, $2.047000000e+03;
	v28 =	vtrunc.f32 v28;
	v2 =	vadd.f32 $8.000000000e+00, v2  }
0x26d: {  	v23 =	vmax.f32 v23, $0.0e+00;
	v29 =	vadd.f32 $8.000000000e+00, v29;
	v30 =	vmax.f32 v30, $0.0e+00  }
0x26e: {  	v1 =	vtrunc.f32 v1;
	v28 =	vcvt.f32.s32 v28;
	v30 =	vmin.f32 v30, $2.047000000e+03  }
0x26f: {  	v17 =	vadd.f32 $8.000000000e+00, v17;
	v31 =	vmul.f32 $1.280000000e+02, v31;
	v30 =	vtrunc.f32 v30  }
0x270: {  	v23 =	vmin.f32 v23, $2.047000000e+03;
	v2 =	vmul.f32 $1.280000000e+02, v2;
	v30 =	vcvt.f32.s32 v30  }
0x271: {  	v12 =	vadd.f32 $8.000000000e+00, v12;
	v23 =	vtrunc.f32 v23;
	v1 =	vcvt.f32.s32 v1  }
0x272: {  	v29 =	vmul.f32 $1.280000000e+02, v29;
	v17 =	vmul.f32 $1.280000000e+02, v17;
	v2 =	vmax.f32 v2, $0.0e+00  }
0x273: {  	v23 =	vcvt.f32.s32 v23;
	v60 =	vmax.f32 v31, $0.0e+00;
	v2 =	vmin.f32 v2, $2.047000000e+03;
	[tilespmem:v27+s18+$0x0] =	vst.idx.add.s32.msk $0xffff, v24  }
0x274: {  	v12 =	vmul.f32 $1.280000000e+02, v12;
	v29 =	vmax.f32 v29, $0.0e+00;
	v2 =	vtrunc.f32 v2;
	[tilespmem:v0+s18+$0x0] =	vst.idx.add.s32.msk $0xffff, v21  }
0x275: {  	v29 =	vmin.f32 v29, $2.047000000e+03;
	v0 =	vmax.f32 v18, $0.0e+00;
	v2 =	vcvt.f32.s32 v2;
	[tilespmem:v22+s18+$0x0] =	vst.idx.add.s32.msk $0xffff, v19  }
0x276: {  	v26 =	vmin.f32 v60, $2.047000000e+03;
	v29 =	vtrunc.f32 v29;
	v0 =	vmin.f32 v0, $2.047000000e+03;
	[tilespmem:v30+s18+$0x0] =	vst.idx.add.s32.msk $0xffff, v15  }
0x277: {  	v17 =	vmax.f32 v17, $0.0e+00;
	v61 =	vcvt.f32.s32 v29;
	v0 =	vtrunc.f32 v0;
	[tilespmem:v59+s18+$0x0] =	vst.idx.add.s32.msk $0xffff, v11  }
0x278: {  	v62 =	vtrunc.f32 v26;
	v17 =	vmin.f32 v17, $2.047000000e+03;
	v0 =	vcvt.f32.s32 v0;
	[tilespmem:v1+s18+$0x0] =	vst.idx.add.s32.msk $0xffff, v9  }
0x279: {  	v12 =	vmax.f32 v12, $0.0e+00;
	v15 =	vcvt.f32.s32 v62;
	v1 =	vtrunc.f32 v17;
	[tilespmem:v28+s18+$0x0] =	vst.idx.add.s32.msk $0xffff, v20  }
0x27a: {  	v11 =	vmin.f32 v32, $2.047000000e+03;
	v9 =	vmax.f32 v16, $0.0e+00;
	v1 =	vcvt.f32.s32 v1;
	[tilespmem:v23+s18+$0x0] =	vst.idx.add.s32.msk $0xffff, v56  }
0x27b: {  	v16 =	vmin.f32 v9, $2.047000000e+03;
	v9 =	vadd.s32 $0x10000, v7;
	[tilespmem:v2+s18+$0x0] =	vst.idx.add.s32.msk $0xffff, v13;
	v2 =	vtrunc.f32 v11  }
0x27c: {  	v7 =	vtrunc.f32 v16;
	v11 =	vmin.f32 v12, $2.047000000e+03;
	v8 =	vcvt.f32.s32 v2  }
0x27d: {  	[tilespmem:v61+s18+$0x0] =	vst.idx.add.s32.msk $0xffff, v14;
	v2 =	vtrunc.f32 v11;
	v11 =	vcvt.f32.s32 v7  }
0x27e: {  	[tilespmem:v0+s18+$0x0] =	vst.idx.add.s32.msk $0xffff, v63;
	v0 =	vadd.s32 $0x10000, v6;
	v7 =	vcvt.f32.s32 v2  }
0x27f: {  	v2 =	vadd.s32 $0x10000, v5;
	[tilespmem:v15+s18+$0x0] =	vst.idx.add.s32.msk $0xffff, v0  }
0x280: {  	s0 =	simm.s32 $0x400;
	v3 =	vadd.s32 $0x3779B900, v3;
	v5 =	vadd.s32 $0x10000, v4;
	v4 =	vadd.s32 $0x10000, v10;
	[tilespmem:v1+s18+$0x0] =	vst.idx.add.s32.msk $0xffff, v2  }
.LBB2_13:
0x281: {  	v0 =	vadd.s32 $0xE3779B90, v3;
	v1 =	vadd.s32 $0x715609D0, v3;
	v2 =	vadd.s32 $0x1BBCDC80, v3;
	s28 =	sshra.s32 s0, $0x2  }
0x282: {  	v6 =	vadd.s32 $0x8D12E650, v3;
	p0 =	sne.s32 s0, $0xFC00;
	s0 =	sadd.s32 $0x400, s0;
	v0 =	vshrl.u32 v0, $0x8;
	v1 =	vshrl.u32 v1, $0x8;
	[tilespmem:v8+s18+$0x0] =	vst.idx.add.s32.msk $0xffff, v9  }
0x283: {  	v14 =	vadd.s32 $0x708A81E0, v3;
	v0 =	vcvt.s32.f32 v0;
	v1 =	vcvt.s32.f32 v1;
	[tilespmem:v11+s18+$0x0] =	vst.idx.add.s32.msk $0xffff, v5  }
0x284: {  	v10 =	vadd.s32 $0xFF347810, v3;
	v2 =	vshrl.u32 v2, $0x8;
	v5 =	vadd.s32 $0xA99B4AC0, v3;
	[tilespmem:v7+s18+$0x0] =	vst.idx.add.s32.msk $0xffff, v4  }
0x285: {  	v15 =	vadd.s32 $0xE2AC13A0, v3;
	v28 =	vcvt.s32.f32 v2;
	v2 =	vshrl.u32 v6, $0x8;
	v9 =	vld [tilespmem:s28+$0xC050]  }
0x286: {  	v6 =	vadd.s32 $0xC6EF3720, v3;
	v7 =	vshrl.u32 v3, $0x8;
	v2 =	vcvt.s32.f32 v2;
	v4 =	vld [tilespmem:s28+$0xC0E0]  }
0x287: {  	v6 =	vshrl.u32 v6, $0x8;
	v11 =	vcvt.s32.f32 v7;
	v7 =	vshrl.u32 v5, $0x8;
	v8 =	vld [tilespmem:s28+$0xC0D0]  }
0x288: {  	v12 =	vadd.s32 $0x8DDE6E40, v3;
	v13 =	vcvt.s32.f32 v6;
	v16 =	vcvt.s32.f32 v7;
	v5 =	vld [tilespmem:s28+$0xC0B0]  }
0x289: {  	v17 =	vadd.s32 $0x54021D70, v3;
	v12 =	vshrl.u32 v12, $0x8;
	v0 =	vmul.f32 $1.902304980e-09, v0;
	v6 =	vld [tilespmem:s28+$0xC0C0]  }
0x28a: {  	v18 =	vadd.s32 $0xC623AF30, v3;
	v20 =	vmul.f32 $1.902304980e-09, v13;
	v13 =	vshrl.u32 v17, $0x8;
	v7 =	vld [tilespmem:s28+$0xC0A0]  }
0x28b: {  	v21 =	vadd.s32 $0xAA66D2B0, v3;
	v12 =	vcvt.s32.f32 v12;
	v22 =	vld [tilespmem:s28+$0xC040];
	v17 =	vcvt.s32.f32 v4  }
0x28c: {  	v29 =	vadd.s32 $0x384540F0, v3;
	v23 =	vshrl.u32 v18, $0x8;
	v30 =	vld [tilespmem:s28+$0xC000];
	v18 =	vcvt.s32.f32 v8  }
0x28d: {  	v21 =	vshrl.u32 v21, $0x8;
	v27 =	vmul.f32 $1.902304980e-09, v12;
	v12 =	vcvt.s32.f32 v13;
	v19 =	vld [tilespmem:s28+$0xC010]  }
0x28e: {  	v33 =	vmul.f32 $1.902304980e-09, v11;
	v32 =	vld [tilespmem:s28+$0xC020];
	v11 =	vcvt.s32.f32 v6;
	v31 =	vadd.f32 $-5.000000000e-01, v18  }
0x28f: {  	v10 =	vshrl.u32 v10, $0x8;
	v12 =	vmul.f32 $1.902304980e-09, v12;
	v18 =	vmul.f32 $1.902304980e-09, v16;
	v34 =	vld [tilespmem:s28+$0x4000]  }
0x290: {  	v35 =	vcvt.s32.f32 v21;
	v24 =	vcvt.s32.f32 v5;
	v16 =	vadd.s32 $0x54CDA560, v3;
	v25 =	vld [tilespmem:s28+$0x4040]  }
0x291: {  	v26 =	vcvt.s32.f32 v23;
	v21 =	vadd.f32 $-5.000000000e-01, v11;
	v13 =	vld [tilespmem:s28+$0xC030];
	v36 =	vcvt.s32.f32 v30  }
0x292: {  	v39 =	vcvt.s32.f32 v9;
	v38 =	vcvt.s32.f32 v22;
	v11 =	vadd.s32 $0x10000, v22;
	v37 =	vld [tilespmem:s28+$0x4020]  }
0x293: {  	v41 =	vshrl.u32 v16, $0x8;
	v23 =	vcvt.s32.f32 v7;
	v22 =	vld [tilespmem:s28+$0xC060];
	v40 =	vcvt.s32.f32 v32  }
0x294: {  	v15 =	vshrl.u32 v15, $0x8;
	v2 =	vmul.f32 $1.902304980e-09, v2;
	v41 =	vcvt.s32.f32 v41;
	v16 =	vld [tilespmem:s28+$0x40A0]  }
0x295: {  	v43 =	vcvt.s32.f32 v19;
	v36 =	vadd.f32 $-5.000000000e-01, v36;
	v42 =	vld [tilespmem:s28+$0x40D0];
	v40 =	vadd.f32 $-5.000000000e-01, v40  }
0x296: {  	v44 =	vcvt.s32.f32 v10;
	v39 =	vadd.f32 $-5.000000000e-01, v39;
	v2 =	vmul.f32 v31, v2  }
0x297: {  	v29 =	vshrl.u32 v29, $0x8;
	v45 =	vld [tilespmem:s28+$0x4010];
	v20 =	vmul.f32 v40, v20;
	v40 =	vcvt.s32.f32 v15  }
0x298: {  	v43 =	vadd.f32 $-5.000000000e-01, v43;
	v46 =	vcvt.s32.f32 v13;
	v10 =	vld [tilespmem:s28+$0xC0F0];
	v47 =	vcvt.s32.f32 v22  }
0x299: {  	v29 =	vcvt.s32.f32 v29;
	v15 =	vld [tilespmem:s28+$0xC080];
	v20 =	vsub.f32 v20, v37;
	v37 =	vshrl.u32 v14, $0x8  }
0x29a: {  	v35 =	vmul.f32 $1.902304980e-09, v35;
	v38 =	vadd.f32 $-5.000000000e-01, v38;
	v31 =	vld [tilespmem:s28+$0xC070];
	v2 =	vsub.f32 v2, v42  }
0x29b: {  	v33 =	vmul.f32 v36, v33;
	v36 =	vadd.f32 $-5.000000000e-01, v46;
	v46 =	vmul.f32 $1.902304980e-09, v29;
	v42 =	vld [tilespmem:s28+$0x4050]  }
0x29c: {  	v1 =	vmul.f32 $1.902304980e-09, v1;
	v44 =	vmul.f32 $1.902304980e-09, v44;
	v49 =	vadd.f32 $8.000000000e+00, v20;
	v48 =	vld [tilespmem:s28+$0x4060]  }
0x29d: {  	v0 =	vmul.f32 v43, v0;
	v29 =	vmul.f32 $1.902304980e-09, v41;
	v41 =	vadd.f32 $-5.000000000e-01, v47  }
0x29e: {  	v1 =	vmul.f32 v39, v1;
	v20 =	vadd.s32 $0x10000, v32;
	v32 =	vcvt.s32.f32 v10;
	v14 =	vld [tilespmem:s28+$0xC090]  }
0x29f: {  	v0 =	vsub.f32 v0, v45;
	v39 =	vmul.f32 v41, v29;
	v41 =	vcvt.s32.f32 v31  }
0x2a0: {  	v29 =	vadd.f32 $-5.000000000e-01, v32;
	v43 =	vld [tilespmem:s28+$0x4070];
	v1 =	vsub.f32 v1, v42;
	v42 =	vcvt.s32.f32 v15  }
0x2a1: {  	v28 =	vmul.f32 $1.902304980e-09, v28;
	v32 =	vld [tilespmem:s28+$0x4080];
	v39 =	vsub.f32 v39, v48;
	v41 =	vadd.f32 $-5.000000000e-01, v41  }
0x2a2: {  	v37 =	vcvt.s32.f32 v37;
	v1 =	vadd.f32 $8.000000000e+00, v1;
	v42 =	vadd.f32 $-5.000000000e-01, v42  }
0x2a3: {  	v39 =	vadd.f32 $8.000000000e+00, v39;
	v41 =	vmul.f32 v41, v46;
	v45 =	vcvt.s32.f32 v14  }
0x2a4: {  	v30 =	vadd.s32 $0x10000, v30;
	v1 =	vmul.f32 $1.280000000e+02, v1;
	v28 =	vmul.f32 v42, v28  }
0x2a5: {  	v42 =	vld [tilespmem:s28+$0x4090];
	v39 =	vmul.f32 $1.280000000e+02, v39;
	v41 =	vsub.f32 v41, v43;
	v43 =	vadd.f32 $-5.000000000e-01, v45  }
0x2a6: {  	v33 =	vsub.f32 v33, v34;
	v1 =	vmax.f32 v1, $0.0e+00;
	v28 =	vsub.f32 v28, v32  }
0x2a7: {  	v1 =	vmin.f32 v1, $2.047000000e+03;
	v32 =	vmax.f32 v39, $0.0e+00;
	v34 =	vmul.f32 v43, v44  }
0x2a8: {  	v43 =	vmul.f32 $1.280000000e+02, v49;
	v39 =	vld [tilespmem:s28+$0x4030];
	v1 =	vtrunc.f32 v1;
	v32 =	vmin.f32 v32, $2.047000000e+03  }
0x2a9: {  	v41 =	vadd.f32 $8.000000000e+00, v41;
	v44 =	vadd.f32 $8.000000000e+00, v28;
	v32 =	vtrunc.f32 v32  }
0x2aa: {  	v35 =	vmul.f32 v36, v35;
	v28 =	vcvt.f32.s32 v32;
	v32 =	vsub.f32 v34, v42  }
0x2ab: {  	v2 =	vadd.f32 $8.000000000e+00, v2;
	v34 =	vmul.f32 $1.280000000e+02, v41;
	v36 =	vmul.f32 $1.280000000e+02, v44  }
0x2ac: {  	v27 =	vmul.f32 v38, v27;
	v33 =	vadd.f32 $8.000000000e+00, v33;
	v41 =	vmax.f32 v43, $0.0e+00  }
0x2ad: {  	v34 =	vmax.f32 v34, $0.0e+00;
	v36 =	vmax.f32 v36, $0.0e+00;
	v35 =	vsub.f32 v35, v39  }
0x2ae: {  	v38 =	vmin.f32 v41, $2.047000000e+03;
	v34 =	vmin.f32 v34, $2.047000000e+03;
	v36 =	vmin.f32 v36, $2.047000000e+03  }
0x2af: {  	v0 =	vadd.f32 $8.000000000e+00, v0;
	v32 =	vadd.f32 $8.000000000e+00, v32;
	v34 =	vtrunc.f32 v34  }
0x2b0: {  	v36 =	vtrunc.f32 v36;
	v35 =	vadd.f32 $8.000000000e+00, v35;
	v34 =	vcvt.f32.s32 v34  }
0x2b1: {  	v25 =	vsub.f32 v27, v25;
	v0 =	vmul.f32 $1.280000000e+02, v0;
	v27 =	vcvt.f32.s32 v36  }
0x2b2: {  	v26 =	vmul.f32 $1.902304980e-09, v26;
	v24 =	vadd.f32 $-5.000000000e-01, v24;
	v35 =	vmul.f32 $1.280000000e+02, v35  }
0x2b3: {  	v33 =	vmul.f32 $1.280000000e+02, v33;
	v0 =	vmax.f32 v0, $0.0e+00;
	v36 =	vtrunc.f32 v38  }
0x2b4: {  	v17 =	vadd.f32 $-5.000000000e-01, v17;
	v0 =	vmin.f32 v0, $2.047000000e+03;
	v38 =	vmul.f32 $1.902304980e-09, v40  }
0x2b5: {  	v19 =	vadd.s32 $0x10000, v19;
	v25 =	vadd.f32 $8.000000000e+00, v25;
	v1 =	vcvt.f32.s32 v1;
	v39 =	vld [tilespmem:s28+$0x40C0]  }
0x2b6: {  	v23 =	vadd.f32 $-5.000000000e-01, v23;
	v33 =	vmax.f32 v33, $0.0e+00;
	v0 =	vtrunc.f32 v0  }
0x2b7: {  	v24 =	vmul.f32 v24, v26;
	v25 =	vmul.f32 $1.280000000e+02, v25;
	v35 =	vmax.f32 v35, $0.0e+00;
	v40 =	vld [tilespmem:s28+$0x40B0]  }
0x2b8: {  	v18 =	vmul.f32 v21, v18;
	v32 =	vmul.f32 $1.280000000e+02, v32;
	v26 =	vmin.f32 v35, $2.047000000e+03  }
0x2b9: {  	v22 =	vadd.s32 $0x10000, v22;
	v21 =	vmax.f32 v25, $0.0e+00;
	v25 =	vmul.f32 $1.902304980e-09, v37  }
0x2ba: {  	v31 =	vadd.s32 $0x10000, v31;
	v0 =	vcvt.f32.s32 v0;
	v35 =	vld [tilespmem:s28+$0x40E0];
	v18 =	vsub.f32 v18, v39  }
0x2bb: {  	v33 =	vmin.f32 v33, $2.047000000e+03;
	v23 =	vmul.f32 v23, v38;
	v26 =	vtrunc.f32 v26  }
0x2bc: {  	v17 =	vmul.f32 v17, v25;
	v26 =	vcvt.f32.s32 v26;
	v24 =	vsub.f32 v24, v40  }
0x2bd: {  	v2 =	vmul.f32 $1.280000000e+02, v2;
	v25 =	vtrunc.f32 v33;
	v32 =	vmax.f32 v32, $0.0e+00  }
0x2be: {  	v32 =	vmin.f32 v32, $2.047000000e+03;
	v16 =	vsub.f32 v23, v16;
	v23 =	vadd.f32 $8.000000000e+00, v24  }
0x2bf: {  	v13 =	vadd.s32 $0x10000, v13;
	v24 =	vcvt.f32.s32 v25;
	v17 =	vsub.f32 v17, v35  }
0x2c0: {  	v21 =	vmin.f32 v21, $2.047000000e+03;
	v2 =	vmax.f32 v2, $0.0e+00;
	v33 =	vcvt.f32.s32 v36;
	v25 =	vld [tilespmem:s28+$0x40F0]  }
0x2c1: {  	v16 =	vadd.f32 $8.000000000e+00, v16;
	v23 =	vmul.f32 $1.280000000e+02, v23;
	v17 =	vadd.f32 $8.000000000e+00, v17  }
0x2c2: {  	v21 =	vtrunc.f32 v21;
	v2 =	vmin.f32 v2, $2.047000000e+03;
	v12 =	vmul.f32 v29, v12  }
0x2c3: {  	v21 =	vcvt.f32.s32 v21;
	v29 =	vadd.s32 $0x10000, v9;
	v9 =	vmax.f32 v23, $0.0e+00  }
0x2c4: {  	v16 =	vmul.f32 $1.280000000e+02, v16;
	v18 =	vadd.f32 $8.000000000e+00, v18;
	v23 =	vtrunc.f32 v32  }
0x2c5: {  	v9 =	vmin.f32 v9, $2.047000000e+03;
	v17 =	vmul.f32 $1.280000000e+02, v17;
	v12 =	vsub.f32 v12, v25;
	[tilespmem:v24+s18+$0x0] =	vst.idx.add.s32.msk $0xffff, v30  }
0x2c6: {  	v15 =	vadd.s32 $0x10000, v15;
	v18 =	vmul.f32 $1.280000000e+02, v18;
	v23 =	vcvt.f32.s32 v23;
	[tilespmem:v0+s18+$0x0] =	vst.idx.add.s32.msk $0xffff, v19  }
0x2c7: {  	v0 =	vmax.f32 v16, $0.0e+00;
	v16 =	vmax.f32 v17, $0.0e+00;
	v12 =	vadd.f32 $8.000000000e+00, v12;
	[tilespmem:v33+s18+$0x0] =	vst.idx.add.s32.msk $0xffff, v20  }
0x2c8: {  	v17 =	vmax.f32 v18, $0.0e+00;
	v0 =	vmin.f32 v0, $2.047000000e+03;
	v16 =	vmin.f32 v16, $2.047000000e+03;
	[tilespmem:v26+s18+$0x0] =	vst.idx.add.s32.msk $0xffff, v13  }
0x2c9: {  	v17 =	vmin.f32 v17, $2.047000000e+03;
	v0 =	vtrunc.f32 v0;
	v13 =	vtrunc.f32 v9;
	[tilespmem:v21+s18+$0x0] =	vst.idx.add.s32.msk $0xffff, v11  }
0x2ca: {  	v9 =	vadd.s32 $0x10000, v8;
	v0 =	vcvt.f32.s32 v0;
	v11 =	vtrunc.f32 v16;
	[tilespmem:v1+s18+$0x0] =	vst.idx.add.s32.msk $0xffff, v29  }
0x2cb: {  	v8 =	vmul.f32 $1.280000000e+02, v12;
	v1 =	vtrunc.f32 v17;
	[tilespmem:v28+s18+$0x0] =	vst.idx.add.s32.msk $0xffff, v22  }
0x2cc: {  	v12 =	vcvt.f32.s32 v13;
	[tilespmem:v34+s18+$0x0] =	vst.idx.add.s32.msk $0xffff, v31  }
0x2cd: {  	v13 =	vadd.s32 $0x10000, v14;
	v1 =	vcvt.f32.s32 v1;
	v8 =	vmax.f32 v8, $0.0e+00;
	[tilespmem:v27+s18+$0x0] =	vst.idx.add.s32.msk $0xffff, v15  }
0x2ce: {  	v2 =	vtrunc.f32 v2;
	v14 =	vmin.f32 v8, $2.047000000e+03;
	[tilespmem:v23+s18+$0x0] =	vst.idx.add.s32.msk $0xffff, v13  }
.Ltmp7:
0x2cf: {  	v8 =	vcvt.f32.s32 v2;
	v2 =	vtrunc.f32 v14;
	v13 =	vadd.s32 $0x10000, v7;
	(pc) =	sbr.rel @p0 .LBB2_13-.Ltmp7, $4  }
0x2d0: {  	v11 =	vcvt.f32.s32 v11;
	v7 =	vcvt.f32.s32 v2;
	[tilespmem:v0+s18+$0x0] =	vst.idx.add.s32.msk $0xffff, v13  }
0x2d1: {  	v0 =	vadd.s32 $0x10000, v5  }
0x2d2: {  	v2 =	vadd.s32 $0x10000, v6;
	[tilespmem:v12+s18+$0x0] =	vst.idx.add.s32.msk $0xffff, v0  }
0x2d3: {  	v3 =	vadd.s32 $0x3779B900, v3;
	v5 =	vadd.s32 $0x10000, v4;
	v4 =	vadd.s32 $0x10000, v10;
	[tilespmem:v1+s18+$0x0] =	vst.idx.add.s32.msk $0xffff, v2  }
0x2d4: {  	_ =	sdelay $0x3  }
0x2d5: {  	[tilespmem:v8+s18+$0x0] =	vst.idx.add.s32.msk $0xffff, v9  }
0x2d6: {  	[tilespmem:v11+s18+$0x0] =	vst.idx.add.s32.msk $0xffff, v5  }
0x2d7: {  	s3 =	simm.s32 $0x0;
	[tilespmem:v7+s18+$0x0] =	vst.idx.add.s32.msk $0xffff, v4  }
0x2d8: {  	v0 =	vld [tilespmem:s3+$0x10000]  }
0x2d9: {  	v1 =	vld [tilespmem:s3+$0x10010]  }
0x2da: {  	v10 =	vimm.s32 $0x0;
	v2 =	vld [tilespmem:s3+$0x10020]  }
0x2db: {  	[tilespmem:s3+$0x10000] =	vst v10;
	v3 =	vld [tilespmem:s3+$0x10030]  }
0x2dc: {  	[tilespmem:s3+$0x10010] =	vst v10  }
0x2dd: {  	[tilespmem:s3+$0x10020] =	vst v10;
	(xrf0) =	vadd.scan.msk.s32 $0xffff, v0  }
0x2de: {  	[tilespmem:s3+$0x10030] =	vst v10;
	(xrf0) =	vadd.scan.msk.s32 $0xffff, v1  }
0x2df: {  	[tilespmem:s3+$0x11000] =	vst v0;
	(xrf0) =	vadd.scan.msk.s32 $0xffff, v2  }
0x2e0: {  	[tilespmem:s3+$0x11010] =	vst v1;
	(xrf0) =	vadd.scan.msk.s32 $0xffff, v3  }
0x2e1: {  	[tilespmem:s3+$0x11020] =	vst v2  }
0x2e2: {  	s0 =	simm.s32 $0x40;
	[tilespmem:s3+$0x11030] =	vst v3  }
0x2e3: {  	v4 =	vld [tilespmem:s0+$0x10010];
	v6, _, _ =	vpop (xrf0)  }
0x2e4: {  	[tilespmem:s0+$0x10010] =	vst v10;
	v3 =	vld [tilespmem:s0+$0x10000];
	v7, _, _ =	vpop (xrf0)  }
0x2e5: {  	v5 =	vld [tilespmem:s0+$0x10020];
	[tilespmem:s0+$0x10020] =	vst v10;
	v8, _, _ =	vpop (xrf0)  }
0x2e6: {  	s4 =	simm.s32 $0x200;
	s6 =	simm.s32 $0x300;
	[tilespmem:s0+$0x10000] =	vst v10;
	v9, _, _ =	vpop (xrf0)  }
.LBB2_15:
0x2e7: {  	p0 =	sne.s32 s6, $0x1F00;
	v0 =	vld [tilespmem:s0+$0x10030];
	[tilespmem:s0+$0x10030] =	vst v10  }
0x2e8: {  	[tilespmem:s3+$0x10800] =	vst v6  }
0x2e9: {  	(xrf0) =	vadd.scan.msk.s32 $0xffff, v3;
	[tilespmem:s3+$0x10810] =	vst v7  }
0x2ea: {  	(xrf0) =	vadd.scan.msk.s32 $0xffff, v4;
	[tilespmem:s3+$0x10820] =	vst v8  }
0x2eb: {  	(xrf0) =	vadd.scan.msk.s32 $0xffff, v5;
	[tilespmem:s3+$0x10830] =	vst v9;
	s3 =	smov.u32 s0  }
0x2ec: {  	[tilespmem:s3+$0x11000] =	vst v3;
	(xrf0) =	vadd.scan.msk.s32 $0xffff, v0  }
0x2ed: {  	[tilespmem:s3+$0x11010] =	vst v4  }
.Ltmp8:
0x2ee: {  	[tilespmem:s3+$0x11020] =	vst v5;
	(pc) =	sbr.rel @p0 .LBB2_15-.Ltmp8, $4  }
0x2ef: {  	s0 =	sshra.s32 s4, $0x2;
	s4 =	smov.u32 s6;
	[tilespmem:s3+$0x11030] =	vst v0;
	v6, _, _ =	vpop (xrf0)  }
0x2f0: {  	v3 =	vld [tilespmem:s0+$0x10000];
	[tilespmem:s0+$0x10000] =	vst v10;
	v7, _, _ =	vpop (xrf0)  }
0x2f1: {  	v4 =	vld [tilespmem:s0+$0x10010];
	[tilespmem:s0+$0x10010] =	vst v10;
	v8, _, _ =	vpop (xrf0)  }
0x2f2: {  	s6 =	sadd.s32 $0x100, s6;
	v5 =	vld [tilespmem:s0+$0x10020];
	[tilespmem:s0+$0x10020] =	vst v10;
	v9, _, _ =	vpop (xrf0)  }
0x2f3: {  	v0 =	vld [tilespmem:s0+$0x10030];
	[tilespmem:s0+$0x10030] =	vst v10  }
0x2f4: {  	[tilespmem:s3+$0x10800] =	vst v6  }
0x2f5: {  	[tilespmem:s3+$0x10810] =	vst v7  }
0x2f6: {  	[tilespmem:s3+$0x10820] =	vst v8  }
0x2f7: {  	[tilespmem:s3+$0x10830] =	vst v9  }
0x2f8: {  	[tilespmem:s0+$0x11000] =	vst v3  }
0x2f9: {  	[tilespmem:s0+$0x11010] =	vst v4  }
0x2fa: {  	(xrf0) =	vadd.scan.msk.s32 $0xffff, v3;
	[tilespmem:s0+$0x11020] =	vst v5  }
0x2fb: {  	s31 =	sshra.s32 s4, $0x2;
	(xrf0) =	vadd.scan.msk.s32 $0xffff, v4;
	[tilespmem:s0+$0x11030] =	vst v0  }
0x2fc: {  	(xrf0) =	vadd.scan.msk.s32 $0xffff, v5;
	v1 =	vld [tilespmem:s31+$0x10000]  }
0x2fd: {  	(xrf0) =	vadd.scan.msk.s32 $0xffff, v0;
	v0 =	vld [tilespmem:s31+$0x10010]  }
0x2fe: {  	v2 =	vld [tilespmem:s31+$0x10020]  }
0x2ff: {  	[tilespmem:s31+$0x10000] =	vst v10;
	v3 =	vld [tilespmem:s31+$0x10030]  }
0x300: {  	[tilespmem:s31+$0x10010] =	vst v10  }
0x301: {  	[tilespmem:s31+$0x10020] =	vst v10;
	v4, _, _ =	vpop (xrf0);
	(xrf0) =	vadd.scan.msk.s32 $0xffff, v1  }
0x302: {  	[tilespmem:s31+$0x10030] =	vst v10;
	v5, _, _ =	vpop (xrf0);
	(xrf0) =	vadd.scan.msk.s32 $0xffff, v0  }
0x303: {  	[tilespmem:s0+$0x10800] =	vst v4;
	v4, _, _ =	vpop (xrf0);
	(xrf0) =	vadd.scan.msk.s32 $0xffff, v2  }
0x304: {  	[tilespmem:s0+$0x10810] =	vst v5;
	v5, _, _ =	vpop (xrf0);
	(xrf0) =	vadd.scan.msk.s32 $0xffff, v3  }
0x305: {  	[tilespmem:s0+$0x10820] =	vst v4  }
0x306: {  	[tilespmem:s0+$0x10830] =	vst v5  }
0x307: {  	[tilespmem:s31+$0x11010] =	vst v0;
	v0, _, _ =	vpop (xrf0)  }
0x308: {  	[tilespmem:s31+$0x11000] =	vst v1;
	v1, _, _ =	vpop (xrf0)  }
0x309: {  	[tilespmem:s31+$0x10800] =	vst v0;
	v0, _, _ =	vpop (xrf0)  }
0x30a: {  	[tilespmem:s31+$0x10810] =	vst v1;
	v1, _, _ =	vpop (xrf0)  }
0x30b: {  	p2 =	por $0x1, $0x1;
	[tilespmem:s31+$0x10830] =	vst v1;
	v1 =	vld [tilespmem:$0x1FFF0]  }
.Ltmp9:
0x30c: {  	_ = 	snop;
	(pc) =	sbr.rel @!p2 .LBB2_17-.Ltmp9, $4  }
0x30d: {  	_ = 	snop  }
0x30e: {  	[tilespmem:s31+$0x11020] =	vst v2  }
0x30f: {  	s28 =	simm.s32 $0x11800;
	s0 =	simm.s32 $0x0;
	[tilespmem:s31+$0x11030] =	vst v3  }
0x310: {  	p0 =	por $0x0, $0x0;
	p1 =	por $0x0, $0x0;
	s3 =	simm.s32 $0x100;
	[tilespmem:s31+$0x10820] =	vst v0;
	v3 =	vor.u32 s0, v1  }
0x311: {  	_ =	sdelay $0x3  }
0x312: {  	v4 =	vld.idx.msk [tilespmem:v3+s19+$0x0], $0xffff;
	_ =	sdelay $0x4  }
0x313: {  	(xrf0) =	vadd.scan.msk.s32 $0xffff, v4  }
0x314: {  	p2 =	por $0x1, $0x1  }
.Ltmp10:
0x315: {  	_ = 	snop;
	(pc) =	sbr.rel @!p2 .LBB2_19-.Ltmp10, $2  }
0x316: {  	_ =	sdelay $0x2  }
0x317: {  	v3 =	vor.u32 s3, v1;
	s3 =	simm.s32 $0x200;
	p0 =	por $0x1, $0x1;
	v5, _, _ =	vpop (xrf0)  }
0x318: {  	(v2sf) =	vpush v5, $0xF;
	_ =	sdelay $0x1  }
0x319: {  	v0 =	vsub.s32 s0, v4  }
0x31a: {  	v0 =	vadd.s32 v5, v0  }
0x31b: {  	[tilespmem:s28+$0x0] =	vst v0  }
0x31c: {  	v4 =	vld.idx.msk [tilespmem:v3+s19+$0x0], $0xffff;
	_ =	sdelay $0x4  }
0x31d: {  	(xrf0) =	vadd.scan.msk.s32 $0xffff, v4  }
0x31e: {  	p2 =	por $0x1, $0x1  }
.Ltmp11:
0x31f: {  	_ = 	snop;
	(pc) =	sbr.rel @!p2 .LBB2_21-.Ltmp11, $3  }
0x320: {  	_ =	sdelay $0x1  }
0x321: {  	s6 =	simm.s32 $0x300;
	s4 =	spop (v2sf)  }
0x322: {  	p1 =	por $0x1, $0x1;
	v3 =	vor.u32 s3, v1;
	v5, _, _ =	vpop (xrf0);
	s3 =	sadd.s32 $0x0, s4;
	s4 =	simm.s32 $0x11800  }
.LBB2_22:
0x323: {  	p2 =	sne.s32 s6, $0x700;
	v0 =	vsub.s32 s3, v4;
	(v2sf) =	vpush v5, $0xF  }
0x324: {  	s4 =	sadd.s32 $0x10, s4;
	v0 =	vadd.s32 v5, v0  }
0x325: {  	[tilespmem:s4+$0x0] =	vst v0;
	_ =	sdelay $0x1  }
0x326: {  	v4 =	vld.idx.msk [tilespmem:v3+s19+$0x0], $0xffff;
	_ =	sdelay $0x5  }
0x327: {  	(xrf0) =	vadd.scan.msk.s32 $0xffff, v4;
	_ =	sdelay $0x1  }
.Ltmp12:
0x328: {  	(pc) =	sbr.rel @p2 .LBB2_22-.Ltmp12, $3  }
0x329: {  	_ =	sdelay $0x1  }
0x32a: {  	s7 =	spop (v2sf)  }
0x32b: {  	v3 =	vor.u32 s6, v1;
	s6 =	sadd.s32 $0x100, s6;
	v5, _, _ =	vpop (xrf0);
	s3 =	sadd.s32 s3, s7  }
.LBB2_23:
0x32c: {  	(v2sf) =	vpush @p0 v5, $0xF;
	_ =	sdelay $0x3  }
0x32d: {  	v0 =	vsub.s32 @p0 s3, v4;
	s4 =	sadd.s32 @p1 $0x10, s4;
	s6 =	simm.s32 $0x11800  }
0x32e: {  	v0 =	vadd.s32 @p0 v5, v0;
	s6 =	smov.u32 @p1 s4  }
0x32f: {  	[tilespmem:s6+$0x0] =	vst @p0 v0  }
0x330: {  	v0 =	vld.idx.msk [tilespmem:v3+s19+$0x0], $0xffff;
	_ =	sdelay $0x4  }
0x331: {  	(xrf0) =	vadd.scan.msk.s32 $0xffff, v0;
	_ =	sdelay $0x2  }
0x332: {  	s4 =	spop @p0 (v2sf)  }
0x333: {  	s3 =	sadd.s32 @p0 s3, s4  }
0x334: {  	s0 =	smov.u32 @p0 s3  }
0x335: {  	v1, _, _ =	vpop (xrf0);
	s4 =	simm.s32 $0x11800;
	s3 =	sadd.s32 @p0 $0x10, s6;
	v0 =	vsub.s32 s0, v0  }
0x336: {  	s4 =	smov.u32 @p0 s3;
	v0 =	vadd.s32 v1, v0  }
0x337: {  	s7 =	simm.s32 $0x0;
	[tilespmem:s4+$0x0] =	vst v0  }
0x338: {  	v7 =	vld [tilespmem:s7+$0x110C0]  }
0x339: {  	v8 =	vld [tilespmem:s7+$0x110D0]  }
0x33a: {  	v9 =	vld [tilespmem:s7+$0x110E0]  }
0x33b: {  	v10 =	vld [tilespmem:s7+$0x110F0]  }
0x33c: {  	v11 =	vld [tilespmem:s7+$0x11080]  }
0x33d: {  	v12 =	vld [tilespmem:s7+$0x11090]  }
0x33e: {  	v13 =	vld [tilespmem:s7+$0x110A0]  }
0x33f: {  	v14 =	vld [tilespmem:s7+$0x110B0]  }
0x340: {  	v15 =	vld [tilespmem:s7+$0x11040]  }
0x341: {  	v16 =	vld [tilespmem:s7+$0x11050]  }
0x342: {  	v17 =	vld [tilespmem:s7+$0x11060]  }
0x343: {  	v18 =	vld [tilespmem:s7+$0x11070]  }
0x344: {  	v19 =	vld [tilespmem:s7+$0x11000]  }
0x345: {  	v5 =	vld [tilespmem:s7+$0x11010]  }
0x346: {  	v0 =	vld [tilespmem:s28+$0x0]  }
0x347: {  	v6 =	vld [tilespmem:s7+$0x11020]  }
0x348: {  	v4 =	vld [tilespmem:s7+$0x11030]  }
0x349: {  	v2 =	vld [tilespmem:s7+$0x108C0]  }
0x34a: {  	(v2sf) =	vpush v1, $0xF;
	v61 =	vld [tilespmem:s7+$0x108D0]  }
0x34b: {  	v20 =	vld [tilespmem:s7+$0x108E0];
	v21 =	vshra.s32 v7, $0x10;
	v22 =	vbroadcast v0, $0xC;
	v23 =	vbroadcast v0, $0xD  }
0x34c: {  	v62 =	vld [tilespmem:s7+$0x108F0];
	v25 =	vshra.s32 v8, $0x10;
	v26 =	vbroadcast v0, $0xE;
	v27 =	vbroadcast v0, $0xF  }
0x34d: {  	v24 =	vld [tilespmem:s7+$0x10880];
	v30 =	vshra.s32 v9, $0x10;
	v29 =	vbroadcast v0, $0x8;
	v31 =	vbroadcast v0, $0x9  }
0x34e: {  	v28 =	vld [tilespmem:s7+$0x10890];
	v33 =	vshra.s32 v10, $0x10;
	v34 =	vbroadcast v0, $0xA;
	v35 =	vbroadcast v0, $0xB  }
0x34f: {  	v32 =	vld [tilespmem:s7+$0x108A0];
	v37 =	vshra.s32 v11, $0x10;
	v38 =	vbroadcast v0, $0x4;
	v39 =	vbroadcast v0, $0x5  }
0x350: {  	v36 =	vld [tilespmem:s7+$0x108B0];
	v41 =	vshra.s32 v12, $0x10;
	v42 =	vbroadcast v0, $0x6;
	v43 =	vbroadcast v0, $0x7  }
0x351: {  	v40 =	vld [tilespmem:s7+$0x10840];
	v45 =	vshra.s32 v13, $0x10;
	v46 =	vbroadcast v0, $0x0;
	v47 =	vbroadcast v0, $0x1  }
0x352: {  	v44 =	vld [tilespmem:s7+$0x10850];
	v49 =	vshra.s32 v14, $0x10;
	v50 =	vbroadcast v0, $0x2;
	v0 =	vbroadcast v0, $0x3  }
0x353: {  	v48 =	vld [tilespmem:s7+$0x10860];
	v54 =	vshra.s32 v16, $0x10;
	v56 =	vshra.s32 v17, $0x10;
	v60 =	vshra.s32 v18, $0x10  }
0x354: {  	v63 =	vld [tilespmem:s7+$0x10800];
	v57 =	vshra.s32 v4, $0x10;
	v7 =	vand.u32 $0xFFFF, v7;
	v8 =	vand.u32 $0xFFFF, v8  }
0x355: {  	v9 =	vand.u32 $0xFFFF, v9;
	v10 =	vand.u32 $0xFFFF, v10;
	v2 =	vadd.s32 v22, v2;
	v22 =	vld [tilespmem:s7+$0x10870]  }
0x356: {  	v4 =	vand.u32 $0xFFFF, v4;
	v51 =	vadd.s32 v23, v61;
	v52 =	vadd.s32 v26, v20;
	v23 =	vld [tilespmem:s7+$0x10810]  }
0x357: {  	v20 =	vshra.s32 v15, $0x10;
	v1 =	vadd.s32 v27, v62;
	v53 =	vadd.s32 v29, v24;
	v24 =	vld [tilespmem:s7+$0x10820]  }
0x358: {  	v31 =	vadd.s32 v31, v28;
	v55 =	vadd.s32 v34, v32;
	v40 =	vadd.s32 v38, v40;
	v26 =	vld [tilespmem:s7+$0x10830]  }
0x359: {  	v44 =	vadd.s32 v39, v44;
	v35 =	vadd.s32 v35, v36;
	v61 =	vshra.s32 v19, $0x10  }
0x35a: {  	v46 =	vadd.s32 v46, v63;
	v62 =	vshra.s32 v5, $0x10;
	v42 =	vadd.s32 v42, v48  }
0x35b: {  	v63 =	vshra.s32 v6, $0x10;
	v36 =	vand.u32 $0xFFFF, v11;
	v48 =	vand.u32 $0xFFFF, v15  }
0x35c: {  	v5 =	vand.u32 $0xFFFF, v5;
	v43 =	vadd.s32 v43, v22;
	v47 =	vadd.s32 v47, v23  }
0x35d: {  	v50 =	vadd.s32 v50, v24;
	v22 =	vshra.s32 v2, $0xF;
	v0 =	vadd.s32 v0, v26  }
0x35e: {  	v23 =	vshra.s32 v51, $0xF;
	v26 =	vshra.s32 v52, $0xF;
	v2 =	vshll.u32 v2, $0x1  }
0x35f: {  	v22 =	vand.u32 $0xFFFFFFFE, v22;
	v23 =	vand.u32 $0xFFFFFFFE, v23;
	v2 =	vand.u32 $0x1FFFE, v2  }
0x360: {  	v24 =	vsub.s32 v22, v21;
	v21 =	vshra.s32 v1, $0xF;
	v22 =	vand.u32 $0xFFFFFFFE, v26  }
0x361: {  	v29 =	vsub.s32 v23, v25;
	v23 =	vshra.s32 v53, $0xF;
	v2 =	vsub.s32 v2, v7  }
0x362: {  	v1 =	vshll.u32 v1, $0x1;
	v21 =	vand.u32 $0xFFFFFFFE, v21;
	v26 =	vsub.s32 v22, v30  }
0x363: {  	v22 =	vshra.s32 v31, $0xF;
	v23 =	vand.u32 $0xFFFFFFFE, v23;
	v1 =	vand.u32 $0x1FFFE, v1  }
0x364: {  	v2 =	vadd.s32 $0x1, v2;
	v25 =	vsub.s32 v21, v33;
	v21 =	vshra.s32 v55, $0xF  }
0x365: {  	v22 =	vand.u32 $0xFFFFFFFE, v22;
	v27 =	vsub.s32 v23, v37;
	v23 =	vshra.s32 v40, $0xF  }
0x366: {  	v37 =	vand.u32 $0xFFFF, v12;
	v12 =	vcvt.s32.f32 v7;
	v1 =	vsub.s32 v1, v10  }
0x367: {  	v10 =	vcvt.s32.f32 v10;
	v21 =	vand.u32 $0xFFFFFFFE, v21;
	v28 =	vsub.s32 v22, v41  }
0x368: {  	v22 =	vshra.s32 v44, $0xF;
	v23 =	vand.u32 $0xFFFFFFFE, v23;
	v41 =	vand.u32 $0xFFFF, v13  }
0x369: {  	v13 =	vcvt.s32.f32 v37;
	v1 =	vadd.s32 $0x1, v1;
	v30 =	vsub.s32 v21, v45  }
0x36a: {  	v21 =	vshra.s32 v35, $0xF;
	v22 =	vand.u32 $0xFFFFFFFE, v22;
	v33 =	vsub.s32 v23, v20  }
0x36b: {  	v20 =	vshra.s32 v46, $0xF;
	v45 =	vand.u32 $0xFFFF, v14;
	v14 =	vcvt.s32.f32 v41  }
0x36c: {  	v21 =	vand.u32 $0xFFFFFFFE, v21;
	v34 =	vsub.s32 v22, v54;
	v22 =	vshra.s32 v42, $0xF  }
0x36d: {  	v20 =	vand.u32 $0xFFFFFFFE, v20;
	v54 =	vand.u32 $0xFFFF, v17;
	v17 =	vcvt.s32.f32 v8  }
0x36e: {  	v15 =	vcvt.s32.f32 v45;
	v32 =	vsub.s32 v21, v49;
	v21 =	vshra.s32 v43, $0xF  }
0x36f: {  	v22 =	vand.u32 $0xFFFFFFFE, v22;
	v23 =	vsub.s32 v20, v61;
	v20 =	vshra.s32 v47, $0xF  }
0x370: {  	v49 =	vand.u32 $0xFFFF, v16;
	v61 =	vshll.u32 v52, $0x1;
	v16 =	vcvt.s32.f32 v48  }
0x371: {  	v21 =	vand.u32 $0xFFFFFFFE, v21;
	v39 =	vsub.s32 v22, v56;
	v22 =	vshra.s32 v50, $0xF  }
0x372: {  	v20 =	vand.u32 $0xFFFFFFFE, v20;
	v56 =	vand.u32 $0xFFFF, v18;
	v7 =	vand.u32 $0x1FFFE, v61  }
0x373: {  	v38 =	vsub.s32 v21, v60;
	v21 =	vshra.s32 v0, $0xF;
	v58 =	vand.u32 $0xFFFFFFFE, v22  }
0x374: {  	v22 =	vsub.s32 v20, v62;
	v60 =	vshll.u32 v51, $0x1;
	v52 =	vsub.s32 v7, v9  }
0x375: {  	v9 =	vcvt.s32.f32 v9;
	v62 =	vshll.u32 v53, $0x1;
	v53 =	vcvt.s32.f32 v54  }
0x376: {  	v0 =	vshll.u32 v0, $0x1;
	v59 =	vand.u32 $0xFFFFFFFE, v21;
	v21 =	vsub.s32 v58, v63  }
0x377: {  	v58 =	vand.u32 $0xFFFF, v6;
	v6 =	vand.u32 $0x1FFFE, v60;
	v63 =	vshll.u32 v31, $0x1  }
0x378: {  	v60 =	vcvt.s32.f32 v5;
	v0 =	vand.u32 $0x1FFFE, v0;
	v20 =	vsub.s32 v59, v57  }
0x379: {  	v59 =	vimm.f32 $0.0e+00;
	v57 =	vand.u32 $0xFFFF, v19;
	v51 =	vsub.s32 v6, v8  }
0x37a: {  	v6 =	vand.u32 $0x1FFFE, v62;
	v8 =	vshll.u32 v55, $0x1;
	v19 =	vcvt.s32.f32 v36  }
0x37b: {  	v7 =	vand.u32 $0x1FFFE, v63;
	v63 =	vcvt.s32.f32 v49;
	v62 =	vcvt.s32.f32 v56  }
0x37c: {  	v55 =	vshll.u32 v47, $0x1;
	v0 =	vsub.s32 v0, v4;
	v31 =	vsub.s32 v6, v36  }
0x37d: {  	v3 =	vand.u32 $0x1FFFE, v8;
	v36 =	vsub.s32 v7, v37;
	v37 =	vshll.u32 v35, $0x1  }
0x37e: {  	v8 =	vshll.u32 v44, $0x1;
	v61 =	vcvt.s32.f32 v57;
	v47 =	vadd.s32 $0x1, v51  }
0x37f: {  	v0 =	vadd.s32 $0x1, v0;
	v35 =	vsub.s32 v3, v41;
	v41 =	vshll.u32 v40, $0x1  }
0x380: {  	v7 =	vand.u32 $0x1FFFE, v37;
	v44 =	vand.u32 $0x1FFFE, v8;
	v31 =	vadd.s32 $0x1, v31  }
0x381: {  	v6 =	vand.u32 $0x1FFFE, v41;
	v37 =	vsub.s32 v7, v45;
	v45 =	vshll.u32 v42, $0x1  }
0x382: {  	v41 =	vsub.s32 v44, v49;
	v49 =	vshll.u32 v46, $0x1;
	v44 =	vand.u32 $0x1FFFE, v55  }
0x383: {  	v35 =	vadd.s32 $0x1, v35;
	v55 =	vadd.s32 $0x1, v24;
	v40 =	vsub.s32 v6, v48  }
0x384: {  	v48 =	vshll.u32 v43, $0x1;
	v6 =	vand.u32 $0x1FFFE, v45;
	v44 =	vsub.s32 v44, v5  }
0x385: {  	v5 =	vadd.s32 $0x1, v37;
	v24 =	vcvt.s32.f32 v35;
	v11 =	vand.u32 $0x1FFFE, v48  }
0x386: {  	v42 =	vsub.s32 v6, v54;
	v54 =	vand.u32 $0x1FFFE, v49;
	v48 =	vadd.s32 $0x1, v52  }
0x387: {  	v49 =	vadd.s32 $0x1, v36;
	v6 =	vadd.s32 $0x1, v41;
	v36 =	vcvt.s32.f32 v31  }
0x388: {  	v41 =	vcvt.s32.f32 v1;
	v1 =	vadd.s32 $0x1, v25;
	v35 =	vcvt.s32.f32 v5  }
0x389: {  	v5 =	vadd.s32 $0x1, v28;
	v43 =	vsub.s32 v11, v56;
	v45 =	vsub.s32 v54, v57  }
0x38a: {  	v56 =	vshll.u32 v50, $0x1;
	v42 =	vadd.s32 $0x1, v42;
	v37 =	vcvt.s32.f32 v49  }
0x38b: {  	v49 =	vadd.s32 $0x1, v39;
	v57 =	vand.u32 $0x1FFFE, v56;
	v56 =	vcvt.s32.f32 v4  }
0x38c: {  	v4 =	vadd.s32 $0x1, v40;
	v7 =	vadd.s32 $0x1, v43;
	v45 =	vadd.s32 $0x1, v45  }
0x38d: {  	v43 =	vcvt.s32.f32 v2;
	v2 =	vadd.s32 $0x1, v29;
	v40 =	vcvt.s32.f32 v48  }
0x38e: {  	v46 =	vsub.s32 v57, v58;
	v57 =	vcvt.s32.f32 v58;
	v58 =	vadd.s32 $0x1, v44  }
0x38f: {  	v44 =	vcvt.s32.f32 v47;
	v47 =	vadd.s32 $0x1, v26;
	v25 =	vcvt.s32.f32 v4  }
0x390: {  	v4 =	vadd.s32 $0x1, v27;
	v26 =	vcvt.s32.f32 v6;
	v27 =	vcvt.s32.f32 v42  }
0x391: {  	v48 =	vadd.s32 $0x1, v34;
	v29 =	vcvt.s32.f32 v45;
	v28 =	vcvt.s32.f32 v7  }
0x392: {  	p0 =	por $0x1, $0x1;
	v7 =	vadd.s32 $0x1, v32;
	v32 =	vcvt.s32.f32 v0;
	v42 =	vcvt.s32.f32 v55  }
.Ltmp13:
0x393: {  	v6 =	vadd.s32 $0x1, v30;
	v45 =	vcvt.s32.f32 v2;
	v30 =	vcvt.s32.f32 v58;
	(pc) =	sbr.rel @!p0 .LBB2_25-.Ltmp13, $4  }
0x394: {  	v46 =	vadd.s32 $0x1, v46;
	v34 =	vcvt.s32.f32 v47;
	v39 =	vcvt.s32.f32 v4  }
0x395: {  	v58 =	vadd.s32 $0x1, v33;
	v33 =	vcvt.s32.f32 v1;
	v47 =	vcvt.s32.f32 v5  }
0x396: {  	s31 =	spop (v2sf);
	v50 =	vadd.s32 $0x1, v38;
	v38 =	vcvt.s32.f32 v7;
	v31 =	vcvt.s32.f32 v46  }
0x397: {  	s30 =	simm.s32 $0x400;
	s29 =	sadd.s32 s0, s31;
	[tilespmem:$0x1FE90] =	vst v53;
	v51 =	vadd.s32 $0x1, v23;
	v46 =	vcvt.s32.f32 v6;
	v23 =	vcvt.s32.f32 v58  }
.LBB2_24:
0x398: {  	v1 =	vcvt.s32.f32 v48  }
0x399: {  	v0 =	vadd.s32 $0x1, v22;
	v2 =	vcvt.s32.f32 v49;
	v5 =	vcvt.s32.f32 v51  }
0x39a: {  	v21 =	vadd.s32 $0x1, v21;
	v49 =	vcvt.s32.f32 v50;
	v0 =	vcvt.s32.f32 v0  }
0x39b: {  	s0 =	sshra.s32 s30, $0x2;
	v20 =	vadd.s32 $0x1, v20;
	v58 =	vld [tilespmem:$0x1FE90];
	v6 =	vcvt.s32.f32 v21;
	(erf) = vrcp.f32 v42  }
0x39c: {  	v52 =	vld [tilespmem:s0+$0x110C0];
	v7 =	vcvt.s32.f32 v20;
	(erf) = vrcp.f32 v45  }
0x39d: {  	v42 =	vld [tilespmem:s0+$0x110D0];
	v4 =	vmul.f32 v32, v56;
	(erf) = vrcp.f32 v39  }
0x39e: {  	v11 =	vld [tilespmem:s0+$0x11090];
	v53 =	vmul.f32 v43, v12;
	v44 =	vmul.f32 v44, v17  }
0x39f: {  	v8 =	vld [tilespmem:s0+$0x11010];
	v18 =	vmul.f32 v40, v9;
	(erf) = vrcp.f32 v47  }
0x3a0: {  	v39 =	vld [tilespmem:s0+$0x110F0];
	v40 =	vmul.f32 v41, v10;
	v19 =	vmul.f32 v36, v19  }
0x3a1: {  	v43 =	vld [tilespmem:s0+$0x110E0];
	v36 =	vmul.f32 v37, v13;
	v37 =	vmul.f32 v35, v15  }
0x3a2: {  	v17 =	vld [tilespmem:s0+$0x11080];
	v41 =	vmul.f32 v26, v63;
	v47 =	vmul.f32 v28, v62  }
0x3a3: {  	v12 =	vld [tilespmem:s0+$0x110A0];
	(erf) = vrcp.f32 v46;
	v46 =	vmul.f32 v27, v58  }
0x3a4: {  	v13 =	vld [tilespmem:s0+$0x110B0];
	v58 =	vmul.f32 v29, v61;
	(erf) = vrcp.f32 v23  }
0x3a5: {  	v15 =	vld [tilespmem:s0+$0x11050];
	v20 =	vand.u32 $0xFFFF, v52;
	v21 =	vand.u32 $0xFFFF, v42;
	(erf) = vrcp.f32 v1  }
0x3a6: {  	v10 =	vld [tilespmem:s0+$0x11000];
	v1 =	vmul.f32 v24, v14;
	(erf) = vrcp.f32 v5;
	v23 =	vand.u32 $0xFFFF, v39  }
0x3a7: {  	v5 =	vmul.f32 v31, v57;
	v31 =	vand.u32 $0xFFFF, v8;
	v22 =	vand.u32 $0xFFFF, v43  }
0x3a8: {  	(erf) = vrcp.f32 v0;
	v55 =	vand.u32 $0xFFFF, v17;
	v0 =	vmul.f32 v25, v16  }
0x3a9: {  	v25 =	vand.u32 $0xFFFF, v11;
	v3 =	vand.u32 $0xFFFF, v12;
	(erf) = vrcp.f32 v6  }
0x3aa: {  	v16 =	vld [tilespmem:s0+$0x11060];
	v24 =	vand.u32 $0xFFFF, v13;
	v28 =	vand.u32 $0xFFFF, v15;
	v35 =	vpop (erf);
	(erf) = vrcp.f32 v7  }
0x3ab: {  	v14 =	vld [tilespmem:s0+$0x11040];
	v26 =	vand.u32 $0xFFFF, v10;
	v6 =	vmul.f32 v30, v60;
	v45 =	vpop (erf);
	(erf) = vrcp.f32 v2  }
0x3ac: {  	v9 =	vld [tilespmem:s0+$0x11070];
	v32 =	vshra.s32 v17, $0x10;
	v53 =	vmul.f32 v35, v53;
	v63 =	vpop (erf);
	(erf) = vrcp.f32 v49  }
0x3ad: {  	s28 =	sadd.s32 $0x10, s28;
	v51 =	vld [tilespmem:s0+$0x11030];
	v13 =	vshra.s32 v13, $0x10;
	v48 =	vpop (erf);
	v2 =	vmul.f32 v63, v19;
	v19 =	vmul.f32 v45, v44  }
0x3ae: {  	v49 =	vld [tilespmem:s28+$0x0];
	v45 =	vshra.s32 v15, $0x10;
	v15 =	vcvt.s32.f32 v20;
	v50 =	vpop (erf);
	(erf) = vrcp.f32 v38  }
0x3af: {  	[tilespmem:$0x1FD60] =	vst v55;
	v30 =	vand.u32 $0xFFFF, v16;
	v55 =	vmul.f32 v48, v36;
	v61 =	vpop (erf);
	(erf) = vrcp.f32 v34  }
0x3b0: {  	v7 =	vld [tilespmem:s0+$0x11020];
	v27 =	vand.u32 $0xFFFF, v14;
	v1 =	vmul.f32 v50, v1;
	v36 =	vcvt.s32.f32 v30  }
0x3b1: {  	[tilespmem:$0x1FE80] =	vst v15;
	v15 =	vcvt.s32.f32 v21;
	v54 =	vpop (erf);
	(erf) = vrcp.f32 v33;
	v33 =	vand.u32 $0xFFFF, v9  }
0x3b2: {  	v48 =	vand.u32 $0xFFFF, v51;
	v0 =	vmul.f32 v61, v0;
	v62 =	vpop (erf);
	[tilespmem:$0x1FE90] =	vst v36;
	v36 =	vcvt.s32.f32 v33  }
0x3b3: {  	[tilespmem:$0x1FD70] =	vst v3;
	v58 =	vmul.f32 v62, v58;
	v62 =	vshra.s32 v52, $0x10;
	v52 =	vbroadcast v49, $0xC  }
0x3b4: {  	[tilespmem:$0x1FDF0] =	vst v13;
	v51 =	vshra.s32 v51, $0x10;
	v63 =	vpop (erf);
	v3 =	vbroadcast v49, $0x6;
	v13 =	vbroadcast v49, $0x2  }
0x3b5: {  	v29 =	vand.u32 $0xFFFF, v7;
	v17 =	vbroadcast v49, $0x3;
	v57 =	vpop (erf);
	v6 =	vmul.f32 v63, v6  }
0x3b6: {  	v2 =	vadd.f32 v55, v2;
	v63 =	vmul.f32 v54, v41;
	v54 =	vbroadcast v49, $0xE;
	v60 =	vpop (erf)  }
0x3b7: {  	v50 =	vshra.s32 v7, $0x10;
	v5 =	vmul.f32 v57, v5;
	v4 =	vmul.f32 v60, v4  }
0x3b8: {  	v6 =	vadd.f32 v6, v58;
	v0 =	vadd.f32 v63, v0;
	v58 =	vshra.s32 v42, $0x10  }
0x3b9: {  	v61 =	vpop (erf);
	v60 =	vshra.s32 v43, $0x10;
	v63 =	vshra.s32 v39, $0x10;
	v42 =	vshra.s32 v10, $0x10  }
0x3ba: {  	v44 =	vmul.f32 v61, v46;
	[tilespmem:$0x1FD90] =	vst v58;
	v61 =	vadd.f32 v19, v53;
	v53 =	vbroadcast v49, $0xD  }
0x3bb: {  	v34 =	vpop (erf);
	[tilespmem:$0x1FDA0] =	vst v60;
	v58 =	vbroadcast v49, $0x9;
	v60 =	vbroadcast v49, $0xA;
	v46 =	vshra.s32 v16, $0x10  }
0x3bc: {  	v38 =	vmovc v22;
	v39 =	vmovc v21;
	v21 =	vld [tilespmem:$0x1FD70];
	v16 =	vcvt.s32.f32 v22;
	v4 =	vadd.f32 v4, v5;
	v35 =	vmul.f32 v34, v47  }
0x3bd: {  	v41 =	vpop (erf);
	v34 =	vshra.s32 v11, $0x10;
	v11 =	vbroadcast v49, $0x1;
	v47 =	vshra.s32 v9, $0x10  }
0x3be: {  	v22 =	vld [tilespmem:$0x1FD60];
	v37 =	vmul.f32 v41, v37;
	v56 =	vpop (erf);
	[tilespmem:$0x1FE70] =	vst v16;
	v16 =	vcvt.s32.f32 v23;
	v4 =	vadd.f32 v4, v6  }
0x3bf: {  	v5 =	vadd.f32 v35, v44;
	v57 =	vmul.f32 v56, v18;
	v18 =	vpop (erf);
	v56 =	vbroadcast v49, $0xF  }
0x3c0: {  	[tilespmem:$0x1FDC0] =	vst v32;
	v41 =	vld [tilespmem:s0+$0x10820];
	v35 =	vshra.s32 v12, $0x10;
	v44 =	vshra.s32 v14, $0x10;
	v18 =	vmul.f32 v18, v40  }
0x3c1: {  	[tilespmem:$0x1FD80] =	vst v62;
	v12 =	vld [tilespmem:s0+$0x108A0];
	v1 =	vadd.f32 v37, v1;
	v10 =	vcvt.s32.f32 v21;
	v40 =	vcvt.s32.f32 v28  }
0x3c2: {  	v32 =	vmovc v28;
	[tilespmem:$0x1FE60] =	vst v16;
	v16 =	vld [tilespmem:s0+$0x10860];
	v28 =	vcvt.s32.f32 v26;
	v59 =	vadd.f32 v4, v59;
	v0 =	vadd.f32 v5, v0  }
0x3c3: {  	[tilespmem:$0x1FDE0] =	vst v35;
	v4 =	vbroadcast v49, $0x7;
	v5 =	vld [tilespmem:s0+$0x10890];
	v9 =	vcvt.s32.f32 v22;
	v62 =	vadd.f32 v18, v57  }
0x3c4: {  	v14 =	vld [tilespmem:s0+$0x108B0];
	v1 =	vadd.f32 v1, v2;
	v57 =	vbroadcast v49, $0x8;
	[tilespmem:$0x1FE50] =	vst v10;
	v10 =	vcvt.s32.f32 v24  }
0x3c5: {  	v55 =	vld [tilespmem:s0+$0x108D0];
	v35 =	vmovc v24;
	v24 =	vcvt.s32.f32 v48;
	v0 =	vadd.f32 v0, v59;
	[tilespmem:$0x1FE40] =	vst v9;
	v9 =	vcvt.s32.f32 v25  }
0x3c6: {  	[tilespmem:$0x1FDB0] =	vst v63;
	v63 =	vld [tilespmem:s0+$0x10880];
	v37 =	vmovc v25;
	v25 =	vcvt.s32.f32 v29;
	v7 =	vadd.s32 v13, v41;
	v6 =	vadd.f32 v62, v61  }
0x3c7: {  	v2 =	vld [tilespmem:s0+$0x108C0];
	v61 =	vbroadcast v49, $0xB;
	v12 =	vadd.s32 v60, v12;
	v0 =	vadd.f32 v1, v0  }
0x3c8: {  	[tilespmem:$0x1FE30] =	vst v15;
	v15 =	vld [tilespmem:s0+$0x10850];
	v1 =	vbroadcast v49, $0x5;
	v3 =	vadd.s32 v3, v16;
	v5 =	vadd.s32 v58, v5  }
0x3c9: {  	v59 =	vld [tilespmem:s0+$0x108E0];
	v14 =	vadd.s32 v61, v14;
	v58 =	vshll.u32 v3, $0x1;
	v3 =	vshra.s32 v3, $0xF  }
0x3ca: {  	[tilespmem:$0x1FDD0] =	vst v34;
	v43 =	vadd.f32 v6, v0;
	v0 =	vbroadcast v49, $0x4;
	v6 =	vbroadcast v49, $0x0  }
0x3cb: {  	v34 =	vmovc v27;
	[tilespmem:$0x1FE20] =	vst v10;
	v10 =	vld [tilespmem:s0+$0x10800];
	v49 =	vshra.s32 v8, $0x10;
	v8 =	vcvt.s32.f32 v27;
	v27 =	vcvt.s32.f32 v31  }
0x3cc: {  	v2 =	vadd.s32 v52, v2;
	v52 =	vadd.s32 v53, v55;
	v55 =	vadd.s32 v57, v63  }
0x3cd: {  	v62 =	vld [tilespmem:s0+$0x108F0];
	v1 =	vadd.s32 v1, v15;
	v16 =	vshll.u32 v5, $0x1;
	v5 =	vshra.s32 v5, $0xF  }
0x3ce: {  	v18 =	vld [tilespmem:s0+$0x10840];
	v58 =	vand.u32 $0x1FFFE, v58;
	v3 =	vand.u32 $0xFFFFFFFE, v3;
	v53 =	vadd.s32 v54, v59  }
0x3cf: {  	v15 =	vshll.u32 v55, $0x1;
	v57 =	vshll.u32 v1, $0x1;
	v55 =	vshra.s32 v55, $0xF  }
0x3d0: {  	v1 =	vshra.s32 v1, $0xF;
	v6 =	vadd.s32 v6, v10;
	v10 =	vshll.u32 v2, $0x1  }
0x3d1: {  	v19 =	vld [tilespmem:s0+$0x10830];
	v16 =	vand.u32 $0x1FFFE, v16;
	v5 =	vand.u32 $0xFFFFFFFE, v5;
	v10 =	vand.u32 $0x1FFFE, v10  }
0x3d2: {  	v3 =	vsub.s32 v3, v46;
	v54 =	vadd.s32 v56, v62;
	v10 =	vsub.s32 v10, v20;
	v20 =	vld [tilespmem:$0x1FD80]  }
0x3d3: {  	[tilespmem:$0x1FE00] =	vst v9;
	v9 =	vld [tilespmem:s0+$0x10870];
	v0 =	vadd.s32 v0, v18;
	v13 =	vshll.u32 v53, $0x1;
	v56 =	vshll.u32 v14, $0x1  }
0x3d4: {  	[tilespmem:$0x1FE10] =	vst v8;
	v8 =	vld [tilespmem:s0+$0x10810];
	v62 =	vshll.u32 v7, $0x1;
	v2 =	vshra.s32 v2, $0xF;
	v53 =	vshra.s32 v53, $0xF  }
0x3d5: {  	v14 =	vshra.s32 v14, $0xF;
	v7 =	vshra.s32 v7, $0xF;
	v15 =	vand.u32 $0x1FFFE, v15  }
0x3d6: {  	v57 =	vand.u32 $0x1FFFE, v57;
	v55 =	vand.u32 $0xFFFFFFFE, v55;
	v2 =	vand.u32 $0xFFFFFFFE, v2  }
0x3d7: {  	v1 =	vand.u32 $0xFFFFFFFE, v1;
	v16 =	vsub.s32 v16, v37;
	v2 =	vsub.s32 v2, v20;
	v20 =	vld [tilespmem:$0x1FD90]  }
0x3d8: {  	v4 =	vadd.s32 v4, v9;
	v9 =	vadd.s32 v17, v19;
	v60 =	vshll.u32 v6, $0x1  }
0x3d9: {  	v17 =	vshll.u32 v54, $0x1;
	v60 =	vand.u32 $0x1FFFE, v60;
	v8 =	vadd.s32 v11, v8  }
0x3da: {  	v11 =	vshll.u32 v52, $0x1;
	v52 =	vshra.s32 v52, $0xF;
	v61 =	vshll.u32 v8, $0x1  }
0x3db: {  	v18 =	vshll.u32 v0, $0x1;
	v52 =	vand.u32 $0xFFFFFFFE, v52;
	v61 =	vand.u32 $0x1FFFE, v61  }
0x3dc: {  	v26 =	vsub.s32 v60, v26;
	v60 =	vmovc v27;
	v27 =	vsub.s32 v61, v31;
	v31 =	vsub.s32 v52, v20;
	v20 =	vld [tilespmem:$0x1FDA0]  }
0x3dd: {  	v19 =	vshll.u32 v12, $0x1;
	v54 =	vshra.s32 v54, $0xF;
	v12 =	vshra.s32 v12, $0xF  }
0x3de: {  	v0 =	vshra.s32 v0, $0xF;
	v6 =	vshra.s32 v6, $0xF;
	v56 =	vand.u32 $0x1FFFE, v56  }
0x3df: {  	v13 =	vand.u32 $0x1FFFE, v13;
	v62 =	vand.u32 $0x1FFFE, v62;
	v17 =	vand.u32 $0x1FFFE, v17  }
0x3e0: {  	v53 =	vand.u32 $0xFFFFFFFE, v53;
	v14 =	vand.u32 $0xFFFFFFFE, v14;
	v17 =	vsub.s32 v17, v23  }
0x3e1: {  	v23 =	vsub.s32 v56, v35;
	v56 =	vmovc v24;
	v24 =	vsub.s32 v57, v32;
	v32 =	vsub.s32 v53, v20;
	v20 =	vld [tilespmem:$0x1FDB0]  }
0x3e2: {  	v7 =	vand.u32 $0xFFFFFFFE, v7;
	v15 =	vsub.s32 v15, v22;
	v1 =	vsub.s32 v1, v45  }
0x3e3: {  	v59 =	vshll.u32 v4, $0x1;
	v41 =	vshll.u32 v9, $0x1;
	v4 =	vshra.s32 v4, $0xF  }
0x3e4: {  	v9 =	vshra.s32 v9, $0xF;
	v19 =	vand.u32 $0x1FFFE, v19;
	v18 =	vand.u32 $0x1FFFE, v18  }
0x3e5: {  	v54 =	vand.u32 $0xFFFFFFFE, v54;
	v0 =	vand.u32 $0xFFFFFFFE, v0;
	v59 =	vand.u32 $0x1FFFE, v59  }
0x3e6: {  	v12 =	vand.u32 $0xFFFFFFFE, v12;
	v61 =	vmovc v28;
	v28 =	vsub.s32 v59, v33;
	v33 =	vsub.s32 v54, v20;
	v20 =	vld [tilespmem:$0x1FDC0]  }
0x3e7: {  	v6 =	vand.u32 $0xFFFFFFFE, v6;
	v13 =	vsub.s32 v13, v38;
	v29 =	vsub.s32 v62, v29  }
0x3e8: {  	v63 =	vand.u32 $0x1FFFE, v41;
	v4 =	vand.u32 $0xFFFFFFFE, v4;
	v9 =	vand.u32 $0xFFFFFFFE, v9  }
0x3e9: {  	v19 =	vsub.s32 v19, v21;
	v18 =	vsub.s32 v18, v34;
	v0 =	vsub.s32 v0, v44  }
0x3ea: {  	v6 =	vsub.s32 v6, v42;
	v21 =	vsub.s32 v7, v50;
	v57 =	vmovc v25;
	v25 =	vsub.s32 v58, v30  }
0x3eb: {  	v30 =	vsub.s32 v63, v48;
	v8 =	vshra.s32 v8, $0xF;
	v48 =	vsub.s32 v55, v20;
	v20 =	vld [tilespmem:$0x1FDD0]  }
0x3ec: {  	v4 =	vsub.s32 v4, v47;
	v11 =	vand.u32 $0x1FFFE, v11;
	v8 =	vand.u32 $0xFFFFFFFE, v8  }
0x3ed: {  	v0 =	vadd.s32 $0x1, v0;
	v11 =	vsub.s32 v11, v39;
	v22 =	vsub.s32 v8, v49  }
0x3ee: {  	v8 =	vadd.s32 $0x1, v11;
	v11 =	vadd.s32 $0x1, v16;
	v16 =	vadd.s32 $0x1, v19  }
0x3ef: {  	v19 =	vadd.s32 $0x1, v25;
	v2 =	vadd.s32 $0x1, v2;
	v44 =	vcvt.s32.f32 v8  }
0x3f0: {  	v37 =	vcvt.s32.f32 v11;
	v42 =	vcvt.s32.f32 v2;
	v5 =	vsub.s32 v5, v20;
	v20 =	vld [tilespmem:$0x1FDE0]  }
0x3f1: {  	v52 =	vadd.s32 $0x1, v10;
	v10 =	vadd.s32 $0x1, v15;
	v15 =	vadd.s32 $0x1, v18  }
0x3f2: {  	v59 =	vmovc v43;
	v18 =	vadd.s32 $0x1, v24;
	v24 =	vcvt.s32.f32 v16;
	v43 =	vcvt.s32.f32 v52  }
0x3f3: {  	v62 =	vmovc v36;
	v58 =	vadd.s32 $0x1, v31;
	v36 =	vcvt.s32.f32 v10;
	v25 =	vcvt.s32.f32 v15  }
0x3f4: {  	v45 =	vcvt.s32.f32 v58;
	v53 =	vadd.s32 $0x1, v27;
	v27 =	vcvt.s32.f32 v19  }
0x3f5: {  	v8 =	vadd.s32 $0x1, v32;
	v54 =	vadd.s32 $0x1, v29;
	v12 =	vsub.s32 v12, v20;
	v20 =	vld [tilespmem:$0x1FDF0]  }
0x3f6: {  	v34 =	vcvt.s32.f32 v8;
	v31 =	vcvt.s32.f32 v54;
	v55 =	vadd.s32 $0x1, v30  }
0x3f7: {  	v30 =	vcvt.s32.f32 v53;
	v10 =	vadd.s32 $0x1, v48;
	v32 =	vcvt.s32.f32 v55  }
0x3f8: {  	v16 =	vld [tilespmem:$0x1FE10];
	v39 =	vcvt.s32.f32 v10;
	v5 =	vadd.s32 $0x1, v5;
	v11 =	vadd.s32 $0x1, v12  }
0x3f9: {  	v50 =	vadd.s32 $0x1, v4;
	v15 =	vld [tilespmem:$0x1FE20];
	v47 =	vcvt.s32.f32 v5;
	v46 =	vcvt.s32.f32 v11  }
0x3fa: {  	v19 =	vld [tilespmem:$0x1FE40];
	v14 =	vsub.s32 v14, v20;
	v20 =	vsub.s32 v9, v51;
	v9 =	vadd.s32 $0x1, v13  }
0x3fb: {  	p0 =	sne.s32 s30, $0x1C00;
	v10 =	vld [tilespmem:$0x1FE60];
	v13 =	vadd.s32 $0x1, v17;
	v17 =	vadd.s32 $0x1, v23;
	v23 =	vadd.s32 $0x1, v28  }
.Ltmp14:
0x3fc: {  	v28 =	vadd.s32 $0x1, v26;
	v26 =	vcvt.s32.f32 v18;
	v41 =	vcvt.s32.f32 v13;
	v13 =	vld [tilespmem:$0x1FE00];
	(pc) =	sbr.rel @p0 .LBB2_24-.Ltmp14, $4  }
0x3fd: {  	v63 =	vmovc v40;
	v49 =	vadd.s32 $0x1, v3;
	v40 =	vcvt.s32.f32 v9;
	v35 =	vcvt.s32.f32 v17;
	v17 =	vld [tilespmem:$0x1FE30]  }
0x3fe: {  	v9 =	vadd.s32 $0x1, v33;
	v29 =	vcvt.s32.f32 v28;
	v12 =	vadd.s32 $0x1, v14;
	v14 =	vld [tilespmem:$0x1FE50]  }
0x3ff: {  	v48 =	vadd.s32 $0x1, v1;
	v28 =	vcvt.s32.f32 v23;
	v33 =	vcvt.s32.f32 v9;
	v9 =	vld [tilespmem:$0x1FE70]  }
0x400: {  	s30 =	sadd.s32 $0x400, s30;
	v51 =	vadd.s32 $0x1, v6;
	v23 =	vcvt.s32.f32 v0;
	v38 =	vcvt.s32.f32 v12;
	v12 =	vld [tilespmem:$0x1FE80]  }
.LBB2_25:
0x401: {  	v1 =	vcvt.s32.f32 v48;
	v2 =	vcvt.s32.f32 v49  }
0x402: {  	v3 =	vcvt.s32.f32 v51;
	v5 =	vcvt.s32.f32 v50  }
0x403: {  	(erf) = vrcp.f32 v42;
	v10 =	vmul.f32 v41, v10  }
0x404: {  	v11 =	vmul.f32 v36, v19;
	v36 =	vmul.f32 v37, v13  }
0x405: {  	v42 =	vmul.f32 v28, v62;
	(erf) = vrcp.f32 v45  }
0x406: {  	v18 =	vmul.f32 v30, v60;
	(erf) = vrcp.f32 v39  }
0x407: {  	v0 =	vadd.s32 $0x1, v22;
	v49 =	vmul.f32 v32, v56;
	(erf) = vrcp.f32 v47  }
0x408: {  	v4 =	vadd.s32 $0x1, v21;
	v0 =	vcvt.s32.f32 v0;
	(erf) = vrcp.f32 v46  }
0x409: {  	v6 =	vadd.s32 $0x1, v20;
	v4 =	vcvt.s32.f32 v4;
	(erf) = vrcp.f32 v23  }
0x40a: {  	v6 =	vcvt.s32.f32 v6;
	(erf) = vrcp.f32 v1  }
0x40b: {  	v8 =	vmul.f32 v44, v17;
	(erf) = vrcp.f32 v3  }
0x40c: {  	v44 =	vmul.f32 v29, v61;
	(erf) = vrcp.f32 v0  }
0x40d: {  	v41 =	vld [tilespmem:$0x1FE90];
	v39 =	vmul.f32 v26, v63;
	(erf) = vrcp.f32 v4;
	v37 =	vpop (erf)  }
0x40e: {  	v9 =	vmul.f32 v40, v9;
	(erf) = vrcp.f32 v6;
	v40 =	vpop (erf)  }
0x40f: {  	v47 =	vmul.f32 v31, v57;
	(erf) = vrcp.f32 v2;
	v2 =	vpop (erf)  }
0x410: {  	v7 =	vmul.f32 v43, v12;
	(erf) = vrcp.f32 v5;
	v43 =	vpop (erf)  }
0x411: {  	v1 =	vmul.f32 v24, v14;
	v45 =	vpop (erf);
	(erf) = vrcp.f32 v38  }
0x412: {  	v14 =	vmul.f32 v27, v41;
	v46 =	vpop (erf);
	(erf) = vrcp.f32 v34  }
0x413: {  	v3 =	vmul.f32 v35, v15;
	v48 =	vpop (erf);
	(erf) = vrcp.f32 v33  }
0x414: {  	v0 =	vmul.f32 v25, v16;
	v4 =	vmul.f32 v37, v7;
	v50 =	vpop (erf)  }
0x415: {  	v6 =	vmul.f32 v40, v8;
	v2 =	vmul.f32 v2, v11;
	v51 =	vpop (erf)  }
0x416: {  	v5 =	vmul.f32 v43, v36;
	v1 =	vmul.f32 v45, v1;
	v52 =	vpop (erf)  }
0x417: {  	v7 =	vmul.f32 v50, v44;
	v8 =	vmul.f32 v51, v18;
	v53 =	vpop (erf)  }
0x418: {  	v11 =	vmul.f32 v52, v47;
	v12 =	vmul.f32 v53, v49;
	v54 =	vpop (erf)  }
0x419: {  	v0 =	vmul.f32 v46, v0;
	v13 =	vmul.f32 v48, v39;
	v7 =	vadd.f32 v8, v7;
	v55 =	vpop (erf)  }
0x41a: {  	v14 =	vmul.f32 v54, v14;
	v56 =	vadd.f32 v12, v11;
	v57 =	vmul.f32 v55, v42;
	v58 =	vpop (erf)  }
0x41b: {  	v2 =	vadd.f32 v5, v2;
	v0 =	vadd.f32 v13, v0;
	v3 =	vmul.f32 v58, v3;
	v60 =	vpop (erf)  }
0x41c: {  	v7 =	vadd.f32 v56, v7;
	v61 =	vadd.f32 v57, v14;
	v62 =	vpop (erf)  }
0x41d: {  	v9 =	vmul.f32 v60, v9;
	v1 =	vadd.f32 v3, v1;
	v3 =	vmul.f32 v62, v10  }
0x41e: {  	v63 =	vadd.f32 v7, v59;
	v0 =	vadd.f32 v61, v0  }
0x41f: {  	v4 =	vadd.f32 v6, v4;
	v3 =	vadd.f32 v3, v9  }
0x420: {  	v1 =	vadd.f32 v1, v2;
	v0 =	vadd.f32 v0, v63;
	_ =	sdelay $0x1  }
0x421: {  	v0 =	vadd.f32 v1, v0;
	v1 =	vadd.f32 v3, v4;
	_ =	sdelay $0x1  }
0x422: {  	v0 =	vadd.f32 v1, v0  }
0x423: {  	s0 =	sand.u32 $0xFFFF, s29  }
0x424: {  	s0 =	scvt.s32.f32 s0;
	(xrf2) =	vadd.scan.msk.f32 $0xffff, v0;
	_ =	sdelay $0x1  }
0x425: {  	s0 =	sadd.f32 $9.999999740e-06, s0;
	_ =	sdelay $0x1  }
0x426: {  	v0 =	vmov s0  }
0x427: {  	(erf) = vrcp.f32 v0;
	_ =	sdelay $0x4  }
0x428: {  	v0, _, _ =	vpop (xrf2)  }
0x429: {  	s31 =	sor.u32 $0x1, s26;
	s25 =	sadd.s32 $0x1, s25;
	v0 =	vadd.f32 $0.0e+00, v0  }
0x42a: {  	p0 =	sne.s32 s25, $0x20;
	v1 =	vmov s31  }
.Ltmp15:
0x42b: {  	v0 =	vbroadcast v0, $0xF;
	(pc) =	sbr.rel @p0 .LBB2_4-.Ltmp15, $4  }
.Ltmp16:
0x42c: {  	v2 =	vpop (erf);
	(pc) =	sbr.rel @!p0 .LBB2_26-.Ltmp16, $4  }
0x42d: {  	v0 =	vmul.f32 v0, v2  }
0x42e: {  	_ = 	snop  }
0x42f: {  	v2 =	vld [tilespmem:$0x1FFF0];
	[tilespmem:v1+s20+$0x0] =	vst.idx.msk $0x1, v0;
	v0 =	vimm.s32 $0x0  }
0x430: {  	_ = 	snop  }
.LBB2_17:
.Ltmp17:
0x431: {  	(pc) =	sbr.rel .LBB2_23-.Ltmp17, $2  }
0x432: {  	_ =	sdelay $0x2  }
0x433: {  	s3 =	simm.s32 $0x0;
	s4 =	simm.s32 $0x11800  }
.LBB2_19:
.Ltmp18:
0x434: {  	(pc) =	sbr.rel .LBB2_23-.Ltmp18, $2  }
0x435: {  	_ =	sdelay $0x2  }
0x436: {  	s3 =	simm.s32 $0x0;
	s4 =	simm.s32 $0x11800  }
.LBB2_21:
.Ltmp19:
0x437: {  	(pc) =	sbr.rel .LBB2_23-.Ltmp19, $2  }
0x438: {  	_ =	sdelay $0x2  }
0x439: {  	s4 =	simm.s32 $0x11800  }
.LBB2_27:
0x43a: {  	_ =	sfence.sel $0x180000  }
0x43b: {  	[bflag:$0x0] =	sbarrier.arrive $0xFFFF  }
0x43c: {  	_ =	strace $0x90000047  }
0x43d: {  	s0 =	stileid.u32;
	[bflag:$0x2] =	sbarrier.arrive $0xFFFF  }
0x43e: {  	p0 =	sne.s32 s0, $0x0;
	s0 =	rddreg [dreg:$0x3]  }
0x43f: {  	s0 =	sadd.s32 @!p0 $0x100000, s0  }
0x440: {  	[sflag:s0] =	ssyncadd.tile.s32 @!p0 $0x1;
	_ =	shalt  }
.Lfunc_end2:
_tile_overlayer_lowered:
.L_overlay_start_2:
0x441: {  	(tag) =	ssettag $0x2  }
0x442: {  	s0 =	rddreg [dreg:$0x0];
	s2 =	stileid.u32  }
0x443: {  	s1 =	rddreg [dreg:$0x1];
	p0 =	sne.s32 s2, $0x0  }
0x444: {  	s3 =	rddreg [dreg:$0x2];
	[bflag:$0x3] =	sbarrier.arrive $0xFFFF;
	s2 =	simm.s32 @!p0 $0x1C05  }
0x445: {  	[timem:s3], [sflag:s2] =	dma.local @!p0 [hbm:s0], s1  }
0x446: {  	s0 =	simm.s32 @!p0 $0x5  }
0x447: {  	_ =	swait.ge @!p0 [sflag:s0], s1  }
0x448: {  	s1 =	ssub.s32 @!p0 $0x0, s1;
	[sflag:s0] =	ssyncset.done @!p0 $0x0  }
0x449: {  	[sflag:s0] =	ssyncadd.s32 @!p0 s1  }
0x44a: {  	[bflag:$0x3] =	sbarrier.arrive $0xFFFF  }
0x44b: {  	_ =	shalt  }

</sc_bundles>
